<compile_context>
chip_gen: v7x
topology: tpu7x:2x2x1
jax: 0.10.2.dev20260603
libtpu: 0.0.44.dev20260713+nightly
codegen_flags: <defaults>
</compile_context>

<pallas_src>
import functools

import jax
import jax.numpy as jnp
from jax import lax
from jax.experimental import pallas as pl
from jax.experimental.pallas import tpu as pltpu
from jax.experimental.pallas import tpu_sc as plsc

_NUM_CORES = 2
_NUM_SUBCORES = 16
_NW = _NUM_CORES * _NUM_SUBCORES

_SUB = 16
_LANE = 128


def _build(batch, seq, dim):
  b_per_w = batch // _NW
  n_per_w = b_per_w * seq
  n_grp = (seq + _SUB - 1) // _SUB
  pad = n_grp * _SUB
  g_rows = 224
  mesh = plsc.VectorSubcoreMesh(core_axis_name="c", subcore_axis_name="s")

  @functools.partial(
      pl.kernel,
      out_type=jax.ShapeDtypeStruct((batch, seq, dim), jnp.float32),
      mesh=mesh,
      scratch_types=[
          pltpu.VMEM((n_per_w + 2 * _SUB,), jnp.int32),
          pltpu.VMEM((2, 2, _LANE), jnp.int32),
          pltpu.VMEM((2, g_rows, _LANE), jnp.float32),
          pltpu.VMEM((pad, dim), jnp.float32),
          pltpu.SemaphoreType.DMA,
          pltpu.SemaphoreType.DMA((2,)),
          pltpu.SemaphoreType.DMA,
      ],
      compiler_params=pltpu.CompilerParams(use_tc_tiling_on_sc=True),
  )
  def lookup(ids_hbm, pairs_hbm, out_hbm, idx_v, q_v, g_v, o_v,
             isem, gsem, osem):
    wid = lax.axis_index("s") * _NUM_CORES + lax.axis_index("c")
    base = pl.multiple_of(wid * n_per_w, _LANE)
    b0 = wid * b_per_w

    zeros16 = jnp.zeros((_SUB,), jnp.int32)
    idx_v[pl.ds(n_per_w, _SUB)] = zeros16
    idx_v[pl.ds(n_per_w + _SUB, _SUB)] = zeros16
    pltpu.async_copy(ids_hbm.at[pl.ds(base, n_per_w)],
                     idx_v.at[pl.ds(0, n_per_w)], isem)
    pltpu.make_async_copy(ids_hbm.at[pl.ds(base, n_per_w)],
                          idx_v.at[pl.ds(0, n_per_w)], isem).wait()

    def compute_q(k, s):
      for c in range((_LANE + 96) // _SUB):
        ids16 = idx_v[pl.ds(k * seq + c * _SUB, _SUB)]
        q_v[s, c // (_LANE // _SUB), pl.ds((c % (_LANE // _SUB)) * _SUB,
                                           _SUB)] = (
            lax.shift_right_logical(ids16, 1))

    def fire_gather(k, s):
      compute_q(k, s)
      pltpu.async_copy(pairs_hbm.at[q_v.at[s].at[0]],
                       g_v.at[s].at[pl.ds(0, _LANE)], gsem.at[s])
      pltpu.async_copy(pairs_hbm.at[q_v.at[s].at[1].at[pl.ds(0, 96)]],
                       g_v.at[s].at[pl.ds(_LANE, 96)], gsem.at[s])

    def wait_gather(s):
      pltpu.make_async_copy(
          pairs_hbm.at[q_v.at[s].at[0]],
          g_v.at[s].at[pl.ds(0, _LANE)], gsem.at[s]).wait()
      pltpu.make_async_copy(
          pairs_hbm.at[q_v.at[s].at[1].at[pl.ds(0, 96)]],
          g_v.at[s].at[pl.ds(_LANE, 96)], gsem.at[s]).wait()

    def writeout(k):
      return pltpu.make_async_copy(
          o_v.at[pl.ds(0, seq)], out_hbm.at[b0 + k], osem)

    def extract(k, s):
      def group(g, carry):
        ids16 = idx_v[pl.ds(k * seq + g * _SUB, _SUB)]
        par16 = ids16 & 1
        parf16 = par16.astype(jnp.float32)
        for l in range(_SUB):
          spl = jnp.take(parf16, jnp.full((_SUB,), l, jnp.int32))
          cospl = 1.0 - spl
          row = g * _SUB + l
          for c in range(dim // _SUB):
            lo = g_v[s, row, pl.ds(c * _SUB, _SUB)]
            hi = g_v[s, row, pl.ds(dim + c * _SUB, _SUB)]
            o_v[row, pl.ds(c * _SUB, _SUB)] = lo * cospl + hi * spl
        return carry

      lax.fori_loop(0, n_grp, group, 0)

    fire_gather(0, 0)

    def body(t, carry):
      for j in range(2):
        k = t * 2 + j
        s = j
        @pl.when(k + 1 < b_per_w)
        def _():
          fire_gather(k + 1, 1 - s)
        wait_gather(s)
        @pl.when(k >= 1)
        def _():
          writeout(k - 1).wait()
        extract(k, s)
        writeout(k).start()
      return carry

    lax.fori_loop(0, b_per_w // 2, body, 0)

    writeout(b_per_w - 1).wait()

  return lookup


def kernel(token_ids, W):
  b, s = token_ids.shape
  vocab, dim = W.shape
  ids = token_ids.reshape(b * s).astype(jnp.int32)
  pairs = W.reshape(vocab // 2, 2 * dim)
  return _build(b, s, dim)(ids, pairs)

# --- scband reference (transcript-rebuilt; emitter-appended) ---
"""Pipeline reference for scband-embedding-31585189495368 (READ-ONLY COPY).

The authoritative reference and input builder live on the scoring server;
editing this copy changes nothing except your own understanding.
"""

import jax, jax.numpy as jnp
import numpy as np

NUM_EMBEDDINGS = 1000000
EMBEDDING_DIM = 64
BATCH = 4096
SEQ = 200


def setup_inputs(seed: int = 0) -> dict:
    key = jax.random.key(seed)
    k_idx, k_w = jax.random.split(key)
    token_ids = jax.random.randint(k_idx, (BATCH, SEQ), 0, NUM_EMBEDDINGS, dtype=jnp.int64 if jax.config.jax_enable_x64 else jnp.int32)
    # trunc_normal_(mean=0, std=1, a=-3, b=3)
    W = jax.random.truncated_normal(k_w, -3.0, 3.0, (NUM_EMBEDDINGS, EMBEDDING_DIM), dtype=jnp.float32)
    return {"token_ids": token_ids, "W": W}


def reference(token_ids, W):
    # Advanced indexing lookup: (B, S) -> (B, S, D)
    return jnp.take(W, token_ids, axis=0)

if __name__ == "__main__":
    import jax
    _d = setup_inputs()
    print(jax.jit(kernel)(*tuple(_d.values())))

</pallas_src>

<mosaic_0001>
#map = affine_map<(d0, d1) -> (0)>
#map1 = affine_map<(d0, d1) -> (0, 0)>
#map2 = affine_map<(d0, d1) -> (0, 0, 0)>
module attributes {stable_mosaic.version = 14 : i64} {
  func.func @lookup(%arg0: i32, %arg1: i32, %arg2: memref<819200xi32, #tpu.memory_space<hbm>>, %arg3: memref<500000x128xf32, #tpu.memory_space<hbm>>, %arg4: memref<4096x200x64xf32, #tpu.memory_space<hbm>>, %arg5: memref<25632xi32, #tpu.memory_space<vmem>>, %arg6: memref<2x2x128xi32, #tpu.memory_space<vmem>>, %arg7: memref<2x224x128xf32, #tpu.memory_space<vmem>>, %arg8: memref<208x64xf32, #tpu.memory_space<vmem>>, %arg9: memref<!tpu.dma_semaphore, #tpu.memory_space<semaphore_mem>>, %arg10: memref<2x!tpu.dma_semaphore, #tpu.memory_space<semaphore_mem>>, %arg11: memref<!tpu.dma_semaphore, #tpu.memory_space<semaphore_mem>>) attributes {dimension_semantics = [#tpu.dimension_semantics<core_parallel>, #tpu.dimension_semantics<subcore_parallel>], iteration_bounds = array<i64: 2, 16>, scalar_prefetch = 0 : i64, scratch_operands = 7 : i64, tpu.core_type = #tpu.core_type<sc_vector_subcore>, window_params = [{transform_indices = #map}, {transform_indices = #map1}, {transform_indices = #map2}]} {
    %mul3A = arith.constant 2 : i32
    %mul3A_0 = arith.muli %arg1, %mul3A : i32
    %add3A = arith.addi %mul3A_0, %arg0 : i32
    %mul3A_1 = arith.constant 25600 : i32
    %mul3A_2 = arith.muli %add3A, %mul3A_1 : i32
    %multiple_of3A = tpu.assume_multiple %mul3A_2, 128 : i32
    %mul3A_3 = arith.constant 128 : i32
    %mul3A_4 = arith.muli %add3A, %mul3A_3 : i32
    %broadcast_in_dim3A = arith.constant 0 : i32
    %broadcast_in_dim3A_5 = vector.broadcast %broadcast_in_dim3A : i32 to vector<16xi32>
    %swap3A = arith.constant 25600 : index
    %swap3A_6 = tpu.vector_load %arg5[%swap3A] {strides = array<i32>} : memref<25632xi32, #tpu.memory_space<vmem>>, vector<16xi32>,
    %swap3A_7 = vector.shape_cast %swap3A_6 : vector<16xi32> to vector<16xi32>
    %swap3A_8 = vector.shape_cast %broadcast_in_dim3A_5 : vector<16xi32> to vector<16xi32>
    tpu.vector_store %arg5[%swap3A], %swap3A_8 {strides = array<i32>} : memref<25632xi32, #tpu.memory_space<vmem>>, vector<16xi32>,
    %swap3A_9 = arith.constant 25616 : index
    %swap3A_10 = tpu.vector_load %arg5[%swap3A_9] {strides = array<i32>} : memref<25632xi32, #tpu.memory_space<vmem>>, vector<16xi32>,
    %swap3A_11 = vector.shape_cast %swap3A_10 : vector<16xi32> to vector<16xi32>
    %swap3A_12 = vector.shape_cast %broadcast_in_dim3A_5 : vector<16xi32> to vector<16xi32>
    tpu.vector_store %arg5[%swap3A_9], %swap3A_12 {strides = array<i32>} : memref<25632xi32, #tpu.memory_space<vmem>>, vector<16xi32>,
    %dma_start3A = arith.constant 0 : i32
    %dma_start3A_13 = tpu.memref_slice %arg5[%dma_start3A] : memref<25632xi32, #tpu.memory_space<vmem>> -> memref<25600xi32, #tpu.memory_space<vmem>>
    %dma_start3A_14 = tpu.memref_slice %arg2[%multiple_of3A] : memref<819200xi32, #tpu.memory_space<hbm>> -> memref<25600xi32, #tpu.memory_space<hbm>>
    %dma_start3A_15 = arith.constant 0 : i32
    %dma_start3A_16 = tpu.memref_slice %arg5[%dma_start3A_15] : memref<25632xi32, #tpu.memory_space<vmem>> -> memref<25600xi32, #tpu.memory_space<vmem>>
    %dma_start3A_17 = tpu.memref_slice %arg2[%multiple_of3A] : memref<819200xi32, #tpu.memory_space<hbm>> -> memref<25600xi32, #tpu.memory_space<hbm>>
    tpu.enqueue_dma source(%dma_start3A_17 : memref<25600xi32, #tpu.memory_space<hbm>>) target(%dma_start3A_16 : memref<25600xi32, #tpu.memory_space<vmem>>) target_semaphore(%arg9 : memref<!tpu.dma_semaphore, #tpu.memory_space<semaphore_mem>>)
    %dma_wait3A = arith.constant 0 : i32
    %dma_wait3A_18 = tpu.memref_slice %arg5[%dma_wait3A] : memref<25632xi32, #tpu.memory_space<vmem>> -> memref<25600xi32, #tpu.memory_space<vmem>>
    %dma_wait3A_19 = tpu.memref_slice %arg2[%multiple_of3A] : memref<819200xi32, #tpu.memory_space<hbm>> -> memref<25600xi32, #tpu.memory_space<hbm>>
    %dma_wait3A_20 = arith.constant 0 : i32
    %dma_wait3A_21 = tpu.memref_slice %arg5[%dma_wait3A_20] : memref<25632xi32, #tpu.memory_space<vmem>> -> memref<25600xi32, #tpu.memory_space<vmem>>
    %dma_wait3A_22 = tpu.memref_slice %arg2[%multiple_of3A] : memref<819200xi32, #tpu.memory_space<hbm>> -> memref<25600xi32, #tpu.memory_space<hbm>>
    tpu.wait_dma2 semaphore(%arg9 : memref<!tpu.dma_semaphore, #tpu.memory_space<semaphore_mem>>) src(%dma_wait3A_22 : memref<25600xi32, #tpu.memory_space<hbm>>) dst(%dma_wait3A_21 : memref<25600xi32, #tpu.memory_space<vmem>>)
    %get3A = arith.constant 0 : index
    %get3A_23 = tpu.vector_load %arg5[%get3A] {strides = array<i32>} : memref<25632xi32, #tpu.memory_space<vmem>>, vector<16xi32>,
    %get3A_24 = vector.shape_cast %get3A_23 : vector<16xi32> to vector<16xi32>
    %shift_right_logical3A = arith.constant 1 : i32
    %shift_right_logical3A_25 = vector.broadcast %shift_right_logical3A : i32 to vector<16xi32>
    %shift_right_logical3A_26 = arith.shrui %get3A_24, %shift_right_logical3A_25 : vector<16xi32>
    %swap3A_27 = arith.constant 0 : i32
    %swap3A_28 = arith.constant 0 : i32
    %swap3A_29 = arith.index_cast %swap3A_27 : i32 to index
    %swap3A_30 = arith.index_cast %swap3A_28 : i32 to index
    %swap3A_31 = arith.constant 0 : index
    %swap3A_32 = tpu.vector_load %arg6[%swap3A_29, %swap3A_30, %swap3A_31] {strides = array<i32>} : memref<2x2x128xi32, #tpu.memory_space<vmem>>, vector<1x1x16xi32>,
    %swap3A_33 = vector.shape_cast %swap3A_32 : vector<1x1x16xi32> to vector<16xi32>
    %swap3A_34 = vector.shape_cast %shift_right_logical3A_26 : vector<16xi32> to vector<1x1x16xi32>
    tpu.vector_store %arg6[%swap3A_29, %swap3A_30, %swap3A_31], %swap3A_34 {strides = array<i32>} : memref<2x2x128xi32, #tpu.memory_space<vmem>>, vector<1x1x16xi32>,
    %get3A_35 = arith.constant 16 : index
    %get3A_36 = tpu.vector_load %arg5[%get3A_35] {strides = array<i32>} : memref<25632xi32, #tpu.memory_space<vmem>>, vector<16xi32>,
    %get3A_37 = vector.shape_cast %get3A_36 : vector<16xi32> to vector<16xi32>
    %shift_right_logical3A_38 = arith.constant 1 : i32
    %shift_right_logical3A_39 = vector.broadcast %shift_right_logical3A_38 : i32 to vector<16xi32>
    %shift_right_logical3A_40 = arith.shrui %get3A_37, %shift_right_logical3A_39 : vector<16xi32>
    %swap3A_41 = arith.constant 0 : i32
    %swap3A_42 = arith.constant 0 : i32
    %swap3A_43 = arith.index_cast %swap3A_41 : i32 to index
    %swap3A_44 = arith.index_cast %swap3A_42 : i32 to index
    %swap3A_45 = arith.constant 16 : index
    %swap3A_46 = tpu.vector_load %arg6[%swap3A_43, %swap3A_44, %swap3A_45] {strides = array<i32>} : memref<2x2x128xi32, #tpu.memory_space<vmem>>, vector<1x1x16xi32>,
    %swap3A_47 = vector.shape_cast %swap3A_46 : vector<1x1x16xi32> to vector<16xi32>
    %swap3A_48 = vector.shape_cast %shift_right_logical3A_40 : vector<16xi32> to vector<1x1x16xi32>
    tpu.vector_store %arg6[%swap3A_43, %swap3A_44, %swap3A_45], %swap3A_48 {strides = array<i32>} : memref<2x2x128xi32, #tpu.memory_space<vmem>>, vector<1x1x16xi32>,
    %get3A_49 = arith.constant 32 : index
    %get3A_50 = tpu.vector_load %arg5[%get3A_49] {strides = array<i32>} : memref<25632xi32, #tpu.memory_space<vmem>>, vector<16xi32>,
    %get3A_51 = vector.shape_cast %get3A_50 : vector<16xi32> to vector<16xi32>
    %shift_right_logical3A_52 = arith.constant 1 : i32
    %shift_right_logical3A_53 = vector.broadcast %shift_right_logical3A_52 : i32 to vector<16xi32>
    %shift_right_logical3A_54 = arith.shrui %get3A_51, %shift_right_logical3A_53 : vector<16xi32>
    %swap3A_55 = arith.constant 0 : i32
    %swap3A_56 = arith.constant 0 : i32
    %swap3A_57 = arith.index_cast %swap3A_55 : i32 to index
    %swap3A_58 = arith.index_cast %swap3A_56 : i32 to index
    %swap3A_59 = arith.constant 32 : index
    %swap3A_60 = tpu.vector_load %arg6[%swap3A_57, %swap3A_58, %swap3A_59] {strides = array<i32>} : memref<2x2x128xi32, #tpu.memory_space<vmem>>, vector<1x1x16xi32>,
    %swap3A_61 = vector.shape_cast %swap3A_60 : vector<1x1x16xi32> to vector<16xi32>
    %swap3A_62 = vector.shape_cast %shift_right_logical3A_54 : vector<16xi32> to vector<1x1x16xi32>
    tpu.vector_store %arg6[%swap3A_57, %swap3A_58, %swap3A_59], %swap3A_62 {strides = array<i32>} : memref<2x2x128xi32, #tpu.memory_space<vmem>>, vector<1x1x16xi32>,
    %get3A_63 = arith.constant 48 : index
    %get3A_64 = tpu.vector_load %arg5[%get3A_63] {strides = array<i32>} : memref<25632xi32, #tpu.memory_space<vmem>>, vector<16xi32>,
    %get3A_65 = vector.shape_cast %get3A_64 : vector<16xi32> to vector<16xi32>
    %shift_right_logical3A_66 = arith.constant 1 : i32
    %shift_right_logical3A_67 = vector.broadcast %shift_right_logical3A_66 : i32 to vector<16xi32>
    %shift_right_logical3A_68 = arith.shrui %get3A_65, %shift_right_logical3A_67 : vector<16xi32>
    %swap3A_69 = arith.constant 0 : i32
    %swap3A_70 = arith.constant 0 : i32
    %swap3A_71 = arith.index_cast %swap3A_69 : i32 to index
    %swap3A_72 = arith.index_cast %swap3A_70 : i32 to index
    %swap3A_73 = arith.constant 48 : index
    %swap3A_74 = tpu.vector_load %arg6[%swap3A_71, %swap3A_72, %swap3A_73] {strides = array<i32>} : memref<2x2x128xi32, #tpu.memory_space<vmem>>, vector<1x1x16xi32>,
    %swap3A_75 = vector.shape_cast %swap3A_74 : vector<1x1x16xi32> to vector<16xi32>
    %swap3A_76 = vector.shape_cast %shift_right_logical3A_68 : vector<16xi32> to vector<1x1x16xi32>
    tpu.vector_store %arg6[%swap3A_71, %swap3A_72, %swap3A_73], %swap3A_76 {strides = array<i32>} : memref<2x2x128xi32, #tpu.memory_space<vmem>>, vector<1x1x16xi32>,
    %get3A_77 = arith.constant 64 : index
    %get3A_78 = tpu.vector_load %arg5[%get3A_77] {strides = array<i32>} : memref<25632xi32, #tpu.memory_space<vmem>>, vector<16xi32>,
    %get3A_79 = vector.shape_cast %get3A_78 : vector<16xi32> to vector<16xi32>
    %shift_right_logical3A_80 = arith.constant 1 : i32
    %shift_right_logical3A_81 = vector.broadcast %shift_right_logical3A_80 : i32 to vector<16xi32>
    %shift_right_logical3A_82 = arith.shrui %get3A_79, %shift_right_logical3A_81 : vector<16xi32>
    %swap3A_83 = arith.constant 0 : i32
    %swap3A_84 = arith.constant 0 : i32
    %swap3A_85 = arith.index_cast %swap3A_83 : i32 to index
    %swap3A_86 = arith.index_cast %swap3A_84 : i32 to index
    %swap3A_87 = arith.constant 64 : index
    %swap3A_88 = tpu.vector_load %arg6[%swap3A_85, %swap3A_86, %swap3A_87] {strides = array<i32>} : memref<2x2x128xi32, #tpu.memory_space<vmem>>, vector<1x1x16xi32>,
    %swap3A_89 = vector.shape_cast %swap3A_88 : vector<1x1x16xi32> to vector<16xi32>
    %swap3A_90 = vector.shape_cast %shift_right_logical3A_82 : vector<16xi32> to vector<1x1x16xi32>
    tpu.vector_store %arg6[%swap3A_85, %swap3A_86, %swap3A_87], %swap3A_90 {strides = array<i32>} : memref<2x2x128xi32, #tpu.memory_space<vmem>>, vector<1x1x16xi32>,
    %get3A_91 = arith.constant 80 : index
    %get3A_92 = tpu.vector_load %arg5[%get3A_91] {strides = array<i32>} : memref<25632xi32, #tpu.memory_space<vmem>>, vector<16xi32>,
    %get3A_93 = vector.shape_cast %get3A_92 : vector<16xi32> to vector<16xi32>
    %shift_right_logical3A_94 = arith.constant 1 : i32
    %shift_right_logical3A_95 = vector.broadcast %shift_right_logical3A_94 : i32 to vector<16xi32>
    %shift_right_logical3A_96 = arith.shrui %get3A_93, %shift_right_logical3A_95 : vector<16xi32>
    %swap3A_97 = arith.constant 0 : i32
    %swap3A_98 = arith.constant 0 : i32
    %swap3A_99 = arith.index_cast %swap3A_97 : i32 to index
    %swap3A_100 = arith.index_cast %swap3A_98 : i32 to index
    %swap3A_101 = arith.constant 80 : index
    %swap3A_102 = tpu.vector_load %arg6[%swap3A_99, %swap3A_100, %swap3A_101] {strides = array<i32>} : memref<2x2x128xi32, #tpu.memory_space<vmem>>, vector<1x1x16xi32>,
    %swap3A_103 = vector.shape_cast %swap3A_102 : vector<1x1x16xi32> to vector<16xi32>
    %swap3A_104 = vector.shape_cast %shift_right_logical3A_96 : vector<16xi32> to vector<1x1x16xi32>
    tpu.vector_store %arg6[%swap3A_99, %swap3A_100, %swap3A_101], %swap3A_104 {strides = array<i32>} : memref<2x2x128xi32, #tpu.memory_space<vmem>>, vector<1x1x16xi32>,
    %get3A_105 = arith.constant 96 : index
    %get3A_106 = tpu.vector_load %arg5[%get3A_105] {strides = array<i32>} : memref<25632xi32, #tpu.memory_space<vmem>>, vector<16xi32>,
    %get3A_107 = vector.shape_cast %get3A_106 : vector<16xi32> to vector<16xi32>
    %shift_right_logical3A_108 = arith.constant 1 : i32
    %shift_right_logical3A_109 = vector.broadcast %shift_right_logical3A_108 : i32 to vector<16xi32>
    %shift_right_logical3A_110 = arith.shrui %get3A_107, %shift_right_logical3A_109 : vector<16xi32>
    %swap3A_111 = arith.constant 0 : i32
    %swap3A_112 = arith.constant 0 : i32
    %swap3A_113 = arith.index_cast %swap3A_111 : i32 to index
    %swap3A_114 = arith.index_cast %swap3A_112 : i32 to index
    %swap3A_115 = arith.constant 96 : index
    %swap3A_116 = tpu.vector_load %arg6[%swap3A_113, %swap3A_114, %swap3A_115] {strides = array<i32>} : memref<2x2x128xi32, #tpu.memory_space<vmem>>, vector<1x1x16xi32>,
    %swap3A_117 = vector.shape_cast %swap3A_116 : vector<1x1x16xi32> to vector<16xi32>
    %swap3A_118 = vector.shape_cast %shift_right_logical3A_110 : vector<16xi32> to vector<1x1x16xi32>
    tpu.vector_store %arg6[%swap3A_113, %swap3A_114, %swap3A_115], %swap3A_118 {strides = array<i32>} : memref<2x2x128xi32, #tpu.memory_space<vmem>>, vector<1x1x16xi32>,
    %get3A_119 = arith.constant 112 : index
    %get3A_120 = tpu.vector_load %arg5[%get3A_119] {strides = array<i32>} : memref<25632xi32, #tpu.memory_space<vmem>>, vector<16xi32>,
    %get3A_121 = vector.shape_cast %get3A_120 : vector<16xi32> to vector<16xi32>
    %shift_right_logical3A_122 = arith.constant 1 : i32
    %shift_right_logical3A_123 = vector.broadcast %shift_right_logical3A_122 : i32 to vector<16xi32>
    %shift_right_logical3A_124 = arith.shrui %get3A_121, %shift_right_logical3A_123 : vector<16xi32>
    %swap3A_125 = arith.constant 0 : i32
    %swap3A_126 = arith.constant 0 : i32
    %swap3A_127 = arith.index_cast %swap3A_125 : i32 to index
    %swap3A_128 = arith.index_cast %swap3A_126 : i32 to index
    %swap3A_129 = arith.constant 112 : index
    %swap3A_130 = tpu.vector_load %arg6[%swap3A_127, %swap3A_128, %swap3A_129] {strides = array<i32>} : memref<2x2x128xi32, #tpu.memory_space<vmem>>, vector<1x1x16xi32>,
    %swap3A_131 = vector.shape_cast %swap3A_130 : vector<1x1x16xi32> to vector<16xi32>
    %swap3A_132 = vector.shape_cast %shift_right_logical3A_124 : vector<16xi32> to vector<1x1x16xi32>
    tpu.vector_store %arg6[%swap3A_127, %swap3A_128, %swap3A_129], %swap3A_132 {strides = array<i32>} : memref<2x2x128xi32, #tpu.memory_space<vmem>>, vector<1x1x16xi32>,
    %get3A_133 = arith.constant 128 : index
    %get3A_134 = tpu.vector_load %arg5[%get3A_133] {strides = array<i32>} : memref<25632xi32, #tpu.memory_space<vmem>>, vector<16xi32>,
    %get3A_135 = vector.shape_cast %get3A_134 : vector<16xi32> to vector<16xi32>
    %shift_right_logical3A_136 = arith.constant 1 : i32
    %shift_right_logical3A_137 = vector.broadcast %shift_right_logical3A_136 : i32 to vector<16xi32>
    %shift_right_logical3A_138 = arith.shrui %get3A_135, %shift_right_logical3A_137 : vector<16xi32>
    %swap3A_139 = arith.constant 0 : i32
    %swap3A_140 = arith.constant 1 : i32
    %swap3A_141 = arith.index_cast %swap3A_139 : i32 to index
    %swap3A_142 = arith.index_cast %swap3A_140 : i32 to index
    %swap3A_143 = arith.constant 0 : index
    %swap3A_144 = tpu.vector_load %arg6[%swap3A_141, %swap3A_142, %swap3A_143] {strides = array<i32>} : memref<2x2x128xi32, #tpu.memory_space<vmem>>, vector<1x1x16xi32>,
    %swap3A_145 = vector.shape_cast %swap3A_144 : vector<1x1x16xi32> to vector<16xi32>
    %swap3A_146 = vector.shape_cast %shift_right_logical3A_138 : vector<16xi32> to vector<1x1x16xi32>
    tpu.vector_store %arg6[%swap3A_141, %swap3A_142, %swap3A_143], %swap3A_146 {strides = array<i32>} : memref<2x2x128xi32, #tpu.memory_space<vmem>>, vector<1x1x16xi32>,
    %get3A_147 = arith.constant 144 : index
    %get3A_148 = tpu.vector_load %arg5[%get3A_147] {strides = array<i32>} : memref<25632xi32, #tpu.memory_space<vmem>>, vector<16xi32>,
    %get3A_149 = vector.shape_cast %get3A_148 : vector<16xi32> to vector<16xi32>
    %shift_right_logical3A_150 = arith.constant 1 : i32
    %shift_right_logical3A_151 = vector.broadcast %shift_right_logical3A_150 : i32 to vector<16xi32>
    %shift_right_logical3A_152 = arith.shrui %get3A_149, %shift_right_logical3A_151 : vector<16xi32>
    %swap3A_153 = arith.constant 0 : i32
    %swap3A_154 = arith.constant 1 : i32
    %swap3A_155 = arith.index_cast %swap3A_153 : i32 to index
    %swap3A_156 = arith.index_cast %swap3A_154 : i32 to index
    %swap3A_157 = arith.constant 16 : index
    %swap3A_158 = tpu.vector_load %arg6[%swap3A_155, %swap3A_156, %swap3A_157] {strides = array<i32>} : memref<2x2x128xi32, #tpu.memory_space<vmem>>, vector<1x1x16xi32>,
    %swap3A_159 = vector.shape_cast %swap3A_158 : vector<1x1x16xi32> to vector<16xi32>
    %swap3A_160 = vector.shape_cast %shift_right_logical3A_152 : vector<16xi32> to vector<1x1x16xi32>
    tpu.vector_store %arg6[%swap3A_155, %swap3A_156, %swap3A_157], %swap3A_160 {strides = array<i32>} : memref<2x2x128xi32, #tpu.memory_space<vmem>>, vector<1x1x16xi32>,
    %get3A_161 = arith.constant 160 : index
    %get3A_162 = tpu.vector_load %arg5[%get3A_161] {strides = array<i32>} : memref<25632xi32, #tpu.memory_space<vmem>>, vector<16xi32>,
    %get3A_163 = vector.shape_cast %get3A_162 : vector<16xi32> to vector<16xi32>
    %shift_right_logical3A_164 = arith.constant 1 : i32
    %shift_right_logical3A_165 = vector.broadcast %shift_right_logical3A_164 : i32 to vector<16xi32>
    %shift_right_logical3A_166 = arith.shrui %get3A_163, %shift_right_logical3A_165 : vector<16xi32>
    %swap3A_167 = arith.constant 0 : i32
    %swap3A_168 = arith.constant 1 : i32
    %swap3A_169 = arith.index_cast %swap3A_167 : i32 to index
    %swap3A_170 = arith.index_cast %swap3A_168 : i32 to index
    %swap3A_171 = arith.constant 32 : index
    %swap3A_172 = tpu.vector_load %arg6[%swap3A_169, %swap3A_170, %swap3A_171] {strides = array<i32>} : memref<2x2x128xi32, #tpu.memory_space<vmem>>, vector<1x1x16xi32>,
    %swap3A_173 = vector.shape_cast %swap3A_172 : vector<1x1x16xi32> to vector<16xi32>
    %swap3A_174 = vector.shape_cast %shift_right_logical3A_166 : vector<16xi32> to vector<1x1x16xi32>
    tpu.vector_store %arg6[%swap3A_169, %swap3A_170, %swap3A_171], %swap3A_174 {strides = array<i32>} : memref<2x2x128xi32, #tpu.memory_space<vmem>>, vector<1x1x16xi32>,
    %get3A_175 = arith.constant 176 : index
    %get3A_176 = tpu.vector_load %arg5[%get3A_175] {strides = array<i32>} : memref<25632xi32, #tpu.memory_space<vmem>>, vector<16xi32>,
    %get3A_177 = vector.shape_cast %get3A_176 : vector<16xi32> to vector<16xi32>
    %shift_right_logical3A_178 = arith.constant 1 : i32
    %shift_right_logical3A_179 = vector.broadcast %shift_right_logical3A_178 : i32 to vector<16xi32>
    %shift_right_logical3A_180 = arith.shrui %get3A_177, %shift_right_logical3A_179 : vector<16xi32>
    %swap3A_181 = arith.constant 0 : i32
    %swap3A_182 = arith.constant 1 : i32
    %swap3A_183 = arith.index_cast %swap3A_181 : i32 to index
    %swap3A_184 = arith.index_cast %swap3A_182 : i32 to index
    %swap3A_185 = arith.constant 48 : index
    %swap3A_186 = tpu.vector_load %arg6[%swap3A_183, %swap3A_184, %swap3A_185] {strides = array<i32>} : memref<2x2x128xi32, #tpu.memory_space<vmem>>, vector<1x1x16xi32>,
    %swap3A_187 = vector.shape_cast %swap3A_186 : vector<1x1x16xi32> to vector<16xi32>
    %swap3A_188 = vector.shape_cast %shift_right_logical3A_180 : vector<16xi32> to vector<1x1x16xi32>
    tpu.vector_store %arg6[%swap3A_183, %swap3A_184, %swap3A_185], %swap3A_188 {strides = array<i32>} : memref<2x2x128xi32, #tpu.memory_space<vmem>>, vector<1x1x16xi32>,
    %get3A_189 = arith.constant 192 : index
    %get3A_190 = tpu.vector_load %arg5[%get3A_189] {strides = array<i32>} : memref<25632xi32, #tpu.memory_space<vmem>>, vector<16xi32>,
    %get3A_191 = vector.shape_cast %get3A_190 : vector<16xi32> to vector<16xi32>
    %shift_right_logical3A_192 = arith.constant 1 : i32
    %shift_right_logical3A_193 = vector.broadcast %shift_right_logical3A_192 : i32 to vector<16xi32>
    %shift_right_logical3A_194 = arith.shrui %get3A_191, %shift_right_logical3A_193 : vector<16xi32>
    %swap3A_195 = arith.constant 0 : i32
    %swap3A_196 = arith.constant 1 : i32
    %swap3A_197 = arith.index_cast %swap3A_195 : i32 to index
    %swap3A_198 = arith.index_cast %swap3A_196 : i32 to index
    %swap3A_199 = arith.constant 64 : index
    %swap3A_200 = tpu.vector_load %arg6[%swap3A_197, %swap3A_198, %swap3A_199] {strides = array<i32>} : memref<2x2x128xi32, #tpu.memory_space<vmem>>, vector<1x1x16xi32>,
    %swap3A_201 = vector.shape_cast %swap3A_200 : vector<1x1x16xi32> to vector<16xi32>
    %swap3A_202 = vector.shape_cast %shift_right_logical3A_194 : vector<16xi32> to vector<1x1x16xi32>
    tpu.vector_store %arg6[%swap3A_197, %swap3A_198, %swap3A_199], %swap3A_202 {strides = array<i32>} : memref<2x2x128xi32, #tpu.memory_space<vmem>>, vector<1x1x16xi32>,
    %get3A_203 = arith.constant 208 : index
    %get3A_204 = tpu.vector_load %arg5[%get3A_203] {strides = array<i32>} : memref<25632xi32, #tpu.memory_space<vmem>>, vector<16xi32>,
    %get3A_205 = vector.shape_cast %get3A_204 : vector<16xi32> to vector<16xi32>
    %shift_right_logical3A_206 = arith.constant 1 : i32
    %shift_right_logical3A_207 = vector.broadcast %shift_right_logical3A_206 : i32 to vector<16xi32>
    %shift_right_logical3A_208 = arith.shrui %get3A_205, %shift_right_logical3A_207 : vector<16xi32>
    %swap3A_209 = arith.constant 0 : i32
    %swap3A_210 = arith.constant 1 : i32
    %swap3A_211 = arith.index_cast %swap3A_209 : i32 to index
    %swap3A_212 = arith.index_cast %swap3A_210 : i32 to index
    %swap3A_213 = arith.constant 80 : index
    %swap3A_214 = tpu.vector_load %arg6[%swap3A_211, %swap3A_212, %swap3A_213] {strides = array<i32>} : memref<2x2x128xi32, #tpu.memory_space<vmem>>, vector<1x1x16xi32>,
    %swap3A_215 = vector.shape_cast %swap3A_214 : vector<1x1x16xi32> to vector<16xi32>
    %swap3A_216 = vector.shape_cast %shift_right_logical3A_208 : vector<16xi32> to vector<1x1x16xi32>
    tpu.vector_store %arg6[%swap3A_211, %swap3A_212, %swap3A_213], %swap3A_216 {strides = array<i32>} : memref<2x2x128xi32, #tpu.memory_space<vmem>>, vector<1x1x16xi32>,
    %dma_start3A_217 = arith.constant 0 : i32
    %dma_start3A_218 = arith.constant 0 : i32
    %dma_start3A_219 = arith.constant 0 : i32
    %dma_start3A_220 = arith.constant 0 : i32
    %dma_start3A_221 = arith.constant 0 : i32
    %dma_start3A_222 = arith.constant 0 : i32
    %dma_start3A_223 = tpu.memref_slice %arg7[%dma_start3A_219, %dma_start3A_221, %dma_start3A_222] : memref<2x224x128xf32, #tpu.memory_space<vmem>> -> memref<1x224x128xf32, #tpu.memory_space<vmem>>
    %dma_start3A_224 = tpu.memref_squeeze %dma_start3A_223 : memref<1x224x128xf32, #tpu.memory_space<vmem>> -> memref<224x128xf32, #tpu.memory_space<vmem>>
    %dma_start3A_225 = arith.constant 0 : i32
    %dma_start3A_226 = arith.constant 0 : i32
    %dma_start3A_227 = tpu.memref_slice %dma_start3A_224[%dma_start3A_225, %dma_start3A_226] : memref<224x128xf32, #tpu.memory_space<vmem>> -> memref<128x128xf32, #tpu.memory_space<vmem>>
    %dma_start3A_228 = arith.constant 0 : i32
    %dma_start3A_229 = arith.constant 0 : i32
    %dma_start3A_230 = tpu.memref_slice %arg6[%dma_start3A_217, %dma_start3A_228, %dma_start3A_229] : memref<2x2x128xi32, #tpu.memory_space<vmem>> -> memref<1x2x128xi32, #tpu.memory_space<vmem>>
    %dma_start3A_231 = tpu.memref_squeeze %dma_start3A_230 : memref<1x2x128xi32, #tpu.memory_space<vmem>> -> memref<2x128xi32, #tpu.memory_space<vmem>>
    %dma_start3A_232 = arith.constant 0 : i32
    %dma_start3A_233 = tpu.memref_slice %dma_start3A_231[%dma_start3A_218, %dma_start3A_232] : memref<2x128xi32, #tpu.memory_space<vmem>> -> memref<1x128xi32, #tpu.memory_space<vmem>>
    %dma_start3A_234 = tpu.memref_squeeze %dma_start3A_233 : memref<1x128xi32, #tpu.memory_space<vmem>> -> memref<128xi32, #tpu.memory_space<vmem>>
    %dma_start3A_235 = arith.constant 0 : i32
    %dma_start3A_236 = arith.constant 0 : i32
    %dma_start3A_237 = tpu.memref_slice %arg3[%dma_start3A_235, %dma_start3A_236] : memref<500000x128xf32, #tpu.memory_space<hbm>> -> memref<500000x128xf32, #tpu.memory_space<hbm>>
    %dma_start3A_238 = tpu.memref_slice %arg10[%dma_start3A_220] : memref<2x!tpu.dma_semaphore, #tpu.memory_space<semaphore_mem>> -> memref<1x!tpu.dma_semaphore, #tpu.memory_space<semaphore_mem>>
    %dma_start3A_239 = tpu.memref_squeeze %dma_start3A_238 : memref<1x!tpu.dma_semaphore, #tpu.memory_space<semaphore_mem>> -> memref<!tpu.dma_semaphore, #tpu.memory_space<semaphore_mem>>
    tpu.enqueue_indirect_dma source(%dma_start3A_237 : memref<500000x128xf32, #tpu.memory_space<hbm>>) target(%dma_start3A_227 : memref<128x128xf32, #tpu.memory_space<vmem>>) offsets(%dma_start3A_234 : memref<128xi32, #tpu.memory_space<vmem>>) semaphore(%dma_start3A_239 : memref<!tpu.dma_semaphore, #tpu.memory_space<semaphore_mem>>)
    %dma_start3A_240 = arith.constant 0 : i32
    %dma_start3A_241 = arith.constant 1 : i32
    %dma_start3A_242 = arith.constant 0 : i32
    %dma_start3A_243 = arith.constant 0 : i32
    %dma_start3A_244 = arith.constant 0 : i32
    %dma_start3A_245 = arith.constant 0 : i32
    %dma_start3A_246 = tpu.memref_slice %arg7[%dma_start3A_242, %dma_start3A_244, %dma_start3A_245] : memref<2x224x128xf32, #tpu.memory_space<vmem>> -> memref<1x224x128xf32, #tpu.memory_space<vmem>>
    %dma_start3A_247 = tpu.memref_squeeze %dma_start3A_246 : memref<1x224x128xf32, #tpu.memory_space<vmem>> -> memref<224x128xf32, #tpu.memory_space<vmem>>
    %dma_start3A_248 = arith.constant 128 : i32
    %dma_start3A_249 = arith.constant 0 : i32
    %dma_start3A_250 = tpu.memref_slice %dma_start3A_247[%dma_start3A_248, %dma_start3A_249] : memref<224x128xf32, #tpu.memory_space<vmem>> -> memref<96x128xf32, #tpu.memory_space<vmem>>
    %dma_start3A_251 = arith.constant 0 : i32
    %dma_start3A_252 = arith.constant 0 : i32
    %dma_start3A_253 = tpu.memref_slice %arg6[%dma_start3A_240, %dma_start3A_251, %dma_start3A_252] : memref<2x2x128xi32, #tpu.memory_space<vmem>> -> memref<1x2x128xi32, #tpu.memory_space<vmem>>
    %dma_start3A_254 = tpu.memref_squeeze %dma_start3A_253 : memref<1x2x128xi32, #tpu.memory_space<vmem>> -> memref<2x128xi32, #tpu.memory_space<vmem>>
    %dma_start3A_255 = arith.constant 0 : i32
    %dma_start3A_256 = tpu.memref_slice %dma_start3A_254[%dma_start3A_241, %dma_start3A_255] : memref<2x128xi32, #tpu.memory_space<vmem>> -> memref<1x128xi32, #tpu.memory_space<vmem>>
    %dma_start3A_257 = tpu.memref_squeeze %dma_start3A_256 : memref<1x128xi32, #tpu.memory_space<vmem>> -> memref<128xi32, #tpu.memory_space<vmem>>
    %dma_start3A_258 = arith.constant 0 : i32
    %dma_start3A_259 = tpu.memref_slice %dma_start3A_257[%dma_start3A_258] : memref<128xi32, #tpu.memory_space<vmem>> -> memref<96xi32, #tpu.memory_space<vmem>>
    %dma_start3A_260 = arith.constant 0 : i32
    %dma_start3A_261 = arith.constant 0 : i32
    %dma_start3A_262 = tpu.memref_slice %arg3[%dma_start3A_260, %dma_start3A_261] : memref<500000x128xf32, #tpu.memory_space<hbm>> -> memref<500000x128xf32, #tpu.memory_space<hbm>>
    %dma_start3A_263 = tpu.memref_slice %arg10[%dma_start3A_243] : memref<2x!tpu.dma_semaphore, #tpu.memory_space<semaphore_mem>> -> memref<1x!tpu.dma_semaphore, #tpu.memory_space<semaphore_mem>>
    %dma_start3A_264 = tpu.memref_squeeze %dma_start3A_263 : memref<1x!tpu.dma_semaphore, #tpu.memory_space<semaphore_mem>> -> memref<!tpu.dma_semaphore, #tpu.memory_space<semaphore_mem>>
    tpu.enqueue_indirect_dma source(%dma_start3A_262 : memref<500000x128xf32, #tpu.memory_space<hbm>>) target(%dma_start3A_250 : memref<96x128xf32, #tpu.memory_space<vmem>>) offsets(%dma_start3A_259 : memref<96xi32, #tpu.memory_space<vmem>>) semaphore(%dma_start3A_264 : memref<!tpu.dma_semaphore, #tpu.memory_space<semaphore_mem>>)
    %scan3A = arith.constant 0 : i32
    %scan3A_265 = arith.constant 0 : i32
    %scan3A_266 = arith.constant 64 : i32
    %scan3A_267 = arith.addi %scan3A_265, %scan3A_266 : i32
    %scan3A_268 = arith.constant 1 : i32
    scf.for %scan3A_286 = %scan3A_265 to %scan3A_267 step %scan3A_268  : i32 {
      %mul3A_287 = arith.constant 2 : i32
      %mul3A_288 = arith.muli %scan3A_286, %mul3A_287 : i32
      %add3A_289 = arith.constant 0 : i32
      %add3A_290 = arith.addi %mul3A_288, %add3A_289 : i32
      %add3A_291 = arith.constant 1 : i32
      %add3A_292 = arith.addi %add3A_290, %add3A_291 : i32
      %lt3A = arith.constant 128 : i32
      %lt3A_293 = arith.cmpi slt, %add3A_292, %lt3A : i32
      %convert_element_type3A = arith.extui %lt3A_293 : i1 to i32
      %cond3A = arith.constant 0 : i32
      %cond3A_294 = arith.cmpi ne, %convert_element_type3A, %cond3A : i32
      scf.if %cond3A_294 {
        %add3A_453 = arith.constant 1 : i32
        %add3A_454 = arith.addi %add3A_290, %add3A_453 : i32
        %mul3A_455 = arith.constant 200 : i32
        %mul3A_456 = arith.muli %add3A_454, %mul3A_455 : i32
        %add3A_457 = arith.constant 0 : i32
        %add3A_458 = arith.addi %mul3A_456, %add3A_457 : i32
        %get3A_459 = arith.index_cast %add3A_458 : i32 to index
        %get3A_460 = tpu.vector_load %arg5[%get3A_459] {strides = array<i32>} : memref<25632xi32, #tpu.memory_space<vmem>>, vector<16xi32>,
        %get3A_461 = vector.shape_cast %get3A_460 : vector<16xi32> to vector<16xi32>
        %shift_right_logical3A_462 = arith.constant 1 : i32
        %shift_right_logical3A_463 = vector.broadcast %shift_right_logical3A_462 : i32 to vector<16xi32>
        %shift_right_logical3A_464 = arith.shrui %get3A_461, %shift_right_logical3A_463 : vector<16xi32>
        %swap3A_465 = arith.constant 1 : i32
        %swap3A_466 = arith.constant 0 : i32
        %swap3A_467 = arith.index_cast %swap3A_465 : i32 to index
        %swap3A_468 = arith.index_cast %swap3A_466 : i32 to index
        %swap3A_469 = arith.constant 0 : index
        %swap3A_470 = tpu.vector_load %arg6[%swap3A_467, %swap3A_468, %swap3A_469] {strides = array<i32>} : memref<2x2x128xi32, #tpu.memory_space<vmem>>, vector<1x1x16xi32>,
        %swap3A_471 = vector.shape_cast %swap3A_470 : vector<1x1x16xi32> to vector<16xi32>
        %swap3A_472 = vector.shape_cast %shift_right_logical3A_464 : vector<16xi32> to vector<1x1x16xi32>
        tpu.vector_store %arg6[%swap3A_467, %swap3A_468, %swap3A_469], %swap3A_472 {strides = array<i32>} : memref<2x2x128xi32, #tpu.memory_space<vmem>>, vector<1x1x16xi32>,
        %mul3A_473 = arith.constant 200 : i32
        %mul3A_474 = arith.muli %add3A_454, %mul3A_473 : i32
        %add3A_475 = arith.constant 16 : i32
        %add3A_476 = arith.addi %mul3A_474, %add3A_475 : i32
        %get3A_477 = arith.index_cast %add3A_476 : i32 to index
        %get3A_478 = tpu.vector_load %arg5[%get3A_477] {strides = array<i32>} : memref<25632xi32, #tpu.memory_space<vmem>>, vector<16xi32>,
        %get3A_479 = vector.shape_cast %get3A_478 : vector<16xi32> to vector<16xi32>
        %shift_right_logical3A_480 = arith.constant 1 : i32
        %shift_right_logical3A_481 = vector.broadcast %shift_right_logical3A_480 : i32 to vector<16xi32>
        %shift_right_logical3A_482 = arith.shrui %get3A_479, %shift_right_logical3A_481 : vector<16xi32>
        %swap3A_483 = arith.constant 1 : i32
        %swap3A_484 = arith.constant 0 : i32
        %swap3A_485 = arith.index_cast %swap3A_483 : i32 to index
        %swap3A_486 = arith.index_cast %swap3A_484 : i32 to index
        %swap3A_487 = arith.constant 16 : index
        %swap3A_488 = tpu.vector_load %arg6[%swap3A_485, %swap3A_486, %swap3A_487] {strides = array<i32>} : memref<2x2x128xi32, #tpu.memory_space<vmem>>, vector<1x1x16xi32>,
        %swap3A_489 = vector.shape_cast %swap3A_488 : vector<1x1x16xi32> to vector<16xi32>
        %swap3A_490 = vector.shape_cast %shift_right_logical3A_482 : vector<16xi32> to vector<1x1x16xi32>
        tpu.vector_store %arg6[%swap3A_485, %swap3A_486, %swap3A_487], %swap3A_490 {strides = array<i32>} : memref<2x2x128xi32, #tpu.memory_space<vmem>>, vector<1x1x16xi32>,
        %mul3A_491 = arith.constant 200 : i32
        %mul3A_492 = arith.muli %add3A_454, %mul3A_491 : i32
        %add3A_493 = arith.constant 32 : i32
        %add3A_494 = arith.addi %mul3A_492, %add3A_493 : i32
        %get3A_495 = arith.index_cast %add3A_494 : i32 to index
        %get3A_496 = tpu.vector_load %arg5[%get3A_495] {strides = array<i32>} : memref<25632xi32, #tpu.memory_space<vmem>>, vector<16xi32>,
        %get3A_497 = vector.shape_cast %get3A_496 : vector<16xi32> to vector<16xi32>
        %shift_right_logical3A_498 = arith.constant 1 : i32
        %shift_right_logical3A_499 = vector.broadcast %shift_right_logical3A_498 : i32 to vector<16xi32>
        %shift_right_logical3A_500 = arith.shrui %get3A_497, %shift_right_logical3A_499 : vector<16xi32>
        %swap3A_501 = arith.constant 1 : i32
        %swap3A_502 = arith.constant 0 : i32
        %swap3A_503 = arith.index_cast %swap3A_501 : i32 to index
        %swap3A_504 = arith.index_cast %swap3A_502 : i32 to index
        %swap3A_505 = arith.constant 32 : index
        %swap3A_506 = tpu.vector_load %arg6[%swap3A_503, %swap3A_504, %swap3A_505] {strides = array<i32>} : memref<2x2x128xi32, #tpu.memory_space<vmem>>, vector<1x1x16xi32>,
        %swap3A_507 = vector.shape_cast %swap3A_506 : vector<1x1x16xi32> to vector<16xi32>
        %swap3A_508 = vector.shape_cast %shift_right_logical3A_500 : vector<16xi32> to vector<1x1x16xi32>
        tpu.vector_store %arg6[%swap3A_503, %swap3A_504, %swap3A_505], %swap3A_508 {strides = array<i32>} : memref<2x2x128xi32, #tpu.memory_space<vmem>>, vector<1x1x16xi32>,
        %mul3A_509 = arith.constant 200 : i32
        %mul3A_510 = arith.muli %add3A_454, %mul3A_509 : i32
        %add3A_511 = arith.constant 48 : i32
        %add3A_512 = arith.addi %mul3A_510, %add3A_511 : i32
        %get3A_513 = arith.index_cast %add3A_512 : i32 to index
        %get3A_514 = tpu.vector_load %arg5[%get3A_513] {strides = array<i32>} : memref<25632xi32, #tpu.memory_space<vmem>>, vector<16xi32>,
        %get3A_515 = vector.shape_cast %get3A_514 : vector<16xi32> to vector<16xi32>
        %shift_right_logical3A_516 = arith.constant 1 : i32
        %shift_right_logical3A_517 = vector.broadcast %shift_right_logical3A_516 : i32 to vector<16xi32>
        %shift_right_logical3A_518 = arith.shrui %get3A_515, %shift_right_logical3A_517 : vector<16xi32>
        %swap3A_519 = arith.constant 1 : i32
        %swap3A_520 = arith.constant 0 : i32
        %swap3A_521 = arith.index_cast %swap3A_519 : i32 to index
        %swap3A_522 = arith.index_cast %swap3A_520 : i32 to index
        %swap3A_523 = arith.constant 48 : index
        %swap3A_524 = tpu.vector_load %arg6[%swap3A_521, %swap3A_522, %swap3A_523] {strides = array<i32>} : memref<2x2x128xi32, #tpu.memory_space<vmem>>, vector<1x1x16xi32>,
        %swap3A_525 = vector.shape_cast %swap3A_524 : vector<1x1x16xi32> to vector<16xi32>
        %swap3A_526 = vector.shape_cast %shift_right_logical3A_518 : vector<16xi32> to vector<1x1x16xi32>
        tpu.vector_store %arg6[%swap3A_521, %swap3A_522, %swap3A_523], %swap3A_526 {strides = array<i32>} : memref<2x2x128xi32, #tpu.memory_space<vmem>>, vector<1x1x16xi32>,
        %mul3A_527 = arith.constant 200 : i32
        %mul3A_528 = arith.muli %add3A_454, %mul3A_527 : i32
        %add3A_529 = arith.constant 64 : i32
        %add3A_530 = arith.addi %mul3A_528, %add3A_529 : i32
        %get3A_531 = arith.index_cast %add3A_530 : i32 to index
        %get3A_532 = tpu.vector_load %arg5[%get3A_531] {strides = array<i32>} : memref<25632xi32, #tpu.memory_space<vmem>>, vector<16xi32>,
        %get3A_533 = vector.shape_cast %get3A_532 : vector<16xi32> to vector<16xi32>
        %shift_right_logical3A_534 = arith.constant 1 : i32
        %shift_right_logical3A_535 = vector.broadcast %shift_right_logical3A_534 : i32 to vector<16xi32>
        %shift_right_logical3A_536 = arith.shrui %get3A_533, %shift_right_logical3A_535 : vector<16xi32>
        %swap3A_537 = arith.constant 1 : i32
        %swap3A_538 = arith.constant 0 : i32
        %swap3A_539 = arith.index_cast %swap3A_537 : i32 to index
        %swap3A_540 = arith.index_cast %swap3A_538 : i32 to index
        %swap3A_541 = arith.constant 64 : index
        %swap3A_542 = tpu.vector_load %arg6[%swap3A_539, %swap3A_540, %swap3A_541] {strides = array<i32>} : memref<2x2x128xi32, #tpu.memory_space<vmem>>, vector<1x1x16xi32>,
        %swap3A_543 = vector.shape_cast %swap3A_542 : vector<1x1x16xi32> to vector<16xi32>
        %swap3A_544 = vector.shape_cast %shift_right_logical3A_536 : vector<16xi32> to vector<1x1x16xi32>
        tpu.vector_store %arg6[%swap3A_539, %swap3A_540, %swap3A_541], %swap3A_544 {strides = array<i32>} : memref<2x2x128xi32, #tpu.memory_space<vmem>>, vector<1x1x16xi32>,
        %mul3A_545 = arith.constant 200 : i32
        %mul3A_546 = arith.muli %add3A_454, %mul3A_545 : i32
        %add3A_547 = arith.constant 80 : i32
        %add3A_548 = arith.addi %mul3A_546, %add3A_547 : i32
        %get3A_549 = arith.index_cast %add3A_548 : i32 to index
        %get3A_550 = tpu.vector_load %arg5[%get3A_549] {strides = array<i32>} : memref<25632xi32, #tpu.memory_space<vmem>>, vector<16xi32>,
        %get3A_551 = vector.shape_cast %get3A_550 : vector<16xi32> to vector<16xi32>
        %shift_right_logical3A_552 = arith.constant 1 : i32
        %shift_right_logical3A_553 = vector.broadcast %shift_right_logical3A_552 : i32 to vector<16xi32>
        %shift_right_logical3A_554 = arith.shrui %get3A_551, %shift_right_logical3A_553 : vector<16xi32>
        %swap3A_555 = arith.constant 1 : i32
        %swap3A_556 = arith.constant 0 : i32
        %swap3A_557 = arith.index_cast %swap3A_555 : i32 to index
        %swap3A_558 = arith.index_cast %swap3A_556 : i32 to index
        %swap3A_559 = arith.constant 80 : index
        %swap3A_560 = tpu.vector_load %arg6[%swap3A_557, %swap3A_558, %swap3A_559] {strides = array<i32>} : memref<2x2x128xi32, #tpu.memory_space<vmem>>, vector<1x1x16xi32>,
        %swap3A_561 = vector.shape_cast %swap3A_560 : vector<1x1x16xi32> to vector<16xi32>
        %swap3A_562 = vector.shape_cast %shift_right_logical3A_554 : vector<16xi32> to vector<1x1x16xi32>
        tpu.vector_store %arg6[%swap3A_557, %swap3A_558, %swap3A_559], %swap3A_562 {strides = array<i32>} : memref<2x2x128xi32, #tpu.memory_space<vmem>>, vector<1x1x16xi32>,
        %mul3A_563 = arith.constant 200 : i32
        %mul3A_564 = arith.muli %add3A_454, %mul3A_563 : i32
        %add3A_565 = arith.constant 96 : i32
        %add3A_566 = arith.addi %mul3A_564, %add3A_565 : i32
        %get3A_567 = arith.index_cast %add3A_566 : i32 to index
        %get3A_568 = tpu.vector_load %arg5[%get3A_567] {strides = array<i32>} : memref<25632xi32, #tpu.memory_space<vmem>>, vector<16xi32>,
        %get3A_569 = vector.shape_cast %get3A_568 : vector<16xi32> to vector<16xi32>
        %shift_right_logical3A_570 = arith.constant 1 : i32
        %shift_right_logical3A_571 = vector.broadcast %shift_right_logical3A_570 : i32 to vector<16xi32>
        %shift_right_logical3A_572 = arith.shrui %get3A_569, %shift_right_logical3A_571 : vector<16xi32>
        %swap3A_573 = arith.constant 1 : i32
        %swap3A_574 = arith.constant 0 : i32
        %swap3A_575 = arith.index_cast %swap3A_573 : i32 to index
        %swap3A_576 = arith.index_cast %swap3A_574 : i32 to index
        %swap3A_577 = arith.constant 96 : index
        %swap3A_578 = tpu.vector_load %arg6[%swap3A_575, %swap3A_576, %swap3A_577] {strides = array<i32>} : memref<2x2x128xi32, #tpu.memory_space<vmem>>, vector<1x1x16xi32>,
        %swap3A_579 = vector.shape_cast %swap3A_578 : vector<1x1x16xi32> to vector<16xi32>
        %swap3A_580 = vector.shape_cast %shift_right_logical3A_572 : vector<16xi32> to vector<1x1x16xi32>
        tpu.vector_store %arg6[%swap3A_575, %swap3A_576, %swap3A_577], %swap3A_580 {strides = array<i32>} : memref<2x2x128xi32, #tpu.memory_space<vmem>>, vector<1x1x16xi32>,
        %mul3A_581 = arith.constant 200 : i32
        %mul3A_582 = arith.muli %add3A_454, %mul3A_581 : i32
        %add3A_583 = arith.constant 112 : i32
        %add3A_584 = arith.addi %mul3A_582, %add3A_583 : i32
        %get3A_585 = arith.index_cast %add3A_584 : i32 to index
        %get3A_586 = tpu.vector_load %arg5[%get3A_585] {strides = array<i32>} : memref<25632xi32, #tpu.memory_space<vmem>>, vector<16xi32>,
        %get3A_587 = vector.shape_cast %get3A_586 : vector<16xi32> to vector<16xi32>
        %shift_right_logical3A_588 = arith.constant 1 : i32
        %shift_right_logical3A_589 = vector.broadcast %shift_right_logical3A_588 : i32 to vector<16xi32>
        %shift_right_logical3A_590 = arith.shrui %get3A_587, %shift_right_logical3A_589 : vector<16xi32>
        %swap3A_591 = arith.constant 1 : i32
        %swap3A_592 = arith.constant 0 : i32
        %swap3A_593 = arith.index_cast %swap3A_591 : i32 to index
        %swap3A_594 = arith.index_cast %swap3A_592 : i32 to index
        %swap3A_595 = arith.constant 112 : index
        %swap3A_596 = tpu.vector_load %arg6[%swap3A_593, %swap3A_594, %swap3A_595] {strides = array<i32>} : memref<2x2x128xi32, #tpu.memory_space<vmem>>, vector<1x1x16xi32>,
        %swap3A_597 = vector.shape_cast %swap3A_596 : vector<1x1x16xi32> to vector<16xi32>
        %swap3A_598 = vector.shape_cast %shift_right_logical3A_590 : vector<16xi32> to vector<1x1x16xi32>
        tpu.vector_store %arg6[%swap3A_593, %swap3A_594, %swap3A_595], %swap3A_598 {strides = array<i32>} : memref<2x2x128xi32, #tpu.memory_space<vmem>>, vector<1x1x16xi32>,
        %mul3A_599 = arith.constant 200 : i32
        %mul3A_600 = arith.muli %add3A_454, %mul3A_599 : i32
        %add3A_601 = arith.constant 128 : i32
        %add3A_602 = arith.addi %mul3A_600, %add3A_601 : i32
        %get3A_603 = arith.index_cast %add3A_602 : i32 to index
        %get3A_604 = tpu.vector_load %arg5[%get3A_603] {strides = array<i32>} : memref<25632xi32, #tpu.memory_space<vmem>>, vector<16xi32>,
        %get3A_605 = vector.shape_cast %get3A_604 : vector<16xi32> to vector<16xi32>
        %shift_right_logical3A_606 = arith.constant 1 : i32
        %shift_right_logical3A_607 = vector.broadcast %shift_right_logical3A_606 : i32 to vector<16xi32>
        %shift_right_logical3A_608 = arith.shrui %get3A_605, %shift_right_logical3A_607 : vector<16xi32>
        %swap3A_609 = arith.constant 1 : i32
        %swap3A_610 = arith.constant 1 : i32
        %swap3A_611 = arith.index_cast %swap3A_609 : i32 to index
        %swap3A_612 = arith.index_cast %swap3A_610 : i32 to index
        %swap3A_613 = arith.constant 0 : index
        %swap3A_614 = tpu.vector_load %arg6[%swap3A_611, %swap3A_612, %swap3A_613] {strides = array<i32>} : memref<2x2x128xi32, #tpu.memory_space<vmem>>, vector<1x1x16xi32>,
        %swap3A_615 = vector.shape_cast %swap3A_614 : vector<1x1x16xi32> to vector<16xi32>
        %swap3A_616 = vector.shape_cast %shift_right_logical3A_608 : vector<16xi32> to vector<1x1x16xi32>
        tpu.vector_store %arg6[%swap3A_611, %swap3A_612, %swap3A_613], %swap3A_616 {strides = array<i32>} : memref<2x2x128xi32, #tpu.memory_space<vmem>>, vector<1x1x16xi32>,
        %mul3A_617 = arith.constant 200 : i32
        %mul3A_618 = arith.muli %add3A_454, %mul3A_617 : i32
        %add3A_619 = arith.constant 144 : i32
        %add3A_620 = arith.addi %mul3A_618, %add3A_619 : i32
        %get3A_621 = arith.index_cast %add3A_620 : i32 to index
        %get3A_622 = tpu.vector_load %arg5[%get3A_621] {strides = array<i32>} : memref<25632xi32, #tpu.memory_space<vmem>>, vector<16xi32>,
        %get3A_623 = vector.shape_cast %get3A_622 : vector<16xi32> to vector<16xi32>
        %shift_right_logical3A_624 = arith.constant 1 : i32
        %shift_right_logical3A_625 = vector.broadcast %shift_right_logical3A_624 : i32 to vector<16xi32>
        %shift_right_logical3A_626 = arith.shrui %get3A_623, %shift_right_logical3A_625 : vector<16xi32>
        %swap3A_627 = arith.constant 1 : i32
        %swap3A_628 = arith.constant 1 : i32
        %swap3A_629 = arith.index_cast %swap3A_627 : i32 to index
        %swap3A_630 = arith.index_cast %swap3A_628 : i32 to index
        %swap3A_631 = arith.constant 16 : index
        %swap3A_632 = tpu.vector_load %arg6[%swap3A_629, %swap3A_630, %swap3A_631] {strides = array<i32>} : memref<2x2x128xi32, #tpu.memory_space<vmem>>, vector<1x1x16xi32>,
        %swap3A_633 = vector.shape_cast %swap3A_632 : vector<1x1x16xi32> to vector<16xi32>
        %swap3A_634 = vector.shape_cast %shift_right_logical3A_626 : vector<16xi32> to vector<1x1x16xi32>
        tpu.vector_store %arg6[%swap3A_629, %swap3A_630, %swap3A_631], %swap3A_634 {strides = array<i32>} : memref<2x2x128xi32, #tpu.memory_space<vmem>>, vector<1x1x16xi32>,
        %mul3A_635 = arith.constant 200 : i32
        %mul3A_636 = arith.muli %add3A_454, %mul3A_635 : i32
        %add3A_637 = arith.constant 160 : i32
        %add3A_638 = arith.addi %mul3A_636, %add3A_637 : i32
        %get3A_639 = arith.index_cast %add3A_638 : i32 to index
        %get3A_640 = tpu.vector_load %arg5[%get3A_639] {strides = array<i32>} : memref<25632xi32, #tpu.memory_space<vmem>>, vector<16xi32>,
        %get3A_641 = vector.shape_cast %get3A_640 : vector<16xi32> to vector<16xi32>
        %shift_right_logical3A_642 = arith.constant 1 : i32
        %shift_right_logical3A_643 = vector.broadcast %shift_right_logical3A_642 : i32 to vector<16xi32>
        %shift_right_logical3A_644 = arith.shrui %get3A_641, %shift_right_logical3A_643 : vector<16xi32>
        %swap3A_645 = arith.constant 1 : i32
        %swap3A_646 = arith.constant 1 : i32
        %swap3A_647 = arith.index_cast %swap3A_645 : i32 to index
        %swap3A_648 = arith.index_cast %swap3A_646 : i32 to index
        %swap3A_649 = arith.constant 32 : index
        %swap3A_650 = tpu.vector_load %arg6[%swap3A_647, %swap3A_648, %swap3A_649] {strides = array<i32>} : memref<2x2x128xi32, #tpu.memory_space<vmem>>, vector<1x1x16xi32>,
        %swap3A_651 = vector.shape_cast %swap3A_650 : vector<1x1x16xi32> to vector<16xi32>
        %swap3A_652 = vector.shape_cast %shift_right_logical3A_644 : vector<16xi32> to vector<1x1x16xi32>
        tpu.vector_store %arg6[%swap3A_647, %swap3A_648, %swap3A_649], %swap3A_652 {strides = array<i32>} : memref<2x2x128xi32, #tpu.memory_space<vmem>>, vector<1x1x16xi32>,
        %mul3A_653 = arith.constant 200 : i32
        %mul3A_654 = arith.muli %add3A_454, %mul3A_653 : i32
        %add3A_655 = arith.constant 176 : i32
        %add3A_656 = arith.addi %mul3A_654, %add3A_655 : i32
        %get3A_657 = arith.index_cast %add3A_656 : i32 to index
        %get3A_658 = tpu.vector_load %arg5[%get3A_657] {strides = array<i32>} : memref<25632xi32, #tpu.memory_space<vmem>>, vector<16xi32>,
        %get3A_659 = vector.shape_cast %get3A_658 : vector<16xi32> to vector<16xi32>
        %shift_right_logical3A_660 = arith.constant 1 : i32
        %shift_right_logical3A_661 = vector.broadcast %shift_right_logical3A_660 : i32 to vector<16xi32>
        %shift_right_logical3A_662 = arith.shrui %get3A_659, %shift_right_logical3A_661 : vector<16xi32>
        %swap3A_663 = arith.constant 1 : i32
        %swap3A_664 = arith.constant 1 : i32
        %swap3A_665 = arith.index_cast %swap3A_663 : i32 to index
        %swap3A_666 = arith.index_cast %swap3A_664 : i32 to index
        %swap3A_667 = arith.constant 48 : index
        %swap3A_668 = tpu.vector_load %arg6[%swap3A_665, %swap3A_666, %swap3A_667] {strides = array<i32>} : memref<2x2x128xi32, #tpu.memory_space<vmem>>, vector<1x1x16xi32>,
        %swap3A_669 = vector.shape_cast %swap3A_668 : vector<1x1x16xi32> to vector<16xi32>
        %swap3A_670 = vector.shape_cast %shift_right_logical3A_662 : vector<16xi32> to vector<1x1x16xi32>
        tpu.vector_store %arg6[%swap3A_665, %swap3A_666, %swap3A_667], %swap3A_670 {strides = array<i32>} : memref<2x2x128xi32, #tpu.memory_space<vmem>>, vector<1x1x16xi32>,
        %mul3A_671 = arith.constant 200 : i32
        %mul3A_672 = arith.muli %add3A_454, %mul3A_671 : i32
        %add3A_673 = arith.constant 192 : i32
        %add3A_674 = arith.addi %mul3A_672, %add3A_673 : i32
        %get3A_675 = arith.index_cast %add3A_674 : i32 to index
        %get3A_676 = tpu.vector_load %arg5[%get3A_675] {strides = array<i32>} : memref<25632xi32, #tpu.memory_space<vmem>>, vector<16xi32>,
        %get3A_677 = vector.shape_cast %get3A_676 : vector<16xi32> to vector<16xi32>
        %shift_right_logical3A_678 = arith.constant 1 : i32
        %shift_right_logical3A_679 = vector.broadcast %shift_right_logical3A_678 : i32 to vector<16xi32>
        %shift_right_logical3A_680 = arith.shrui %get3A_677, %shift_right_logical3A_679 : vector<16xi32>
        %swap3A_681 = arith.constant 1 : i32
        %swap3A_682 = arith.constant 1 : i32
        %swap3A_683 = arith.index_cast %swap3A_681 : i32 to index
        %swap3A_684 = arith.index_cast %swap3A_682 : i32 to index
        %swap3A_685 = arith.constant 64 : index
        %swap3A_686 = tpu.vector_load %arg6[%swap3A_683, %swap3A_684, %swap3A_685] {strides = array<i32>} : memref<2x2x128xi32, #tpu.memory_space<vmem>>, vector<1x1x16xi32>,
        %swap3A_687 = vector.shape_cast %swap3A_686 : vector<1x1x16xi32> to vector<16xi32>
        %swap3A_688 = vector.shape_cast %shift_right_logical3A_680 : vector<16xi32> to vector<1x1x16xi32>
        tpu.vector_store %arg6[%swap3A_683, %swap3A_684, %swap3A_685], %swap3A_688 {strides = array<i32>} : memref<2x2x128xi32, #tpu.memory_space<vmem>>, vector<1x1x16xi32>,
        %mul3A_689 = arith.constant 200 : i32
        %mul3A_690 = arith.muli %add3A_454, %mul3A_689 : i32
        %add3A_691 = arith.constant 208 : i32
        %add3A_692 = arith.addi %mul3A_690, %add3A_691 : i32
        %get3A_693 = arith.index_cast %add3A_692 : i32 to index
        %get3A_694 = tpu.vector_load %arg5[%get3A_693] {strides = array<i32>} : memref<25632xi32, #tpu.memory_space<vmem>>, vector<16xi32>,
        %get3A_695 = vector.shape_cast %get3A_694 : vector<16xi32> to vector<16xi32>
        %shift_right_logical3A_696 = arith.constant 1 : i32
        %shift_right_logical3A_697 = vector.broadcast %shift_right_logical3A_696 : i32 to vector<16xi32>
        %shift_right_logical3A_698 = arith.shrui %get3A_695, %shift_right_logical3A_697 : vector<16xi32>
        %swap3A_699 = arith.constant 1 : i32
        %swap3A_700 = arith.constant 1 : i32
        %swap3A_701 = arith.index_cast %swap3A_699 : i32 to index
        %swap3A_702 = arith.index_cast %swap3A_700 : i32 to index
        %swap3A_703 = arith.constant 80 : index
        %swap3A_704 = tpu.vector_load %arg6[%swap3A_701, %swap3A_702, %swap3A_703] {strides = array<i32>} : memref<2x2x128xi32, #tpu.memory_space<vmem>>, vector<1x1x16xi32>,
        %swap3A_705 = vector.shape_cast %swap3A_704 : vector<1x1x16xi32> to vector<16xi32>
        %swap3A_706 = vector.shape_cast %shift_right_logical3A_698 : vector<16xi32> to vector<1x1x16xi32>
        tpu.vector_store %arg6[%swap3A_701, %swap3A_702, %swap3A_703], %swap3A_706 {strides = array<i32>} : memref<2x2x128xi32, #tpu.memory_space<vmem>>, vector<1x1x16xi32>,
        %dma_start3A_707 = arith.constant 1 : i32
        %dma_start3A_708 = arith.constant 0 : i32
        %dma_start3A_709 = arith.constant 1 : i32
        %dma_start3A_710 = arith.constant 1 : i32
        %dma_start3A_711 = arith.constant 0 : i32
        %dma_start3A_712 = arith.constant 0 : i32
        %dma_start3A_713 = tpu.memref_slice %arg7[%dma_start3A_709, %dma_start3A_711, %dma_start3A_712] : memref<2x224x128xf32, #tpu.memory_space<vmem>> -> memref<1x224x128xf32, #tpu.memory_space<vmem>>
        %dma_start3A_714 = tpu.memref_squeeze %dma_start3A_713 : memref<1x224x128xf32, #tpu.memory_space<vmem>> -> memref<224x128xf32, #tpu.memory_space<vmem>>
        %dma_start3A_715 = arith.constant 0 : i32
        %dma_start3A_716 = arith.constant 0 : i32
        %dma_start3A_717 = tpu.memref_slice %dma_start3A_714[%dma_start3A_715, %dma_start3A_716] : memref<224x128xf32, #tpu.memory_space<vmem>> -> memref<128x128xf32, #tpu.memory_space<vmem>>
        %dma_start3A_718 = arith.constant 0 : i32
        %dma_start3A_719 = arith.constant 0 : i32
        %dma_start3A_720 = tpu.memref_slice %arg6[%dma_start3A_707, %dma_start3A_718, %dma_start3A_719] : memref<2x2x128xi32, #tpu.memory_space<vmem>> -> memref<1x2x128xi32, #tpu.memory_space<vmem>>
        %dma_start3A_721 = tpu.memref_squeeze %dma_start3A_720 : memref<1x2x128xi32, #tpu.memory_space<vmem>> -> memref<2x128xi32, #tpu.memory_space<vmem>>
        %dma_start3A_722 = arith.constant 0 : i32
        %dma_start3A_723 = tpu.memref_slice %dma_start3A_721[%dma_start3A_708, %dma_start3A_722] : memref<2x128xi32, #tpu.memory_space<vmem>> -> memref<1x128xi32, #tpu.memory_space<vmem>>
        %dma_start3A_724 = tpu.memref_squeeze %dma_start3A_723 : memref<1x128xi32, #tpu.memory_space<vmem>> -> memref<128xi32, #tpu.memory_space<vmem>>
        %dma_start3A_725 = arith.constant 0 : i32
        %dma_start3A_726 = arith.constant 0 : i32
        %dma_start3A_727 = tpu.memref_slice %arg3[%dma_start3A_725, %dma_start3A_726] : memref<500000x128xf32, #tpu.memory_space<hbm>> -> memref<500000x128xf32, #tpu.memory_space<hbm>>
        %dma_start3A_728 = tpu.memref_slice %arg10[%dma_start3A_710] : memref<2x!tpu.dma_semaphore, #tpu.memory_space<semaphore_mem>> -> memref<1x!tpu.dma_semaphore, #tpu.memory_space<semaphore_mem>>
        %dma_start3A_729 = tpu.memref_squeeze %dma_start3A_728 : memref<1x!tpu.dma_semaphore, #tpu.memory_space<semaphore_mem>> -> memref<!tpu.dma_semaphore, #tpu.memory_space<semaphore_mem>>
        tpu.enqueue_indirect_dma source(%dma_start3A_727 : memref<500000x128xf32, #tpu.memory_space<hbm>>) target(%dma_start3A_717 : memref<128x128xf32, #tpu.memory_space<vmem>>) offsets(%dma_start3A_724 : memref<128xi32, #tpu.memory_space<vmem>>) semaphore(%dma_start3A_729 : memref<!tpu.dma_semaphore, #tpu.memory_space<semaphore_mem>>)
        %dma_start3A_730 = arith.constant 1 : i32
        %dma_start3A_731 = arith.constant 1 : i32
        %dma_start3A_732 = arith.constant 1 : i32
        %dma_start3A_733 = arith.constant 1 : i32
        %dma_start3A_734 = arith.constant 0 : i32
        %dma_start3A_735 = arith.constant 0 : i32
        %dma_start3A_736 = tpu.memref_slice %arg7[%dma_start3A_732, %dma_start3A_734, %dma_start3A_735] : memref<2x224x128xf32, #tpu.memory_space<vmem>> -> memref<1x224x128xf32, #tpu.memory_space<vmem>>
        %dma_start3A_737 = tpu.memref_squeeze %dma_start3A_736 : memref<1x224x128xf32, #tpu.memory_space<vmem>> -> memref<224x128xf32, #tpu.memory_space<vmem>>
        %dma_start3A_738 = arith.constant 128 : i32
        %dma_start3A_739 = arith.constant 0 : i32
        %dma_start3A_740 = tpu.memref_slice %dma_start3A_737[%dma_start3A_738, %dma_start3A_739] : memref<224x128xf32, #tpu.memory_space<vmem>> -> memref<96x128xf32, #tpu.memory_space<vmem>>
        %dma_start3A_741 = arith.constant 0 : i32
        %dma_start3A_742 = arith.constant 0 : i32
        %dma_start3A_743 = tpu.memref_slice %arg6[%dma_start3A_730, %dma_start3A_741, %dma_start3A_742] : memref<2x2x128xi32, #tpu.memory_space<vmem>> -> memref<1x2x128xi32, #tpu.memory_space<vmem>>
        %dma_start3A_744 = tpu.memref_squeeze %dma_start3A_743 : memref<1x2x128xi32, #tpu.memory_space<vmem>> -> memref<2x128xi32, #tpu.memory_space<vmem>>
        %dma_start3A_745 = arith.constant 0 : i32
        %dma_start3A_746 = tpu.memref_slice %dma_start3A_744[%dma_start3A_731, %dma_start3A_745] : memref<2x128xi32, #tpu.memory_space<vmem>> -> memref<1x128xi32, #tpu.memory_space<vmem>>
        %dma_start3A_747 = tpu.memref_squeeze %dma_start3A_746 : memref<1x128xi32, #tpu.memory_space<vmem>> -> memref<128xi32, #tpu.memory_space<vmem>>
        %dma_start3A_748 = arith.constant 0 : i32
        %dma_start3A_749 = tpu.memref_slice %dma_start3A_747[%dma_start3A_748] : memref<128xi32, #tpu.memory_space<vmem>> -> memref<96xi32, #tpu.memory_space<vmem>>
        %dma_start3A_750 = arith.constant 0 : i32
        %dma_start3A_751 = arith.constant 0 : i32
        %dma_start3A_752 = tpu.memref_slice %arg3[%dma_start3A_750, %dma_start3A_751] : memref<500000x128xf32, #tpu.memory_space<hbm>> -> memref<500000x128xf32, #tpu.memory_space<hbm>>
        %dma_start3A_753 = tpu.memref_slice %arg10[%dma_start3A_733] : memref<2x!tpu.dma_semaphore, #tpu.memory_space<semaphore_mem>> -> memref<1x!tpu.dma_semaphore, #tpu.memory_space<semaphore_mem>>
        %dma_start3A_754 = tpu.memref_squeeze %dma_start3A_753 : memref<1x!tpu.dma_semaphore, #tpu.memory_space<semaphore_mem>> -> memref<!tpu.dma_semaphore, #tpu.memory_space<semaphore_mem>>
        tpu.enqueue_indirect_dma source(%dma_start3A_752 : memref<500000x128xf32, #tpu.memory_space<hbm>>) target(%dma_start3A_740 : memref<96x128xf32, #tpu.memory_space<vmem>>) offsets(%dma_start3A_749 : memref<96xi32, #tpu.memory_space<vmem>>) semaphore(%dma_start3A_754 : memref<!tpu.dma_semaphore, #tpu.memory_space<semaphore_mem>>)
      } else {
      }
      %dma_wait3A_295 = arith.constant 0 : i32
      %dma_wait3A_296 = arith.constant 0 : i32
      %dma_wait3A_297 = arith.constant 0 : i32
      %dma_wait3A_298 = arith.constant 0 : i32
      %dma_wait3A_299 = arith.constant 0 : i32
      %dma_wait3A_300 = arith.constant 0 : i32
      %dma_wait3A_301 = tpu.memref_slice %arg7[%dma_wait3A_297, %dma_wait3A_299, %dma_wait3A_300] : memref<2x224x128xf32, #tpu.memory_space<vmem>> -> memref<1x224x128xf32, #tpu.memory_space<vmem>>
      %dma_wait3A_302 = tpu.memref_squeeze %dma_wait3A_301 : memref<1x224x128xf32, #tpu.memory_space<vmem>> -> memref<224x128xf32, #tpu.memory_space<vmem>>
      %dma_wait3A_303 = arith.constant 0 : i32
      %dma_wait3A_304 = arith.constant 0 : i32
      %dma_wait3A_305 = tpu.memref_slice %dma_wait3A_302[%dma_wait3A_303, %dma_wait3A_304] : memref<224x128xf32, #tpu.memory_space<vmem>> -> memref<128x128xf32, #tpu.memory_space<vmem>>
      %dma_wait3A_306 = arith.constant 0 : i32
      %dma_wait3A_307 = arith.constant 0 : i32
      %dma_wait3A_308 = tpu.memref_slice %arg6[%dma_wait3A_295, %dma_wait3A_306, %dma_wait3A_307] : memref<2x2x128xi32, #tpu.memory_space<vmem>> -> memref<1x2x128xi32, #tpu.memory_space<vmem>>
      %dma_wait3A_309 = tpu.memref_squeeze %dma_wait3A_308 : memref<1x2x128xi32, #tpu.memory_space<vmem>> -> memref<2x128xi32, #tpu.memory_space<vmem>>
      %dma_wait3A_310 = arith.constant 0 : i32
      %dma_wait3A_311 = tpu.memref_slice %dma_wait3A_309[%dma_wait3A_296, %dma_wait3A_310] : memref<2x128xi32, #tpu.memory_space<vmem>> -> memref<1x128xi32, #tpu.memory_space<vmem>>
      %dma_wait3A_312 = tpu.memref_squeeze %dma_wait3A_311 : memref<1x128xi32, #tpu.memory_space<vmem>> -> memref<128xi32, #tpu.memory_space<vmem>>
      %dma_wait3A_313 = arith.constant 0 : i32
      %dma_wait3A_314 = arith.constant 0 : i32
      %dma_wait3A_315 = tpu.memref_slice %arg3[%dma_wait3A_313, %dma_wait3A_314] : memref<500000x128xf32, #tpu.memory_space<hbm>> -> memref<500000x128xf32, #tpu.memory_space<hbm>>
      %dma_wait3A_316 = tpu.memref_slice %arg10[%dma_wait3A_298] : memref<2x!tpu.dma_semaphore, #tpu.memory_space<semaphore_mem>> -> memref<1x!tpu.dma_semaphore, #tpu.memory_space<semaphore_mem>>
      %dma_wait3A_317 = tpu.memref_squeeze %dma_wait3A_316 : memref<1x!tpu.dma_semaphore, #tpu.memory_space<semaphore_mem>> -> memref<!tpu.dma_semaphore, #tpu.memory_space<semaphore_mem>>
      tpu.wait_indirect_dma semaphore(%dma_wait3A_317 : memref<!tpu.dma_semaphore, #tpu.memory_space<semaphore_mem>>) src(%dma_wait3A_315 : memref<500000x128xf32, #tpu.memory_space<hbm>>) dst(%dma_wait3A_305 : memref<128x128xf32, #tpu.memory_space<vmem>>)
      %dma_wait3A_318 = arith.constant 0 : i32
      %dma_wait3A_319 = arith.constant 1 : i32
      %dma_wait3A_320 = arith.constant 0 : i32
      %dma_wait3A_321 = arith.constant 0 : i32
      %dma_wait3A_322 = arith.constant 0 : i32
      %dma_wait3A_323 = arith.constant 0 : i32
      %dma_wait3A_324 = tpu.memref_slice %arg7[%dma_wait3A_320, %dma_wait3A_322, %dma_wait3A_323] : memref<2x224x128xf32, #tpu.memory_space<vmem>> -> memref<1x224x128xf32, #tpu.memory_space<vmem>>
      %dma_wait3A_325 = tpu.memref_squeeze %dma_wait3A_324 : memref<1x224x128xf32, #tpu.memory_space<vmem>> -> memref<224x128xf32, #tpu.memory_space<vmem>>
      %dma_wait3A_326 = arith.constant 128 : i32
      %dma_wait3A_327 = arith.constant 0 : i32
      %dma_wait3A_328 = tpu.memref_slice %dma_wait3A_325[%dma_wait3A_326, %dma_wait3A_327] : memref<224x128xf32, #tpu.memory_space<vmem>> -> memref<96x128xf32, #tpu.memory_space<vmem>>
      %dma_wait3A_329 = arith.constant 0 : i32
      %dma_wait3A_330 = arith.constant 0 : i32
      %dma_wait3A_331 = tpu.memref_slice %arg6[%dma_wait3A_318, %dma_wait3A_329, %dma_wait3A_330] : memref<2x2x128xi32, #tpu.memory_space<vmem>> -> memref<1x2x128xi32, #tpu.memory_space<vmem>>
      %dma_wait3A_332 = tpu.memref_squeeze %dma_wait3A_331 : memref<1x2x128xi32, #tpu.memory_space<vmem>> -> memref<2x128xi32, #tpu.memory_space<vmem>>
      %dma_wait3A_333 = arith.constant 0 : i32
      %dma_wait3A_334 = tpu.memref_slice %dma_wait3A_332[%dma_wait3A_319, %dma_wait3A_333] : memref<2x128xi32, #tpu.memory_space<vmem>> -> memref<1x128xi32, #tpu.memory_space<vmem>>
      %dma_wait3A_335 = tpu.memref_squeeze %dma_wait3A_334 : memref<1x128xi32, #tpu.memory_space<vmem>> -> memref<128xi32, #tpu.memory_space<vmem>>
      %dma_wait3A_336 = arith.constant 0 : i32
      %dma_wait3A_337 = tpu.memref_slice %dma_wait3A_335[%dma_wait3A_336] : memref<128xi32, #tpu.memory_space<vmem>> -> memref<96xi32, #tpu.memory_space<vmem>>
      %dma_wait3A_338 = arith.constant 0 : i32
      %dma_wait3A_339 = arith.constant 0 : i32
      %dma_wait3A_340 = tpu.memref_slice %arg3[%dma_wait3A_338, %dma_wait3A_339] : memref<500000x128xf32, #tpu.memory_space<hbm>> -> memref<500000x128xf32, #tpu.memory_space<hbm>>
      %dma_wait3A_341 = tpu.memref_slice %arg10[%dma_wait3A_321] : memref<2x!tpu.dma_semaphore, #tpu.memory_space<semaphore_mem>> -> memref<1x!tpu.dma_semaphore, #tpu.memory_space<semaphore_mem>>
      %dma_wait3A_342 = tpu.memref_squeeze %dma_wait3A_341 : memref<1x!tpu.dma_semaphore, #tpu.memory_space<semaphore_mem>> -> memref<!tpu.dma_semaphore, #tpu.memory_space<semaphore_mem>>
      tpu.wait_indirect_dma semaphore(%dma_wait3A_342 : memref<!tpu.dma_semaphore, #tpu.memory_space<semaphore_mem>>) src(%dma_wait3A_340 : memref<500000x128xf32, #tpu.memory_space<hbm>>) dst(%dma_wait3A_328 : memref<96x128xf32, #tpu.memory_space<vmem>>)
      %ge3A = arith.constant 1 : i32
      %ge3A_343 = arith.cmpi sge, %add3A_290, %ge3A : i32
      %convert_element_type3A_344 = arith.extui %ge3A_343 : i1 to i32
      %cond3A_345 = arith.constant 0 : i32
      %cond3A_346 = arith.cmpi ne, %convert_element_type3A_344, %cond3A_345 : i32
      scf.if %cond3A_346 {
        %sub3A = arith.constant 1 : i32
        %sub3A_453 = arith.subi %add3A_290, %sub3A : i32
        %add3A_454 = arith.addi %mul3A_4, %sub3A_453 : i32
        %dma_wait3A_455 = arith.constant 0 : i32
        %dma_wait3A_456 = arith.constant 0 : i32
        %dma_wait3A_457 = tpu.memref_slice %arg8[%dma_wait3A_455, %dma_wait3A_456] : memref<208x64xf32, #tpu.memory_space<vmem>> -> memref<200x64xf32, #tpu.memory_space<vmem>>
        %dma_wait3A_458 = arith.constant 0 : i32
        %dma_wait3A_459 = arith.constant 0 : i32
        %dma_wait3A_460 = tpu.memref_slice %arg4[%add3A_454, %dma_wait3A_458, %dma_wait3A_459] : memref<4096x200x64xf32, #tpu.memory_space<hbm>> -> memref<1x200x64xf32, #tpu.memory_space<hbm>>
        %dma_wait3A_461 = tpu.memref_squeeze %dma_wait3A_460 : memref<1x200x64xf32, #tpu.memory_space<hbm>> -> memref<200x64xf32, #tpu.memory_space<hbm>>
        %dma_wait3A_462 = arith.constant 0 : i32
        %dma_wait3A_463 = arith.constant 0 : i32
        %dma_wait3A_464 = tpu.memref_slice %arg4[%add3A_454, %dma_wait3A_462, %dma_wait3A_463] : memref<4096x200x64xf32, #tpu.memory_space<hbm>> -> memref<1x200x64xf32, #tpu.memory_space<hbm>>
        %dma_wait3A_465 = tpu.memref_squeeze %dma_wait3A_464 : memref<1x200x64xf32, #tpu.memory_space<hbm>> -> memref<200x64xf32, #tpu.memory_space<hbm>>
        %dma_wait3A_466 = arith.constant 0 : i32
        %dma_wait3A_467 = arith.constant 0 : i32
        %dma_wait3A_468 = tpu.memref_slice %arg8[%dma_wait3A_466, %dma_wait3A_467] : memref<208x64xf32, #tpu.memory_space<vmem>> -> memref<200x64xf32, #tpu.memory_space<vmem>>
        tpu.wait_dma2 semaphore(%arg11 : memref<!tpu.dma_semaphore, #tpu.memory_space<semaphore_mem>>) src(%dma_wait3A_468 : memref<200x64xf32, #tpu.memory_space<vmem>>) dst(%dma_wait3A_465 : memref<200x64xf32, #tpu.memory_space<hbm>>)
      } else {
      }
      %scan3A_347 = arith.constant 0 : i32
      %scan3A_348 = arith.constant 0 : i32
      %scan3A_349 = arith.constant 13 : i32
      %scan3A_350 = arith.addi %scan3A_348, %scan3A_349 : i32
      %scan3A_351 = arith.constant 1 : i32
      scf.for %scan3A_453 = %scan3A_348 to %scan3A_350 step %scan3A_351  : i32 {
        %mul3A_454 = arith.constant 200 : i32
        %mul3A_455 = arith.muli %add3A_290, %mul3A_454 : i32
        %mul3A_456 = arith.constant 16 : i32
        %mul3A_457 = arith.muli %scan3A_453, %mul3A_456 : i32
        %add3A_458 = arith.addi %mul3A_455, %mul3A_457 : i32
        %get3A_459 = arith.index_cast %add3A_458 : i32 to index
        %get3A_460 = tpu.vector_load %arg5[%get3A_459] {strides = array<i32>} : memref<25632xi32, #tpu.memory_space<vmem>>, vector<16xi32>,
        %get3A_461 = vector.shape_cast %get3A_460 : vector<16xi32> to vector<16xi32>
        %and3A = arith.constant 1 : i32
        %and3A_462 = vector.broadcast %and3A : i32 to vector<16xi32>
        %and3A_463 = arith.andi %get3A_461, %and3A_462 : vector<16xi32>
        %convert_element_type3A_464 = arith.sitofp %and3A_463 : vector<16xi32> to vector<16xf32>
        %broadcast_in_dim3A_465 = arith.constant 0 : i32
        %broadcast_in_dim3A_466 = vector.broadcast %broadcast_in_dim3A_465 : i32 to vector<16xi32>
        %lt3A_467 = arith.constant 0 : i32
        %lt3A_468 = vector.broadcast %lt3A_467 : i32 to vector<16xi32>
        %lt3A_469 = arith.cmpi slt, %broadcast_in_dim3A_466, %lt3A_468 : vector<16xi32>
        %add3A_470 = arith.constant 16 : i32
        %add3A_471 = vector.broadcast %add3A_470 : i32 to vector<16xi32>
        %add3A_472 = arith.addi %broadcast_in_dim3A_466, %add3A_471 : vector<16xi32>
        %select_n3A = arith.select %lt3A_469, %add3A_472, %broadcast_in_dim3A_466 : vector<16xi1>, vector<16xi32>
        %broadcast_in_dim3A_473 = vector.shape_cast %select_n3A : vector<16xi32> to vector<16x1xi32>
        %gather3A = vector.shape_cast %broadcast_in_dim3A_473 : vector<16x1xi32> to vector<16xi32>
        %gather3A_474 = tpu.dynamic_gather %convert_element_type3A_464[%gather3A] in [0] : vector<16xf32>, vector<16xi32> -> vector<16xf32>
        %sub3A = arith.constant 1.000000e+00 : f32
        %sub3A_475 = vector.broadcast %sub3A : f32 to vector<16xf32>
        %sub3A_476 = arith.subf %sub3A_475, %gather3A_474 : vector<16xf32>
        %mul3A_477 = arith.constant 16 : i32
        %mul3A_478 = arith.muli %scan3A_453, %mul3A_477 : i32
        %add3A_479 = arith.constant 0 : i32
        %add3A_480 = arith.addi %mul3A_478, %add3A_479 : i32
        %get3A_481 = arith.constant 0 : i32
        %get3A_482 = arith.index_cast %get3A_481 : i32 to index
        %get3A_483 = arith.index_cast %add3A_480 : i32 to index
        %get3A_484 = arith.constant 0 : index
        %get3A_485 = tpu.vector_load %arg7[%get3A_482, %get3A_483, %get3A_484] {strides = array<i32>} : memref<2x224x128xf32, #tpu.memory_space<vmem>>, vector<1x1x16xf32>,
        %get3A_486 = vector.shape_cast %get3A_485 : vector<1x1x16xf32> to vector<16xf32>
        %get3A_487 = arith.constant 0 : i32
        %get3A_488 = arith.index_cast %get3A_487 : i32 to index
        %get3A_489 = arith.index_cast %add3A_480 : i32 to index
        %get3A_490 = arith.constant 64 : index
        %get3A_491 = tpu.vector_load %arg7[%get3A_488, %get3A_489, %get3A_490] {strides = array<i32>} : memref<2x224x128xf32, #tpu.memory_space<vmem>>, vector<1x1x16xf32>,
        %get3A_492 = vector.shape_cast %get3A_491 : vector<1x1x16xf32> to vector<16xf32>
        %mul3A_493 = arith.mulf %get3A_486, %sub3A_476 : vector<16xf32>
        %mul3A_494 = arith.mulf %get3A_492, %gather3A_474 : vector<16xf32>
        %add3A_495 = arith.addf %mul3A_493, %mul3A_494 : vector<16xf32>
        %swap3A_496 = arith.index_cast %add3A_480 : i32 to index
        %swap3A_497 = arith.constant 0 : index
        %swap3A_498 = tpu.vector_load %arg8[%swap3A_496, %swap3A_497] {strides = array<i32>} : memref<208x64xf32, #tpu.memory_space<vmem>>, vector<1x16xf32>,
        %swap3A_499 = vector.shape_cast %swap3A_498 : vector<1x16xf32> to vector<16xf32>
        %swap3A_500 = vector.shape_cast %add3A_495 : vector<16xf32> to vector<1x16xf32>
        tpu.vector_store %arg8[%swap3A_496, %swap3A_497], %swap3A_500 {strides = array<i32>} : memref<208x64xf32, #tpu.memory_space<vmem>>, vector<1x16xf32>,
        %get3A_501 = arith.constant 0 : i32
        %get3A_502 = arith.index_cast %get3A_501 : i32 to index
        %get3A_503 = arith.index_cast %add3A_480 : i32 to index
        %get3A_504 = arith.constant 16 : index
        %get3A_505 = tpu.vector_load %arg7[%get3A_502, %get3A_503, %get3A_504] {strides = array<i32>} : memref<2x224x128xf32, #tpu.memory_space<vmem>>, vector<1x1x16xf32>,
        %get3A_506 = vector.shape_cast %get3A_505 : vector<1x1x16xf32> to vector<16xf32>
        %get3A_507 = arith.constant 0 : i32
        %get3A_508 = arith.index_cast %get3A_507 : i32 to index
        %get3A_509 = arith.index_cast %add3A_480 : i32 to index
        %get3A_510 = arith.constant 80 : index
        %get3A_511 = tpu.vector_load %arg7[%get3A_508, %get3A_509, %get3A_510] {strides = array<i32>} : memref<2x224x128xf32, #tpu.memory_space<vmem>>, vector<1x1x16xf32>,
        %get3A_512 = vector.shape_cast %get3A_511 : vector<1x1x16xf32> to vector<16xf32>
        %mul3A_513 = arith.mulf %get3A_506, %sub3A_476 : vector<16xf32>
        %mul3A_514 = arith.mulf %get3A_512, %gather3A_474 : vector<16xf32>
        %add3A_515 = arith.addf %mul3A_513, %mul3A_514 : vector<16xf32>
        %swap3A_516 = arith.index_cast %add3A_480 : i32 to index
        %swap3A_517 = arith.constant 16 : index
        %swap3A_518 = tpu.vector_load %arg8[%swap3A_516, %swap3A_517] {strides = array<i32>} : memref<208x64xf32, #tpu.memory_space<vmem>>, vector<1x16xf32>,
        %swap3A_519 = vector.shape_cast %swap3A_518 : vector<1x16xf32> to vector<16xf32>
        %swap3A_520 = vector.shape_cast %add3A_515 : vector<16xf32> to vector<1x16xf32>
        tpu.vector_store %arg8[%swap3A_516, %swap3A_517], %swap3A_520 {strides = array<i32>} : memref<208x64xf32, #tpu.memory_space<vmem>>, vector<1x16xf32>,
        %get3A_521 = arith.constant 0 : i32
        %get3A_522 = arith.index_cast %get3A_521 : i32 to index
        %get3A_523 = arith.index_cast %add3A_480 : i32 to index
        %get3A_524 = arith.constant 32 : index
        %get3A_525 = tpu.vector_load %arg7[%get3A_522, %get3A_523, %get3A_524] {strides = array<i32>} : memref<2x224x128xf32, #tpu.memory_space<vmem>>, vector<1x1x16xf32>,
        %get3A_526 = vector.shape_cast %get3A_525 : vector<1x1x16xf32> to vector<16xf32>
        %get3A_527 = arith.constant 0 : i32
        %get3A_528 = arith.index_cast %get3A_527 : i32 to index
        %get3A_529 = arith.index_cast %add3A_480 : i32 to index
        %get3A_530 = arith.constant 96 : index
        %get3A_531 = tpu.vector_load %arg7[%get3A_528, %get3A_529, %get3A_530] {strides = array<i32>} : memref<2x224x128xf32, #tpu.memory_space<vmem>>, vector<1x1x16xf32>,
        %get3A_532 = vector.shape_cast %get3A_531 : vector<1x1x16xf32> to vector<16xf32>
        %mul3A_533 = arith.mulf %get3A_526, %sub3A_476 : vector<16xf32>
        %mul3A_534 = arith.mulf %get3A_532, %gather3A_474 : vector<16xf32>
        %add3A_535 = arith.addf %mul3A_533, %mul3A_534 : vector<16xf32>
        %swap3A_536 = arith.index_cast %add3A_480 : i32 to index
        %swap3A_537 = arith.constant 32 : index
        %swap3A_538 = tpu.vector_load %arg8[%swap3A_536, %swap3A_537] {strides = array<i32>} : memref<208x64xf32, #tpu.memory_space<vmem>>, vector<1x16xf32>,
        %swap3A_539 = vector.shape_cast %swap3A_538 : vector<1x16xf32> to vector<16xf32>
        %swap3A_540 = vector.shape_cast %add3A_535 : vector<16xf32> to vector<1x16xf32>
        tpu.vector_store %arg8[%swap3A_536, %swap3A_537], %swap3A_540 {strides = array<i32>} : memref<208x64xf32, #tpu.memory_space<vmem>>, vector<1x16xf32>,
        %get3A_541 = arith.constant 0 : i32
        %get3A_542 = arith.index_cast %get3A_541 : i32 to index
        %get3A_543 = arith.index_cast %add3A_480 : i32 to index
        %get3A_544 = arith.constant 48 : index
        %get3A_545 = tpu.vector_load %arg7[%get3A_542, %get3A_543, %get3A_544] {strides = array<i32>} : memref<2x224x128xf32, #tpu.memory_space<vmem>>, vector<1x1x16xf32>,
        %get3A_546 = vector.shape_cast %get3A_545 : vector<1x1x16xf32> to vector<16xf32>
        %get3A_547 = arith.constant 0 : i32
        %get3A_548 = arith.index_cast %get3A_547 : i32 to index
        %get3A_549 = arith.index_cast %add3A_480 : i32 to index
        %get3A_550 = arith.constant 112 : index
        %get3A_551 = tpu.vector_load %arg7[%get3A_548, %get3A_549, %get3A_550] {strides = array<i32>} : memref<2x224x128xf32, #tpu.memory_space<vmem>>, vector<1x1x16xf32>,
        %get3A_552 = vector.shape_cast %get3A_551 : vector<1x1x16xf32> to vector<16xf32>
        %mul3A_553 = arith.mulf %get3A_546, %sub3A_476 : vector<16xf32>
        %mul3A_554 = arith.mulf %get3A_552, %gather3A_474 : vector<16xf32>
        %add3A_555 = arith.addf %mul3A_553, %mul3A_554 : vector<16xf32>
        %swap3A_556 = arith.index_cast %add3A_480 : i32 to index
        %swap3A_557 = arith.constant 48 : index
        %swap3A_558 = tpu.vector_load %arg8[%swap3A_556, %swap3A_557] {strides = array<i32>} : memref<208x64xf32, #tpu.memory_space<vmem>>, vector<1x16xf32>,
        %swap3A_559 = vector.shape_cast %swap3A_558 : vector<1x16xf32> to vector<16xf32>
        %swap3A_560 = vector.shape_cast %add3A_555 : vector<16xf32> to vector<1x16xf32>
        tpu.vector_store %arg8[%swap3A_556, %swap3A_557], %swap3A_560 {strides = array<i32>} : memref<208x64xf32, #tpu.memory_space<vmem>>, vector<1x16xf32>,
        %broadcast_in_dim3A_561 = arith.constant 1 : i32
        %broadcast_in_dim3A_562 = vector.broadcast %broadcast_in_dim3A_561 : i32 to vector<16xi32>
        %lt3A_563 = arith.constant 0 : i32
        %lt3A_564 = vector.broadcast %lt3A_563 : i32 to vector<16xi32>
        %lt3A_565 = arith.cmpi slt, %broadcast_in_dim3A_562, %lt3A_564 : vector<16xi32>
        %add3A_566 = arith.constant 16 : i32
        %add3A_567 = vector.broadcast %add3A_566 : i32 to vector<16xi32>
        %add3A_568 = arith.addi %broadcast_in_dim3A_562, %add3A_567 : vector<16xi32>
        %select_n3A_569 = arith.select %lt3A_565, %add3A_568, %broadcast_in_dim3A_562 : vector<16xi1>, vector<16xi32>
        %broadcast_in_dim3A_570 = vector.shape_cast %select_n3A_569 : vector<16xi32> to vector<16x1xi32>
        %gather3A_571 = vector.shape_cast %broadcast_in_dim3A_570 : vector<16x1xi32> to vector<16xi32>
        %gather3A_572 = tpu.dynamic_gather %convert_element_type3A_464[%gather3A_571] in [0] : vector<16xf32>, vector<16xi32> -> vector<16xf32>
        %sub3A_573 = arith.constant 1.000000e+00 : f32
        %sub3A_574 = vector.broadcast %sub3A_573 : f32 to vector<16xf32>
        %sub3A_575 = arith.subf %sub3A_574, %gather3A_572 : vector<16xf32>
        %mul3A_576 = arith.constant 16 : i32
        %mul3A_577 = arith.muli %scan3A_453, %mul3A_576 : i32
        %add3A_578 = arith.constant 1 : i32
        %add3A_579 = arith.addi %mul3A_577, %add3A_578 : i32
        %get3A_580 = arith.constant 0 : i32
        %get3A_581 = arith.index_cast %get3A_580 : i32 to index
        %get3A_582 = arith.index_cast %add3A_579 : i32 to index
        %get3A_583 = arith.constant 0 : index
        %get3A_584 = tpu.vector_load %arg7[%get3A_581, %get3A_582, %get3A_583] {strides = array<i32>} : memref<2x224x128xf32, #tpu.memory_space<vmem>>, vector<1x1x16xf32>,
        %get3A_585 = vector.shape_cast %get3A_584 : vector<1x1x16xf32> to vector<16xf32>
        %get3A_586 = arith.constant 0 : i32
        %get3A_587 = arith.index_cast %get3A_586 : i32 to index
        %get3A_588 = arith.index_cast %add3A_579 : i32 to index
        %get3A_589 = arith.constant 64 : index
        %get3A_590 = tpu.vector_load %arg7[%get3A_587, %get3A_588, %get3A_589] {strides = array<i32>} : memref<2x224x128xf32, #tpu.memory_space<vmem>>, vector<1x1x16xf32>,
        %get3A_591 = vector.shape_cast %get3A_590 : vector<1x1x16xf32> to vector<16xf32>
        %mul3A_592 = arith.mulf %get3A_585, %sub3A_575 : vector<16xf32>
        %mul3A_593 = arith.mulf %get3A_591, %gather3A_572 : vector<16xf32>
        %add3A_594 = arith.addf %mul3A_592, %mul3A_593 : vector<16xf32>
        %swap3A_595 = arith.index_cast %add3A_579 : i32 to index
        %swap3A_596 = arith.constant 0 : index
        %swap3A_597 = tpu.vector_load %arg8[%swap3A_595, %swap3A_596] {strides = array<i32>} : memref<208x64xf32, #tpu.memory_space<vmem>>, vector<1x16xf32>,
        %swap3A_598 = vector.shape_cast %swap3A_597 : vector<1x16xf32> to vector<16xf32>
        %swap3A_599 = vector.shape_cast %add3A_594 : vector<16xf32> to vector<1x16xf32>
        tpu.vector_store %arg8[%swap3A_595, %swap3A_596], %swap3A_599 {strides = array<i32>} : memref<208x64xf32, #tpu.memory_space<vmem>>, vector<1x16xf32>,
        %get3A_600 = arith.constant 0 : i32
        %get3A_601 = arith.index_cast %get3A_600 : i32 to index
        %get3A_602 = arith.index_cast %add3A_579 : i32 to index
        %get3A_603 = arith.constant 16 : index
        %get3A_604 = tpu.vector_load %arg7[%get3A_601, %get3A_602, %get3A_603] {strides = array<i32>} : memref<2x224x128xf32, #tpu.memory_space<vmem>>, vector<1x1x16xf32>,
        %get3A_605 = vector.shape_cast %get3A_604 : vector<1x1x16xf32> to vector<16xf32>
        %get3A_606 = arith.constant 0 : i32
        %get3A_607 = arith.index_cast %get3A_606 : i32 to index
        %get3A_608 = arith.index_cast %add3A_579 : i32 to index
        %get3A_609 = arith.constant 80 : index
        %get3A_610 = tpu.vector_load %arg7[%get3A_607, %get3A_608, %get3A_609] {strides = array<i32>} : memref<2x224x128xf32, #tpu.memory_space<vmem>>, vector<1x1x16xf32>,
        %get3A_611 = vector.shape_cast %get3A_610 : vector<1x1x16xf32> to vector<16xf32>
        %mul3A_612 = arith.mulf %get3A_605, %sub3A_575 : vector<16xf32>
        %mul3A_613 = arith.mulf %get3A_611, %gather3A_572 : vector<16xf32>
        %add3A_614 = arith.addf %mul3A_612, %mul3A_613 : vector<16xf32>
        %swap3A_615 = arith.index_cast %add3A_579 : i32 to index
        %swap3A_616 = arith.constant 16 : index
        %swap3A_617 = tpu.vector_load %arg8[%swap3A_615, %swap3A_616] {strides = array<i32>} : memref<208x64xf32, #tpu.memory_space<vmem>>, vector<1x16xf32>,
        %swap3A_618 = vector.shape_cast %swap3A_617 : vector<1x16xf32> to vector<16xf32>
        %swap3A_619 = vector.shape_cast %add3A_614 : vector<16xf32> to vector<1x16xf32>
        tpu.vector_store %arg8[%swap3A_615, %swap3A_616], %swap3A_619 {strides = array<i32>} : memref<208x64xf32, #tpu.memory_space<vmem>>, vector<1x16xf32>,
        %get3A_620 = arith.constant 0 : i32
        %get3A_621 = arith.index_cast %get3A_620 : i32 to index
        %get3A_622 = arith.index_cast %add3A_579 : i32 to index
        %get3A_623 = arith.constant 32 : index
        %get3A_624 = tpu.vector_load %arg7[%get3A_621, %get3A_622, %get3A_623] {strides = array<i32>} : memref<2x224x128xf32, #tpu.memory_space<vmem>>, vector<1x1x16xf32>,
        %get3A_625 = vector.shape_cast %get3A_624 : vector<1x1x16xf32> to vector<16xf32>
        %get3A_626 = arith.constant 0 : i32
        %get3A_627 = arith.index_cast %get3A_626 : i32 to index
        %get3A_628 = arith.index_cast %add3A_579 : i32 to index
        %get3A_629 = arith.constant 96 : index
        %get3A_630 = tpu.vector_load %arg7[%get3A_627, %get3A_628, %get3A_629] {strides = array<i32>} : memref<2x224x128xf32, #tpu.memory_space<vmem>>, vector<1x1x16xf32>,
        %get3A_631 = vector.shape_cast %get3A_630 : vector<1x1x16xf32> to vector<16xf32>
        %mul3A_632 = arith.mulf %get3A_625, %sub3A_575 : vector<16xf32>
        %mul3A_633 = arith.mulf %get3A_631, %gather3A_572 : vector<16xf32>
        %add3A_634 = arith.addf %mul3A_632, %mul3A_633 : vector<16xf32>
        %swap3A_635 = arith.index_cast %add3A_579 : i32 to index
        %swap3A_636 = arith.constant 32 : index
        %swap3A_637 = tpu.vector_load %arg8[%swap3A_635, %swap3A_636] {strides = array<i32>} : memref<208x64xf32, #tpu.memory_space<vmem>>, vector<1x16xf32>,
        %swap3A_638 = vector.shape_cast %swap3A_637 : vector<1x16xf32> to vector<16xf32>
        %swap3A_639 = vector.shape_cast %add3A_634 : vector<16xf32> to vector<1x16xf32>
        tpu.vector_store %arg8[%swap3A_635, %swap3A_636], %swap3A_639 {strides = array<i32>} : memref<208x64xf32, #tpu.memory_space<vmem>>, vector<1x16xf32>,
        %get3A_640 = arith.constant 0 : i32
        %get3A_641 = arith.index_cast %get3A_640 : i32 to index
        %get3A_642 = arith.index_cast %add3A_579 : i32 to index
        %get3A_643 = arith.constant 48 : index
        %get3A_644 = tpu.vector_load %arg7[%get3A_641, %get3A_642, %get3A_643] {strides = array<i32>} : memref<2x224x128xf32, #tpu.memory_space<vmem>>, vector<1x1x16xf32>,
        %get3A_645 = vector.shape_cast %get3A_644 : vector<1x1x16xf32> to vector<16xf32>
        %get3A_646 = arith.constant 0 : i32
        %get3A_647 = arith.index_cast %get3A_646 : i32 to index
        %get3A_648 = arith.index_cast %add3A_579 : i32 to index
        %get3A_649 = arith.constant 112 : index
        %get3A_650 = tpu.vector_load %arg7[%get3A_647, %get3A_648, %get3A_649] {strides = array<i32>} : memref<2x224x128xf32, #tpu.memory_space<vmem>>, vector<1x1x16xf32>,
        %get3A_651 = vector.shape_cast %get3A_650 : vector<1x1x16xf32> to vector<16xf32>
        %mul3A_652 = arith.mulf %get3A_645, %sub3A_575 : vector<16xf32>
        %mul3A_653 = arith.mulf %get3A_651, %gather3A_572 : vector<16xf32>
        %add3A_654 = arith.addf %mul3A_652, %mul3A_653 : vector<16xf32>
        %swap3A_655 = arith.index_cast %add3A_579 : i32 to index
        %swap3A_656 = arith.constant 48 : index
        %swap3A_657 = tpu.vector_load %arg8[%swap3A_655, %swap3A_656] {strides = array<i32>} : memref<208x64xf32, #tpu.memory_space<vmem>>, vector<1x16xf32>,
        %swap3A_658 = vector.shape_cast %swap3A_657 : vector<1x16xf32> to vector<16xf32>
        %swap3A_659 = vector.shape_cast %add3A_654 : vector<16xf32> to vector<1x16xf32>
        tpu.vector_store %arg8[%swap3A_655, %swap3A_656], %swap3A_659 {strides = array<i32>} : memref<208x64xf32, #tpu.memory_space<vmem>>, vector<1x16xf32>,
        %broadcast_in_dim3A_660 = arith.constant 2 : i32
        %broadcast_in_dim3A_661 = vector.broadcast %broadcast_in_dim3A_660 : i32 to vector<16xi32>
        %lt3A_662 = arith.constant 0 : i32
        %lt3A_663 = vector.broadcast %lt3A_662 : i32 to vector<16xi32>
        %lt3A_664 = arith.cmpi slt, %broadcast_in_dim3A_661, %lt3A_663 : vector<16xi32>
        %add3A_665 = arith.constant 16 : i32
        %add3A_666 = vector.broadcast %add3A_665 : i32 to vector<16xi32>
        %add3A_667 = arith.addi %broadcast_in_dim3A_661, %add3A_666 : vector<16xi32>
        %select_n3A_668 = arith.select %lt3A_664, %add3A_667, %broadcast_in_dim3A_661 : vector<16xi1>, vector<16xi32>
        %broadcast_in_dim3A_669 = vector.shape_cast %select_n3A_668 : vector<16xi32> to vector<16x1xi32>
        %gather3A_670 = vector.shape_cast %broadcast_in_dim3A_669 : vector<16x1xi32> to vector<16xi32>
        %gather3A_671 = tpu.dynamic_gather %convert_element_type3A_464[%gather3A_670] in [0] : vector<16xf32>, vector<16xi32> -> vector<16xf32>
        %sub3A_672 = arith.constant 1.000000e+00 : f32
        %sub3A_673 = vector.broadcast %sub3A_672 : f32 to vector<16xf32>
        %sub3A_674 = arith.subf %sub3A_673, %gather3A_671 : vector<16xf32>
        %mul3A_675 = arith.constant 16 : i32
        %mul3A_676 = arith.muli %scan3A_453, %mul3A_675 : i32
        %add3A_677 = arith.constant 2 : i32
        %add3A_678 = arith.addi %mul3A_676, %add3A_677 : i32
        %get3A_679 = arith.constant 0 : i32
        %get3A_680 = arith.index_cast %get3A_679 : i32 to index
        %get3A_681 = arith.index_cast %add3A_678 : i32 to index
        %get3A_682 = arith.constant 0 : index
        %get3A_683 = tpu.vector_load %arg7[%get3A_680, %get3A_681, %get3A_682] {strides = array<i32>} : memref<2x224x128xf32, #tpu.memory_space<vmem>>, vector<1x1x16xf32>,
        %get3A_684 = vector.shape_cast %get3A_683 : vector<1x1x16xf32> to vector<16xf32>
        %get3A_685 = arith.constant 0 : i32
        %get3A_686 = arith.index_cast %get3A_685 : i32 to index
        %get3A_687 = arith.index_cast %add3A_678 : i32 to index
        %get3A_688 = arith.constant 64 : index
        %get3A_689 = tpu.vector_load %arg7[%get3A_686, %get3A_687, %get3A_688] {strides = array<i32>} : memref<2x224x128xf32, #tpu.memory_space<vmem>>, vector<1x1x16xf32>,
        %get3A_690 = vector.shape_cast %get3A_689 : vector<1x1x16xf32> to vector<16xf32>
        %mul3A_691 = arith.mulf %get3A_684, %sub3A_674 : vector<16xf32>
        %mul3A_692 = arith.mulf %get3A_690, %gather3A_671 : vector<16xf32>
        %add3A_693 = arith.addf %mul3A_691, %mul3A_692 : vector<16xf32>
        %swap3A_694 = arith.index_cast %add3A_678 : i32 to index
        %swap3A_695 = arith.constant 0 : index
        %swap3A_696 = tpu.vector_load %arg8[%swap3A_694, %swap3A_695] {strides = array<i32>} : memref<208x64xf32, #tpu.memory_space<vmem>>, vector<1x16xf32>,
        %swap3A_697 = vector.shape_cast %swap3A_696 : vector<1x16xf32> to vector<16xf32>
        %swap3A_698 = vector.shape_cast %add3A_693 : vector<16xf32> to vector<1x16xf32>
        tpu.vector_store %arg8[%swap3A_694, %swap3A_695], %swap3A_698 {strides = array<i32>} : memref<208x64xf32, #tpu.memory_space<vmem>>, vector<1x16xf32>,
        %get3A_699 = arith.constant 0 : i32
        %get3A_700 = arith.index_cast %get3A_699 : i32 to index
        %get3A_701 = arith.index_cast %add3A_678 : i32 to index
        %get3A_702 = arith.constant 16 : index
        %get3A_703 = tpu.vector_load %arg7[%get3A_700, %get3A_701, %get3A_702] {strides = array<i32>} : memref<2x224x128xf32, #tpu.memory_space<vmem>>, vector<1x1x16xf32>,
        %get3A_704 = vector.shape_cast %get3A_703 : vector<1x1x16xf32> to vector<16xf32>
        %get3A_705 = arith.constant 0 : i32
        %get3A_706 = arith.index_cast %get3A_705 : i32 to index
        %get3A_707 = arith.index_cast %add3A_678 : i32 to index
        %get3A_708 = arith.constant 80 : index
        %get3A_709 = tpu.vector_load %arg7[%get3A_706, %get3A_707, %get3A_708] {strides = array<i32>} : memref<2x224x128xf32, #tpu.memory_space<vmem>>, vector<1x1x16xf32>,
        %get3A_710 = vector.shape_cast %get3A_709 : vector<1x1x16xf32> to vector<16xf32>
        %mul3A_711 = arith.mulf %get3A_704, %sub3A_674 : vector<16xf32>
        %mul3A_712 = arith.mulf %get3A_710, %gather3A_671 : vector<16xf32>
        %add3A_713 = arith.addf %mul3A_711, %mul3A_712 : vector<16xf32>
        %swap3A_714 = arith.index_cast %add3A_678 : i32 to index
        %swap3A_715 = arith.constant 16 : index
        %swap3A_716 = tpu.vector_load %arg8[%swap3A_714, %swap3A_715] {strides = array<i32>} : memref<208x64xf32, #tpu.memory_space<vmem>>, vector<1x16xf32>,
        %swap3A_717 = vector.shape_cast %swap3A_716 : vector<1x16xf32> to vector<16xf32>
        %swap3A_718 = vector.shape_cast %add3A_713 : vector<16xf32> to vector<1x16xf32>
        tpu.vector_store %arg8[%swap3A_714, %swap3A_715], %swap3A_718 {strides = array<i32>} : memref<208x64xf32, #tpu.memory_space<vmem>>, vector<1x16xf32>,
        %get3A_719 = arith.constant 0 : i32
        %get3A_720 = arith.index_cast %get3A_719 : i32 to index
        %get3A_721 = arith.index_cast %add3A_678 : i32 to index
        %get3A_722 = arith.constant 32 : index
        %get3A_723 = tpu.vector_load %arg7[%get3A_720, %get3A_721, %get3A_722] {strides = array<i32>} : memref<2x224x128xf32, #tpu.memory_space<vmem>>, vector<1x1x16xf32>,
        %get3A_724 = vector.shape_cast %get3A_723 : vector<1x1x16xf32> to vector<16xf32>
        %get3A_725 = arith.constant 0 : i32
        %get3A_726 = arith.index_cast %get3A_725 : i32 to index
        %get3A_727 = arith.index_cast %add3A_678 : i32 to index
        %get3A_728 = arith.constant 96 : index
        %get3A_729 = tpu.vector_load %arg7[%get3A_726, %get3A_727, %get3A_728] {strides = array<i32>} : memref<2x224x128xf32, #tpu.memory_space<vmem>>, vector<1x1x16xf32>,
        %get3A_730 = vector.shape_cast %get3A_729 : vector<1x1x16xf32> to vector<16xf32>
        %mul3A_731 = arith.mulf %get3A_724, %sub3A_674 : vector<16xf32>
        %mul3A_732 = arith.mulf %get3A_730, %gather3A_671 : vector<16xf32>
        %add3A_733 = arith.addf %mul3A_731, %mul3A_732 : vector<16xf32>
        %swap3A_734 = arith.index_cast %add3A_678 : i32 to index
        %swap3A_735 = arith.constant 32 : index
        %swap3A_736 = tpu.vector_load %arg8[%swap3A_734, %swap3A_735] {strides = array<i32>} : memref<208x64xf32, #tpu.memory_space<vmem>>, vector<1x16xf32>,
        %swap3A_737 = vector.shape_cast %swap3A_736 : vector<1x16xf32> to vector<16xf32>
        %swap3A_738 = vector.shape_cast %add3A_733 : vector<16xf32> to vector<1x16xf32>
        tpu.vector_store %arg8[%swap3A_734, %swap3A_735], %swap3A_738 {strides = array<i32>} : memref<208x64xf32, #tpu.memory_space<vmem>>, vector<1x16xf32>,
        %get3A_739 = arith.constant 0 : i32
        %get3A_740 = arith.index_cast %get3A_739 : i32 to index
        %get3A_741 = arith.index_cast %add3A_678 : i32 to index
        %get3A_742 = arith.constant 48 : index
        %get3A_743 = tpu.vector_load %arg7[%get3A_740, %get3A_741, %get3A_742] {strides = array<i32>} : memref<2x224x128xf32, #tpu.memory_space<vmem>>, vector<1x1x16xf32>,
        %get3A_744 = vector.shape_cast %get3A_743 : vector<1x1x16xf32> to vector<16xf32>
        %get3A_745 = arith.constant 0 : i32
        %get3A_746 = arith.index_cast %get3A_745 : i32 to index
        %get3A_747 = arith.index_cast %add3A_678 : i32 to index
        %get3A_748 = arith.constant 112 : index
        %get3A_749 = tpu.vector_load %arg7[%get3A_746, %get3A_747, %get3A_748] {strides = array<i32>} : memref<2x224x128xf32, #tpu.memory_space<vmem>>, vector<1x1x16xf32>,
        %get3A_750 = vector.shape_cast %get3A_749 : vector<1x1x16xf32> to vector<16xf32>
        %mul3A_751 = arith.mulf %get3A_744, %sub3A_674 : vector<16xf32>
        %mul3A_752 = arith.mulf %get3A_750, %gather3A_671 : vector<16xf32>
        %add3A_753 = arith.addf %mul3A_751, %mul3A_752 : vector<16xf32>
        %swap3A_754 = arith.index_cast %add3A_678 : i32 to index
        %swap3A_755 = arith.constant 48 : index
        %swap3A_756 = tpu.vector_load %arg8[%swap3A_754, %swap3A_755] {strides = array<i32>} : memref<208x64xf32, #tpu.memory_space<vmem>>, vector<1x16xf32>,
        %swap3A_757 = vector.shape_cast %swap3A_756 : vector<1x16xf32> to vector<16xf32>
        %swap3A_758 = vector.shape_cast %add3A_753 : vector<16xf32> to vector<1x16xf32>
        tpu.vector_store %arg8[%swap3A_754, %swap3A_755], %swap3A_758 {strides = array<i32>} : memref<208x64xf32, #tpu.memory_space<vmem>>, vector<1x16xf32>,
        %broadcast_in_dim3A_759 = arith.constant 3 : i32
        %broadcast_in_dim3A_760 = vector.broadcast %broadcast_in_dim3A_759 : i32 to vector<16xi32>
        %lt3A_761 = arith.constant 0 : i32
        %lt3A_762 = vector.broadcast %lt3A_761 : i32 to vector<16xi32>
        %lt3A_763 = arith.cmpi slt, %broadcast_in_dim3A_760, %lt3A_762 : vector<16xi32>
        %add3A_764 = arith.constant 16 : i32
        %add3A_765 = vector.broadcast %add3A_764 : i32 to vector<16xi32>
        %add3A_766 = arith.addi %broadcast_in_dim3A_760, %add3A_765 : vector<16xi32>
        %select_n3A_767 = arith.select %lt3A_763, %add3A_766, %broadcast_in_dim3A_760 : vector<16xi1>, vector<16xi32>
        %broadcast_in_dim3A_768 = vector.shape_cast %select_n3A_767 : vector<16xi32> to vector<16x1xi32>
        %gather3A_769 = vector.shape_cast %broadcast_in_dim3A_768 : vector<16x1xi32> to vector<16xi32>
        %gather3A_770 = tpu.dynamic_gather %convert_element_type3A_464[%gather3A_769] in [0] : vector<16xf32>, vector<16xi32> -> vector<16xf32>
        %sub3A_771 = arith.constant 1.000000e+00 : f32
        %sub3A_772 = vector.broadcast %sub3A_771 : f32 to vector<16xf32>
        %sub3A_773 = arith.subf %sub3A_772, %gather3A_770 : vector<16xf32>
        %mul3A_774 = arith.constant 16 : i32
        %mul3A_775 = arith.muli %scan3A_453, %mul3A_774 : i32
        %add3A_776 = arith.constant 3 : i32
        %add3A_777 = arith.addi %mul3A_775, %add3A_776 : i32
        %get3A_778 = arith.constant 0 : i32
        %get3A_779 = arith.index_cast %get3A_778 : i32 to index
        %get3A_780 = arith.index_cast %add3A_777 : i32 to index
        %get3A_781 = arith.constant 0 : index
        %get3A_782 = tpu.vector_load %arg7[%get3A_779, %get3A_780, %get3A_781] {strides = array<i32>} : memref<2x224x128xf32, #tpu.memory_space<vmem>>, vector<1x1x16xf32>,
        %get3A_783 = vector.shape_cast %get3A_782 : vector<1x1x16xf32> to vector<16xf32>
        %get3A_784 = arith.constant 0 : i32
        %get3A_785 = arith.index_cast %get3A_784 : i32 to index
        %get3A_786 = arith.index_cast %add3A_777 : i32 to index
        %get3A_787 = arith.constant 64 : index
        %get3A_788 = tpu.vector_load %arg7[%get3A_785, %get3A_786, %get3A_787] {strides = array<i32>} : memref<2x224x128xf32, #tpu.memory_space<vmem>>, vector<1x1x16xf32>,
        %get3A_789 = vector.shape_cast %get3A_788 : vector<1x1x16xf32> to vector<16xf32>
        %mul3A_790 = arith.mulf %get3A_783, %sub3A_773 : vector<16xf32>
        %mul3A_791 = arith.mulf %get3A_789, %gather3A_770 : vector<16xf32>
        %add3A_792 = arith.addf %mul3A_790, %mul3A_791 : vector<16xf32>
        %swap3A_793 = arith.index_cast %add3A_777 : i32 to index
        %swap3A_794 = arith.constant 0 : index
        %swap3A_795 = tpu.vector_load %arg8[%swap3A_793, %swap3A_794] {strides = array<i32>} : memref<208x64xf32, #tpu.memory_space<vmem>>, vector<1x16xf32>,
        %swap3A_796 = vector.shape_cast %swap3A_795 : vector<1x16xf32> to vector<16xf32>
        %swap3A_797 = vector.shape_cast %add3A_792 : vector<16xf32> to vector<1x16xf32>
        tpu.vector_store %arg8[%swap3A_793, %swap3A_794], %swap3A_797 {strides = array<i32>} : memref<208x64xf32, #tpu.memory_space<vmem>>, vector<1x16xf32>,
        %get3A_798 = arith.constant 0 : i32
        %get3A_799 = arith.index_cast %get3A_798 : i32 to index
        %get3A_800 = arith.index_cast %add3A_777 : i32 to index
        %get3A_801 = arith.constant 16 : index
        %get3A_802 = tpu.vector_load %arg7[%get3A_799, %get3A_800, %get3A_801] {strides = array<i32>} : memref<2x224x128xf32, #tpu.memory_space<vmem>>, vector<1x1x16xf32>,
        %get3A_803 = vector.shape_cast %get3A_802 : vector<1x1x16xf32> to vector<16xf32>
        %get3A_804 = arith.constant 0 : i32
        %get3A_805 = arith.index_cast %get3A_804 : i32 to index
        %get3A_806 = arith.index_cast %add3A_777 : i32 to index
        %get3A_807 = arith.constant 80 : index
        %get3A_808 = tpu.vector_load %arg7[%get3A_805, %get3A_806, %get3A_807] {strides = array<i32>} : memref<2x224x128xf32, #tpu.memory_space<vmem>>, vector<1x1x16xf32>,
        %get3A_809 = vector.shape_cast %get3A_808 : vector<1x1x16xf32> to vector<16xf32>
        %mul3A_810 = arith.mulf %get3A_803, %sub3A_773 : vector<16xf32>
        %mul3A_811 = arith.mulf %get3A_809, %gather3A_770 : vector<16xf32>
        %add3A_812 = arith.addf %mul3A_810, %mul3A_811 : vector<16xf32>
        %swap3A_813 = arith.index_cast %add3A_777 : i32 to index
        %swap3A_814 = arith.constant 16 : index
        %swap3A_815 = tpu.vector_load %arg8[%swap3A_813, %swap3A_814] {strides = array<i32>} : memref<208x64xf32, #tpu.memory_space<vmem>>, vector<1x16xf32>,
        %swap3A_816 = vector.shape_cast %swap3A_815 : vector<1x16xf32> to vector<16xf32>
        %swap3A_817 = vector.shape_cast %add3A_812 : vector<16xf32> to vector<1x16xf32>
        tpu.vector_store %arg8[%swap3A_813, %swap3A_814], %swap3A_817 {strides = array<i32>} : memref<208x64xf32, #tpu.memory_space<vmem>>, vector<1x16xf32>,
        %get3A_818 = arith.constant 0 : i32
        %get3A_819 = arith.index_cast %get3A_818 : i32 to index
        %get3A_820 = arith.index_cast %add3A_777 : i32 to index
        %get3A_821 = arith.constant 32 : index
        %get3A_822 = tpu.vector_load %arg7[%get3A_819, %get3A_820, %get3A_821] {strides = array<i32>} : memref<2x224x128xf32, #tpu.memory_space<vmem>>, vector<1x1x16xf32>,
        %get3A_823 = vector.shape_cast %get3A_822 : vector<1x1x16xf32> to vector<16xf32>
        %get3A_824 = arith.constant 0 : i32
        %get3A_825 = arith.index_cast %get3A_824 : i32 to index
        %get3A_826 = arith.index_cast %add3A_777 : i32 to index
        %get3A_827 = arith.constant 96 : index
        %get3A_828 = tpu.vector_load %arg7[%get3A_825, %get3A_826, %get3A_827] {strides = array<i32>} : memref<2x224x128xf32, #tpu.memory_space<vmem>>, vector<1x1x16xf32>,
        %get3A_829 = vector.shape_cast %get3A_828 : vector<1x1x16xf32> to vector<16xf32>
        %mul3A_830 = arith.mulf %get3A_823, %sub3A_773 : vector<16xf32>
        %mul3A_831 = arith.mulf %get3A_829, %gather3A_770 : vector<16xf32>
        %add3A_832 = arith.addf %mul3A_830, %mul3A_831 : vector<16xf32>
        %swap3A_833 = arith.index_cast %add3A_777 : i32 to index
        %swap3A_834 = arith.constant 32 : index
        %swap3A_835 = tpu.vector_load %arg8[%swap3A_833, %swap3A_834] {strides = array<i32>} : memref<208x64xf32, #tpu.memory_space<vmem>>, vector<1x16xf32>,
        %swap3A_836 = vector.shape_cast %swap3A_835 : vector<1x16xf32> to vector<16xf32>
        %swap3A_837 = vector.shape_cast %add3A_832 : vector<16xf32> to vector<1x16xf32>
        tpu.vector_store %arg8[%swap3A_833, %swap3A_834], %swap3A_837 {strides = array<i32>} : memref<208x64xf32, #tpu.memory_space<vmem>>, vector<1x16xf32>,
        %get3A_838 = arith.constant 0 : i32
        %get3A_839 = arith.index_cast %get3A_838 : i32 to index
        %get3A_840 = arith.index_cast %add3A_777 : i32 to index
        %get3A_841 = arith.constant 48 : index
        %get3A_842 = tpu.vector_load %arg7[%get3A_839, %get3A_840, %get3A_841] {strides = array<i32>} : memref<2x224x128xf32, #tpu.memory_space<vmem>>, vector<1x1x16xf32>,
        %get3A_843 = vector.shape_cast %get3A_842 : vector<1x1x16xf32> to vector<16xf32>
        %get3A_844 = arith.constant 0 : i32
        %get3A_845 = arith.index_cast %get3A_844 : i32 to index
        %get3A_846 = arith.index_cast %add3A_777 : i32 to index
        %get3A_847 = arith.constant 112 : index
        %get3A_848 = tpu.vector_load %arg7[%get3A_845, %get3A_846, %get3A_847] {strides = array<i32>} : memref<2x224x128xf32, #tpu.memory_space<vmem>>, vector<1x1x16xf32>,
        %get3A_849 = vector.shape_cast %get3A_848 : vector<1x1x16xf32> to vector<16xf32>
        %mul3A_850 = arith.mulf %get3A_843, %sub3A_773 : vector<16xf32>
        %mul3A_851 = arith.mulf %get3A_849, %gather3A_770 : vector<16xf32>
        %add3A_852 = arith.addf %mul3A_850, %mul3A_851 : vector<16xf32>
        %swap3A_853 = arith.index_cast %add3A_777 : i32 to index
        %swap3A_854 = arith.constant 48 : index
        %swap3A_855 = tpu.vector_load %arg8[%swap3A_853, %swap3A_854] {strides = array<i32>} : memref<208x64xf32, #tpu.memory_space<vmem>>, vector<1x16xf32>,
        %swap3A_856 = vector.shape_cast %swap3A_855 : vector<1x16xf32> to vector<16xf32>
        %swap3A_857 = vector.shape_cast %add3A_852 : vector<16xf32> to vector<1x16xf32>
        tpu.vector_store %arg8[%swap3A_853, %swap3A_854], %swap3A_857 {strides = array<i32>} : memref<208x64xf32, #tpu.memory_space<vmem>>, vector<1x16xf32>,
        %broadcast_in_dim3A_858 = arith.constant 4 : i32
        %broadcast_in_dim3A_859 = vector.broadcast %broadcast_in_dim3A_858 : i32 to vector<16xi32>
        %lt3A_860 = arith.constant 0 : i32
        %lt3A_861 = vector.broadcast %lt3A_860 : i32 to vector<16xi32>
        %lt3A_862 = arith.cmpi slt, %broadcast_in_dim3A_859, %lt3A_861 : vector<16xi32>
        %add3A_863 = arith.constant 16 : i32
        %add3A_864 = vector.broadcast %add3A_863 : i32 to vector<16xi32>
        %add3A_865 = arith.addi %broadcast_in_dim3A_859, %add3A_864 : vector<16xi32>
        %select_n3A_866 = arith.select %lt3A_862, %add3A_865, %broadcast_in_dim3A_859 : vector<16xi1>, vector<16xi32>
        %broadcast_in_dim3A_867 = vector.shape_cast %select_n3A_866 : vector<16xi32> to vector<16x1xi32>
        %gather3A_868 = vector.shape_cast %broadcast_in_dim3A_867 : vector<16x1xi32> to vector<16xi32>
        %gather3A_869 = tpu.dynamic_gather %convert_element_type3A_464[%gather3A_868] in [0] : vector<16xf32>, vector<16xi32> -> vector<16xf32>
        %sub3A_870 = arith.constant 1.000000e+00 : f32
        %sub3A_871 = vector.broadcast %sub3A_870 : f32 to vector<16xf32>
        %sub3A_872 = arith.subf %sub3A_871, %gather3A_869 : vector<16xf32>
        %mul3A_873 = arith.constant 16 : i32
        %mul3A_874 = arith.muli %scan3A_453, %mul3A_873 : i32
        %add3A_875 = arith.constant 4 : i32
        %add3A_876 = arith.addi %mul3A_874, %add3A_875 : i32
        %get3A_877 = arith.constant 0 : i32
        %get3A_878 = arith.index_cast %get3A_877 : i32 to index
        %get3A_879 = arith.index_cast %add3A_876 : i32 to index
        %get3A_880 = arith.constant 0 : index
        %get3A_881 = tpu.vector_load %arg7[%get3A_878, %get3A_879, %get3A_880] {strides = array<i32>} : memref<2x224x128xf32, #tpu.memory_space<vmem>>, vector<1x1x16xf32>,
        %get3A_882 = vector.shape_cast %get3A_881 : vector<1x1x16xf32> to vector<16xf32>
        %get3A_883 = arith.constant 0 : i32
        %get3A_884 = arith.index_cast %get3A_883 : i32 to index
        %get3A_885 = arith.index_cast %add3A_876 : i32 to index
        %get3A_886 = arith.constant 64 : index
        %get3A_887 = tpu.vector_load %arg7[%get3A_884, %get3A_885, %get3A_886] {strides = array<i32>} : memref<2x224x128xf32, #tpu.memory_space<vmem>>, vector<1x1x16xf32>,
        %get3A_888 = vector.shape_cast %get3A_887 : vector<1x1x16xf32> to vector<16xf32>
        %mul3A_889 = arith.mulf %get3A_882, %sub3A_872 : vector<16xf32>
        %mul3A_890 = arith.mulf %get3A_888, %gather3A_869 : vector<16xf32>
        %add3A_891 = arith.addf %mul3A_889, %mul3A_890 : vector<16xf32>
        %swap3A_892 = arith.index_cast %add3A_876 : i32 to index
        %swap3A_893 = arith.constant 0 : index
        %swap3A_894 = tpu.vector_load %arg8[%swap3A_892, %swap3A_893] {strides = array<i32>} : memref<208x64xf32, #tpu.memory_space<vmem>>, vector<1x16xf32>,
        %swap3A_895 = vector.shape_cast %swap3A_894 : vector<1x16xf32> to vector<16xf32>
        %swap3A_896 = vector.shape_cast %add3A_891 : vector<16xf32> to vector<1x16xf32>
        tpu.vector_store %arg8[%swap3A_892, %swap3A_893], %swap3A_896 {strides = array<i32>} : memref<208x64xf32, #tpu.memory_space<vmem>>, vector<1x16xf32>,
        %get3A_897 = arith.constant 0 : i32
        %get3A_898 = arith.index_cast %get3A_897 : i32 to index
        %get3A_899 = arith.index_cast %add3A_876 : i32 to index
        %get3A_900 = arith.constant 16 : index
        %get3A_901 = tpu.vector_load %arg7[%get3A_898, %get3A_899, %get3A_900] {strides = array<i32>} : memref<2x224x128xf32, #tpu.memory_space<vmem>>, vector<1x1x16xf32>,
        %get3A_902 = vector.shape_cast %get3A_901 : vector<1x1x16xf32> to vector<16xf32>
        %get3A_903 = arith.constant 0 : i32
        %get3A_904 = arith.index_cast %get3A_903 : i32 to index
        %get3A_905 = arith.index_cast %add3A_876 : i32 to index
        %get3A_906 = arith.constant 80 : index
        %get3A_907 = tpu.vector_load %arg7[%get3A_904, %get3A_905, %get3A_906] {strides = array<i32>} : memref<2x224x128xf32, #tpu.memory_space<vmem>>, vector<1x1x16xf32>,
        %get3A_908 = vector.shape_cast %get3A_907 : vector<1x1x16xf32> to vector<16xf32>
        %mul3A_909 = arith.mulf %get3A_902, %sub3A_872 : vector<16xf32>
        %mul3A_910 = arith.mulf %get3A_908, %gather3A_869 : vector<16xf32>
        %add3A_911 = arith.addf %mul3A_909, %mul3A_910 : vector<16xf32>
        %swap3A_912 = arith.index_cast %add3A_876 : i32 to index
        %swap3A_913 = arith.constant 16 : index
        %swap3A_914 = tpu.vector_load %arg8[%swap3A_912, %swap3A_913] {strides = array<i32>} : memref<208x64xf32, #tpu.memory_space<vmem>>, vector<1x16xf32>,
        %swap3A_915 = vector.shape_cast %swap3A_914 : vector<1x16xf32> to vector<16xf32>
        %swap3A_916 = vector.shape_cast %add3A_911 : vector<16xf32> to vector<1x16xf32>
        tpu.vector_store %arg8[%swap3A_912, %swap3A_913], %swap3A_916 {strides = array<i32>} : memref<208x64xf32, #tpu.memory_space<vmem>>, vector<1x16xf32>,
        %get3A_917 = arith.constant 0 : i32
        %get3A_918 = arith.index_cast %get3A_917 : i32 to index
        %get3A_919 = arith.index_cast %add3A_876 : i32 to index
        %get3A_920 = arith.constant 32 : index
        %get3A_921 = tpu.vector_load %arg7[%get3A_918, %get3A_919, %get3A_920] {strides = array<i32>} : memref<2x224x128xf32, #tpu.memory_space<vmem>>, vector<1x1x16xf32>,
        %get3A_922 = vector.shape_cast %get3A_921 : vector<1x1x16xf32> to vector<16xf32>
        %get3A_923 = arith.constant 0 : i32
        %get3A_924 = arith.index_cast %get3A_923 : i32 to index
        %get3A_925 = arith.index_cast %add3A_876 : i32 to index
        %get3A_926 = arith.constant 96 : index
        %get3A_927 = tpu.vector_load %arg7[%get3A_924, %get3A_925, %get3A_926] {strides = array<i32>} : memref<2x224x128xf32, #tpu.memory_space<vmem>>, vector<1x1x16xf32>,
        %get3A_928 = vector.shape_cast %get3A_927 : vector<1x1x16xf32> to vector<16xf32>
        %mul3A_929 = arith.mulf %get3A_922, %sub3A_872 : vector<16xf32>
        %mul3A_930 = arith.mulf %get3A_928, %gather3A_869 : vector<16xf32>
        %add3A_931 = arith.addf %mul3A_929, %mul3A_930 : vector<16xf32>
        %swap3A_932 = arith.index_cast %add3A_876 : i32 to index
        %swap3A_933 = arith.constant 32 : index
        %swap3A_934 = tpu.vector_load %arg8[%swap3A_932, %swap3A_933] {strides = array<i32>} : memref<208x64xf32, #tpu.memory_space<vmem>>, vector<1x16xf32>,
        %swap3A_935 = vector.shape_cast %swap3A_934 : vector<1x16xf32> to vector<16xf32>
        %swap3A_936 = vector.shape_cast %add3A_931 : vector<16xf32> to vector<1x16xf32>
        tpu.vector_store %arg8[%swap3A_932, %swap3A_933], %swap3A_936 {strides = array<i32>} : memref<208x64xf32, #tpu.memory_space<vmem>>, vector<1x16xf32>,
        %get3A_937 = arith.constant 0 : i32
        %get3A_938 = arith.index_cast %get3A_937 : i32 to index
        %get3A_939 = arith.index_cast %add3A_876 : i32 to index
        %get3A_940 = arith.constant 48 : index
        %get3A_941 = tpu.vector_load %arg7[%get3A_938, %get3A_939, %get3A_940] {strides = array<i32>} : memref<2x224x128xf32, #tpu.memory_space<vmem>>, vector<1x1x16xf32>,
        %get3A_942 = vector.shape_cast %get3A_941 : vector<1x1x16xf32> to vector<16xf32>
        %get3A_943 = arith.constant 0 : i32
        %get3A_944 = arith.index_cast %get3A_943 : i32 to index
        %get3A_945 = arith.index_cast %add3A_876 : i32 to index
        %get3A_946 = arith.constant 112 : index
        %get3A_947 = tpu.vector_load %arg7[%get3A_944, %get3A_945, %get3A_946] {strides = array<i32>} : memref<2x224x128xf32, #tpu.memory_space<vmem>>, vector<1x1x16xf32>,
        %get3A_948 = vector.shape_cast %get3A_947 : vector<1x1x16xf32> to vector<16xf32>
        %mul3A_949 = arith.mulf %get3A_942, %sub3A_872 : vector<16xf32>
        %mul3A_950 = arith.mulf %get3A_948, %gather3A_869 : vector<16xf32>
        %add3A_951 = arith.addf %mul3A_949, %mul3A_950 : vector<16xf32>
        %swap3A_952 = arith.index_cast %add3A_876 : i32 to index
        %swap3A_953 = arith.constant 48 : index
        %swap3A_954 = tpu.vector_load %arg8[%swap3A_952, %swap3A_953] {strides = array<i32>} : memref<208x64xf32, #tpu.memory_space<vmem>>, vector<1x16xf32>,
        %swap3A_955 = vector.shape_cast %swap3A_954 : vector<1x16xf32> to vector<16xf32>
        %swap3A_956 = vector.shape_cast %add3A_951 : vector<16xf32> to vector<1x16xf32>
        tpu.vector_store %arg8[%swap3A_952, %swap3A_953], %swap3A_956 {strides = array<i32>} : memref<208x64xf32, #tpu.memory_space<vmem>>, vector<1x16xf32>,
        %broadcast_in_dim3A_957 = arith.constant 5 : i32
        %broadcast_in_dim3A_958 = vector.broadcast %broadcast_in_dim3A_957 : i32 to vector<16xi32>
        %lt3A_959 = arith.constant 0 : i32
        %lt3A_960 = vector.broadcast %lt3A_959 : i32 to vector<16xi32>
        %lt3A_961 = arith.cmpi slt, %broadcast_in_dim3A_958, %lt3A_960 : vector<16xi32>
        %add3A_962 = arith.constant 16 : i32
        %add3A_963 = vector.broadcast %add3A_962 : i32 to vector<16xi32>
        %add3A_964 = arith.addi %broadcast_in_dim3A_958, %add3A_963 : vector<16xi32>
        %select_n3A_965 = arith.select %lt3A_961, %add3A_964, %broadcast_in_dim3A_958 : vector<16xi1>, vector<16xi32>
        %broadcast_in_dim3A_966 = vector.shape_cast %select_n3A_965 : vector<16xi32> to vector<16x1xi32>
        %gather3A_967 = vector.shape_cast %broadcast_in_dim3A_966 : vector<16x1xi32> to vector<16xi32>
        %gather3A_968 = tpu.dynamic_gather %convert_element_type3A_464[%gather3A_967] in [0] : vector<16xf32>, vector<16xi32> -> vector<16xf32>
        %sub3A_969 = arith.constant 1.000000e+00 : f32
        %sub3A_970 = vector.broadcast %sub3A_969 : f32 to vector<16xf32>
        %sub3A_971 = arith.subf %sub3A_970, %gather3A_968 : vector<16xf32>
        %mul3A_972 = arith.constant 16 : i32
        %mul3A_973 = arith.muli %scan3A_453, %mul3A_972 : i32
        %add3A_974 = arith.constant 5 : i32
        %add3A_975 = arith.addi %mul3A_973, %add3A_974 : i32
        %get3A_976 = arith.constant 0 : i32
        %get3A_977 = arith.index_cast %get3A_976 : i32 to index
        %get3A_978 = arith.index_cast %add3A_975 : i32 to index
        %get3A_979 = arith.constant 0 : index
        %get3A_980 = tpu.vector_load %arg7[%get3A_977, %get3A_978, %get3A_979] {strides = array<i32>} : memref<2x224x128xf32, #tpu.memory_space<vmem>>, vector<1x1x16xf32>,
        %get3A_981 = vector.shape_cast %get3A_980 : vector<1x1x16xf32> to vector<16xf32>
        %get3A_982 = arith.constant 0 : i32
        %get3A_983 = arith.index_cast %get3A_982 : i32 to index
        %get3A_984 = arith.index_cast %add3A_975 : i32 to index
        %get3A_985 = arith.constant 64 : index
        %get3A_986 = tpu.vector_load %arg7[%get3A_983, %get3A_984, %get3A_985] {strides = array<i32>} : memref<2x224x128xf32, #tpu.memory_space<vmem>>, vector<1x1x16xf32>,
        %get3A_987 = vector.shape_cast %get3A_986 : vector<1x1x16xf32> to vector<16xf32>
        %mul3A_988 = arith.mulf %get3A_981, %sub3A_971 : vector<16xf32>
        %mul3A_989 = arith.mulf %get3A_987, %gather3A_968 : vector<16xf32>
        %add3A_990 = arith.addf %mul3A_988, %mul3A_989 : vector<16xf32>
        %swap3A_991 = arith.index_cast %add3A_975 : i32 to index
        %swap3A_992 = arith.constant 0 : index
        %swap3A_993 = tpu.vector_load %arg8[%swap3A_991, %swap3A_992] {strides = array<i32>} : memref<208x64xf32, #tpu.memory_space<vmem>>, vector<1x16xf32>,
        %swap3A_994 = vector.shape_cast %swap3A_993 : vector<1x16xf32> to vector<16xf32>
        %swap3A_995 = vector.shape_cast %add3A_990 : vector<16xf32> to vector<1x16xf32>
        tpu.vector_store %arg8[%swap3A_991, %swap3A_992], %swap3A_995 {strides = array<i32>} : memref<208x64xf32, #tpu.memory_space<vmem>>, vector<1x16xf32>,
        %get3A_996 = arith.constant 0 : i32
        %get3A_997 = arith.index_cast %get3A_996 : i32 to index
        %get3A_998 = arith.index_cast %add3A_975 : i32 to index
        %get3A_999 = arith.constant 16 : index
        %get3A_1000 = tpu.vector_load %arg7[%get3A_997, %get3A_998, %get3A_999] {strides = array<i32>} : memref<2x224x128xf32, #tpu.memory_space<vmem>>, vector<1x1x16xf32>,
        %get3A_1001 = vector.shape_cast %get3A_1000 : vector<1x1x16xf32> to vector<16xf32>
        %get3A_1002 = arith.constant 0 : i32
        %get3A_1003 = arith.index_cast %get3A_1002 : i32 to index
        %get3A_1004 = arith.index_cast %add3A_975 : i32 to index
        %get3A_1005 = arith.constant 80 : index
        %get3A_1006 = tpu.vector_load %arg7[%get3A_1003, %get3A_1004, %get3A_1005] {strides = array<i32>} : memref<2x224x128xf32, #tpu.memory_space<vmem>>, vector<1x1x16xf32>,
        %get3A_1007 = vector.shape_cast %get3A_1006 : vector<1x1x16xf32> to vector<16xf32>
        %mul3A_1008 = arith.mulf %get3A_1001, %sub3A_971 : vector<16xf32>
        %mul3A_1009 = arith.mulf %get3A_1007, %gather3A_968 : vector<16xf32>
        %add3A_1010 = arith.addf %mul3A_1008, %mul3A_1009 : vector<16xf32>
        %swap3A_1011 = arith.index_cast %add3A_975 : i32 to index
        %swap3A_1012 = arith.constant 16 : index
        %swap3A_1013 = tpu.vector_load %arg8[%swap3A_1011, %swap3A_1012] {strides = array<i32>} : memref<208x64xf32, #tpu.memory_space<vmem>>, vector<1x16xf32>,
        %swap3A_1014 = vector.shape_cast %swap3A_1013 : vector<1x16xf32> to vector<16xf32>
        %swap3A_1015 = vector.shape_cast %add3A_1010 : vector<16xf32> to vector<1x16xf32>
        tpu.vector_store %arg8[%swap3A_1011, %swap3A_1012], %swap3A_1015 {strides = array<i32>} : memref<208x64xf32, #tpu.memory_space<vmem>>, vector<1x16xf32>,
        %get3A_1016 = arith.constant 0 : i32
        %get3A_1017 = arith.index_cast %get3A_1016 : i32 to index
        %get3A_1018 = arith.index_cast %add3A_975 : i32 to index
        %get3A_1019 = arith.constant 32 : index
        %get3A_1020 = tpu.vector_load %arg7[%get3A_1017, %get3A_1018, %get3A_1019] {strides = array<i32>} : memref<2x224x128xf32, #tpu.memory_space<vmem>>, vector<1x1x16xf32>,
        %get3A_1021 = vector.shape_cast %get3A_1020 : vector<1x1x16xf32> to vector<16xf32>
        %get3A_1022 = arith.constant 0 : i32
        %get3A_1023 = arith.index_cast %get3A_1022 : i32 to index
        %get3A_1024 = arith.index_cast %add3A_975 : i32 to index
        %get3A_1025 = arith.constant 96 : index
        %get3A_1026 = tpu.vector_load %arg7[%get3A_1023, %get3A_1024, %get3A_1025] {strides = array<i32>} : memref<2x224x128xf32, #tpu.memory_space<vmem>>, vector<1x1x16xf32>,
        %get3A_1027 = vector.shape_cast %get3A_1026 : vector<1x1x16xf32> to vector<16xf32>
        %mul3A_1028 = arith.mulf %get3A_1021, %sub3A_971 : vector<16xf32>
        %mul3A_1029 = arith.mulf %get3A_1027, %gather3A_968 : vector<16xf32>
        %add3A_1030 = arith.addf %mul3A_1028, %mul3A_1029 : vector<16xf32>
        %swap3A_1031 = arith.index_cast %add3A_975 : i32 to index
        %swap3A_1032 = arith.constant 32 : index
        %swap3A_1033 = tpu.vector_load %arg8[%swap3A_1031, %swap3A_1032] {strides = array<i32>} : memref<208x64xf32, #tpu.memory_space<vmem>>, vector<1x16xf32>,
        %swap3A_1034 = vector.shape_cast %swap3A_1033 : vector<1x16xf32> to vector<16xf32>
        %swap3A_1035 = vector.shape_cast %add3A_1030 : vector<16xf32> to vector<1x16xf32>
        tpu.vector_store %arg8[%swap3A_1031, %swap3A_1032], %swap3A_1035 {strides = array<i32>} : memref<208x64xf32, #tpu.memory_space<vmem>>, vector<1x16xf32>,
        %get3A_1036 = arith.constant 0 : i32
        %get3A_1037 = arith.index_cast %get3A_1036 : i32 to index
        %get3A_1038 = arith.index_cast %add3A_975 : i32 to index
        %get3A_1039 = arith.constant 48 : index
        %get3A_1040 = tpu.vector_load %arg7[%get3A_1037, %get3A_1038, %get3A_1039] {strides = array<i32>} : memref<2x224x128xf32, #tpu.memory_space<vmem>>, vector<1x1x16xf32>,
        %get3A_1041 = vector.shape_cast %get3A_1040 : vector<1x1x16xf32> to vector<16xf32>
        %get3A_1042 = arith.constant 0 : i32
        %get3A_1043 = arith.index_cast %get3A_1042 : i32 to index
        %get3A_1044 = arith.index_cast %add3A_975 : i32 to index
        %get3A_1045 = arith.constant 112 : index
        %get3A_1046 = tpu.vector_load %arg7[%get3A_1043, %get3A_1044, %get3A_1045] {strides = array<i32>} : memref<2x224x128xf32, #tpu.memory_space<vmem>>, vector<1x1x16xf32>,
        %get3A_1047 = vector.shape_cast %get3A_1046 : vector<1x1x16xf32> to vector<16xf32>
        %mul3A_1048 = arith.mulf %get3A_1041, %sub3A_971 : vector<16xf32>
        %mul3A_1049 = arith.mulf %get3A_1047, %gather3A_968 : vector<16xf32>
        %add3A_1050 = arith.addf %mul3A_1048, %mul3A_1049 : vector<16xf32>
        %swap3A_1051 = arith.index_cast %add3A_975 : i32 to index
        %swap3A_1052 = arith.constant 48 : index
        %swap3A_1053 = tpu.vector_load %arg8[%swap3A_1051, %swap3A_1052] {strides = array<i32>} : memref<208x64xf32, #tpu.memory_space<vmem>>, vector<1x16xf32>,
        %swap3A_1054 = vector.shape_cast %swap3A_1053 : vector<1x16xf32> to vector<16xf32>
        %swap3A_1055 = vector.shape_cast %add3A_1050 : vector<16xf32> to vector<1x16xf32>
        tpu.vector_store %arg8[%swap3A_1051, %swap3A_1052], %swap3A_1055 {strides = array<i32>} : memref<208x64xf32, #tpu.memory_space<vmem>>, vector<1x16xf32>,
        %broadcast_in_dim3A_1056 = arith.constant 6 : i32
        %broadcast_in_dim3A_1057 = vector.broadcast %broadcast_in_dim3A_1056 : i32 to vector<16xi32>
        %lt3A_1058 = arith.constant 0 : i32
        %lt3A_1059 = vector.broadcast %lt3A_1058 : i32 to vector<16xi32>
        %lt3A_1060 = arith.cmpi slt, %broadcast_in_dim3A_1057, %lt3A_1059 : vector<16xi32>
        %add3A_1061 = arith.constant 16 : i32
        %add3A_1062 = vector.broadcast %add3A_1061 : i32 to vector<16xi32>
        %add3A_1063 = arith.addi %broadcast_in_dim3A_1057, %add3A_1062 : vector<16xi32>
        %select_n3A_1064 = arith.select %lt3A_1060, %add3A_1063, %broadcast_in_dim3A_1057 : vector<16xi1>, vector<16xi32>
        %broadcast_in_dim3A_1065 = vector.shape_cast %select_n3A_1064 : vector<16xi32> to vector<16x1xi32>
        %gather3A_1066 = vector.shape_cast %broadcast_in_dim3A_1065 : vector<16x1xi32> to vector<16xi32>
        %gather3A_1067 = tpu.dynamic_gather %convert_element_type3A_464[%gather3A_1066] in [0] : vector<16xf32>, vector<16xi32> -> vector<16xf32>
        %sub3A_1068 = arith.constant 1.000000e+00 : f32
        %sub3A_1069 = vector.broadcast %sub3A_1068 : f32 to vector<16xf32>
        %sub3A_1070 = arith.subf %sub3A_1069, %gather3A_1067 : vector<16xf32>
        %mul3A_1071 = arith.constant 16 : i32
        %mul3A_1072 = arith.muli %scan3A_453, %mul3A_1071 : i32
        %add3A_1073 = arith.constant 6 : i32
        %add3A_1074 = arith.addi %mul3A_1072, %add3A_1073 : i32
        %get3A_1075 = arith.constant 0 : i32
        %get3A_1076 = arith.index_cast %get3A_1075 : i32 to index
        %get3A_1077 = arith.index_cast %add3A_1074 : i32 to index
        %get3A_1078 = arith.constant 0 : index
        %get3A_1079 = tpu.vector_load %arg7[%get3A_1076, %get3A_1077, %get3A_1078] {strides = array<i32>} : memref<2x224x128xf32, #tpu.memory_space<vmem>>, vector<1x1x16xf32>,
        %get3A_1080 = vector.shape_cast %get3A_1079 : vector<1x1x16xf32> to vector<16xf32>
        %get3A_1081 = arith.constant 0 : i32
        %get3A_1082 = arith.index_cast %get3A_1081 : i32 to index
        %get3A_1083 = arith.index_cast %add3A_1074 : i32 to index
        %get3A_1084 = arith.constant 64 : index
        %get3A_1085 = tpu.vector_load %arg7[%get3A_1082, %get3A_1083, %get3A_1084] {strides = array<i32>} : memref<2x224x128xf32, #tpu.memory_space<vmem>>, vector<1x1x16xf32>,
        %get3A_1086 = vector.shape_cast %get3A_1085 : vector<1x1x16xf32> to vector<16xf32>
        %mul3A_1087 = arith.mulf %get3A_1080, %sub3A_1070 : vector<16xf32>
        %mul3A_1088 = arith.mulf %get3A_1086, %gather3A_1067 : vector<16xf32>
        %add3A_1089 = arith.addf %mul3A_1087, %mul3A_1088 : vector<16xf32>
        %swap3A_1090 = arith.index_cast %add3A_1074 : i32 to index
        %swap3A_1091 = arith.constant 0 : index
        %swap3A_1092 = tpu.vector_load %arg8[%swap3A_1090, %swap3A_1091] {strides = array<i32>} : memref<208x64xf32, #tpu.memory_space<vmem>>, vector<1x16xf32>,
        %swap3A_1093 = vector.shape_cast %swap3A_1092 : vector<1x16xf32> to vector<16xf32>
        %swap3A_1094 = vector.shape_cast %add3A_1089 : vector<16xf32> to vector<1x16xf32>
        tpu.vector_store %arg8[%swap3A_1090, %swap3A_1091], %swap3A_1094 {strides = array<i32>} : memref<208x64xf32, #tpu.memory_space<vmem>>, vector<1x16xf32>,
        %get3A_1095 = arith.constant 0 : i32
        %get3A_1096 = arith.index_cast %get3A_1095 : i32 to index
        %get3A_1097 = arith.index_cast %add3A_1074 : i32 to index
        %get3A_1098 = arith.constant 16 : index
        %get3A_1099 = tpu.vector_load %arg7[%get3A_1096, %get3A_1097, %get3A_1098] {strides = array<i32>} : memref<2x224x128xf32, #tpu.memory_space<vmem>>, vector<1x1x16xf32>,
        %get3A_1100 = vector.shape_cast %get3A_1099 : vector<1x1x16xf32> to vector<16xf32>
        %get3A_1101 = arith.constant 0 : i32
        %get3A_1102 = arith.index_cast %get3A_1101 : i32 to index
        %get3A_1103 = arith.index_cast %add3A_1074 : i32 to index
        %get3A_1104 = arith.constant 80 : index
        %get3A_1105 = tpu.vector_load %arg7[%get3A_1102, %get3A_1103, %get3A_1104] {strides = array<i32>} : memref<2x224x128xf32, #tpu.memory_space<vmem>>, vector<1x1x16xf32>,
        %get3A_1106 = vector.shape_cast %get3A_1105 : vector<1x1x16xf32> to vector<16xf32>
        %mul3A_1107 = arith.mulf %get3A_1100, %sub3A_1070 : vector<16xf32>
        %mul3A_1108 = arith.mulf %get3A_1106, %gather3A_1067 : vector<16xf32>
        %add3A_1109 = arith.addf %mul3A_1107, %mul3A_1108 : vector<16xf32>
        %swap3A_1110 = arith.index_cast %add3A_1074 : i32 to index
        %swap3A_1111 = arith.constant 16 : index
        %swap3A_1112 = tpu.vector_load %arg8[%swap3A_1110, %swap3A_1111] {strides = array<i32>} : memref<208x64xf32, #tpu.memory_space<vmem>>, vector<1x16xf32>,
        %swap3A_1113 = vector.shape_cast %swap3A_1112 : vector<1x16xf32> to vector<16xf32>
        %swap3A_1114 = vector.shape_cast %add3A_1109 : vector<16xf32> to vector<1x16xf32>
        tpu.vector_store %arg8[%swap3A_1110, %swap3A_1111], %swap3A_1114 {strides = array<i32>} : memref<208x64xf32, #tpu.memory_space<vmem>>, vector<1x16xf32>,
        %get3A_1115 = arith.constant 0 : i32
        %get3A_1116 = arith.index_cast %get3A_1115 : i32 to index
        %get3A_1117 = arith.index_cast %add3A_1074 : i32 to index
        %get3A_1118 = arith.constant 32 : index
        %get3A_1119 = tpu.vector_load %arg7[%get3A_1116, %get3A_1117, %get3A_1118] {strides = array<i32>} : memref<2x224x128xf32, #tpu.memory_space<vmem>>, vector<1x1x16xf32>,
        %get3A_1120 = vector.shape_cast %get3A_1119 : vector<1x1x16xf32> to vector<16xf32>
        %get3A_1121 = arith.constant 0 : i32
        %get3A_1122 = arith.index_cast %get3A_1121 : i32 to index
        %get3A_1123 = arith.index_cast %add3A_1074 : i32 to index
        %get3A_1124 = arith.constant 96 : index
        %get3A_1125 = tpu.vector_load %arg7[%get3A_1122, %get3A_1123, %get3A_1124] {strides = array<i32>} : memref<2x224x128xf32, #tpu.memory_space<vmem>>, vector<1x1x16xf32>,
        %get3A_1126 = vector.shape_cast %get3A_1125 : vector<1x1x16xf32> to vector<16xf32>
        %mul3A_1127 = arith.mulf %get3A_1120, %sub3A_1070 : vector<16xf32>
        %mul3A_1128 = arith.mulf %get3A_1126, %gather3A_1067 : vector<16xf32>
        %add3A_1129 = arith.addf %mul3A_1127, %mul3A_1128 : vector<16xf32>
        %swap3A_1130 = arith.index_cast %add3A_1074 : i32 to index
        %swap3A_1131 = arith.constant 32 : index
        %swap3A_1132 = tpu.vector_load %arg8[%swap3A_1130, %swap3A_1131] {strides = array<i32>} : memref<208x64xf32, #tpu.memory_space<vmem>>, vector<1x16xf32>,
        %swap3A_1133 = vector.shape_cast %swap3A_1132 : vector<1x16xf32> to vector<16xf32>
        %swap3A_1134 = vector.shape_cast %add3A_1129 : vector<16xf32> to vector<1x16xf32>
        tpu.vector_store %arg8[%swap3A_1130, %swap3A_1131], %swap3A_1134 {strides = array<i32>} : memref<208x64xf32, #tpu.memory_space<vmem>>, vector<1x16xf32>,
        %get3A_1135 = arith.constant 0 : i32
        %get3A_1136 = arith.index_cast %get3A_1135 : i32 to index
        %get3A_1137 = arith.index_cast %add3A_1074 : i32 to index
        %get3A_1138 = arith.constant 48 : index
        %get3A_1139 = tpu.vector_load %arg7[%get3A_1136, %get3A_1137, %get3A_1138] {strides = array<i32>} : memref<2x224x128xf32, #tpu.memory_space<vmem>>, vector<1x1x16xf32>,
        %get3A_1140 = vector.shape_cast %get3A_1139 : vector<1x1x16xf32> to vector<16xf32>
        %get3A_1141 = arith.constant 0 : i32
        %get3A_1142 = arith.index_cast %get3A_1141 : i32 to index
        %get3A_1143 = arith.index_cast %add3A_1074 : i32 to index
        %get3A_1144 = arith.constant 112 : index
        %get3A_1145 = tpu.vector_load %arg7[%get3A_1142, %get3A_1143, %get3A_1144] {strides = array<i32>} : memref<2x224x128xf32, #tpu.memory_space<vmem>>, vector<1x1x16xf32>,
        %get3A_1146 = vector.shape_cast %get3A_1145 : vector<1x1x16xf32> to vector<16xf32>
        %mul3A_1147 = arith.mulf %get3A_1140, %sub3A_1070 : vector<16xf32>
        %mul3A_1148 = arith.mulf %get3A_1146, %gather3A_1067 : vector<16xf32>
        %add3A_1149 = arith.addf %mul3A_1147, %mul3A_1148 : vector<16xf32>
        %swap3A_1150 = arith.index_cast %add3A_1074 : i32 to index
        %swap3A_1151 = arith.constant 48 : index
        %swap3A_1152 = tpu.vector_load %arg8[%swap3A_1150, %swap3A_1151] {strides = array<i32>} : memref<208x64xf32, #tpu.memory_space<vmem>>, vector<1x16xf32>,
        %swap3A_1153 = vector.shape_cast %swap3A_1152 : vector<1x16xf32> to vector<16xf32>
        %swap3A_1154 = vector.shape_cast %add3A_1149 : vector<16xf32> to vector<1x16xf32>
        tpu.vector_store %arg8[%swap3A_1150, %swap3A_1151], %swap3A_1154 {strides = array<i32>} : memref<208x64xf32, #tpu.memory_space<vmem>>, vector<1x16xf32>,
        %broadcast_in_dim3A_1155 = arith.constant 7 : i32
        %broadcast_in_dim3A_1156 = vector.broadcast %broadcast_in_dim3A_1155 : i32 to vector<16xi32>
        %lt3A_1157 = arith.constant 0 : i32
        %lt3A_1158 = vector.broadcast %lt3A_1157 : i32 to vector<16xi32>
        %lt3A_1159 = arith.cmpi slt, %broadcast_in_dim3A_1156, %lt3A_1158 : vector<16xi32>
        %add3A_1160 = arith.constant 16 : i32
        %add3A_1161 = vector.broadcast %add3A_1160 : i32 to vector<16xi32>
        %add3A_1162 = arith.addi %broadcast_in_dim3A_1156, %add3A_1161 : vector<16xi32>
        %select_n3A_1163 = arith.select %lt3A_1159, %add3A_1162, %broadcast_in_dim3A_1156 : vector<16xi1>, vector<16xi32>
        %broadcast_in_dim3A_1164 = vector.shape_cast %select_n3A_1163 : vector<16xi32> to vector<16x1xi32>
        %gather3A_1165 = vector.shape_cast %broadcast_in_dim3A_1164 : vector<16x1xi32> to vector<16xi32>
        %gather3A_1166 = tpu.dynamic_gather %convert_element_type3A_464[%gather3A_1165] in [0] : vector<16xf32>, vector<16xi32> -> vector<16xf32>
        %sub3A_1167 = arith.constant 1.000000e+00 : f32
        %sub3A_1168 = vector.broadcast %sub3A_1167 : f32 to vector<16xf32>
        %sub3A_1169 = arith.subf %sub3A_1168, %gather3A_1166 : vector<16xf32>
        %mul3A_1170 = arith.constant 16 : i32
        %mul3A_1171 = arith.muli %scan3A_453, %mul3A_1170 : i32
        %add3A_1172 = arith.constant 7 : i32
        %add3A_1173 = arith.addi %mul3A_1171, %add3A_1172 : i32
        %get3A_1174 = arith.constant 0 : i32
        %get3A_1175 = arith.index_cast %get3A_1174 : i32 to index
        %get3A_1176 = arith.index_cast %add3A_1173 : i32 to index
        %get3A_1177 = arith.constant 0 : index
        %get3A_1178 = tpu.vector_load %arg7[%get3A_1175, %get3A_1176, %get3A_1177] {strides = array<i32>} : memref<2x224x128xf32, #tpu.memory_space<vmem>>, vector<1x1x16xf32>,
        %get3A_1179 = vector.shape_cast %get3A_1178 : vector<1x1x16xf32> to vector<16xf32>
        %get3A_1180 = arith.constant 0 : i32
        %get3A_1181 = arith.index_cast %get3A_1180 : i32 to index
        %get3A_1182 = arith.index_cast %add3A_1173 : i32 to index
        %get3A_1183 = arith.constant 64 : index
        %get3A_1184 = tpu.vector_load %arg7[%get3A_1181, %get3A_1182, %get3A_1183] {strides = array<i32>} : memref<2x224x128xf32, #tpu.memory_space<vmem>>, vector<1x1x16xf32>,
        %get3A_1185 = vector.shape_cast %get3A_1184 : vector<1x1x16xf32> to vector<16xf32>
        %mul3A_1186 = arith.mulf %get3A_1179, %sub3A_1169 : vector<16xf32>
        %mul3A_1187 = arith.mulf %get3A_1185, %gather3A_1166 : vector<16xf32>
        %add3A_1188 = arith.addf %mul3A_1186, %mul3A_1187 : vector<16xf32>
        %swap3A_1189 = arith.index_cast %add3A_1173 : i32 to index
        %swap3A_1190 = arith.constant 0 : index
        %swap3A_1191 = tpu.vector_load %arg8[%swap3A_1189, %swap3A_1190] {strides = array<i32>} : memref<208x64xf32, #tpu.memory_space<vmem>>, vector<1x16xf32>,
        %swap3A_1192 = vector.shape_cast %swap3A_1191 : vector<1x16xf32> to vector<16xf32>
        %swap3A_1193 = vector.shape_cast %add3A_1188 : vector<16xf32> to vector<1x16xf32>
        tpu.vector_store %arg8[%swap3A_1189, %swap3A_1190], %swap3A_1193 {strides = array<i32>} : memref<208x64xf32, #tpu.memory_space<vmem>>, vector<1x16xf32>,
        %get3A_1194 = arith.constant 0 : i32
        %get3A_1195 = arith.index_cast %get3A_1194 : i32 to index
        %get3A_1196 = arith.index_cast %add3A_1173 : i32 to index
        %get3A_1197 = arith.constant 16 : index
        %get3A_1198 = tpu.vector_load %arg7[%get3A_1195, %get3A_1196, %get3A_1197] {strides = array<i32>} : memref<2x224x128xf32, #tpu.memory_space<vmem>>, vector<1x1x16xf32>,
        %get3A_1199 = vector.shape_cast %get3A_1198 : vector<1x1x16xf32> to vector<16xf32>
        %get3A_1200 = arith.constant 0 : i32
        %get3A_1201 = arith.index_cast %get3A_1200 : i32 to index
        %get3A_1202 = arith.index_cast %add3A_1173 : i32 to index
        %get3A_1203 = arith.constant 80 : index
        %get3A_1204 = tpu.vector_load %arg7[%get3A_1201, %get3A_1202, %get3A_1203] {strides = array<i32>} : memref<2x224x128xf32, #tpu.memory_space<vmem>>, vector<1x1x16xf32>,
        %get3A_1205 = vector.shape_cast %get3A_1204 : vector<1x1x16xf32> to vector<16xf32>
        %mul3A_1206 = arith.mulf %get3A_1199, %sub3A_1169 : vector<16xf32>
        %mul3A_1207 = arith.mulf %get3A_1205, %gather3A_1166 : vector<16xf32>
        %add3A_1208 = arith.addf %mul3A_1206, %mul3A_1207 : vector<16xf32>
        %swap3A_1209 = arith.index_cast %add3A_1173 : i32 to index
        %swap3A_1210 = arith.constant 16 : index
        %swap3A_1211 = tpu.vector_load %arg8[%swap3A_1209, %swap3A_1210] {strides = array<i32>} : memref<208x64xf32, #tpu.memory_space<vmem>>, vector<1x16xf32>,
        %swap3A_1212 = vector.shape_cast %swap3A_1211 : vector<1x16xf32> to vector<16xf32>
        %swap3A_1213 = vector.shape_cast %add3A_1208 : vector<16xf32> to vector<1x16xf32>
        tpu.vector_store %arg8[%swap3A_1209, %swap3A_1210], %swap3A_1213 {strides = array<i32>} : memref<208x64xf32, #tpu.memory_space<vmem>>, vector<1x16xf32>,
        %get3A_1214 = arith.constant 0 : i32
        %get3A_1215 = arith.index_cast %get3A_1214 : i32 to index
        %get3A_1216 = arith.index_cast %add3A_1173 : i32 to index
        %get3A_1217 = arith.constant 32 : index
        %get3A_1218 = tpu.vector_load %arg7[%get3A_1215, %get3A_1216, %get3A_1217] {strides = array<i32>} : memref<2x224x128xf32, #tpu.memory_space<vmem>>, vector<1x1x16xf32>,
        %get3A_1219 = vector.shape_cast %get3A_1218 : vector<1x1x16xf32> to vector<16xf32>
        %get3A_1220 = arith.constant 0 : i32
        %get3A_1221 = arith.index_cast %get3A_1220 : i32 to index
        %get3A_1222 = arith.index_cast %add3A_1173 : i32 to index
        %get3A_1223 = arith.constant 96 : index
        %get3A_1224 = tpu.vector_load %arg7[%get3A_1221, %get3A_1222, %get3A_1223] {strides = array<i32>} : memref<2x224x128xf32, #tpu.memory_space<vmem>>, vector<1x1x16xf32>,
        %get3A_1225 = vector.shape_cast %get3A_1224 : vector<1x1x16xf32> to vector<16xf32>
        %mul3A_1226 = arith.mulf %get3A_1219, %sub3A_1169 : vector<16xf32>
        %mul3A_1227 = arith.mulf %get3A_1225, %gather3A_1166 : vector<16xf32>
        %add3A_1228 = arith.addf %mul3A_1226, %mul3A_1227 : vector<16xf32>
        %swap3A_1229 = arith.index_cast %add3A_1173 : i32 to index
        %swap3A_1230 = arith.constant 32 : index
        %swap3A_1231 = tpu.vector_load %arg8[%swap3A_1229, %swap3A_1230] {strides = array<i32>} : memref<208x64xf32, #tpu.memory_space<vmem>>, vector<1x16xf32>,
        %swap3A_1232 = vector.shape_cast %swap3A_1231 : vector<1x16xf32> to vector<16xf32>
        %swap3A_1233 = vector.shape_cast %add3A_1228 : vector<16xf32> to vector<1x16xf32>
        tpu.vector_store %arg8[%swap3A_1229, %swap3A_1230], %swap3A_1233 {strides = array<i32>} : memref<208x64xf32, #tpu.memory_space<vmem>>, vector<1x16xf32>,
        %get3A_1234 = arith.constant 0 : i32
        %get3A_1235 = arith.index_cast %get3A_1234 : i32 to index
        %get3A_1236 = arith.index_cast %add3A_1173 : i32 to index
        %get3A_1237 = arith.constant 48 : index
        %get3A_1238 = tpu.vector_load %arg7[%get3A_1235, %get3A_1236, %get3A_1237] {strides = array<i32>} : memref<2x224x128xf32, #tpu.memory_space<vmem>>, vector<1x1x16xf32>,
        %get3A_1239 = vector.shape_cast %get3A_1238 : vector<1x1x16xf32> to vector<16xf32>
        %get3A_1240 = arith.constant 0 : i32
        %get3A_1241 = arith.index_cast %get3A_1240 : i32 to index
        %get3A_1242 = arith.index_cast %add3A_1173 : i32 to index
        %get3A_1243 = arith.constant 112 : index
        %get3A_1244 = tpu.vector_load %arg7[%get3A_1241, %get3A_1242, %get3A_1243] {strides = array<i32>} : memref<2x224x128xf32, #tpu.memory_space<vmem>>, vector<1x1x16xf32>,
        %get3A_1245 = vector.shape_cast %get3A_1244 : vector<1x1x16xf32> to vector<16xf32>
        %mul3A_1246 = arith.mulf %get3A_1239, %sub3A_1169 : vector<16xf32>
        %mul3A_1247 = arith.mulf %get3A_1245, %gather3A_1166 : vector<16xf32>
        %add3A_1248 = arith.addf %mul3A_1246, %mul3A_1247 : vector<16xf32>
        %swap3A_1249 = arith.index_cast %add3A_1173 : i32 to index
        %swap3A_1250 = arith.constant 48 : index
        %swap3A_1251 = tpu.vector_load %arg8[%swap3A_1249, %swap3A_1250] {strides = array<i32>} : memref<208x64xf32, #tpu.memory_space<vmem>>, vector<1x16xf32>,
        %swap3A_1252 = vector.shape_cast %swap3A_1251 : vector<1x16xf32> to vector<16xf32>
        %swap3A_1253 = vector.shape_cast %add3A_1248 : vector<16xf32> to vector<1x16xf32>
        tpu.vector_store %arg8[%swap3A_1249, %swap3A_1250], %swap3A_1253 {strides = array<i32>} : memref<208x64xf32, #tpu.memory_space<vmem>>, vector<1x16xf32>,
        %broadcast_in_dim3A_1254 = arith.constant 8 : i32
        %broadcast_in_dim3A_1255 = vector.broadcast %broadcast_in_dim3A_1254 : i32 to vector<16xi32>
        %lt3A_1256 = arith.constant 0 : i32
        %lt3A_1257 = vector.broadcast %lt3A_1256 : i32 to vector<16xi32>
        %lt3A_1258 = arith.cmpi slt, %broadcast_in_dim3A_1255, %lt3A_1257 : vector<16xi32>
        %add3A_1259 = arith.constant 16 : i32
        %add3A_1260 = vector.broadcast %add3A_1259 : i32 to vector<16xi32>
        %add3A_1261 = arith.addi %broadcast_in_dim3A_1255, %add3A_1260 : vector<16xi32>
        %select_n3A_1262 = arith.select %lt3A_1258, %add3A_1261, %broadcast_in_dim3A_1255 : vector<16xi1>, vector<16xi32>
        %broadcast_in_dim3A_1263 = vector.shape_cast %select_n3A_1262 : vector<16xi32> to vector<16x1xi32>
        %gather3A_1264 = vector.shape_cast %broadcast_in_dim3A_1263 : vector<16x1xi32> to vector<16xi32>
        %gather3A_1265 = tpu.dynamic_gather %convert_element_type3A_464[%gather3A_1264] in [0] : vector<16xf32>, vector<16xi32> -> vector<16xf32>
        %sub3A_1266 = arith.constant 1.000000e+00 : f32
        %sub3A_1267 = vector.broadcast %sub3A_1266 : f32 to vector<16xf32>
        %sub3A_1268 = arith.subf %sub3A_1267, %gather3A_1265 : vector<16xf32>
        %mul3A_1269 = arith.constant 16 : i32
        %mul3A_1270 = arith.muli %scan3A_453, %mul3A_1269 : i32
        %add3A_1271 = arith.constant 8 : i32
        %add3A_1272 = arith.addi %mul3A_1270, %add3A_1271 : i32
        %get3A_1273 = arith.constant 0 : i32
        %get3A_1274 = arith.index_cast %get3A_1273 : i32 to index
        %get3A_1275 = arith.index_cast %add3A_1272 : i32 to index
        %get3A_1276 = arith.constant 0 : index
        %get3A_1277 = tpu.vector_load %arg7[%get3A_1274, %get3A_1275, %get3A_1276] {strides = array<i32>} : memref<2x224x128xf32, #tpu.memory_space<vmem>>, vector<1x1x16xf32>,
        %get3A_1278 = vector.shape_cast %get3A_1277 : vector<1x1x16xf32> to vector<16xf32>
        %get3A_1279 = arith.constant 0 : i32
        %get3A_1280 = arith.index_cast %get3A_1279 : i32 to index
        %get3A_1281 = arith.index_cast %add3A_1272 : i32 to index
        %get3A_1282 = arith.constant 64 : index
        %get3A_1283 = tpu.vector_load %arg7[%get3A_1280, %get3A_1281, %get3A_1282] {strides = array<i32>} : memref<2x224x128xf32, #tpu.memory_space<vmem>>, vector<1x1x16xf32>,
        %get3A_1284 = vector.shape_cast %get3A_1283 : vector<1x1x16xf32> to vector<16xf32>
        %mul3A_1285 = arith.mulf %get3A_1278, %sub3A_1268 : vector<16xf32>
        %mul3A_1286 = arith.mulf %get3A_1284, %gather3A_1265 : vector<16xf32>
        %add3A_1287 = arith.addf %mul3A_1285, %mul3A_1286 : vector<16xf32>
        %swap3A_1288 = arith.index_cast %add3A_1272 : i32 to index
        %swap3A_1289 = arith.constant 0 : index
        %swap3A_1290 = tpu.vector_load %arg8[%swap3A_1288, %swap3A_1289] {strides = array<i32>} : memref<208x64xf32, #tpu.memory_space<vmem>>, vector<1x16xf32>,
        %swap3A_1291 = vector.shape_cast %swap3A_1290 : vector<1x16xf32> to vector<16xf32>
        %swap3A_1292 = vector.shape_cast %add3A_1287 : vector<16xf32> to vector<1x16xf32>
        tpu.vector_store %arg8[%swap3A_1288, %swap3A_1289], %swap3A_1292 {strides = array<i32>} : memref<208x64xf32, #tpu.memory_space<vmem>>, vector<1x16xf32>,
        %get3A_1293 = arith.constant 0 : i32
        %get3A_1294 = arith.index_cast %get3A_1293 : i32 to index
        %get3A_1295 = arith.index_cast %add3A_1272 : i32 to index
        %get3A_1296 = arith.constant 16 : index
        %get3A_1297 = tpu.vector_load %arg7[%get3A_1294, %get3A_1295, %get3A_1296] {strides = array<i32>} : memref<2x224x128xf32, #tpu.memory_space<vmem>>, vector<1x1x16xf32>,
        %get3A_1298 = vector.shape_cast %get3A_1297 : vector<1x1x16xf32> to vector<16xf32>
        %get3A_1299 = arith.constant 0 : i32
        %get3A_1300 = arith.index_cast %get3A_1299 : i32 to index
        %get3A_1301 = arith.index_cast %add3A_1272 : i32 to index
        %get3A_1302 = arith.constant 80 : index
        %get3A_1303 = tpu.vector_load %arg7[%get3A_1300, %get3A_1301, %get3A_1302] {strides = array<i32>} : memref<2x224x128xf32, #tpu.memory_space<vmem>>, vector<1x1x16xf32>,
        %get3A_1304 = vector.shape_cast %get3A_1303 : vector<1x1x16xf32> to vector<16xf32>
        %mul3A_1305 = arith.mulf %get3A_1298, %sub3A_1268 : vector<16xf32>
        %mul3A_1306 = arith.mulf %get3A_1304, %gather3A_1265 : vector<16xf32>
        %add3A_1307 = arith.addf %mul3A_1305, %mul3A_1306 : vector<16xf32>
        %swap3A_1308 = arith.index_cast %add3A_1272 : i32 to index
        %swap3A_1309 = arith.constant 16 : index
        %swap3A_1310 = tpu.vector_load %arg8[%swap3A_1308, %swap3A_1309] {strides = array<i32>} : memref<208x64xf32, #tpu.memory_space<vmem>>, vector<1x16xf32>,
        %swap3A_1311 = vector.shape_cast %swap3A_1310 : vector<1x16xf32> to vector<16xf32>
        %swap3A_1312 = vector.shape_cast %add3A_1307 : vector<16xf32> to vector<1x16xf32>
        tpu.vector_store %arg8[%swap3A_1308, %swap3A_1309], %swap3A_1312 {strides = array<i32>} : memref<208x64xf32, #tpu.memory_space<vmem>>, vector<1x16xf32>,
        %get3A_1313 = arith.constant 0 : i32
        %get3A_1314 = arith.index_cast %get3A_1313 : i32 to index
        %get3A_1315 = arith.index_cast %add3A_1272 : i32 to index
        %get3A_1316 = arith.constant 32 : index
        %get3A_1317 = tpu.vector_load %arg7[%get3A_1314, %get3A_1315, %get3A_1316] {strides = array<i32>} : memref<2x224x128xf32, #tpu.memory_space<vmem>>, vector<1x1x16xf32>,
        %get3A_1318 = vector.shape_cast %get3A_1317 : vector<1x1x16xf32> to vector<16xf32>
        %get3A_1319 = arith.constant 0 : i32
        %get3A_1320 = arith.index_cast %get3A_1319 : i32 to index
        %get3A_1321 = arith.index_cast %add3A_1272 : i32 to index
        %get3A_1322 = arith.constant 96 : index
        %get3A_1323 = tpu.vector_load %arg7[%get3A_1320, %get3A_1321, %get3A_1322] {strides = array<i32>} : memref<2x224x128xf32, #tpu.memory_space<vmem>>, vector<1x1x16xf32>,
        %get3A_1324 = vector.shape_cast %get3A_1323 : vector<1x1x16xf32> to vector<16xf32>
        %mul3A_1325 = arith.mulf %get3A_1318, %sub3A_1268 : vector<16xf32>
        %mul3A_1326 = arith.mulf %get3A_1324, %gather3A_1265 : vector<16xf32>
        %add3A_1327 = arith.addf %mul3A_1325, %mul3A_1326 : vector<16xf32>
        %swap3A_1328 = arith.index_cast %add3A_1272 : i32 to index
        %swap3A_1329 = arith.constant 32 : index
        %swap3A_1330 = tpu.vector_load %arg8[%swap3A_1328, %swap3A_1329] {strides = array<i32>} : memref<208x64xf32, #tpu.memory_space<vmem>>, vector<1x16xf32>,
        %swap3A_1331 = vector.shape_cast %swap3A_1330 : vector<1x16xf32> to vector<16xf32>
        %swap3A_1332 = vector.shape_cast %add3A_1327 : vector<16xf32> to vector<1x16xf32>
        tpu.vector_store %arg8[%swap3A_1328, %swap3A_1329], %swap3A_1332 {strides = array<i32>} : memref<208x64xf32, #tpu.memory_space<vmem>>, vector<1x16xf32>,
        %get3A_1333 = arith.constant 0 : i32
        %get3A_1334 = arith.index_cast %get3A_1333 : i32 to index
        %get3A_1335 = arith.index_cast %add3A_1272 : i32 to index
        %get3A_1336 = arith.constant 48 : index
        %get3A_1337 = tpu.vector_load %arg7[%get3A_1334, %get3A_1335, %get3A_1336] {strides = array<i32>} : memref<2x224x128xf32, #tpu.memory_space<vmem>>, vector<1x1x16xf32>,
        %get3A_1338 = vector.shape_cast %get3A_1337 : vector<1x1x16xf32> to vector<16xf32>
        %get3A_1339 = arith.constant 0 : i32
        %get3A_1340 = arith.index_cast %get3A_1339 : i32 to index
        %get3A_1341 = arith.index_cast %add3A_1272 : i32 to index
        %get3A_1342 = arith.constant 112 : index
        %get3A_1343 = tpu.vector_load %arg7[%get3A_1340, %get3A_1341, %get3A_1342] {strides = array<i32>} : memref<2x224x128xf32, #tpu.memory_space<vmem>>, vector<1x1x16xf32>,
        %get3A_1344 = vector.shape_cast %get3A_1343 : vector<1x1x16xf32> to vector<16xf32>
        %mul3A_1345 = arith.mulf %get3A_1338, %sub3A_1268 : vector<16xf32>
        %mul3A_1346 = arith.mulf %get3A_1344, %gather3A_1265 : vector<16xf32>
        %add3A_1347 = arith.addf %mul3A_1345, %mul3A_1346 : vector<16xf32>
        %swap3A_1348 = arith.index_cast %add3A_1272 : i32 to index
        %swap3A_1349 = arith.constant 48 : index
        %swap3A_1350 = tpu.vector_load %arg8[%swap3A_1348, %swap3A_1349] {strides = array<i32>} : memref<208x64xf32, #tpu.memory_space<vmem>>, vector<1x16xf32>,
        %swap3A_1351 = vector.shape_cast %swap3A_1350 : vector<1x16xf32> to vector<16xf32>
        %swap3A_1352 = vector.shape_cast %add3A_1347 : vector<16xf32> to vector<1x16xf32>
        tpu.vector_store %arg8[%swap3A_1348, %swap3A_1349], %swap3A_1352 {strides = array<i32>} : memref<208x64xf32, #tpu.memory_space<vmem>>, vector<1x16xf32>,
        %broadcast_in_dim3A_1353 = arith.constant 9 : i32
        %broadcast_in_dim3A_1354 = vector.broadcast %broadcast_in_dim3A_1353 : i32 to vector<16xi32>
        %lt3A_1355 = arith.constant 0 : i32
        %lt3A_1356 = vector.broadcast %lt3A_1355 : i32 to vector<16xi32>
        %lt3A_1357 = arith.cmpi slt, %broadcast_in_dim3A_1354, %lt3A_1356 : vector<16xi32>
        %add3A_1358 = arith.constant 16 : i32
        %add3A_1359 = vector.broadcast %add3A_1358 : i32 to vector<16xi32>
        %add3A_1360 = arith.addi %broadcast_in_dim3A_1354, %add3A_1359 : vector<16xi32>
        %select_n3A_1361 = arith.select %lt3A_1357, %add3A_1360, %broadcast_in_dim3A_1354 : vector<16xi1>, vector<16xi32>
        %broadcast_in_dim3A_1362 = vector.shape_cast %select_n3A_1361 : vector<16xi32> to vector<16x1xi32>
        %gather3A_1363 = vector.shape_cast %broadcast_in_dim3A_1362 : vector<16x1xi32> to vector<16xi32>
        %gather3A_1364 = tpu.dynamic_gather %convert_element_type3A_464[%gather3A_1363] in [0] : vector<16xf32>, vector<16xi32> -> vector<16xf32>
        %sub3A_1365 = arith.constant 1.000000e+00 : f32
        %sub3A_1366 = vector.broadcast %sub3A_1365 : f32 to vector<16xf32>
        %sub3A_1367 = arith.subf %sub3A_1366, %gather3A_1364 : vector<16xf32>
        %mul3A_1368 = arith.constant 16 : i32
        %mul3A_1369 = arith.muli %scan3A_453, %mul3A_1368 : i32
        %add3A_1370 = arith.constant 9 : i32
        %add3A_1371 = arith.addi %mul3A_1369, %add3A_1370 : i32
        %get3A_1372 = arith.constant 0 : i32
        %get3A_1373 = arith.index_cast %get3A_1372 : i32 to index
        %get3A_1374 = arith.index_cast %add3A_1371 : i32 to index
        %get3A_1375 = arith.constant 0 : index
        %get3A_1376 = tpu.vector_load %arg7[%get3A_1373, %get3A_1374, %get3A_1375] {strides = array<i32>} : memref<2x224x128xf32, #tpu.memory_space<vmem>>, vector<1x1x16xf32>,
        %get3A_1377 = vector.shape_cast %get3A_1376 : vector<1x1x16xf32> to vector<16xf32>
        %get3A_1378 = arith.constant 0 : i32
        %get3A_1379 = arith.index_cast %get3A_1378 : i32 to index
        %get3A_1380 = arith.index_cast %add3A_1371 : i32 to index
        %get3A_1381 = arith.constant 64 : index
        %get3A_1382 = tpu.vector_load %arg7[%get3A_1379, %get3A_1380, %get3A_1381] {strides = array<i32>} : memref<2x224x128xf32, #tpu.memory_space<vmem>>, vector<1x1x16xf32>,
        %get3A_1383 = vector.shape_cast %get3A_1382 : vector<1x1x16xf32> to vector<16xf32>
        %mul3A_1384 = arith.mulf %get3A_1377, %sub3A_1367 : vector<16xf32>
        %mul3A_1385 = arith.mulf %get3A_1383, %gather3A_1364 : vector<16xf32>
        %add3A_1386 = arith.addf %mul3A_1384, %mul3A_1385 : vector<16xf32>
        %swap3A_1387 = arith.index_cast %add3A_1371 : i32 to index
        %swap3A_1388 = arith.constant 0 : index
        %swap3A_1389 = tpu.vector_load %arg8[%swap3A_1387, %swap3A_1388] {strides = array<i32>} : memref<208x64xf32, #tpu.memory_space<vmem>>, vector<1x16xf32>,
        %swap3A_1390 = vector.shape_cast %swap3A_1389 : vector<1x16xf32> to vector<16xf32>
        %swap3A_1391 = vector.shape_cast %add3A_1386 : vector<16xf32> to vector<1x16xf32>
        tpu.vector_store %arg8[%swap3A_1387, %swap3A_1388], %swap3A_1391 {strides = array<i32>} : memref<208x64xf32, #tpu.memory_space<vmem>>, vector<1x16xf32>,
        %get3A_1392 = arith.constant 0 : i32
        %get3A_1393 = arith.index_cast %get3A_1392 : i32 to index
        %get3A_1394 = arith.index_cast %add3A_1371 : i32 to index
        %get3A_1395 = arith.constant 16 : index
        %get3A_1396 = tpu.vector_load %arg7[%get3A_1393, %get3A_1394, %get3A_1395] {strides = array<i32>} : memref<2x224x128xf32, #tpu.memory_space<vmem>>, vector<1x1x16xf32>,
        %get3A_1397 = vector.shape_cast %get3A_1396 : vector<1x1x16xf32> to vector<16xf32>
        %get3A_1398 = arith.constant 0 : i32
        %get3A_1399 = arith.index_cast %get3A_1398 : i32 to index
        %get3A_1400 = arith.index_cast %add3A_1371 : i32 to index
        %get3A_1401 = arith.constant 80 : index
        %get3A_1402 = tpu.vector_load %arg7[%get3A_1399, %get3A_1400, %get3A_1401] {strides = array<i32>} : memref<2x224x128xf32, #tpu.memory_space<vmem>>, vector<1x1x16xf32>,
        %get3A_1403 = vector.shape_cast %get3A_1402 : vector<1x1x16xf32> to vector<16xf32>
        %mul3A_1404 = arith.mulf %get3A_1397, %sub3A_1367 : vector<16xf32>
        %mul3A_1405 = arith.mulf %get3A_1403, %gather3A_1364 : vector<16xf32>
        %add3A_1406 = arith.addf %mul3A_1404, %mul3A_1405 : vector<16xf32>
        %swap3A_1407 = arith.index_cast %add3A_1371 : i32 to index
        %swap3A_1408 = arith.constant 16 : index
        %swap3A_1409 = tpu.vector_load %arg8[%swap3A_1407, %swap3A_1408] {strides = array<i32>} : memref<208x64xf32, #tpu.memory_space<vmem>>, vector<1x16xf32>,
        %swap3A_1410 = vector.shape_cast %swap3A_1409 : vector<1x16xf32> to vector<16xf32>
        %swap3A_1411 = vector.shape_cast %add3A_1406 : vector<16xf32> to vector<1x16xf32>
        tpu.vector_store %arg8[%swap3A_1407, %swap3A_1408], %swap3A_1411 {strides = array<i32>} : memref<208x64xf32, #tpu.memory_space<vmem>>, vector<1x16xf32>,
        %get3A_1412 = arith.constant 0 : i32
        %get3A_1413 = arith.index_cast %get3A_1412 : i32 to index
        %get3A_1414 = arith.index_cast %add3A_1371 : i32 to index
        %get3A_1415 = arith.constant 32 : index
        %get3A_1416 = tpu.vector_load %arg7[%get3A_1413, %get3A_1414, %get3A_1415] {strides = array<i32>} : memref<2x224x128xf32, #tpu.memory_space<vmem>>, vector<1x1x16xf32>,
        %get3A_1417 = vector.shape_cast %get3A_1416 : vector<1x1x16xf32> to vector<16xf32>
        %get3A_1418 = arith.constant 0 : i32
        %get3A_1419 = arith.index_cast %get3A_1418 : i32 to index
        %get3A_1420 = arith.index_cast %add3A_1371 : i32 to index
        %get3A_1421 = arith.constant 96 : index
        %get3A_1422 = tpu.vector_load %arg7[%get3A_1419, %get3A_1420, %get3A_1421] {strides = array<i32>} : memref<2x224x128xf32, #tpu.memory_space<vmem>>, vector<1x1x16xf32>,
        %get3A_1423 = vector.shape_cast %get3A_1422 : vector<1x1x16xf32> to vector<16xf32>
        %mul3A_1424 = arith.mulf %get3A_1417, %sub3A_1367 : vector<16xf32>
        %mul3A_1425 = arith.mulf %get3A_1423, %gather3A_1364 : vector<16xf32>
        %add3A_1426 = arith.addf %mul3A_1424, %mul3A_1425 : vector<16xf32>
        %swap3A_1427 = arith.index_cast %add3A_1371 : i32 to index
        %swap3A_1428 = arith.constant 32 : index
        %swap3A_1429 = tpu.vector_load %arg8[%swap3A_1427, %swap3A_1428] {strides = array<i32>} : memref<208x64xf32, #tpu.memory_space<vmem>>, vector<1x16xf32>,
        %swap3A_1430 = vector.shape_cast %swap3A_1429 : vector<1x16xf32> to vector<16xf32>
        %swap3A_1431 = vector.shape_cast %add3A_1426 : vector<16xf32> to vector<1x16xf32>
        tpu.vector_store %arg8[%swap3A_1427, %swap3A_1428], %swap3A_1431 {strides = array<i32>} : memref<208x64xf32, #tpu.memory_space<vmem>>, vector<1x16xf32>,
        %get3A_1432 = arith.constant 0 : i32
        %get3A_1433 = arith.index_cast %get3A_1432 : i32 to index
        %get3A_1434 = arith.index_cast %add3A_1371 : i32 to index
        %get3A_1435 = arith.constant 48 : index
        %get3A_1436 = tpu.vector_load %arg7[%get3A_1433, %get3A_1434, %get3A_1435] {strides = array<i32>} : memref<2x224x128xf32, #tpu.memory_space<vmem>>, vector<1x1x16xf32>,
        %get3A_1437 = vector.shape_cast %get3A_1436 : vector<1x1x16xf32> to vector<16xf32>
        %get3A_1438 = arith.constant 0 : i32
        %get3A_1439 = arith.index_cast %get3A_1438 : i32 to index
        %get3A_1440 = arith.index_cast %add3A_1371 : i32 to index
        %get3A_1441 = arith.constant 112 : index
        %get3A_1442 = tpu.vector_load %arg7[%get3A_1439, %get3A_1440, %get3A_1441] {strides = array<i32>} : memref<2x224x128xf32, #tpu.memory_space<vmem>>, vector<1x1x16xf32>,
        %get3A_1443 = vector.shape_cast %get3A_1442 : vector<1x1x16xf32> to vector<16xf32>
        %mul3A_1444 = arith.mulf %get3A_1437, %sub3A_1367 : vector<16xf32>
        %mul3A_1445 = arith.mulf %get3A_1443, %gather3A_1364 : vector<16xf32>
        %add3A_1446 = arith.addf %mul3A_1444, %mul3A_1445 : vector<16xf32>
        %swap3A_1447 = arith.index_cast %add3A_1371 : i32 to index
        %swap3A_1448 = arith.constant 48 : index
        %swap3A_1449 = tpu.vector_load %arg8[%swap3A_1447, %swap3A_1448] {strides = array<i32>} : memref<208x64xf32, #tpu.memory_space<vmem>>, vector<1x16xf32>,
        %swap3A_1450 = vector.shape_cast %swap3A_1449 : vector<1x16xf32> to vector<16xf32>
        %swap3A_1451 = vector.shape_cast %add3A_1446 : vector<16xf32> to vector<1x16xf32>
        tpu.vector_store %arg8[%swap3A_1447, %swap3A_1448], %swap3A_1451 {strides = array<i32>} : memref<208x64xf32, #tpu.memory_space<vmem>>, vector<1x16xf32>,
        %broadcast_in_dim3A_1452 = arith.constant 10 : i32
        %broadcast_in_dim3A_1453 = vector.broadcast %broadcast_in_dim3A_1452 : i32 to vector<16xi32>
        %lt3A_1454 = arith.constant 0 : i32
        %lt3A_1455 = vector.broadcast %lt3A_1454 : i32 to vector<16xi32>
        %lt3A_1456 = arith.cmpi slt, %broadcast_in_dim3A_1453, %lt3A_1455 : vector<16xi32>
        %add3A_1457 = arith.constant 16 : i32
        %add3A_1458 = vector.broadcast %add3A_1457 : i32 to vector<16xi32>
        %add3A_1459 = arith.addi %broadcast_in_dim3A_1453, %add3A_1458 : vector<16xi32>
        %select_n3A_1460 = arith.select %lt3A_1456, %add3A_1459, %broadcast_in_dim3A_1453 : vector<16xi1>, vector<16xi32>
        %broadcast_in_dim3A_1461 = vector.shape_cast %select_n3A_1460 : vector<16xi32> to vector<16x1xi32>
        %gather3A_1462 = vector.shape_cast %broadcast_in_dim3A_1461 : vector<16x1xi32> to vector<16xi32>
        %gather3A_1463 = tpu.dynamic_gather %convert_element_type3A_464[%gather3A_1462] in [0] : vector<16xf32>, vector<16xi32> -> vector<16xf32>
        %sub3A_1464 = arith.constant 1.000000e+00 : f32
        %sub3A_1465 = vector.broadcast %sub3A_1464 : f32 to vector<16xf32>
        %sub3A_1466 = arith.subf %sub3A_1465, %gather3A_1463 : vector<16xf32>
        %mul3A_1467 = arith.constant 16 : i32
        %mul3A_1468 = arith.muli %scan3A_453, %mul3A_1467 : i32
        %add3A_1469 = arith.constant 10 : i32
        %add3A_1470 = arith.addi %mul3A_1468, %add3A_1469 : i32
        %get3A_1471 = arith.constant 0 : i32
        %get3A_1472 = arith.index_cast %get3A_1471 : i32 to index
        %get3A_1473 = arith.index_cast %add3A_1470 : i32 to index
        %get3A_1474 = arith.constant 0 : index
        %get3A_1475 = tpu.vector_load %arg7[%get3A_1472, %get3A_1473, %get3A_1474] {strides = array<i32>} : memref<2x224x128xf32, #tpu.memory_space<vmem>>, vector<1x1x16xf32>,
        %get3A_1476 = vector.shape_cast %get3A_1475 : vector<1x1x16xf32> to vector<16xf32>
        %get3A_1477 = arith.constant 0 : i32
        %get3A_1478 = arith.index_cast %get3A_1477 : i32 to index
        %get3A_1479 = arith.index_cast %add3A_1470 : i32 to index
        %get3A_1480 = arith.constant 64 : index
        %get3A_1481 = tpu.vector_load %arg7[%get3A_1478, %get3A_1479, %get3A_1480] {strides = array<i32>} : memref<2x224x128xf32, #tpu.memory_space<vmem>>, vector<1x1x16xf32>,
        %get3A_1482 = vector.shape_cast %get3A_1481 : vector<1x1x16xf32> to vector<16xf32>
        %mul3A_1483 = arith.mulf %get3A_1476, %sub3A_1466 : vector<16xf32>
        %mul3A_1484 = arith.mulf %get3A_1482, %gather3A_1463 : vector<16xf32>
        %add3A_1485 = arith.addf %mul3A_1483, %mul3A_1484 : vector<16xf32>
        %swap3A_1486 = arith.index_cast %add3A_1470 : i32 to index
        %swap3A_1487 = arith.constant 0 : index
        %swap3A_1488 = tpu.vector_load %arg8[%swap3A_1486, %swap3A_1487] {strides = array<i32>} : memref<208x64xf32, #tpu.memory_space<vmem>>, vector<1x16xf32>,
        %swap3A_1489 = vector.shape_cast %swap3A_1488 : vector<1x16xf32> to vector<16xf32>
        %swap3A_1490 = vector.shape_cast %add3A_1485 : vector<16xf32> to vector<1x16xf32>
        tpu.vector_store %arg8[%swap3A_1486, %swap3A_1487], %swap3A_1490 {strides = array<i32>} : memref<208x64xf32, #tpu.memory_space<vmem>>, vector<1x16xf32>,
        %get3A_1491 = arith.constant 0 : i32
        %get3A_1492 = arith.index_cast %get3A_1491 : i32 to index
        %get3A_1493 = arith.index_cast %add3A_1470 : i32 to index
        %get3A_1494 = arith.constant 16 : index
        %get3A_1495 = tpu.vector_load %arg7[%get3A_1492, %get3A_1493, %get3A_1494] {strides = array<i32>} : memref<2x224x128xf32, #tpu.memory_space<vmem>>, vector<1x1x16xf32>,
        %get3A_1496 = vector.shape_cast %get3A_1495 : vector<1x1x16xf32> to vector<16xf32>
        %get3A_1497 = arith.constant 0 : i32
        %get3A_1498 = arith.index_cast %get3A_1497 : i32 to index
        %get3A_1499 = arith.index_cast %add3A_1470 : i32 to index
        %get3A_1500 = arith.constant 80 : index
        %get3A_1501 = tpu.vector_load %arg7[%get3A_1498, %get3A_1499, %get3A_1500] {strides = array<i32>} : memref<2x224x128xf32, #tpu.memory_space<vmem>>, vector<1x1x16xf32>,
        %get3A_1502 = vector.shape_cast %get3A_1501 : vector<1x1x16xf32> to vector<16xf32>
        %mul3A_1503 = arith.mulf %get3A_1496, %sub3A_1466 : vector<16xf32>
        %mul3A_1504 = arith.mulf %get3A_1502, %gather3A_1463 : vector<16xf32>
        %add3A_1505 = arith.addf %mul3A_1503, %mul3A_1504 : vector<16xf32>
        %swap3A_1506 = arith.index_cast %add3A_1470 : i32 to index
        %swap3A_1507 = arith.constant 16 : index
        %swap3A_1508 = tpu.vector_load %arg8[%swap3A_1506, %swap3A_1507] {strides = array<i32>} : memref<208x64xf32, #tpu.memory_space<vmem>>, vector<1x16xf32>,
        %swap3A_1509 = vector.shape_cast %swap3A_1508 : vector<1x16xf32> to vector<16xf32>
        %swap3A_1510 = vector.shape_cast %add3A_1505 : vector<16xf32> to vector<1x16xf32>
        tpu.vector_store %arg8[%swap3A_1506, %swap3A_1507], %swap3A_1510 {strides = array<i32>} : memref<208x64xf32, #tpu.memory_space<vmem>>, vector<1x16xf32>,
        %get3A_1511 = arith.constant 0 : i32
        %get3A_1512 = arith.index_cast %get3A_1511 : i32 to index
        %get3A_1513 = arith.index_cast %add3A_1470 : i32 to index
        %get3A_1514 = arith.constant 32 : index
        %get3A_1515 = tpu.vector_load %arg7[%get3A_1512, %get3A_1513, %get3A_1514] {strides = array<i32>} : memref<2x224x128xf32, #tpu.memory_space<vmem>>, vector<1x1x16xf32>,
        %get3A_1516 = vector.shape_cast %get3A_1515 : vector<1x1x16xf32> to vector<16xf32>
        %get3A_1517 = arith.constant 0 : i32
        %get3A_1518 = arith.index_cast %get3A_1517 : i32 to index
        %get3A_1519 = arith.index_cast %add3A_1470 : i32 to index
        %get3A_1520 = arith.constant 96 : index
        %get3A_1521 = tpu.vector_load %arg7[%get3A_1518, %get3A_1519, %get3A_1520] {strides = array<i32>} : memref<2x224x128xf32, #tpu.memory_space<vmem>>, vector<1x1x16xf32>,
        %get3A_1522 = vector.shape_cast %get3A_1521 : vector<1x1x16xf32> to vector<16xf32>
        %mul3A_1523 = arith.mulf %get3A_1516, %sub3A_1466 : vector<16xf32>
        %mul3A_1524 = arith.mulf %get3A_1522, %gather3A_1463 : vector<16xf32>
        %add3A_1525 = arith.addf %mul3A_1523, %mul3A_1524 : vector<16xf32>
        %swap3A_1526 = arith.index_cast %add3A_1470 : i32 to index
        %swap3A_1527 = arith.constant 32 : index
        %swap3A_1528 = tpu.vector_load %arg8[%swap3A_1526, %swap3A_1527] {strides = array<i32>} : memref<208x64xf32, #tpu.memory_space<vmem>>, vector<1x16xf32>,
        %swap3A_1529 = vector.shape_cast %swap3A_1528 : vector<1x16xf32> to vector<16xf32>
        %swap3A_1530 = vector.shape_cast %add3A_1525 : vector<16xf32> to vector<1x16xf32>
        tpu.vector_store %arg8[%swap3A_1526, %swap3A_1527], %swap3A_1530 {strides = array<i32>} : memref<208x64xf32, #tpu.memory_space<vmem>>, vector<1x16xf32>,
        %get3A_1531 = arith.constant 0 : i32
        %get3A_1532 = arith.index_cast %get3A_1531 : i32 to index
        %get3A_1533 = arith.index_cast %add3A_1470 : i32 to index
        %get3A_1534 = arith.constant 48 : index
        %get3A_1535 = tpu.vector_load %arg7[%get3A_1532, %get3A_1533, %get3A_1534] {strides = array<i32>} : memref<2x224x128xf32, #tpu.memory_space<vmem>>, vector<1x1x16xf32>,
        %get3A_1536 = vector.shape_cast %get3A_1535 : vector<1x1x16xf32> to vector<16xf32>
        %get3A_1537 = arith.constant 0 : i32
        %get3A_1538 = arith.index_cast %get3A_1537 : i32 to index
        %get3A_1539 = arith.index_cast %add3A_1470 : i32 to index
        %get3A_1540 = arith.constant 112 : index
        %get3A_1541 = tpu.vector_load %arg7[%get3A_1538, %get3A_1539, %get3A_1540] {strides = array<i32>} : memref<2x224x128xf32, #tpu.memory_space<vmem>>, vector<1x1x16xf32>,
        %get3A_1542 = vector.shape_cast %get3A_1541 : vector<1x1x16xf32> to vector<16xf32>
        %mul3A_1543 = arith.mulf %get3A_1536, %sub3A_1466 : vector<16xf32>
        %mul3A_1544 = arith.mulf %get3A_1542, %gather3A_1463 : vector<16xf32>
        %add3A_1545 = arith.addf %mul3A_1543, %mul3A_1544 : vector<16xf32>
        %swap3A_1546 = arith.index_cast %add3A_1470 : i32 to index
        %swap3A_1547 = arith.constant 48 : index
        %swap3A_1548 = tpu.vector_load %arg8[%swap3A_1546, %swap3A_1547] {strides = array<i32>} : memref<208x64xf32, #tpu.memory_space<vmem>>, vector<1x16xf32>,
        %swap3A_1549 = vector.shape_cast %swap3A_1548 : vector<1x16xf32> to vector<16xf32>
        %swap3A_1550 = vector.shape_cast %add3A_1545 : vector<16xf32> to vector<1x16xf32>
        tpu.vector_store %arg8[%swap3A_1546, %swap3A_1547], %swap3A_1550 {strides = array<i32>} : memref<208x64xf32, #tpu.memory_space<vmem>>, vector<1x16xf32>,
        %broadcast_in_dim3A_1551 = arith.constant 11 : i32
        %broadcast_in_dim3A_1552 = vector.broadcast %broadcast_in_dim3A_1551 : i32 to vector<16xi32>
        %lt3A_1553 = arith.constant 0 : i32
        %lt3A_1554 = vector.broadcast %lt3A_1553 : i32 to vector<16xi32>
        %lt3A_1555 = arith.cmpi slt, %broadcast_in_dim3A_1552, %lt3A_1554 : vector<16xi32>
        %add3A_1556 = arith.constant 16 : i32
        %add3A_1557 = vector.broadcast %add3A_1556 : i32 to vector<16xi32>
        %add3A_1558 = arith.addi %broadcast_in_dim3A_1552, %add3A_1557 : vector<16xi32>
        %select_n3A_1559 = arith.select %lt3A_1555, %add3A_1558, %broadcast_in_dim3A_1552 : vector<16xi1>, vector<16xi32>
        %broadcast_in_dim3A_1560 = vector.shape_cast %select_n3A_1559 : vector<16xi32> to vector<16x1xi32>
        %gather3A_1561 = vector.shape_cast %broadcast_in_dim3A_1560 : vector<16x1xi32> to vector<16xi32>
        %gather3A_1562 = tpu.dynamic_gather %convert_element_type3A_464[%gather3A_1561] in [0] : vector<16xf32>, vector<16xi32> -> vector<16xf32>
        %sub3A_1563 = arith.constant 1.000000e+00 : f32
        %sub3A_1564 = vector.broadcast %sub3A_1563 : f32 to vector<16xf32>
        %sub3A_1565 = arith.subf %sub3A_1564, %gather3A_1562 : vector<16xf32>
        %mul3A_1566 = arith.constant 16 : i32
        %mul3A_1567 = arith.muli %scan3A_453, %mul3A_1566 : i32
        %add3A_1568 = arith.constant 11 : i32
        %add3A_1569 = arith.addi %mul3A_1567, %add3A_1568 : i32
        %get3A_1570 = arith.constant 0 : i32
        %get3A_1571 = arith.index_cast %get3A_1570 : i32 to index
        %get3A_1572 = arith.index_cast %add3A_1569 : i32 to index
        %get3A_1573 = arith.constant 0 : index
        %get3A_1574 = tpu.vector_load %arg7[%get3A_1571, %get3A_1572, %get3A_1573] {strides = array<i32>} : memref<2x224x128xf32, #tpu.memory_space<vmem>>, vector<1x1x16xf32>,
        %get3A_1575 = vector.shape_cast %get3A_1574 : vector<1x1x16xf32> to vector<16xf32>
        %get3A_1576 = arith.constant 0 : i32
        %get3A_1577 = arith.index_cast %get3A_1576 : i32 to index
        %get3A_1578 = arith.index_cast %add3A_1569 : i32 to index
        %get3A_1579 = arith.constant 64 : index
        %get3A_1580 = tpu.vector_load %arg7[%get3A_1577, %get3A_1578, %get3A_1579] {strides = array<i32>} : memref<2x224x128xf32, #tpu.memory_space<vmem>>, vector<1x1x16xf32>,
        %get3A_1581 = vector.shape_cast %get3A_1580 : vector<1x1x16xf32> to vector<16xf32>
        %mul3A_1582 = arith.mulf %get3A_1575, %sub3A_1565 : vector<16xf32>
        %mul3A_1583 = arith.mulf %get3A_1581, %gather3A_1562 : vector<16xf32>
        %add3A_1584 = arith.addf %mul3A_1582, %mul3A_1583 : vector<16xf32>
        %swap3A_1585 = arith.index_cast %add3A_1569 : i32 to index
        %swap3A_1586 = arith.constant 0 : index
        %swap3A_1587 = tpu.vector_load %arg8[%swap3A_1585, %swap3A_1586] {strides = array<i32>} : memref<208x64xf32, #tpu.memory_space<vmem>>, vector<1x16xf32>,
        %swap3A_1588 = vector.shape_cast %swap3A_1587 : vector<1x16xf32> to vector<16xf32>
        %swap3A_1589 = vector.shape_cast %add3A_1584 : vector<16xf32> to vector<1x16xf32>
        tpu.vector_store %arg8[%swap3A_1585, %swap3A_1586], %swap3A_1589 {strides = array<i32>} : memref<208x64xf32, #tpu.memory_space<vmem>>, vector<1x16xf32>,
        %get3A_1590 = arith.constant 0 : i32
        %get3A_1591 = arith.index_cast %get3A_1590 : i32 to index
        %get3A_1592 = arith.index_cast %add3A_1569 : i32 to index
        %get3A_1593 = arith.constant 16 : index
        %get3A_1594 = tpu.vector_load %arg7[%get3A_1591, %get3A_1592, %get3A_1593] {strides = array<i32>} : memref<2x224x128xf32, #tpu.memory_space<vmem>>, vector<1x1x16xf32>,
        %get3A_1595 = vector.shape_cast %get3A_1594 : vector<1x1x16xf32> to vector<16xf32>
        %get3A_1596 = arith.constant 0 : i32
        %get3A_1597 = arith.index_cast %get3A_1596 : i32 to index
        %get3A_1598 = arith.index_cast %add3A_1569 : i32 to index
        %get3A_1599 = arith.constant 80 : index
        %get3A_1600 = tpu.vector_load %arg7[%get3A_1597, %get3A_1598, %get3A_1599] {strides = array<i32>} : memref<2x224x128xf32, #tpu.memory_space<vmem>>, vector<1x1x16xf32>,
        %get3A_1601 = vector.shape_cast %get3A_1600 : vector<1x1x16xf32> to vector<16xf32>
        %mul3A_1602 = arith.mulf %get3A_1595, %sub3A_1565 : vector<16xf32>
        %mul3A_1603 = arith.mulf %get3A_1601, %gather3A_1562 : vector<16xf32>
        %add3A_1604 = arith.addf %mul3A_1602, %mul3A_1603 : vector<16xf32>
        %swap3A_1605 = arith.index_cast %add3A_1569 : i32 to index
        %swap3A_1606 = arith.constant 16 : index
        %swap3A_1607 = tpu.vector_load %arg8[%swap3A_1605, %swap3A_1606] {strides = array<i32>} : memref<208x64xf32, #tpu.memory_space<vmem>>, vector<1x16xf32>,
        %swap3A_1608 = vector.shape_cast %swap3A_1607 : vector<1x16xf32> to vector<16xf32>
        %swap3A_1609 = vector.shape_cast %add3A_1604 : vector<16xf32> to vector<1x16xf32>
        tpu.vector_store %arg8[%swap3A_1605, %swap3A_1606], %swap3A_1609 {strides = array<i32>} : memref<208x64xf32, #tpu.memory_space<vmem>>, vector<1x16xf32>,
        %get3A_1610 = arith.constant 0 : i32
        %get3A_1611 = arith.index_cast %get3A_1610 : i32 to index
        %get3A_1612 = arith.index_cast %add3A_1569 : i32 to index
        %get3A_1613 = arith.constant 32 : index
        %get3A_1614 = tpu.vector_load %arg7[%get3A_1611, %get3A_1612, %get3A_1613] {strides = array<i32>} : memref<2x224x128xf32, #tpu.memory_space<vmem>>, vector<1x1x16xf32>,
        %get3A_1615 = vector.shape_cast %get3A_1614 : vector<1x1x16xf32> to vector<16xf32>
        %get3A_1616 = arith.constant 0 : i32
        %get3A_1617 = arith.index_cast %get3A_1616 : i32 to index
        %get3A_1618 = arith.index_cast %add3A_1569 : i32 to index
        %get3A_1619 = arith.constant 96 : index
        %get3A_1620 = tpu.vector_load %arg7[%get3A_1617, %get3A_1618, %get3A_1619] {strides = array<i32>} : memref<2x224x128xf32, #tpu.memory_space<vmem>>, vector<1x1x16xf32>,
        %get3A_1621 = vector.shape_cast %get3A_1620 : vector<1x1x16xf32> to vector<16xf32>
        %mul3A_1622 = arith.mulf %get3A_1615, %sub3A_1565 : vector<16xf32>
        %mul3A_1623 = arith.mulf %get3A_1621, %gather3A_1562 : vector<16xf32>
        %add3A_1624 = arith.addf %mul3A_1622, %mul3A_1623 : vector<16xf32>
        %swap3A_1625 = arith.index_cast %add3A_1569 : i32 to index
        %swap3A_1626 = arith.constant 32 : index
        %swap3A_1627 = tpu.vector_load %arg8[%swap3A_1625, %swap3A_1626] {strides = array<i32>} : memref<208x64xf32, #tpu.memory_space<vmem>>, vector<1x16xf32>,
        %swap3A_1628 = vector.shape_cast %swap3A_1627 : vector<1x16xf32> to vector<16xf32>
        %swap3A_1629 = vector.shape_cast %add3A_1624 : vector<16xf32> to vector<1x16xf32>
        tpu.vector_store %arg8[%swap3A_1625, %swap3A_1626], %swap3A_1629 {strides = array<i32>} : memref<208x64xf32, #tpu.memory_space<vmem>>, vector<1x16xf32>,
        %get3A_1630 = arith.constant 0 : i32
        %get3A_1631 = arith.index_cast %get3A_1630 : i32 to index
        %get3A_1632 = arith.index_cast %add3A_1569 : i32 to index
        %get3A_1633 = arith.constant 48 : index
        %get3A_1634 = tpu.vector_load %arg7[%get3A_1631, %get3A_1632, %get3A_1633] {strides = array<i32>} : memref<2x224x128xf32, #tpu.memory_space<vmem>>, vector<1x1x16xf32>,
        %get3A_1635 = vector.shape_cast %get3A_1634 : vector<1x1x16xf32> to vector<16xf32>
        %get3A_1636 = arith.constant 0 : i32
        %get3A_1637 = arith.index_cast %get3A_1636 : i32 to index
        %get3A_1638 = arith.index_cast %add3A_1569 : i32 to index
        %get3A_1639 = arith.constant 112 : index
        %get3A_1640 = tpu.vector_load %arg7[%get3A_1637, %get3A_1638, %get3A_1639] {strides = array<i32>} : memref<2x224x128xf32, #tpu.memory_space<vmem>>, vector<1x1x16xf32>,
        %get3A_1641 = vector.shape_cast %get3A_1640 : vector<1x1x16xf32> to vector<16xf32>
        %mul3A_1642 = arith.mulf %get3A_1635, %sub3A_1565 : vector<16xf32>
        %mul3A_1643 = arith.mulf %get3A_1641, %gather3A_1562 : vector<16xf32>
        %add3A_1644 = arith.addf %mul3A_1642, %mul3A_1643 : vector<16xf32>
        %swap3A_1645 = arith.index_cast %add3A_1569 : i32 to index
        %swap3A_1646 = arith.constant 48 : index
        %swap3A_1647 = tpu.vector_load %arg8[%swap3A_1645, %swap3A_1646] {strides = array<i32>} : memref<208x64xf32, #tpu.memory_space<vmem>>, vector<1x16xf32>,
        %swap3A_1648 = vector.shape_cast %swap3A_1647 : vector<1x16xf32> to vector<16xf32>
        %swap3A_1649 = vector.shape_cast %add3A_1644 : vector<16xf32> to vector<1x16xf32>
        tpu.vector_store %arg8[%swap3A_1645, %swap3A_1646], %swap3A_1649 {strides = array<i32>} : memref<208x64xf32, #tpu.memory_space<vmem>>, vector<1x16xf32>,
        %broadcast_in_dim3A_1650 = arith.constant 12 : i32
        %broadcast_in_dim3A_1651 = vector.broadcast %broadcast_in_dim3A_1650 : i32 to vector<16xi32>
        %lt3A_1652 = arith.constant 0 : i32
        %lt3A_1653 = vector.broadcast %lt3A_1652 : i32 to vector<16xi32>
        %lt3A_1654 = arith.cmpi slt, %broadcast_in_dim3A_1651, %lt3A_1653 : vector<16xi32>
        %add3A_1655 = arith.constant 16 : i32
        %add3A_1656 = vector.broadcast %add3A_1655 : i32 to vector<16xi32>
        %add3A_1657 = arith.addi %broadcast_in_dim3A_1651, %add3A_1656 : vector<16xi32>
        %select_n3A_1658 = arith.select %lt3A_1654, %add3A_1657, %broadcast_in_dim3A_1651 : vector<16xi1>, vector<16xi32>
        %broadcast_in_dim3A_1659 = vector.shape_cast %select_n3A_1658 : vector<16xi32> to vector<16x1xi32>
        %gather3A_1660 = vector.shape_cast %broadcast_in_dim3A_1659 : vector<16x1xi32> to vector<16xi32>
        %gather3A_1661 = tpu.dynamic_gather %convert_element_type3A_464[%gather3A_1660] in [0] : vector<16xf32>, vector<16xi32> -> vector<16xf32>
        %sub3A_1662 = arith.constant 1.000000e+00 : f32
        %sub3A_1663 = vector.broadcast %sub3A_1662 : f32 to vector<16xf32>
        %sub3A_1664 = arith.subf %sub3A_1663, %gather3A_1661 : vector<16xf32>
        %mul3A_1665 = arith.constant 16 : i32
        %mul3A_1666 = arith.muli %scan3A_453, %mul3A_1665 : i32
        %add3A_1667 = arith.constant 12 : i32
        %add3A_1668 = arith.addi %mul3A_1666, %add3A_1667 : i32
        %get3A_1669 = arith.constant 0 : i32
        %get3A_1670 = arith.index_cast %get3A_1669 : i32 to index
        %get3A_1671 = arith.index_cast %add3A_1668 : i32 to index
        %get3A_1672 = arith.constant 0 : index
        %get3A_1673 = tpu.vector_load %arg7[%get3A_1670, %get3A_1671, %get3A_1672] {strides = array<i32>} : memref<2x224x128xf32, #tpu.memory_space<vmem>>, vector<1x1x16xf32>,
        %get3A_1674 = vector.shape_cast %get3A_1673 : vector<1x1x16xf32> to vector<16xf32>
        %get3A_1675 = arith.constant 0 : i32
        %get3A_1676 = arith.index_cast %get3A_1675 : i32 to index
        %get3A_1677 = arith.index_cast %add3A_1668 : i32 to index
        %get3A_1678 = arith.constant 64 : index
        %get3A_1679 = tpu.vector_load %arg7[%get3A_1676, %get3A_1677, %get3A_1678] {strides = array<i32>} : memref<2x224x128xf32, #tpu.memory_space<vmem>>, vector<1x1x16xf32>,
        %get3A_1680 = vector.shape_cast %get3A_1679 : vector<1x1x16xf32> to vector<16xf32>
        %mul3A_1681 = arith.mulf %get3A_1674, %sub3A_1664 : vector<16xf32>
        %mul3A_1682 = arith.mulf %get3A_1680, %gather3A_1661 : vector<16xf32>
        %add3A_1683 = arith.addf %mul3A_1681, %mul3A_1682 : vector<16xf32>
        %swap3A_1684 = arith.index_cast %add3A_1668 : i32 to index
        %swap3A_1685 = arith.constant 0 : index
        %swap3A_1686 = tpu.vector_load %arg8[%swap3A_1684, %swap3A_1685] {strides = array<i32>} : memref<208x64xf32, #tpu.memory_space<vmem>>, vector<1x16xf32>,
        %swap3A_1687 = vector.shape_cast %swap3A_1686 : vector<1x16xf32> to vector<16xf32>
        %swap3A_1688 = vector.shape_cast %add3A_1683 : vector<16xf32> to vector<1x16xf32>
        tpu.vector_store %arg8[%swap3A_1684, %swap3A_1685], %swap3A_1688 {strides = array<i32>} : memref<208x64xf32, #tpu.memory_space<vmem>>, vector<1x16xf32>,
        %get3A_1689 = arith.constant 0 : i32
        %get3A_1690 = arith.index_cast %get3A_1689 : i32 to index
        %get3A_1691 = arith.index_cast %add3A_1668 : i32 to index
        %get3A_1692 = arith.constant 16 : index
        %get3A_1693 = tpu.vector_load %arg7[%get3A_1690, %get3A_1691, %get3A_1692] {strides = array<i32>} : memref<2x224x128xf32, #tpu.memory_space<vmem>>, vector<1x1x16xf32>,
        %get3A_1694 = vector.shape_cast %get3A_1693 : vector<1x1x16xf32> to vector<16xf32>
        %get3A_1695 = arith.constant 0 : i32
        %get3A_1696 = arith.index_cast %get3A_1695 : i32 to index
        %get3A_1697 = arith.index_cast %add3A_1668 : i32 to index
        %get3A_1698 = arith.constant 80 : index
        %get3A_1699 = tpu.vector_load %arg7[%get3A_1696, %get3A_1697, %get3A_1698] {strides = array<i32>} : memref<2x224x128xf32, #tpu.memory_space<vmem>>, vector<1x1x16xf32>,
        %get3A_1700 = vector.shape_cast %get3A_1699 : vector<1x1x16xf32> to vector<16xf32>
        %mul3A_1701 = arith.mulf %get3A_1694, %sub3A_1664 : vector<16xf32>
        %mul3A_1702 = arith.mulf %get3A_1700, %gather3A_1661 : vector<16xf32>
        %add3A_1703 = arith.addf %mul3A_1701, %mul3A_1702 : vector<16xf32>
        %swap3A_1704 = arith.index_cast %add3A_1668 : i32 to index
        %swap3A_1705 = arith.constant 16 : index
        %swap3A_1706 = tpu.vector_load %arg8[%swap3A_1704, %swap3A_1705] {strides = array<i32>} : memref<208x64xf32, #tpu.memory_space<vmem>>, vector<1x16xf32>,
        %swap3A_1707 = vector.shape_cast %swap3A_1706 : vector<1x16xf32> to vector<16xf32>
        %swap3A_1708 = vector.shape_cast %add3A_1703 : vector<16xf32> to vector<1x16xf32>
        tpu.vector_store %arg8[%swap3A_1704, %swap3A_1705], %swap3A_1708 {strides = array<i32>} : memref<208x64xf32, #tpu.memory_space<vmem>>, vector<1x16xf32>,
        %get3A_1709 = arith.constant 0 : i32
        %get3A_1710 = arith.index_cast %get3A_1709 : i32 to index
        %get3A_1711 = arith.index_cast %add3A_1668 : i32 to index
        %get3A_1712 = arith.constant 32 : index
        %get3A_1713 = tpu.vector_load %arg7[%get3A_1710, %get3A_1711, %get3A_1712] {strides = array<i32>} : memref<2x224x128xf32, #tpu.memory_space<vmem>>, vector<1x1x16xf32>,
        %get3A_1714 = vector.shape_cast %get3A_1713 : vector<1x1x16xf32> to vector<16xf32>
        %get3A_1715 = arith.constant 0 : i32
        %get3A_1716 = arith.index_cast %get3A_1715 : i32 to index
        %get3A_1717 = arith.index_cast %add3A_1668 : i32 to index
        %get3A_1718 = arith.constant 96 : index
        %get3A_1719 = tpu.vector_load %arg7[%get3A_1716, %get3A_1717, %get3A_1718] {strides = array<i32>} : memref<2x224x128xf32, #tpu.memory_space<vmem>>, vector<1x1x16xf32>,
        %get3A_1720 = vector.shape_cast %get3A_1719 : vector<1x1x16xf32> to vector<16xf32>
        %mul3A_1721 = arith.mulf %get3A_1714, %sub3A_1664 : vector<16xf32>
        %mul3A_1722 = arith.mulf %get3A_1720, %gather3A_1661 : vector<16xf32>
        %add3A_1723 = arith.addf %mul3A_1721, %mul3A_1722 : vector<16xf32>
        %swap3A_1724 = arith.index_cast %add3A_1668 : i32 to index
        %swap3A_1725 = arith.constant 32 : index
        %swap3A_1726 = tpu.vector_load %arg8[%swap3A_1724, %swap3A_1725] {strides = array<i32>} : memref<208x64xf32, #tpu.memory_space<vmem>>, vector<1x16xf32>,
        %swap3A_1727 = vector.shape_cast %swap3A_1726 : vector<1x16xf32> to vector<16xf32>
        %swap3A_1728 = vector.shape_cast %add3A_1723 : vector<16xf32> to vector<1x16xf32>
        tpu.vector_store %arg8[%swap3A_1724, %swap3A_1725], %swap3A_1728 {strides = array<i32>} : memref<208x64xf32, #tpu.memory_space<vmem>>, vector<1x16xf32>,
        %get3A_1729 = arith.constant 0 : i32
        %get3A_1730 = arith.index_cast %get3A_1729 : i32 to index
        %get3A_1731 = arith.index_cast %add3A_1668 : i32 to index
        %get3A_1732 = arith.constant 48 : index
        %get3A_1733 = tpu.vector_load %arg7[%get3A_1730, %get3A_1731, %get3A_1732] {strides = array<i32>} : memref<2x224x128xf32, #tpu.memory_space<vmem>>, vector<1x1x16xf32>,
        %get3A_1734 = vector.shape_cast %get3A_1733 : vector<1x1x16xf32> to vector<16xf32>
        %get3A_1735 = arith.constant 0 : i32
        %get3A_1736 = arith.index_cast %get3A_1735 : i32 to index
        %get3A_1737 = arith.index_cast %add3A_1668 : i32 to index
        %get3A_1738 = arith.constant 112 : index
        %get3A_1739 = tpu.vector_load %arg7[%get3A_1736, %get3A_1737, %get3A_1738] {strides = array<i32>} : memref<2x224x128xf32, #tpu.memory_space<vmem>>, vector<1x1x16xf32>,
        %get3A_1740 = vector.shape_cast %get3A_1739 : vector<1x1x16xf32> to vector<16xf32>
        %mul3A_1741 = arith.mulf %get3A_1734, %sub3A_1664 : vector<16xf32>
        %mul3A_1742 = arith.mulf %get3A_1740, %gather3A_1661 : vector<16xf32>
        %add3A_1743 = arith.addf %mul3A_1741, %mul3A_1742 : vector<16xf32>
        %swap3A_1744 = arith.index_cast %add3A_1668 : i32 to index
        %swap3A_1745 = arith.constant 48 : index
        %swap3A_1746 = tpu.vector_load %arg8[%swap3A_1744, %swap3A_1745] {strides = array<i32>} : memref<208x64xf32, #tpu.memory_space<vmem>>, vector<1x16xf32>,
        %swap3A_1747 = vector.shape_cast %swap3A_1746 : vector<1x16xf32> to vector<16xf32>
        %swap3A_1748 = vector.shape_cast %add3A_1743 : vector<16xf32> to vector<1x16xf32>
        tpu.vector_store %arg8[%swap3A_1744, %swap3A_1745], %swap3A_1748 {strides = array<i32>} : memref<208x64xf32, #tpu.memory_space<vmem>>, vector<1x16xf32>,
        %broadcast_in_dim3A_1749 = arith.constant 13 : i32
        %broadcast_in_dim3A_1750 = vector.broadcast %broadcast_in_dim3A_1749 : i32 to vector<16xi32>
        %lt3A_1751 = arith.constant 0 : i32
        %lt3A_1752 = vector.broadcast %lt3A_1751 : i32 to vector<16xi32>
        %lt3A_1753 = arith.cmpi slt, %broadcast_in_dim3A_1750, %lt3A_1752 : vector<16xi32>
        %add3A_1754 = arith.constant 16 : i32
        %add3A_1755 = vector.broadcast %add3A_1754 : i32 to vector<16xi32>
        %add3A_1756 = arith.addi %broadcast_in_dim3A_1750, %add3A_1755 : vector<16xi32>
        %select_n3A_1757 = arith.select %lt3A_1753, %add3A_1756, %broadcast_in_dim3A_1750 : vector<16xi1>, vector<16xi32>
        %broadcast_in_dim3A_1758 = vector.shape_cast %select_n3A_1757 : vector<16xi32> to vector<16x1xi32>
        %gather3A_1759 = vector.shape_cast %broadcast_in_dim3A_1758 : vector<16x1xi32> to vector<16xi32>
        %gather3A_1760 = tpu.dynamic_gather %convert_element_type3A_464[%gather3A_1759] in [0] : vector<16xf32>, vector<16xi32> -> vector<16xf32>
        %sub3A_1761 = arith.constant 1.000000e+00 : f32
        %sub3A_1762 = vector.broadcast %sub3A_1761 : f32 to vector<16xf32>
        %sub3A_1763 = arith.subf %sub3A_1762, %gather3A_1760 : vector<16xf32>
        %mul3A_1764 = arith.constant 16 : i32
        %mul3A_1765 = arith.muli %scan3A_453, %mul3A_1764 : i32
        %add3A_1766 = arith.constant 13 : i32
        %add3A_1767 = arith.addi %mul3A_1765, %add3A_1766 : i32
        %get3A_1768 = arith.constant 0 : i32
        %get3A_1769 = arith.index_cast %get3A_1768 : i32 to index
        %get3A_1770 = arith.index_cast %add3A_1767 : i32 to index
        %get3A_1771 = arith.constant 0 : index
        %get3A_1772 = tpu.vector_load %arg7[%get3A_1769, %get3A_1770, %get3A_1771] {strides = array<i32>} : memref<2x224x128xf32, #tpu.memory_space<vmem>>, vector<1x1x16xf32>,
        %get3A_1773 = vector.shape_cast %get3A_1772 : vector<1x1x16xf32> to vector<16xf32>
        %get3A_1774 = arith.constant 0 : i32
        %get3A_1775 = arith.index_cast %get3A_1774 : i32 to index
        %get3A_1776 = arith.index_cast %add3A_1767 : i32 to index
        %get3A_1777 = arith.constant 64 : index
        %get3A_1778 = tpu.vector_load %arg7[%get3A_1775, %get3A_1776, %get3A_1777] {strides = array<i32>} : memref<2x224x128xf32, #tpu.memory_space<vmem>>, vector<1x1x16xf32>,
        %get3A_1779 = vector.shape_cast %get3A_1778 : vector<1x1x16xf32> to vector<16xf32>
        %mul3A_1780 = arith.mulf %get3A_1773, %sub3A_1763 : vector<16xf32>
        %mul3A_1781 = arith.mulf %get3A_1779, %gather3A_1760 : vector<16xf32>
        %add3A_1782 = arith.addf %mul3A_1780, %mul3A_1781 : vector<16xf32>
        %swap3A_1783 = arith.index_cast %add3A_1767 : i32 to index
        %swap3A_1784 = arith.constant 0 : index
        %swap3A_1785 = tpu.vector_load %arg8[%swap3A_1783, %swap3A_1784] {strides = array<i32>} : memref<208x64xf32, #tpu.memory_space<vmem>>, vector<1x16xf32>,
        %swap3A_1786 = vector.shape_cast %swap3A_1785 : vector<1x16xf32> to vector<16xf32>
        %swap3A_1787 = vector.shape_cast %add3A_1782 : vector<16xf32> to vector<1x16xf32>
        tpu.vector_store %arg8[%swap3A_1783, %swap3A_1784], %swap3A_1787 {strides = array<i32>} : memref<208x64xf32, #tpu.memory_space<vmem>>, vector<1x16xf32>,
        %get3A_1788 = arith.constant 0 : i32
        %get3A_1789 = arith.index_cast %get3A_1788 : i32 to index
        %get3A_1790 = arith.index_cast %add3A_1767 : i32 to index
        %get3A_1791 = arith.constant 16 : index
        %get3A_1792 = tpu.vector_load %arg7[%get3A_1789, %get3A_1790, %get3A_1791] {strides = array<i32>} : memref<2x224x128xf32, #tpu.memory_space<vmem>>, vector<1x1x16xf32>,
        %get3A_1793 = vector.shape_cast %get3A_1792 : vector<1x1x16xf32> to vector<16xf32>
        %get3A_1794 = arith.constant 0 : i32
        %get3A_1795 = arith.index_cast %get3A_1794 : i32 to index
        %get3A_1796 = arith.index_cast %add3A_1767 : i32 to index
        %get3A_1797 = arith.constant 80 : index
        %get3A_1798 = tpu.vector_load %arg7[%get3A_1795, %get3A_1796, %get3A_1797] {strides = array<i32>} : memref<2x224x128xf32, #tpu.memory_space<vmem>>, vector<1x1x16xf32>,
        %get3A_1799 = vector.shape_cast %get3A_1798 : vector<1x1x16xf32> to vector<16xf32>
        %mul3A_1800 = arith.mulf %get3A_1793, %sub3A_1763 : vector<16xf32>
        %mul3A_1801 = arith.mulf %get3A_1799, %gather3A_1760 : vector<16xf32>
        %add3A_1802 = arith.addf %mul3A_1800, %mul3A_1801 : vector<16xf32>
        %swap3A_1803 = arith.index_cast %add3A_1767 : i32 to index
        %swap3A_1804 = arith.constant 16 : index
        %swap3A_1805 = tpu.vector_load %arg8[%swap3A_1803, %swap3A_1804] {strides = array<i32>} : memref<208x64xf32, #tpu.memory_space<vmem>>, vector<1x16xf32>,
        %swap3A_1806 = vector.shape_cast %swap3A_1805 : vector<1x16xf32> to vector<16xf32>
        %swap3A_1807 = vector.shape_cast %add3A_1802 : vector<16xf32> to vector<1x16xf32>
        tpu.vector_store %arg8[%swap3A_1803, %swap3A_1804], %swap3A_1807 {strides = array<i32>} : memref<208x64xf32, #tpu.memory_space<vmem>>, vector<1x16xf32>,
        %get3A_1808 = arith.constant 0 : i32
        %get3A_1809 = arith.index_cast %get3A_1808 : i32 to index
        %get3A_1810 = arith.index_cast %add3A_1767 : i32 to index
        %get3A_1811 = arith.constant 32 : index
        %get3A_1812 = tpu.vector_load %arg7[%get3A_1809, %get3A_1810, %get3A_1811] {strides = array<i32>} : memref<2x224x128xf32, #tpu.memory_space<vmem>>, vector<1x1x16xf32>,
        %get3A_1813 = vector.shape_cast %get3A_1812 : vector<1x1x16xf32> to vector<16xf32>
        %get3A_1814 = arith.constant 0 : i32
        %get3A_1815 = arith.index_cast %get3A_1814 : i32 to index
        %get3A_1816 = arith.index_cast %add3A_1767 : i32 to index
        %get3A_1817 = arith.constant 96 : index
        %get3A_1818 = tpu.vector_load %arg7[%get3A_1815, %get3A_1816, %get3A_1817] {strides = array<i32>} : memref<2x224x128xf32, #tpu.memory_space<vmem>>, vector<1x1x16xf32>,
        %get3A_1819 = vector.shape_cast %get3A_1818 : vector<1x1x16xf32> to vector<16xf32>
        %mul3A_1820 = arith.mulf %get3A_1813, %sub3A_1763 : vector<16xf32>
        %mul3A_1821 = arith.mulf %get3A_1819, %gather3A_1760 : vector<16xf32>
        %add3A_1822 = arith.addf %mul3A_1820, %mul3A_1821 : vector<16xf32>
        %swap3A_1823 = arith.index_cast %add3A_1767 : i32 to index
        %swap3A_1824 = arith.constant 32 : index
        %swap3A_1825 = tpu.vector_load %arg8[%swap3A_1823, %swap3A_1824] {strides = array<i32>} : memref<208x64xf32, #tpu.memory_space<vmem>>, vector<1x16xf32>,
        %swap3A_1826 = vector.shape_cast %swap3A_1825 : vector<1x16xf32> to vector<16xf32>
        %swap3A_1827 = vector.shape_cast %add3A_1822 : vector<16xf32> to vector<1x16xf32>
        tpu.vector_store %arg8[%swap3A_1823, %swap3A_1824], %swap3A_1827 {strides = array<i32>} : memref<208x64xf32, #tpu.memory_space<vmem>>, vector<1x16xf32>,
        %get3A_1828 = arith.constant 0 : i32
        %get3A_1829 = arith.index_cast %get3A_1828 : i32 to index
        %get3A_1830 = arith.index_cast %add3A_1767 : i32 to index
        %get3A_1831 = arith.constant 48 : index
        %get3A_1832 = tpu.vector_load %arg7[%get3A_1829, %get3A_1830, %get3A_1831] {strides = array<i32>} : memref<2x224x128xf32, #tpu.memory_space<vmem>>, vector<1x1x16xf32>,
        %get3A_1833 = vector.shape_cast %get3A_1832 : vector<1x1x16xf32> to vector<16xf32>
        %get3A_1834 = arith.constant 0 : i32
        %get3A_1835 = arith.index_cast %get3A_1834 : i32 to index
        %get3A_1836 = arith.index_cast %add3A_1767 : i32 to index
        %get3A_1837 = arith.constant 112 : index
        %get3A_1838 = tpu.vector_load %arg7[%get3A_1835, %get3A_1836, %get3A_1837] {strides = array<i32>} : memref<2x224x128xf32, #tpu.memory_space<vmem>>, vector<1x1x16xf32>,
        %get3A_1839 = vector.shape_cast %get3A_1838 : vector<1x1x16xf32> to vector<16xf32>
        %mul3A_1840 = arith.mulf %get3A_1833, %sub3A_1763 : vector<16xf32>
        %mul3A_1841 = arith.mulf %get3A_1839, %gather3A_1760 : vector<16xf32>
        %add3A_1842 = arith.addf %mul3A_1840, %mul3A_1841 : vector<16xf32>
        %swap3A_1843 = arith.index_cast %add3A_1767 : i32 to index
        %swap3A_1844 = arith.constant 48 : index
        %swap3A_1845 = tpu.vector_load %arg8[%swap3A_1843, %swap3A_1844] {strides = array<i32>} : memref<208x64xf32, #tpu.memory_space<vmem>>, vector<1x16xf32>,
        %swap3A_1846 = vector.shape_cast %swap3A_1845 : vector<1x16xf32> to vector<16xf32>
        %swap3A_1847 = vector.shape_cast %add3A_1842 : vector<16xf32> to vector<1x16xf32>
        tpu.vector_store %arg8[%swap3A_1843, %swap3A_1844], %swap3A_1847 {strides = array<i32>} : memref<208x64xf32, #tpu.memory_space<vmem>>, vector<1x16xf32>,
        %broadcast_in_dim3A_1848 = arith.constant 14 : i32
        %broadcast_in_dim3A_1849 = vector.broadcast %broadcast_in_dim3A_1848 : i32 to vector<16xi32>
        %lt3A_1850 = arith.constant 0 : i32
        %lt3A_1851 = vector.broadcast %lt3A_1850 : i32 to vector<16xi32>
        %lt3A_1852 = arith.cmpi slt, %broadcast_in_dim3A_1849, %lt3A_1851 : vector<16xi32>
        %add3A_1853 = arith.constant 16 : i32
        %add3A_1854 = vector.broadcast %add3A_1853 : i32 to vector<16xi32>
        %add3A_1855 = arith.addi %broadcast_in_dim3A_1849, %add3A_1854 : vector<16xi32>
        %select_n3A_1856 = arith.select %lt3A_1852, %add3A_1855, %broadcast_in_dim3A_1849 : vector<16xi1>, vector<16xi32>
        %broadcast_in_dim3A_1857 = vector.shape_cast %select_n3A_1856 : vector<16xi32> to vector<16x1xi32>
        %gather3A_1858 = vector.shape_cast %broadcast_in_dim3A_1857 : vector<16x1xi32> to vector<16xi32>
        %gather3A_1859 = tpu.dynamic_gather %convert_element_type3A_464[%gather3A_1858] in [0] : vector<16xf32>, vector<16xi32> -> vector<16xf32>
        %sub3A_1860 = arith.constant 1.000000e+00 : f32
        %sub3A_1861 = vector.broadcast %sub3A_1860 : f32 to vector<16xf32>
        %sub3A_1862 = arith.subf %sub3A_1861, %gather3A_1859 : vector<16xf32>
        %mul3A_1863 = arith.constant 16 : i32
        %mul3A_1864 = arith.muli %scan3A_453, %mul3A_1863 : i32
        %add3A_1865 = arith.constant 14 : i32
        %add3A_1866 = arith.addi %mul3A_1864, %add3A_1865 : i32
        %get3A_1867 = arith.constant 0 : i32
        %get3A_1868 = arith.index_cast %get3A_1867 : i32 to index
        %get3A_1869 = arith.index_cast %add3A_1866 : i32 to index
        %get3A_1870 = arith.constant 0 : index
        %get3A_1871 = tpu.vector_load %arg7[%get3A_1868, %get3A_1869, %get3A_1870] {strides = array<i32>} : memref<2x224x128xf32, #tpu.memory_space<vmem>>, vector<1x1x16xf32>,
        %get3A_1872 = vector.shape_cast %get3A_1871 : vector<1x1x16xf32> to vector<16xf32>
        %get3A_1873 = arith.constant 0 : i32
        %get3A_1874 = arith.index_cast %get3A_1873 : i32 to index
        %get3A_1875 = arith.index_cast %add3A_1866 : i32 to index
        %get3A_1876 = arith.constant 64 : index
        %get3A_1877 = tpu.vector_load %arg7[%get3A_1874, %get3A_1875, %get3A_1876] {strides = array<i32>} : memref<2x224x128xf32, #tpu.memory_space<vmem>>, vector<1x1x16xf32>,
        %get3A_1878 = vector.shape_cast %get3A_1877 : vector<1x1x16xf32> to vector<16xf32>
        %mul3A_1879 = arith.mulf %get3A_1872, %sub3A_1862 : vector<16xf32>
        %mul3A_1880 = arith.mulf %get3A_1878, %gather3A_1859 : vector<16xf32>
        %add3A_1881 = arith.addf %mul3A_1879, %mul3A_1880 : vector<16xf32>
        %swap3A_1882 = arith.index_cast %add3A_1866 : i32 to index
        %swap3A_1883 = arith.constant 0 : index
        %swap3A_1884 = tpu.vector_load %arg8[%swap3A_1882, %swap3A_1883] {strides = array<i32>} : memref<208x64xf32, #tpu.memory_space<vmem>>, vector<1x16xf32>,
        %swap3A_1885 = vector.shape_cast %swap3A_1884 : vector<1x16xf32> to vector<16xf32>
        %swap3A_1886 = vector.shape_cast %add3A_1881 : vector<16xf32> to vector<1x16xf32>
        tpu.vector_store %arg8[%swap3A_1882, %swap3A_1883], %swap3A_1886 {strides = array<i32>} : memref<208x64xf32, #tpu.memory_space<vmem>>, vector<1x16xf32>,
        %get3A_1887 = arith.constant 0 : i32
        %get3A_1888 = arith.index_cast %get3A_1887 : i32 to index
        %get3A_1889 = arith.index_cast %add3A_1866 : i32 to index
        %get3A_1890 = arith.constant 16 : index
        %get3A_1891 = tpu.vector_load %arg7[%get3A_1888, %get3A_1889, %get3A_1890] {strides = array<i32>} : memref<2x224x128xf32, #tpu.memory_space<vmem>>, vector<1x1x16xf32>,
        %get3A_1892 = vector.shape_cast %get3A_1891 : vector<1x1x16xf32> to vector<16xf32>
        %get3A_1893 = arith.constant 0 : i32
        %get3A_1894 = arith.index_cast %get3A_1893 : i32 to index
        %get3A_1895 = arith.index_cast %add3A_1866 : i32 to index
        %get3A_1896 = arith.constant 80 : index
        %get3A_1897 = tpu.vector_load %arg7[%get3A_1894, %get3A_1895, %get3A_1896] {strides = array<i32>} : memref<2x224x128xf32, #tpu.memory_space<vmem>>, vector<1x1x16xf32>,
        %get3A_1898 = vector.shape_cast %get3A_1897 : vector<1x1x16xf32> to vector<16xf32>
        %mul3A_1899 = arith.mulf %get3A_1892, %sub3A_1862 : vector<16xf32>
        %mul3A_1900 = arith.mulf %get3A_1898, %gather3A_1859 : vector<16xf32>
        %add3A_1901 = arith.addf %mul3A_1899, %mul3A_1900 : vector<16xf32>
        %swap3A_1902 = arith.index_cast %add3A_1866 : i32 to index
        %swap3A_1903 = arith.constant 16 : index
        %swap3A_1904 = tpu.vector_load %arg8[%swap3A_1902, %swap3A_1903] {strides = array<i32>} : memref<208x64xf32, #tpu.memory_space<vmem>>, vector<1x16xf32>,
        %swap3A_1905 = vector.shape_cast %swap3A_1904 : vector<1x16xf32> to vector<16xf32>
        %swap3A_1906 = vector.shape_cast %add3A_1901 : vector<16xf32> to vector<1x16xf32>
        tpu.vector_store %arg8[%swap3A_1902, %swap3A_1903], %swap3A_1906 {strides = array<i32>} : memref<208x64xf32, #tpu.memory_space<vmem>>, vector<1x16xf32>,
        %get3A_1907 = arith.constant 0 : i32
        %get3A_1908 = arith.index_cast %get3A_1907 : i32 to index
        %get3A_1909 = arith.index_cast %add3A_1866 : i32 to index
        %get3A_1910 = arith.constant 32 : index
        %get3A_1911 = tpu.vector_load %arg7[%get3A_1908, %get3A_1909, %get3A_1910] {strides = array<i32>} : memref<2x224x128xf32, #tpu.memory_space<vmem>>, vector<1x1x16xf32>,
        %get3A_1912 = vector.shape_cast %get3A_1911 : vector<1x1x16xf32> to vector<16xf32>
        %get3A_1913 = arith.constant 0 : i32
        %get3A_1914 = arith.index_cast %get3A_1913 : i32 to index
        %get3A_1915 = arith.index_cast %add3A_1866 : i32 to index
        %get3A_1916 = arith.constant 96 : index
        %get3A_1917 = tpu.vector_load %arg7[%get3A_1914, %get3A_1915, %get3A_1916] {strides = array<i32>} : memref<2x224x128xf32, #tpu.memory_space<vmem>>, vector<1x1x16xf32>,
        %get3A_1918 = vector.shape_cast %get3A_1917 : vector<1x1x16xf32> to vector<16xf32>
        %mul3A_1919 = arith.mulf %get3A_1912, %sub3A_1862 : vector<16xf32>
        %mul3A_1920 = arith.mulf %get3A_1918, %gather3A_1859 : vector<16xf32>
        %add3A_1921 = arith.addf %mul3A_1919, %mul3A_1920 : vector<16xf32>
        %swap3A_1922 = arith.index_cast %add3A_1866 : i32 to index
        %swap3A_1923 = arith.constant 32 : index
        %swap3A_1924 = tpu.vector_load %arg8[%swap3A_1922, %swap3A_1923] {strides = array<i32>} : memref<208x64xf32, #tpu.memory_space<vmem>>, vector<1x16xf32>,
        %swap3A_1925 = vector.shape_cast %swap3A_1924 : vector<1x16xf32> to vector<16xf32>
        %swap3A_1926 = vector.shape_cast %add3A_1921 : vector<16xf32> to vector<1x16xf32>
        tpu.vector_store %arg8[%swap3A_1922, %swap3A_1923], %swap3A_1926 {strides = array<i32>} : memref<208x64xf32, #tpu.memory_space<vmem>>, vector<1x16xf32>,
        %get3A_1927 = arith.constant 0 : i32
        %get3A_1928 = arith.index_cast %get3A_1927 : i32 to index
        %get3A_1929 = arith.index_cast %add3A_1866 : i32 to index
        %get3A_1930 = arith.constant 48 : index
        %get3A_1931 = tpu.vector_load %arg7[%get3A_1928, %get3A_1929, %get3A_1930] {strides = array<i32>} : memref<2x224x128xf32, #tpu.memory_space<vmem>>, vector<1x1x16xf32>,
        %get3A_1932 = vector.shape_cast %get3A_1931 : vector<1x1x16xf32> to vector<16xf32>
        %get3A_1933 = arith.constant 0 : i32
        %get3A_1934 = arith.index_cast %get3A_1933 : i32 to index
        %get3A_1935 = arith.index_cast %add3A_1866 : i32 to index
        %get3A_1936 = arith.constant 112 : index
        %get3A_1937 = tpu.vector_load %arg7[%get3A_1934, %get3A_1935, %get3A_1936] {strides = array<i32>} : memref<2x224x128xf32, #tpu.memory_space<vmem>>, vector<1x1x16xf32>,
        %get3A_1938 = vector.shape_cast %get3A_1937 : vector<1x1x16xf32> to vector<16xf32>
        %mul3A_1939 = arith.mulf %get3A_1932, %sub3A_1862 : vector<16xf32>
        %mul3A_1940 = arith.mulf %get3A_1938, %gather3A_1859 : vector<16xf32>
        %add3A_1941 = arith.addf %mul3A_1939, %mul3A_1940 : vector<16xf32>
        %swap3A_1942 = arith.index_cast %add3A_1866 : i32 to index
        %swap3A_1943 = arith.constant 48 : index
        %swap3A_1944 = tpu.vector_load %arg8[%swap3A_1942, %swap3A_1943] {strides = array<i32>} : memref<208x64xf32, #tpu.memory_space<vmem>>, vector<1x16xf32>,
        %swap3A_1945 = vector.shape_cast %swap3A_1944 : vector<1x16xf32> to vector<16xf32>
        %swap3A_1946 = vector.shape_cast %add3A_1941 : vector<16xf32> to vector<1x16xf32>
        tpu.vector_store %arg8[%swap3A_1942, %swap3A_1943], %swap3A_1946 {strides = array<i32>} : memref<208x64xf32, #tpu.memory_space<vmem>>, vector<1x16xf32>,
        %broadcast_in_dim3A_1947 = arith.constant 15 : i32
        %broadcast_in_dim3A_1948 = vector.broadcast %broadcast_in_dim3A_1947 : i32 to vector<16xi32>
        %lt3A_1949 = arith.constant 0 : i32
        %lt3A_1950 = vector.broadcast %lt3A_1949 : i32 to vector<16xi32>
        %lt3A_1951 = arith.cmpi slt, %broadcast_in_dim3A_1948, %lt3A_1950 : vector<16xi32>
        %add3A_1952 = arith.constant 16 : i32
        %add3A_1953 = vector.broadcast %add3A_1952 : i32 to vector<16xi32>
        %add3A_1954 = arith.addi %broadcast_in_dim3A_1948, %add3A_1953 : vector<16xi32>
        %select_n3A_1955 = arith.select %lt3A_1951, %add3A_1954, %broadcast_in_dim3A_1948 : vector<16xi1>, vector<16xi32>
        %broadcast_in_dim3A_1956 = vector.shape_cast %select_n3A_1955 : vector<16xi32> to vector<16x1xi32>
        %gather3A_1957 = vector.shape_cast %broadcast_in_dim3A_1956 : vector<16x1xi32> to vector<16xi32>
        %gather3A_1958 = tpu.dynamic_gather %convert_element_type3A_464[%gather3A_1957] in [0] : vector<16xf32>, vector<16xi32> -> vector<16xf32>
        %sub3A_1959 = arith.constant 1.000000e+00 : f32
        %sub3A_1960 = vector.broadcast %sub3A_1959 : f32 to vector<16xf32>
        %sub3A_1961 = arith.subf %sub3A_1960, %gather3A_1958 : vector<16xf32>
        %mul3A_1962 = arith.constant 16 : i32
        %mul3A_1963 = arith.muli %scan3A_453, %mul3A_1962 : i32
        %add3A_1964 = arith.constant 15 : i32
        %add3A_1965 = arith.addi %mul3A_1963, %add3A_1964 : i32
        %get3A_1966 = arith.constant 0 : i32
        %get3A_1967 = arith.index_cast %get3A_1966 : i32 to index
        %get3A_1968 = arith.index_cast %add3A_1965 : i32 to index
        %get3A_1969 = arith.constant 0 : index
        %get3A_1970 = tpu.vector_load %arg7[%get3A_1967, %get3A_1968, %get3A_1969] {strides = array<i32>} : memref<2x224x128xf32, #tpu.memory_space<vmem>>, vector<1x1x16xf32>,
        %get3A_1971 = vector.shape_cast %get3A_1970 : vector<1x1x16xf32> to vector<16xf32>
        %get3A_1972 = arith.constant 0 : i32
        %get3A_1973 = arith.index_cast %get3A_1972 : i32 to index
        %get3A_1974 = arith.index_cast %add3A_1965 : i32 to index
        %get3A_1975 = arith.constant 64 : index
        %get3A_1976 = tpu.vector_load %arg7[%get3A_1973, %get3A_1974, %get3A_1975] {strides = array<i32>} : memref<2x224x128xf32, #tpu.memory_space<vmem>>, vector<1x1x16xf32>,
        %get3A_1977 = vector.shape_cast %get3A_1976 : vector<1x1x16xf32> to vector<16xf32>
        %mul3A_1978 = arith.mulf %get3A_1971, %sub3A_1961 : vector<16xf32>
        %mul3A_1979 = arith.mulf %get3A_1977, %gather3A_1958 : vector<16xf32>
        %add3A_1980 = arith.addf %mul3A_1978, %mul3A_1979 : vector<16xf32>
        %swap3A_1981 = arith.index_cast %add3A_1965 : i32 to index
        %swap3A_1982 = arith.constant 0 : index
        %swap3A_1983 = tpu.vector_load %arg8[%swap3A_1981, %swap3A_1982] {strides = array<i32>} : memref<208x64xf32, #tpu.memory_space<vmem>>, vector<1x16xf32>,
        %swap3A_1984 = vector.shape_cast %swap3A_1983 : vector<1x16xf32> to vector<16xf32>
        %swap3A_1985 = vector.shape_cast %add3A_1980 : vector<16xf32> to vector<1x16xf32>
        tpu.vector_store %arg8[%swap3A_1981, %swap3A_1982], %swap3A_1985 {strides = array<i32>} : memref<208x64xf32, #tpu.memory_space<vmem>>, vector<1x16xf32>,
        %get3A_1986 = arith.constant 0 : i32
        %get3A_1987 = arith.index_cast %get3A_1986 : i32 to index
        %get3A_1988 = arith.index_cast %add3A_1965 : i32 to index
        %get3A_1989 = arith.constant 16 : index
        %get3A_1990 = tpu.vector_load %arg7[%get3A_1987, %get3A_1988, %get3A_1989] {strides = array<i32>} : memref<2x224x128xf32, #tpu.memory_space<vmem>>, vector<1x1x16xf32>,
        %get3A_1991 = vector.shape_cast %get3A_1990 : vector<1x1x16xf32> to vector<16xf32>
        %get3A_1992 = arith.constant 0 : i32
        %get3A_1993 = arith.index_cast %get3A_1992 : i32 to index
        %get3A_1994 = arith.index_cast %add3A_1965 : i32 to index
        %get3A_1995 = arith.constant 80 : index
        %get3A_1996 = tpu.vector_load %arg7[%get3A_1993, %get3A_1994, %get3A_1995] {strides = array<i32>} : memref<2x224x128xf32, #tpu.memory_space<vmem>>, vector<1x1x16xf32>,
        %get3A_1997 = vector.shape_cast %get3A_1996 : vector<1x1x16xf32> to vector<16xf32>
        %mul3A_1998 = arith.mulf %get3A_1991, %sub3A_1961 : vector<16xf32>
        %mul3A_1999 = arith.mulf %get3A_1997, %gather3A_1958 : vector<16xf32>
        %add3A_2000 = arith.addf %mul3A_1998, %mul3A_1999 : vector<16xf32>
        %swap3A_2001 = arith.index_cast %add3A_1965 : i32 to index
        %swap3A_2002 = arith.constant 16 : index
        %swap3A_2003 = tpu.vector_load %arg8[%swap3A_2001, %swap3A_2002] {strides = array<i32>} : memref<208x64xf32, #tpu.memory_space<vmem>>, vector<1x16xf32>,
        %swap3A_2004 = vector.shape_cast %swap3A_2003 : vector<1x16xf32> to vector<16xf32>
        %swap3A_2005 = vector.shape_cast %add3A_2000 : vector<16xf32> to vector<1x16xf32>
        tpu.vector_store %arg8[%swap3A_2001, %swap3A_2002], %swap3A_2005 {strides = array<i32>} : memref<208x64xf32, #tpu.memory_space<vmem>>, vector<1x16xf32>,
        %get3A_2006 = arith.constant 0 : i32
        %get3A_2007 = arith.index_cast %get3A_2006 : i32 to index
        %get3A_2008 = arith.index_cast %add3A_1965 : i32 to index
        %get3A_2009 = arith.constant 32 : index
        %get3A_2010 = tpu.vector_load %arg7[%get3A_2007, %get3A_2008, %get3A_2009] {strides = array<i32>} : memref<2x224x128xf32, #tpu.memory_space<vmem>>, vector<1x1x16xf32>,
        %get3A_2011 = vector.shape_cast %get3A_2010 : vector<1x1x16xf32> to vector<16xf32>
        %get3A_2012 = arith.constant 0 : i32
        %get3A_2013 = arith.index_cast %get3A_2012 : i32 to index
        %get3A_2014 = arith.index_cast %add3A_1965 : i32 to index
        %get3A_2015 = arith.constant 96 : index
        %get3A_2016 = tpu.vector_load %arg7[%get3A_2013, %get3A_2014, %get3A_2015] {strides = array<i32>} : memref<2x224x128xf32, #tpu.memory_space<vmem>>, vector<1x1x16xf32>,
        %get3A_2017 = vector.shape_cast %get3A_2016 : vector<1x1x16xf32> to vector<16xf32>
        %mul3A_2018 = arith.mulf %get3A_2011, %sub3A_1961 : vector<16xf32>
        %mul3A_2019 = arith.mulf %get3A_2017, %gather3A_1958 : vector<16xf32>
        %add3A_2020 = arith.addf %mul3A_2018, %mul3A_2019 : vector<16xf32>
        %swap3A_2021 = arith.index_cast %add3A_1965 : i32 to index
        %swap3A_2022 = arith.constant 32 : index
        %swap3A_2023 = tpu.vector_load %arg8[%swap3A_2021, %swap3A_2022] {strides = array<i32>} : memref<208x64xf32, #tpu.memory_space<vmem>>, vector<1x16xf32>,
        %swap3A_2024 = vector.shape_cast %swap3A_2023 : vector<1x16xf32> to vector<16xf32>
        %swap3A_2025 = vector.shape_cast %add3A_2020 : vector<16xf32> to vector<1x16xf32>
        tpu.vector_store %arg8[%swap3A_2021, %swap3A_2022], %swap3A_2025 {strides = array<i32>} : memref<208x64xf32, #tpu.memory_space<vmem>>, vector<1x16xf32>,
        %get3A_2026 = arith.constant 0 : i32
        %get3A_2027 = arith.index_cast %get3A_2026 : i32 to index
        %get3A_2028 = arith.index_cast %add3A_1965 : i32 to index
        %get3A_2029 = arith.constant 48 : index
        %get3A_2030 = tpu.vector_load %arg7[%get3A_2027, %get3A_2028, %get3A_2029] {strides = array<i32>} : memref<2x224x128xf32, #tpu.memory_space<vmem>>, vector<1x1x16xf32>,
        %get3A_2031 = vector.shape_cast %get3A_2030 : vector<1x1x16xf32> to vector<16xf32>
        %get3A_2032 = arith.constant 0 : i32
        %get3A_2033 = arith.index_cast %get3A_2032 : i32 to index
        %get3A_2034 = arith.index_cast %add3A_1965 : i32 to index
        %get3A_2035 = arith.constant 112 : index
        %get3A_2036 = tpu.vector_load %arg7[%get3A_2033, %get3A_2034, %get3A_2035] {strides = array<i32>} : memref<2x224x128xf32, #tpu.memory_space<vmem>>, vector<1x1x16xf32>,
        %get3A_2037 = vector.shape_cast %get3A_2036 : vector<1x1x16xf32> to vector<16xf32>
        %mul3A_2038 = arith.mulf %get3A_2031, %sub3A_1961 : vector<16xf32>
        %mul3A_2039 = arith.mulf %get3A_2037, %gather3A_1958 : vector<16xf32>
        %add3A_2040 = arith.addf %mul3A_2038, %mul3A_2039 : vector<16xf32>
        %swap3A_2041 = arith.index_cast %add3A_1965 : i32 to index
        %swap3A_2042 = arith.constant 48 : index
        %swap3A_2043 = tpu.vector_load %arg8[%swap3A_2041, %swap3A_2042] {strides = array<i32>} : memref<208x64xf32, #tpu.memory_space<vmem>>, vector<1x16xf32>,
        %swap3A_2044 = vector.shape_cast %swap3A_2043 : vector<1x16xf32> to vector<16xf32>
        %swap3A_2045 = vector.shape_cast %add3A_2040 : vector<16xf32> to vector<1x16xf32>
        tpu.vector_store %arg8[%swap3A_2041, %swap3A_2042], %swap3A_2045 {strides = array<i32>} : memref<208x64xf32, #tpu.memory_space<vmem>>, vector<1x16xf32>,
      }
      %scan3A_352 = arith.constant 13 : i32
      %add3A_353 = arith.addi %mul3A_4, %add3A_290 : i32
      %dma_start3A_354 = arith.constant 0 : i32
      %dma_start3A_355 = arith.constant 0 : i32
      %dma_start3A_356 = tpu.memref_slice %arg8[%dma_start3A_354, %dma_start3A_355] : memref<208x64xf32, #tpu.memory_space<vmem>> -> memref<200x64xf32, #tpu.memory_space<vmem>>
      %dma_start3A_357 = arith.constant 0 : i32
      %dma_start3A_358 = arith.constant 0 : i32
      %dma_start3A_359 = tpu.memref_slice %arg4[%add3A_353, %dma_start3A_357, %dma_start3A_358] : memref<4096x200x64xf32, #tpu.memory_space<hbm>> -> memref<1x200x64xf32, #tpu.memory_space<hbm>>
      %dma_start3A_360 = tpu.memref_squeeze %dma_start3A_359 : memref<1x200x64xf32, #tpu.memory_space<hbm>> -> memref<200x64xf32, #tpu.memory_space<hbm>>
      %dma_start3A_361 = arith.constant 0 : i32
      %dma_start3A_362 = arith.constant 0 : i32
      %dma_start3A_363 = tpu.memref_slice %arg4[%add3A_353, %dma_start3A_361, %dma_start3A_362] : memref<4096x200x64xf32, #tpu.memory_space<hbm>> -> memref<1x200x64xf32, #tpu.memory_space<hbm>>
      %dma_start3A_364 = tpu.memref_squeeze %dma_start3A_363 : memref<1x200x64xf32, #tpu.memory_space<hbm>> -> memref<200x64xf32, #tpu.memory_space<hbm>>
      %dma_start3A_365 = arith.constant 0 : i32
      %dma_start3A_366 = arith.constant 0 : i32
      %dma_start3A_367 = tpu.memref_slice %arg8[%dma_start3A_365, %dma_start3A_366] : memref<208x64xf32, #tpu.memory_space<vmem>> -> memref<200x64xf32, #tpu.memory_space<vmem>>
      tpu.enqueue_dma source(%dma_start3A_367 : memref<200x64xf32, #tpu.memory_space<vmem>>) target(%dma_start3A_364 : memref<200x64xf32, #tpu.memory_space<hbm>>) target_semaphore(%arg11 : memref<!tpu.dma_semaphore, #tpu.memory_space<semaphore_mem>>)
      %mul3A_368 = arith.constant 2 : i32
      %mul3A_369 = arith.muli %scan3A_286, %mul3A_368 : i32
      %add3A_370 = arith.constant 1 : i32
      %add3A_371 = arith.addi %mul3A_369, %add3A_370 : i32
      %add3A_372 = arith.constant 1 : i32
      %add3A_373 = arith.addi %add3A_371, %add3A_372 : i32
      %lt3A_374 = arith.constant 128 : i32
      %lt3A_375 = arith.cmpi slt, %add3A_373, %lt3A_374 : i32
      %convert_element_type3A_376 = arith.extui %lt3A_375 : i1 to i32
      %cond3A_377 = arith.constant 0 : i32
      %cond3A_378 = arith.cmpi ne, %convert_element_type3A_376, %cond3A_377 : i32
      scf.if %cond3A_378 {
        %add3A_453 = arith.constant 1 : i32
        %add3A_454 = arith.addi %add3A_371, %add3A_453 : i32
        %mul3A_455 = arith.constant 200 : i32
        %mul3A_456 = arith.muli %add3A_454, %mul3A_455 : i32
        %add3A_457 = arith.constant 0 : i32
        %add3A_458 = arith.addi %mul3A_456, %add3A_457 : i32
        %get3A_459 = arith.index_cast %add3A_458 : i32 to index
        %get3A_460 = tpu.vector_load %arg5[%get3A_459] {strides = array<i32>} : memref<25632xi32, #tpu.memory_space<vmem>>, vector<16xi32>,
        %get3A_461 = vector.shape_cast %get3A_460 : vector<16xi32> to vector<16xi32>
        %shift_right_logical3A_462 = arith.constant 1 : i32
        %shift_right_logical3A_463 = vector.broadcast %shift_right_logical3A_462 : i32 to vector<16xi32>
        %shift_right_logical3A_464 = arith.shrui %get3A_461, %shift_right_logical3A_463 : vector<16xi32>
        %swap3A_465 = arith.constant 0 : i32
        %swap3A_466 = arith.constant 0 : i32
        %swap3A_467 = arith.index_cast %swap3A_465 : i32 to index
        %swap3A_468 = arith.index_cast %swap3A_466 : i32 to index
        %swap3A_469 = arith.constant 0 : index
        %swap3A_470 = tpu.vector_load %arg6[%swap3A_467, %swap3A_468, %swap3A_469] {strides = array<i32>} : memref<2x2x128xi32, #tpu.memory_space<vmem>>, vector<1x1x16xi32>,
        %swap3A_471 = vector.shape_cast %swap3A_470 : vector<1x1x16xi32> to vector<16xi32>
        %swap3A_472 = vector.shape_cast %shift_right_logical3A_464 : vector<16xi32> to vector<1x1x16xi32>
        tpu.vector_store %arg6[%swap3A_467, %swap3A_468, %swap3A_469], %swap3A_472 {strides = array<i32>} : memref<2x2x128xi32, #tpu.memory_space<vmem>>, vector<1x1x16xi32>,
        %mul3A_473 = arith.constant 200 : i32
        %mul3A_474 = arith.muli %add3A_454, %mul3A_473 : i32
        %add3A_475 = arith.constant 16 : i32
        %add3A_476 = arith.addi %mul3A_474, %add3A_475 : i32
        %get3A_477 = arith.index_cast %add3A_476 : i32 to index
        %get3A_478 = tpu.vector_load %arg5[%get3A_477] {strides = array<i32>} : memref<25632xi32, #tpu.memory_space<vmem>>, vector<16xi32>,
        %get3A_479 = vector.shape_cast %get3A_478 : vector<16xi32> to vector<16xi32>
        %shift_right_logical3A_480 = arith.constant 1 : i32
        %shift_right_logical3A_481 = vector.broadcast %shift_right_logical3A_480 : i32 to vector<16xi32>
        %shift_right_logical3A_482 = arith.shrui %get3A_479, %shift_right_logical3A_481 : vector<16xi32>
        %swap3A_483 = arith.constant 0 : i32
        %swap3A_484 = arith.constant 0 : i32
        %swap3A_485 = arith.index_cast %swap3A_483 : i32 to index
        %swap3A_486 = arith.index_cast %swap3A_484 : i32 to index
        %swap3A_487 = arith.constant 16 : index
        %swap3A_488 = tpu.vector_load %arg6[%swap3A_485, %swap3A_486, %swap3A_487] {strides = array<i32>} : memref<2x2x128xi32, #tpu.memory_space<vmem>>, vector<1x1x16xi32>,
        %swap3A_489 = vector.shape_cast %swap3A_488 : vector<1x1x16xi32> to vector<16xi32>
        %swap3A_490 = vector.shape_cast %shift_right_logical3A_482 : vector<16xi32> to vector<1x1x16xi32>
        tpu.vector_store %arg6[%swap3A_485, %swap3A_486, %swap3A_487], %swap3A_490 {strides = array<i32>} : memref<2x2x128xi32, #tpu.memory_space<vmem>>, vector<1x1x16xi32>,
        %mul3A_491 = arith.constant 200 : i32
        %mul3A_492 = arith.muli %add3A_454, %mul3A_491 : i32
        %add3A_493 = arith.constant 32 : i32
        %add3A_494 = arith.addi %mul3A_492, %add3A_493 : i32
        %get3A_495 = arith.index_cast %add3A_494 : i32 to index
        %get3A_496 = tpu.vector_load %arg5[%get3A_495] {strides = array<i32>} : memref<25632xi32, #tpu.memory_space<vmem>>, vector<16xi32>,
        %get3A_497 = vector.shape_cast %get3A_496 : vector<16xi32> to vector<16xi32>
        %shift_right_logical3A_498 = arith.constant 1 : i32
        %shift_right_logical3A_499 = vector.broadcast %shift_right_logical3A_498 : i32 to vector<16xi32>
        %shift_right_logical3A_500 = arith.shrui %get3A_497, %shift_right_logical3A_499 : vector<16xi32>
        %swap3A_501 = arith.constant 0 : i32
        %swap3A_502 = arith.constant 0 : i32
        %swap3A_503 = arith.index_cast %swap3A_501 : i32 to index
        %swap3A_504 = arith.index_cast %swap3A_502 : i32 to index
        %swap3A_505 = arith.constant 32 : index
        %swap3A_506 = tpu.vector_load %arg6[%swap3A_503, %swap3A_504, %swap3A_505] {strides = array<i32>} : memref<2x2x128xi32, #tpu.memory_space<vmem>>, vector<1x1x16xi32>,
        %swap3A_507 = vector.shape_cast %swap3A_506 : vector<1x1x16xi32> to vector<16xi32>
        %swap3A_508 = vector.shape_cast %shift_right_logical3A_500 : vector<16xi32> to vector<1x1x16xi32>
        tpu.vector_store %arg6[%swap3A_503, %swap3A_504, %swap3A_505], %swap3A_508 {strides = array<i32>} : memref<2x2x128xi32, #tpu.memory_space<vmem>>, vector<1x1x16xi32>,
        %mul3A_509 = arith.constant 200 : i32
        %mul3A_510 = arith.muli %add3A_454, %mul3A_509 : i32
        %add3A_511 = arith.constant 48 : i32
        %add3A_512 = arith.addi %mul3A_510, %add3A_511 : i32
        %get3A_513 = arith.index_cast %add3A_512 : i32 to index
        %get3A_514 = tpu.vector_load %arg5[%get3A_513] {strides = array<i32>} : memref<25632xi32, #tpu.memory_space<vmem>>, vector<16xi32>,
        %get3A_515 = vector.shape_cast %get3A_514 : vector<16xi32> to vector<16xi32>
        %shift_right_logical3A_516 = arith.constant 1 : i32
        %shift_right_logical3A_517 = vector.broadcast %shift_right_logical3A_516 : i32 to vector<16xi32>
        %shift_right_logical3A_518 = arith.shrui %get3A_515, %shift_right_logical3A_517 : vector<16xi32>
        %swap3A_519 = arith.constant 0 : i32
        %swap3A_520 = arith.constant 0 : i32
        %swap3A_521 = arith.index_cast %swap3A_519 : i32 to index
        %swap3A_522 = arith.index_cast %swap3A_520 : i32 to index
        %swap3A_523 = arith.constant 48 : index
        %swap3A_524 = tpu.vector_load %arg6[%swap3A_521, %swap3A_522, %swap3A_523] {strides = array<i32>} : memref<2x2x128xi32, #tpu.memory_space<vmem>>, vector<1x1x16xi32>,
        %swap3A_525 = vector.shape_cast %swap3A_524 : vector<1x1x16xi32> to vector<16xi32>
        %swap3A_526 = vector.shape_cast %shift_right_logical3A_518 : vector<16xi32> to vector<1x1x16xi32>
        tpu.vector_store %arg6[%swap3A_521, %swap3A_522, %swap3A_523], %swap3A_526 {strides = array<i32>} : memref<2x2x128xi32, #tpu.memory_space<vmem>>, vector<1x1x16xi32>,
        %mul3A_527 = arith.constant 200 : i32
        %mul3A_528 = arith.muli %add3A_454, %mul3A_527 : i32
        %add3A_529 = arith.constant 64 : i32
        %add3A_530 = arith.addi %mul3A_528, %add3A_529 : i32
        %get3A_531 = arith.index_cast %add3A_530 : i32 to index
        %get3A_532 = tpu.vector_load %arg5[%get3A_531] {strides = array<i32>} : memref<25632xi32, #tpu.memory_space<vmem>>, vector<16xi32>,
        %get3A_533 = vector.shape_cast %get3A_532 : vector<16xi32> to vector<16xi32>
        %shift_right_logical3A_534 = arith.constant 1 : i32
        %shift_right_logical3A_535 = vector.broadcast %shift_right_logical3A_534 : i32 to vector<16xi32>
        %shift_right_logical3A_536 = arith.shrui %get3A_533, %shift_right_logical3A_535 : vector<16xi32>
        %swap3A_537 = arith.constant 0 : i32
        %swap3A_538 = arith.constant 0 : i32
        %swap3A_539 = arith.index_cast %swap3A_537 : i32 to index
        %swap3A_540 = arith.index_cast %swap3A_538 : i32 to index
        %swap3A_541 = arith.constant 64 : index
        %swap3A_542 = tpu.vector_load %arg6[%swap3A_539, %swap3A_540, %swap3A_541] {strides = array<i32>} : memref<2x2x128xi32, #tpu.memory_space<vmem>>, vector<1x1x16xi32>,
        %swap3A_543 = vector.shape_cast %swap3A_542 : vector<1x1x16xi32> to vector<16xi32>
        %swap3A_544 = vector.shape_cast %shift_right_logical3A_536 : vector<16xi32> to vector<1x1x16xi32>
        tpu.vector_store %arg6[%swap3A_539, %swap3A_540, %swap3A_541], %swap3A_544 {strides = array<i32>} : memref<2x2x128xi32, #tpu.memory_space<vmem>>, vector<1x1x16xi32>,
        %mul3A_545 = arith.constant 200 : i32
        %mul3A_546 = arith.muli %add3A_454, %mul3A_545 : i32
        %add3A_547 = arith.constant 80 : i32
        %add3A_548 = arith.addi %mul3A_546, %add3A_547 : i32
        %get3A_549 = arith.index_cast %add3A_548 : i32 to index
        %get3A_550 = tpu.vector_load %arg5[%get3A_549] {strides = array<i32>} : memref<25632xi32, #tpu.memory_space<vmem>>, vector<16xi32>,
        %get3A_551 = vector.shape_cast %get3A_550 : vector<16xi32> to vector<16xi32>
        %shift_right_logical3A_552 = arith.constant 1 : i32
        %shift_right_logical3A_553 = vector.broadcast %shift_right_logical3A_552 : i32 to vector<16xi32>
        %shift_right_logical3A_554 = arith.shrui %get3A_551, %shift_right_logical3A_553 : vector<16xi32>
        %swap3A_555 = arith.constant 0 : i32
        %swap3A_556 = arith.constant 0 : i32
        %swap3A_557 = arith.index_cast %swap3A_555 : i32 to index
        %swap3A_558 = arith.index_cast %swap3A_556 : i32 to index
        %swap3A_559 = arith.constant 80 : index
        %swap3A_560 = tpu.vector_load %arg6[%swap3A_557, %swap3A_558, %swap3A_559] {strides = array<i32>} : memref<2x2x128xi32, #tpu.memory_space<vmem>>, vector<1x1x16xi32>,
        %swap3A_561 = vector.shape_cast %swap3A_560 : vector<1x1x16xi32> to vector<16xi32>
        %swap3A_562 = vector.shape_cast %shift_right_logical3A_554 : vector<16xi32> to vector<1x1x16xi32>
        tpu.vector_store %arg6[%swap3A_557, %swap3A_558, %swap3A_559], %swap3A_562 {strides = array<i32>} : memref<2x2x128xi32, #tpu.memory_space<vmem>>, vector<1x1x16xi32>,
        %mul3A_563 = arith.constant 200 : i32
        %mul3A_564 = arith.muli %add3A_454, %mul3A_563 : i32
        %add3A_565 = arith.constant 96 : i32
        %add3A_566 = arith.addi %mul3A_564, %add3A_565 : i32
        %get3A_567 = arith.index_cast %add3A_566 : i32 to index
        %get3A_568 = tpu.vector_load %arg5[%get3A_567] {strides = array<i32>} : memref<25632xi32, #tpu.memory_space<vmem>>, vector<16xi32>,
        %get3A_569 = vector.shape_cast %get3A_568 : vector<16xi32> to vector<16xi32>
        %shift_right_logical3A_570 = arith.constant 1 : i32
        %shift_right_logical3A_571 = vector.broadcast %shift_right_logical3A_570 : i32 to vector<16xi32>
        %shift_right_logical3A_572 = arith.shrui %get3A_569, %shift_right_logical3A_571 : vector<16xi32>
        %swap3A_573 = arith.constant 0 : i32
        %swap3A_574 = arith.constant 0 : i32
        %swap3A_575 = arith.index_cast %swap3A_573 : i32 to index
        %swap3A_576 = arith.index_cast %swap3A_574 : i32 to index
        %swap3A_577 = arith.constant 96 : index
        %swap3A_578 = tpu.vector_load %arg6[%swap3A_575, %swap3A_576, %swap3A_577] {strides = array<i32>} : memref<2x2x128xi32, #tpu.memory_space<vmem>>, vector<1x1x16xi32>,
        %swap3A_579 = vector.shape_cast %swap3A_578 : vector<1x1x16xi32> to vector<16xi32>
        %swap3A_580 = vector.shape_cast %shift_right_logical3A_572 : vector<16xi32> to vector<1x1x16xi32>
        tpu.vector_store %arg6[%swap3A_575, %swap3A_576, %swap3A_577], %swap3A_580 {strides = array<i32>} : memref<2x2x128xi32, #tpu.memory_space<vmem>>, vector<1x1x16xi32>,
        %mul3A_581 = arith.constant 200 : i32
        %mul3A_582 = arith.muli %add3A_454, %mul3A_581 : i32
        %add3A_583 = arith.constant 112 : i32
        %add3A_584 = arith.addi %mul3A_582, %add3A_583 : i32
        %get3A_585 = arith.index_cast %add3A_584 : i32 to index
        %get3A_586 = tpu.vector_load %arg5[%get3A_585] {strides = array<i32>} : memref<25632xi32, #tpu.memory_space<vmem>>, vector<16xi32>,
        %get3A_587 = vector.shape_cast %get3A_586 : vector<16xi32> to vector<16xi32>
        %shift_right_logical3A_588 = arith.constant 1 : i32
        %shift_right_logical3A_589 = vector.broadcast %shift_right_logical3A_588 : i32 to vector<16xi32>
        %shift_right_logical3A_590 = arith.shrui %get3A_587, %shift_right_logical3A_589 : vector<16xi32>
        %swap3A_591 = arith.constant 0 : i32
        %swap3A_592 = arith.constant 0 : i32
        %swap3A_593 = arith.index_cast %swap3A_591 : i32 to index
        %swap3A_594 = arith.index_cast %swap3A_592 : i32 to index
        %swap3A_595 = arith.constant 112 : index
        %swap3A_596 = tpu.vector_load %arg6[%swap3A_593, %swap3A_594, %swap3A_595] {strides = array<i32>} : memref<2x2x128xi32, #tpu.memory_space<vmem>>, vector<1x1x16xi32>,
        %swap3A_597 = vector.shape_cast %swap3A_596 : vector<1x1x16xi32> to vector<16xi32>
        %swap3A_598 = vector.shape_cast %shift_right_logical3A_590 : vector<16xi32> to vector<1x1x16xi32>
        tpu.vector_store %arg6[%swap3A_593, %swap3A_594, %swap3A_595], %swap3A_598 {strides = array<i32>} : memref<2x2x128xi32, #tpu.memory_space<vmem>>, vector<1x1x16xi32>,
        %mul3A_599 = arith.constant 200 : i32
        %mul3A_600 = arith.muli %add3A_454, %mul3A_599 : i32
        %add3A_601 = arith.constant 128 : i32
        %add3A_602 = arith.addi %mul3A_600, %add3A_601 : i32
        %get3A_603 = arith.index_cast %add3A_602 : i32 to index
        %get3A_604 = tpu.vector_load %arg5[%get3A_603] {strides = array<i32>} : memref<25632xi32, #tpu.memory_space<vmem>>, vector<16xi32>,
        %get3A_605 = vector.shape_cast %get3A_604 : vector<16xi32> to vector<16xi32>
        %shift_right_logical3A_606 = arith.constant 1 : i32
        %shift_right_logical3A_607 = vector.broadcast %shift_right_logical3A_606 : i32 to vector<16xi32>
        %shift_right_logical3A_608 = arith.shrui %get3A_605, %shift_right_logical3A_607 : vector<16xi32>
        %swap3A_609 = arith.constant 0 : i32
        %swap3A_610 = arith.constant 1 : i32
        %swap3A_611 = arith.index_cast %swap3A_609 : i32 to index
        %swap3A_612 = arith.index_cast %swap3A_610 : i32 to index
        %swap3A_613 = arith.constant 0 : index
        %swap3A_614 = tpu.vector_load %arg6[%swap3A_611, %swap3A_612, %swap3A_613] {strides = array<i32>} : memref<2x2x128xi32, #tpu.memory_space<vmem>>, vector<1x1x16xi32>,
        %swap3A_615 = vector.shape_cast %swap3A_614 : vector<1x1x16xi32> to vector<16xi32>
        %swap3A_616 = vector.shape_cast %shift_right_logical3A_608 : vector<16xi32> to vector<1x1x16xi32>
        tpu.vector_store %arg6[%swap3A_611, %swap3A_612, %swap3A_613], %swap3A_616 {strides = array<i32>} : memref<2x2x128xi32, #tpu.memory_space<vmem>>, vector<1x1x16xi32>,
        %mul3A_617 = arith.constant 200 : i32
        %mul3A_618 = arith.muli %add3A_454, %mul3A_617 : i32
        %add3A_619 = arith.constant 144 : i32
        %add3A_620 = arith.addi %mul3A_618, %add3A_619 : i32
        %get3A_621 = arith.index_cast %add3A_620 : i32 to index
        %get3A_622 = tpu.vector_load %arg5[%get3A_621] {strides = array<i32>} : memref<25632xi32, #tpu.memory_space<vmem>>, vector<16xi32>,
        %get3A_623 = vector.shape_cast %get3A_622 : vector<16xi32> to vector<16xi32>
        %shift_right_logical3A_624 = arith.constant 1 : i32
        %shift_right_logical3A_625 = vector.broadcast %shift_right_logical3A_624 : i32 to vector<16xi32>
        %shift_right_logical3A_626 = arith.shrui %get3A_623, %shift_right_logical3A_625 : vector<16xi32>
        %swap3A_627 = arith.constant 0 : i32
        %swap3A_628 = arith.constant 1 : i32
        %swap3A_629 = arith.index_cast %swap3A_627 : i32 to index
        %swap3A_630 = arith.index_cast %swap3A_628 : i32 to index
        %swap3A_631 = arith.constant 16 : index
        %swap3A_632 = tpu.vector_load %arg6[%swap3A_629, %swap3A_630, %swap3A_631] {strides = array<i32>} : memref<2x2x128xi32, #tpu.memory_space<vmem>>, vector<1x1x16xi32>,
        %swap3A_633 = vector.shape_cast %swap3A_632 : vector<1x1x16xi32> to vector<16xi32>
        %swap3A_634 = vector.shape_cast %shift_right_logical3A_626 : vector<16xi32> to vector<1x1x16xi32>
        tpu.vector_store %arg6[%swap3A_629, %swap3A_630, %swap3A_631], %swap3A_634 {strides = array<i32>} : memref<2x2x128xi32, #tpu.memory_space<vmem>>, vector<1x1x16xi32>,
        %mul3A_635 = arith.constant 200 : i32
        %mul3A_636 = arith.muli %add3A_454, %mul3A_635 : i32
        %add3A_637 = arith.constant 160 : i32
        %add3A_638 = arith.addi %mul3A_636, %add3A_637 : i32
        %get3A_639 = arith.index_cast %add3A_638 : i32 to index
        %get3A_640 = tpu.vector_load %arg5[%get3A_639] {strides = array<i32>} : memref<25632xi32, #tpu.memory_space<vmem>>, vector<16xi32>,
        %get3A_641 = vector.shape_cast %get3A_640 : vector<16xi32> to vector<16xi32>
        %shift_right_logical3A_642 = arith.constant 1 : i32
        %shift_right_logical3A_643 = vector.broadcast %shift_right_logical3A_642 : i32 to vector<16xi32>
        %shift_right_logical3A_644 = arith.shrui %get3A_641, %shift_right_logical3A_643 : vector<16xi32>
        %swap3A_645 = arith.constant 0 : i32
        %swap3A_646 = arith.constant 1 : i32
        %swap3A_647 = arith.index_cast %swap3A_645 : i32 to index
        %swap3A_648 = arith.index_cast %swap3A_646 : i32 to index
        %swap3A_649 = arith.constant 32 : index
        %swap3A_650 = tpu.vector_load %arg6[%swap3A_647, %swap3A_648, %swap3A_649] {strides = array<i32>} : memref<2x2x128xi32, #tpu.memory_space<vmem>>, vector<1x1x16xi32>,
        %swap3A_651 = vector.shape_cast %swap3A_650 : vector<1x1x16xi32> to vector<16xi32>
        %swap3A_652 = vector.shape_cast %shift_right_logical3A_644 : vector<16xi32> to vector<1x1x16xi32>
        tpu.vector_store %arg6[%swap3A_647, %swap3A_648, %swap3A_649], %swap3A_652 {strides = array<i32>} : memref<2x2x128xi32, #tpu.memory_space<vmem>>, vector<1x1x16xi32>,
        %mul3A_653 = arith.constant 200 : i32
        %mul3A_654 = arith.muli %add3A_454, %mul3A_653 : i32
        %add3A_655 = arith.constant 176 : i32
        %add3A_656 = arith.addi %mul3A_654, %add3A_655 : i32
        %get3A_657 = arith.index_cast %add3A_656 : i32 to index
        %get3A_658 = tpu.vector_load %arg5[%get3A_657] {strides = array<i32>} : memref<25632xi32, #tpu.memory_space<vmem>>, vector<16xi32>,
        %get3A_659 = vector.shape_cast %get3A_658 : vector<16xi32> to vector<16xi32>
        %shift_right_logical3A_660 = arith.constant 1 : i32
        %shift_right_logical3A_661 = vector.broadcast %shift_right_logical3A_660 : i32 to vector<16xi32>
        %shift_right_logical3A_662 = arith.shrui %get3A_659, %shift_right_logical3A_661 : vector<16xi32>
        %swap3A_663 = arith.constant 0 : i32
        %swap3A_664 = arith.constant 1 : i32
        %swap3A_665 = arith.index_cast %swap3A_663 : i32 to index
        %swap3A_666 = arith.index_cast %swap3A_664 : i32 to index
        %swap3A_667 = arith.constant 48 : index
        %swap3A_668 = tpu.vector_load %arg6[%swap3A_665, %swap3A_666, %swap3A_667] {strides = array<i32>} : memref<2x2x128xi32, #tpu.memory_space<vmem>>, vector<1x1x16xi32>,
        %swap3A_669 = vector.shape_cast %swap3A_668 : vector<1x1x16xi32> to vector<16xi32>
        %swap3A_670 = vector.shape_cast %shift_right_logical3A_662 : vector<16xi32> to vector<1x1x16xi32>
        tpu.vector_store %arg6[%swap3A_665, %swap3A_666, %swap3A_667], %swap3A_670 {strides = array<i32>} : memref<2x2x128xi32, #tpu.memory_space<vmem>>, vector<1x1x16xi32>,
        %mul3A_671 = arith.constant 200 : i32
        %mul3A_672 = arith.muli %add3A_454, %mul3A_671 : i32
        %add3A_673 = arith.constant 192 : i32
        %add3A_674 = arith.addi %mul3A_672, %add3A_673 : i32
        %get3A_675 = arith.index_cast %add3A_674 : i32 to index
        %get3A_676 = tpu.vector_load %arg5[%get3A_675] {strides = array<i32>} : memref<25632xi32, #tpu.memory_space<vmem>>, vector<16xi32>,
        %get3A_677 = vector.shape_cast %get3A_676 : vector<16xi32> to vector<16xi32>
        %shift_right_logical3A_678 = arith.constant 1 : i32
        %shift_right_logical3A_679 = vector.broadcast %shift_right_logical3A_678 : i32 to vector<16xi32>
        %shift_right_logical3A_680 = arith.shrui %get3A_677, %shift_right_logical3A_679 : vector<16xi32>
        %swap3A_681 = arith.constant 0 : i32
        %swap3A_682 = arith.constant 1 : i32
        %swap3A_683 = arith.index_cast %swap3A_681 : i32 to index
        %swap3A_684 = arith.index_cast %swap3A_682 : i32 to index
        %swap3A_685 = arith.constant 64 : index
        %swap3A_686 = tpu.vector_load %arg6[%swap3A_683, %swap3A_684, %swap3A_685] {strides = array<i32>} : memref<2x2x128xi32, #tpu.memory_space<vmem>>, vector<1x1x16xi32>,
        %swap3A_687 = vector.shape_cast %swap3A_686 : vector<1x1x16xi32> to vector<16xi32>
        %swap3A_688 = vector.shape_cast %shift_right_logical3A_680 : vector<16xi32> to vector<1x1x16xi32>
        tpu.vector_store %arg6[%swap3A_683, %swap3A_684, %swap3A_685], %swap3A_688 {strides = array<i32>} : memref<2x2x128xi32, #tpu.memory_space<vmem>>, vector<1x1x16xi32>,
        %mul3A_689 = arith.constant 200 : i32
        %mul3A_690 = arith.muli %add3A_454, %mul3A_689 : i32
        %add3A_691 = arith.constant 208 : i32
        %add3A_692 = arith.addi %mul3A_690, %add3A_691 : i32
        %get3A_693 = arith.index_cast %add3A_692 : i32 to index
        %get3A_694 = tpu.vector_load %arg5[%get3A_693] {strides = array<i32>} : memref<25632xi32, #tpu.memory_space<vmem>>, vector<16xi32>,
        %get3A_695 = vector.shape_cast %get3A_694 : vector<16xi32> to vector<16xi32>
        %shift_right_logical3A_696 = arith.constant 1 : i32
        %shift_right_logical3A_697 = vector.broadcast %shift_right_logical3A_696 : i32 to vector<16xi32>
        %shift_right_logical3A_698 = arith.shrui %get3A_695, %shift_right_logical3A_697 : vector<16xi32>
        %swap3A_699 = arith.constant 0 : i32
        %swap3A_700 = arith.constant 1 : i32
        %swap3A_701 = arith.index_cast %swap3A_699 : i32 to index
        %swap3A_702 = arith.index_cast %swap3A_700 : i32 to index
        %swap3A_703 = arith.constant 80 : index
        %swap3A_704 = tpu.vector_load %arg6[%swap3A_701, %swap3A_702, %swap3A_703] {strides = array<i32>} : memref<2x2x128xi32, #tpu.memory_space<vmem>>, vector<1x1x16xi32>,
        %swap3A_705 = vector.shape_cast %swap3A_704 : vector<1x1x16xi32> to vector<16xi32>
        %swap3A_706 = vector.shape_cast %shift_right_logical3A_698 : vector<16xi32> to vector<1x1x16xi32>
        tpu.vector_store %arg6[%swap3A_701, %swap3A_702, %swap3A_703], %swap3A_706 {strides = array<i32>} : memref<2x2x128xi32, #tpu.memory_space<vmem>>, vector<1x1x16xi32>,
        %dma_start3A_707 = arith.constant 0 : i32
        %dma_start3A_708 = arith.constant 0 : i32
        %dma_start3A_709 = arith.constant 0 : i32
        %dma_start3A_710 = arith.constant 0 : i32
        %dma_start3A_711 = arith.constant 0 : i32
        %dma_start3A_712 = arith.constant 0 : i32
        %dma_start3A_713 = tpu.memref_slice %arg7[%dma_start3A_709, %dma_start3A_711, %dma_start3A_712] : memref<2x224x128xf32, #tpu.memory_space<vmem>> -> memref<1x224x128xf32, #tpu.memory_space<vmem>>
        %dma_start3A_714 = tpu.memref_squeeze %dma_start3A_713 : memref<1x224x128xf32, #tpu.memory_space<vmem>> -> memref<224x128xf32, #tpu.memory_space<vmem>>
        %dma_start3A_715 = arith.constant 0 : i32
        %dma_start3A_716 = arith.constant 0 : i32
        %dma_start3A_717 = tpu.memref_slice %dma_start3A_714[%dma_start3A_715, %dma_start3A_716] : memref<224x128xf32, #tpu.memory_space<vmem>> -> memref<128x128xf32, #tpu.memory_space<vmem>>
        %dma_start3A_718 = arith.constant 0 : i32
        %dma_start3A_719 = arith.constant 0 : i32
        %dma_start3A_720 = tpu.memref_slice %arg6[%dma_start3A_707, %dma_start3A_718, %dma_start3A_719] : memref<2x2x128xi32, #tpu.memory_space<vmem>> -> memref<1x2x128xi32, #tpu.memory_space<vmem>>
        %dma_start3A_721 = tpu.memref_squeeze %dma_start3A_720 : memref<1x2x128xi32, #tpu.memory_space<vmem>> -> memref<2x128xi32, #tpu.memory_space<vmem>>
        %dma_start3A_722 = arith.constant 0 : i32
        %dma_start3A_723 = tpu.memref_slice %dma_start3A_721[%dma_start3A_708, %dma_start3A_722] : memref<2x128xi32, #tpu.memory_space<vmem>> -> memref<1x128xi32, #tpu.memory_space<vmem>>
        %dma_start3A_724 = tpu.memref_squeeze %dma_start3A_723 : memref<1x128xi32, #tpu.memory_space<vmem>> -> memref<128xi32, #tpu.memory_space<vmem>>
        %dma_start3A_725 = arith.constant 0 : i32
        %dma_start3A_726 = arith.constant 0 : i32
        %dma_start3A_727 = tpu.memref_slice %arg3[%dma_start3A_725, %dma_start3A_726] : memref<500000x128xf32, #tpu.memory_space<hbm>> -> memref<500000x128xf32, #tpu.memory_space<hbm>>
        %dma_start3A_728 = tpu.memref_slice %arg10[%dma_start3A_710] : memref<2x!tpu.dma_semaphore, #tpu.memory_space<semaphore_mem>> -> memref<1x!tpu.dma_semaphore, #tpu.memory_space<semaphore_mem>>
        %dma_start3A_729 = tpu.memref_squeeze %dma_start3A_728 : memref<1x!tpu.dma_semaphore, #tpu.memory_space<semaphore_mem>> -> memref<!tpu.dma_semaphore, #tpu.memory_space<semaphore_mem>>
        tpu.enqueue_indirect_dma source(%dma_start3A_727 : memref<500000x128xf32, #tpu.memory_space<hbm>>) target(%dma_start3A_717 : memref<128x128xf32, #tpu.memory_space<vmem>>) offsets(%dma_start3A_724 : memref<128xi32, #tpu.memory_space<vmem>>) semaphore(%dma_start3A_729 : memref<!tpu.dma_semaphore, #tpu.memory_space<semaphore_mem>>)
        %dma_start3A_730 = arith.constant 0 : i32
        %dma_start3A_731 = arith.constant 1 : i32
        %dma_start3A_732 = arith.constant 0 : i32
        %dma_start3A_733 = arith.constant 0 : i32
        %dma_start3A_734 = arith.constant 0 : i32
        %dma_start3A_735 = arith.constant 0 : i32
        %dma_start3A_736 = tpu.memref_slice %arg7[%dma_start3A_732, %dma_start3A_734, %dma_start3A_735] : memref<2x224x128xf32, #tpu.memory_space<vmem>> -> memref<1x224x128xf32, #tpu.memory_space<vmem>>
        %dma_start3A_737 = tpu.memref_squeeze %dma_start3A_736 : memref<1x224x128xf32, #tpu.memory_space<vmem>> -> memref<224x128xf32, #tpu.memory_space<vmem>>
        %dma_start3A_738 = arith.constant 128 : i32
        %dma_start3A_739 = arith.constant 0 : i32
        %dma_start3A_740 = tpu.memref_slice %dma_start3A_737[%dma_start3A_738, %dma_start3A_739] : memref<224x128xf32, #tpu.memory_space<vmem>> -> memref<96x128xf32, #tpu.memory_space<vmem>>
        %dma_start3A_741 = arith.constant 0 : i32
        %dma_start3A_742 = arith.constant 0 : i32
        %dma_start3A_743 = tpu.memref_slice %arg6[%dma_start3A_730, %dma_start3A_741, %dma_start3A_742] : memref<2x2x128xi32, #tpu.memory_space<vmem>> -> memref<1x2x128xi32, #tpu.memory_space<vmem>>
        %dma_start3A_744 = tpu.memref_squeeze %dma_start3A_743 : memref<1x2x128xi32, #tpu.memory_space<vmem>> -> memref<2x128xi32, #tpu.memory_space<vmem>>
        %dma_start3A_745 = arith.constant 0 : i32
        %dma_start3A_746 = tpu.memref_slice %dma_start3A_744[%dma_start3A_731, %dma_start3A_745] : memref<2x128xi32, #tpu.memory_space<vmem>> -> memref<1x128xi32, #tpu.memory_space<vmem>>
        %dma_start3A_747 = tpu.memref_squeeze %dma_start3A_746 : memref<1x128xi32, #tpu.memory_space<vmem>> -> memref<128xi32, #tpu.memory_space<vmem>>
        %dma_start3A_748 = arith.constant 0 : i32
        %dma_start3A_749 = tpu.memref_slice %dma_start3A_747[%dma_start3A_748] : memref<128xi32, #tpu.memory_space<vmem>> -> memref<96xi32, #tpu.memory_space<vmem>>
        %dma_start3A_750 = arith.constant 0 : i32
        %dma_start3A_751 = arith.constant 0 : i32
        %dma_start3A_752 = tpu.memref_slice %arg3[%dma_start3A_750, %dma_start3A_751] : memref<500000x128xf32, #tpu.memory_space<hbm>> -> memref<500000x128xf32, #tpu.memory_space<hbm>>
        %dma_start3A_753 = tpu.memref_slice %arg10[%dma_start3A_733] : memref<2x!tpu.dma_semaphore, #tpu.memory_space<semaphore_mem>> -> memref<1x!tpu.dma_semaphore, #tpu.memory_space<semaphore_mem>>
        %dma_start3A_754 = tpu.memref_squeeze %dma_start3A_753 : memref<1x!tpu.dma_semaphore, #tpu.memory_space<semaphore_mem>> -> memref<!tpu.dma_semaphore, #tpu.memory_space<semaphore_mem>>
        tpu.enqueue_indirect_dma source(%dma_start3A_752 : memref<500000x128xf32, #tpu.memory_space<hbm>>) target(%dma_start3A_740 : memref<96x128xf32, #tpu.memory_space<vmem>>) offsets(%dma_start3A_749 : memref<96xi32, #tpu.memory_space<vmem>>) semaphore(%dma_start3A_754 : memref<!tpu.dma_semaphore, #tpu.memory_space<semaphore_mem>>)
      } else {
      }
      %dma_wait3A_379 = arith.constant 1 : i32
      %dma_wait3A_380 = arith.constant 0 : i32
      %dma_wait3A_381 = arith.constant 1 : i32
      %dma_wait3A_382 = arith.constant 1 : i32
      %dma_wait3A_383 = arith.constant 0 : i32
      %dma_wait3A_384 = arith.constant 0 : i32
      %dma_wait3A_385 = tpu.memref_slice %arg7[%dma_wait3A_381, %dma_wait3A_383, %dma_wait3A_384] : memref<2x224x128xf32, #tpu.memory_space<vmem>> -> memref<1x224x128xf32, #tpu.memory_space<vmem>>
      %dma_wait3A_386 = tpu.memref_squeeze %dma_wait3A_385 : memref<1x224x128xf32, #tpu.memory_space<vmem>> -> memref<224x128xf32, #tpu.memory_space<vmem>>
      %dma_wait3A_387 = arith.constant 0 : i32
      %dma_wait3A_388 = arith.constant 0 : i32
      %dma_wait3A_389 = tpu.memref_slice %dma_wait3A_386[%dma_wait3A_387, %dma_wait3A_388] : memref<224x128xf32, #tpu.memory_space<vmem>> -> memref<128x128xf32, #tpu.memory_space<vmem>>
      %dma_wait3A_390 = arith.constant 0 : i32
      %dma_wait3A_391 = arith.constant 0 : i32
      %dma_wait3A_392 = tpu.memref_slice %arg6[%dma_wait3A_379, %dma_wait3A_390, %dma_wait3A_391] : memref<2x2x128xi32, #tpu.memory_space<vmem>> -> memref<1x2x128xi32, #tpu.memory_space<vmem>>
      %dma_wait3A_393 = tpu.memref_squeeze %dma_wait3A_392 : memref<1x2x128xi32, #tpu.memory_space<vmem>> -> memref<2x128xi32, #tpu.memory_space<vmem>>
      %dma_wait3A_394 = arith.constant 0 : i32
      %dma_wait3A_395 = tpu.memref_slice %dma_wait3A_393[%dma_wait3A_380, %dma_wait3A_394] : memref<2x128xi32, #tpu.memory_space<vmem>> -> memref<1x128xi32, #tpu.memory_space<vmem>>
      %dma_wait3A_396 = tpu.memref_squeeze %dma_wait3A_395 : memref<1x128xi32, #tpu.memory_space<vmem>> -> memref<128xi32, #tpu.memory_space<vmem>>
      %dma_wait3A_397 = arith.constant 0 : i32
      %dma_wait3A_398 = arith.constant 0 : i32
      %dma_wait3A_399 = tpu.memref_slice %arg3[%dma_wait3A_397, %dma_wait3A_398] : memref<500000x128xf32, #tpu.memory_space<hbm>> -> memref<500000x128xf32, #tpu.memory_space<hbm>>
      %dma_wait3A_400 = tpu.memref_slice %arg10[%dma_wait3A_382] : memref<2x!tpu.dma_semaphore, #tpu.memory_space<semaphore_mem>> -> memref<1x!tpu.dma_semaphore, #tpu.memory_space<semaphore_mem>>
      %dma_wait3A_401 = tpu.memref_squeeze %dma_wait3A_400 : memref<1x!tpu.dma_semaphore, #tpu.memory_space<semaphore_mem>> -> memref<!tpu.dma_semaphore, #tpu.memory_space<semaphore_mem>>
      tpu.wait_indirect_dma semaphore(%dma_wait3A_401 : memref<!tpu.dma_semaphore, #tpu.memory_space<semaphore_mem>>) src(%dma_wait3A_399 : memref<500000x128xf32, #tpu.memory_space<hbm>>) dst(%dma_wait3A_389 : memref<128x128xf32, #tpu.memory_space<vmem>>)
      %dma_wait3A_402 = arith.constant 1 : i32
      %dma_wait3A_403 = arith.constant 1 : i32
      %dma_wait3A_404 = arith.constant 1 : i32
      %dma_wait3A_405 = arith.constant 1 : i32
      %dma_wait3A_406 = arith.constant 0 : i32
      %dma_wait3A_407 = arith.constant 0 : i32
      %dma_wait3A_408 = tpu.memref_slice %arg7[%dma_wait3A_404, %dma_wait3A_406, %dma_wait3A_407] : memref<2x224x128xf32, #tpu.memory_space<vmem>> -> memref<1x224x128xf32, #tpu.memory_space<vmem>>
      %dma_wait3A_409 = tpu.memref_squeeze %dma_wait3A_408 : memref<1x224x128xf32, #tpu.memory_space<vmem>> -> memref<224x128xf32, #tpu.memory_space<vmem>>
      %dma_wait3A_410 = arith.constant 128 : i32
      %dma_wait3A_411 = arith.constant 0 : i32
      %dma_wait3A_412 = tpu.memref_slice %dma_wait3A_409[%dma_wait3A_410, %dma_wait3A_411] : memref<224x128xf32, #tpu.memory_space<vmem>> -> memref<96x128xf32, #tpu.memory_space<vmem>>
      %dma_wait3A_413 = arith.constant 0 : i32
      %dma_wait3A_414 = arith.constant 0 : i32
      %dma_wait3A_415 = tpu.memref_slice %arg6[%dma_wait3A_402, %dma_wait3A_413, %dma_wait3A_414] : memref<2x2x128xi32, #tpu.memory_space<vmem>> -> memref<1x2x128xi32, #tpu.memory_space<vmem>>
      %dma_wait3A_416 = tpu.memref_squeeze %dma_wait3A_415 : memref<1x2x128xi32, #tpu.memory_space<vmem>> -> memref<2x128xi32, #tpu.memory_space<vmem>>
      %dma_wait3A_417 = arith.constant 0 : i32
      %dma_wait3A_418 = tpu.memref_slice %dma_wait3A_416[%dma_wait3A_403, %dma_wait3A_417] : memref<2x128xi32, #tpu.memory_space<vmem>> -> memref<1x128xi32, #tpu.memory_space<vmem>>
      %dma_wait3A_419 = tpu.memref_squeeze %dma_wait3A_418 : memref<1x128xi32, #tpu.memory_space<vmem>> -> memref<128xi32, #tpu.memory_space<vmem>>
      %dma_wait3A_420 = arith.constant 0 : i32
      %dma_wait3A_421 = tpu.memref_slice %dma_wait3A_419[%dma_wait3A_420] : memref<128xi32, #tpu.memory_space<vmem>> -> memref<96xi32, #tpu.memory_space<vmem>>
      %dma_wait3A_422 = arith.constant 0 : i32
      %dma_wait3A_423 = arith.constant 0 : i32
      %dma_wait3A_424 = tpu.memref_slice %arg3[%dma_wait3A_422, %dma_wait3A_423] : memref<500000x128xf32, #tpu.memory_space<hbm>> -> memref<500000x128xf32, #tpu.memory_space<hbm>>
      %dma_wait3A_425 = tpu.memref_slice %arg10[%dma_wait3A_405] : memref<2x!tpu.dma_semaphore, #tpu.memory_space<semaphore_mem>> -> memref<1x!tpu.dma_semaphore, #tpu.memory_space<semaphore_mem>>
      %dma_wait3A_426 = tpu.memref_squeeze %dma_wait3A_425 : memref<1x!tpu.dma_semaphore, #tpu.memory_space<semaphore_mem>> -> memref<!tpu.dma_semaphore, #tpu.memory_space<semaphore_mem>>
      tpu.wait_indirect_dma semaphore(%dma_wait3A_426 : memref<!tpu.dma_semaphore, #tpu.memory_space<semaphore_mem>>) src(%dma_wait3A_424 : memref<500000x128xf32, #tpu.memory_space<hbm>>) dst(%dma_wait3A_412 : memref<96x128xf32, #tpu.memory_space<vmem>>)
      %ge3A_427 = arith.constant 1 : i32
      %ge3A_428 = arith.cmpi sge, %add3A_371, %ge3A_427 : i32
      %convert_element_type3A_429 = arith.extui %ge3A_428 : i1 to i32
      %cond3A_430 = arith.constant 0 : i32
      %cond3A_431 = arith.cmpi ne, %convert_element_type3A_429, %cond3A_430 : i32
      scf.if %cond3A_431 {
        %sub3A = arith.constant 1 : i32
        %sub3A_453 = arith.subi %add3A_371, %sub3A : i32
        %add3A_454 = arith.addi %mul3A_4, %sub3A_453 : i32
        %dma_wait3A_455 = arith.constant 0 : i32
        %dma_wait3A_456 = arith.constant 0 : i32
        %dma_wait3A_457 = tpu.memref_slice %arg8[%dma_wait3A_455, %dma_wait3A_456] : memref<208x64xf32, #tpu.memory_space<vmem>> -> memref<200x64xf32, #tpu.memory_space<vmem>>
        %dma_wait3A_458 = arith.constant 0 : i32
        %dma_wait3A_459 = arith.constant 0 : i32
        %dma_wait3A_460 = tpu.memref_slice %arg4[%add3A_454, %dma_wait3A_458, %dma_wait3A_459] : memref<4096x200x64xf32, #tpu.memory_space<hbm>> -> memref<1x200x64xf32, #tpu.memory_space<hbm>>
        %dma_wait3A_461 = tpu.memref_squeeze %dma_wait3A_460 : memref<1x200x64xf32, #tpu.memory_space<hbm>> -> memref<200x64xf32, #tpu.memory_space<hbm>>
        %dma_wait3A_462 = arith.constant 0 : i32
        %dma_wait3A_463 = arith.constant 0 : i32
        %dma_wait3A_464 = tpu.memref_slice %arg4[%add3A_454, %dma_wait3A_462, %dma_wait3A_463] : memref<4096x200x64xf32, #tpu.memory_space<hbm>> -> memref<1x200x64xf32, #tpu.memory_space<hbm>>
        %dma_wait3A_465 = tpu.memref_squeeze %dma_wait3A_464 : memref<1x200x64xf32, #tpu.memory_space<hbm>> -> memref<200x64xf32, #tpu.memory_space<hbm>>
        %dma_wait3A_466 = arith.constant 0 : i32
        %dma_wait3A_467 = arith.constant 0 : i32
        %dma_wait3A_468 = tpu.memref_slice %arg8[%dma_wait3A_466, %dma_wait3A_467] : memref<208x64xf32, #tpu.memory_space<vmem>> -> memref<200x64xf32, #tpu.memory_space<vmem>>
        tpu.wait_dma2 semaphore(%arg11 : memref<!tpu.dma_semaphore, #tpu.memory_space<semaphore_mem>>) src(%dma_wait3A_468 : memref<200x64xf32, #tpu.memory_space<vmem>>) dst(%dma_wait3A_465 : memref<200x64xf32, #tpu.memory_space<hbm>>)
      } else {
      }
      %scan3A_432 = arith.constant 0 : i32
      %scan3A_433 = arith.constant 0 : i32
      %scan3A_434 = arith.constant 13 : i32
      %scan3A_435 = arith.addi %scan3A_433, %scan3A_434 : i32
      %scan3A_436 = arith.constant 1 : i32
      scf.for %scan3A_453 = %scan3A_433 to %scan3A_435 step %scan3A_436  : i32 {
        %mul3A_454 = arith.constant 200 : i32
        %mul3A_455 = arith.muli %add3A_371, %mul3A_454 : i32
        %mul3A_456 = arith.constant 16 : i32
        %mul3A_457 = arith.muli %scan3A_453, %mul3A_456 : i32
        %add3A_458 = arith.addi %mul3A_455, %mul3A_457 : i32
        %get3A_459 = arith.index_cast %add3A_458 : i32 to index
        %get3A_460 = tpu.vector_load %arg5[%get3A_459] {strides = array<i32>} : memref<25632xi32, #tpu.memory_space<vmem>>, vector<16xi32>,
        %get3A_461 = vector.shape_cast %get3A_460 : vector<16xi32> to vector<16xi32>
        %and3A = arith.constant 1 : i32
        %and3A_462 = vector.broadcast %and3A : i32 to vector<16xi32>
        %and3A_463 = arith.andi %get3A_461, %and3A_462 : vector<16xi32>
        %convert_element_type3A_464 = arith.sitofp %and3A_463 : vector<16xi32> to vector<16xf32>
        %broadcast_in_dim3A_465 = arith.constant 0 : i32
        %broadcast_in_dim3A_466 = vector.broadcast %broadcast_in_dim3A_465 : i32 to vector<16xi32>
        %lt3A_467 = arith.constant 0 : i32
        %lt3A_468 = vector.broadcast %lt3A_467 : i32 to vector<16xi32>
        %lt3A_469 = arith.cmpi slt, %broadcast_in_dim3A_466, %lt3A_468 : vector<16xi32>
        %add3A_470 = arith.constant 16 : i32
        %add3A_471 = vector.broadcast %add3A_470 : i32 to vector<16xi32>
        %add3A_472 = arith.addi %broadcast_in_dim3A_466, %add3A_471 : vector<16xi32>
        %select_n3A = arith.select %lt3A_469, %add3A_472, %broadcast_in_dim3A_466 : vector<16xi1>, vector<16xi32>
        %broadcast_in_dim3A_473 = vector.shape_cast %select_n3A : vector<16xi32> to vector<16x1xi32>
        %gather3A = vector.shape_cast %broadcast_in_dim3A_473 : vector<16x1xi32> to vector<16xi32>
        %gather3A_474 = tpu.dynamic_gather %convert_element_type3A_464[%gather3A] in [0] : vector<16xf32>, vector<16xi32> -> vector<16xf32>
        %sub3A = arith.constant 1.000000e+00 : f32
        %sub3A_475 = vector.broadcast %sub3A : f32 to vector<16xf32>
        %sub3A_476 = arith.subf %sub3A_475, %gather3A_474 : vector<16xf32>
        %mul3A_477 = arith.constant 16 : i32
        %mul3A_478 = arith.muli %scan3A_453, %mul3A_477 : i32
        %add3A_479 = arith.constant 0 : i32
        %add3A_480 = arith.addi %mul3A_478, %add3A_479 : i32
        %get3A_481 = arith.constant 1 : i32
        %get3A_482 = arith.index_cast %get3A_481 : i32 to index
        %get3A_483 = arith.index_cast %add3A_480 : i32 to index
        %get3A_484 = arith.constant 0 : index
        %get3A_485 = tpu.vector_load %arg7[%get3A_482, %get3A_483, %get3A_484] {strides = array<i32>} : memref<2x224x128xf32, #tpu.memory_space<vmem>>, vector<1x1x16xf32>,
        %get3A_486 = vector.shape_cast %get3A_485 : vector<1x1x16xf32> to vector<16xf32>
        %get3A_487 = arith.constant 1 : i32
        %get3A_488 = arith.index_cast %get3A_487 : i32 to index
        %get3A_489 = arith.index_cast %add3A_480 : i32 to index
        %get3A_490 = arith.constant 64 : index
        %get3A_491 = tpu.vector_load %arg7[%get3A_488, %get3A_489, %get3A_490] {strides = array<i32>} : memref<2x224x128xf32, #tpu.memory_space<vmem>>, vector<1x1x16xf32>,
        %get3A_492 = vector.shape_cast %get3A_491 : vector<1x1x16xf32> to vector<16xf32>
        %mul3A_493 = arith.mulf %get3A_486, %sub3A_476 : vector<16xf32>
        %mul3A_494 = arith.mulf %get3A_492, %gather3A_474 : vector<16xf32>
        %add3A_495 = arith.addf %mul3A_493, %mul3A_494 : vector<16xf32>
        %swap3A_496 = arith.index_cast %add3A_480 : i32 to index
        %swap3A_497 = arith.constant 0 : index
        %swap3A_498 = tpu.vector_load %arg8[%swap3A_496, %swap3A_497] {strides = array<i32>} : memref<208x64xf32, #tpu.memory_space<vmem>>, vector<1x16xf32>,
        %swap3A_499 = vector.shape_cast %swap3A_498 : vector<1x16xf32> to vector<16xf32>
        %swap3A_500 = vector.shape_cast %add3A_495 : vector<16xf32> to vector<1x16xf32>
        tpu.vector_store %arg8[%swap3A_496, %swap3A_497], %swap3A_500 {strides = array<i32>} : memref<208x64xf32, #tpu.memory_space<vmem>>, vector<1x16xf32>,
        %get3A_501 = arith.constant 1 : i32
        %get3A_502 = arith.index_cast %get3A_501 : i32 to index
        %get3A_503 = arith.index_cast %add3A_480 : i32 to index
        %get3A_504 = arith.constant 16 : index
        %get3A_505 = tpu.vector_load %arg7[%get3A_502, %get3A_503, %get3A_504] {strides = array<i32>} : memref<2x224x128xf32, #tpu.memory_space<vmem>>, vector<1x1x16xf32>,
        %get3A_506 = vector.shape_cast %get3A_505 : vector<1x1x16xf32> to vector<16xf32>
        %get3A_507 = arith.constant 1 : i32
        %get3A_508 = arith.index_cast %get3A_507 : i32 to index
        %get3A_509 = arith.index_cast %add3A_480 : i32 to index
        %get3A_510 = arith.constant 80 : index
        %get3A_511 = tpu.vector_load %arg7[%get3A_508, %get3A_509, %get3A_510] {strides = array<i32>} : memref<2x224x128xf32, #tpu.memory_space<vmem>>, vector<1x1x16xf32>,
        %get3A_512 = vector.shape_cast %get3A_511 : vector<1x1x16xf32> to vector<16xf32>
        %mul3A_513 = arith.mulf %get3A_506, %sub3A_476 : vector<16xf32>
        %mul3A_514 = arith.mulf %get3A_512, %gather3A_474 : vector<16xf32>
        %add3A_515 = arith.addf %mul3A_513, %mul3A_514 : vector<16xf32>
        %swap3A_516 = arith.index_cast %add3A_480 : i32 to index
        %swap3A_517 = arith.constant 16 : index
        %swap3A_518 = tpu.vector_load %arg8[%swap3A_516, %swap3A_517] {strides = array<i32>} : memref<208x64xf32, #tpu.memory_space<vmem>>, vector<1x16xf32>,
        %swap3A_519 = vector.shape_cast %swap3A_518 : vector<1x16xf32> to vector<16xf32>
        %swap3A_520 = vector.shape_cast %add3A_515 : vector<16xf32> to vector<1x16xf32>
        tpu.vector_store %arg8[%swap3A_516, %swap3A_517], %swap3A_520 {strides = array<i32>} : memref<208x64xf32, #tpu.memory_space<vmem>>, vector<1x16xf32>,
        %get3A_521 = arith.constant 1 : i32
        %get3A_522 = arith.index_cast %get3A_521 : i32 to index
        %get3A_523 = arith.index_cast %add3A_480 : i32 to index
        %get3A_524 = arith.constant 32 : index
        %get3A_525 = tpu.vector_load %arg7[%get3A_522, %get3A_523, %get3A_524] {strides = array<i32>} : memref<2x224x128xf32, #tpu.memory_space<vmem>>, vector<1x1x16xf32>,
        %get3A_526 = vector.shape_cast %get3A_525 : vector<1x1x16xf32> to vector<16xf32>
        %get3A_527 = arith.constant 1 : i32
        %get3A_528 = arith.index_cast %get3A_527 : i32 to index
        %get3A_529 = arith.index_cast %add3A_480 : i32 to index
        %get3A_530 = arith.constant 96 : index
        %get3A_531 = tpu.vector_load %arg7[%get3A_528, %get3A_529, %get3A_530] {strides = array<i32>} : memref<2x224x128xf32, #tpu.memory_space<vmem>>, vector<1x1x16xf32>,
        %get3A_532 = vector.shape_cast %get3A_531 : vector<1x1x16xf32> to vector<16xf32>
        %mul3A_533 = arith.mulf %get3A_526, %sub3A_476 : vector<16xf32>
        %mul3A_534 = arith.mulf %get3A_532, %gather3A_474 : vector<16xf32>
        %add3A_535 = arith.addf %mul3A_533, %mul3A_534 : vector<16xf32>
        %swap3A_536 = arith.index_cast %add3A_480 : i32 to index
        %swap3A_537 = arith.constant 32 : index
        %swap3A_538 = tpu.vector_load %arg8[%swap3A_536, %swap3A_537] {strides = array<i32>} : memref<208x64xf32, #tpu.memory_space<vmem>>, vector<1x16xf32>,
        %swap3A_539 = vector.shape_cast %swap3A_538 : vector<1x16xf32> to vector<16xf32>
        %swap3A_540 = vector.shape_cast %add3A_535 : vector<16xf32> to vector<1x16xf32>
        tpu.vector_store %arg8[%swap3A_536, %swap3A_537], %swap3A_540 {strides = array<i32>} : memref<208x64xf32, #tpu.memory_space<vmem>>, vector<1x16xf32>,
        %get3A_541 = arith.constant 1 : i32
        %get3A_542 = arith.index_cast %get3A_541 : i32 to index
        %get3A_543 = arith.index_cast %add3A_480 : i32 to index
        %get3A_544 = arith.constant 48 : index
        %get3A_545 = tpu.vector_load %arg7[%get3A_542, %get3A_543, %get3A_544] {strides = array<i32>} : memref<2x224x128xf32, #tpu.memory_space<vmem>>, vector<1x1x16xf32>,
        %get3A_546 = vector.shape_cast %get3A_545 : vector<1x1x16xf32> to vector<16xf32>
        %get3A_547 = arith.constant 1 : i32
        %get3A_548 = arith.index_cast %get3A_547 : i32 to index
        %get3A_549 = arith.index_cast %add3A_480 : i32 to index
        %get3A_550 = arith.constant 112 : index
        %get3A_551 = tpu.vector_load %arg7[%get3A_548, %get3A_549, %get3A_550] {strides = array<i32>} : memref<2x224x128xf32, #tpu.memory_space<vmem>>, vector<1x1x16xf32>,
        %get3A_552 = vector.shape_cast %get3A_551 : vector<1x1x16xf32> to vector<16xf32>
        %mul3A_553 = arith.mulf %get3A_546, %sub3A_476 : vector<16xf32>
        %mul3A_554 = arith.mulf %get3A_552, %gather3A_474 : vector<16xf32>
        %add3A_555 = arith.addf %mul3A_553, %mul3A_554 : vector<16xf32>
        %swap3A_556 = arith.index_cast %add3A_480 : i32 to index
        %swap3A_557 = arith.constant 48 : index
        %swap3A_558 = tpu.vector_load %arg8[%swap3A_556, %swap3A_557] {strides = array<i32>} : memref<208x64xf32, #tpu.memory_space<vmem>>, vector<1x16xf32>,
        %swap3A_559 = vector.shape_cast %swap3A_558 : vector<1x16xf32> to vector<16xf32>
        %swap3A_560 = vector.shape_cast %add3A_555 : vector<16xf32> to vector<1x16xf32>
        tpu.vector_store %arg8[%swap3A_556, %swap3A_557], %swap3A_560 {strides = array<i32>} : memref<208x64xf32, #tpu.memory_space<vmem>>, vector<1x16xf32>,
        %broadcast_in_dim3A_561 = arith.constant 1 : i32
        %broadcast_in_dim3A_562 = vector.broadcast %broadcast_in_dim3A_561 : i32 to vector<16xi32>
        %lt3A_563 = arith.constant 0 : i32
        %lt3A_564 = vector.broadcast %lt3A_563 : i32 to vector<16xi32>
        %lt3A_565 = arith.cmpi slt, %broadcast_in_dim3A_562, %lt3A_564 : vector<16xi32>
        %add3A_566 = arith.constant 16 : i32
        %add3A_567 = vector.broadcast %add3A_566 : i32 to vector<16xi32>
        %add3A_568 = arith.addi %broadcast_in_dim3A_562, %add3A_567 : vector<16xi32>
        %select_n3A_569 = arith.select %lt3A_565, %add3A_568, %broadcast_in_dim3A_562 : vector<16xi1>, vector<16xi32>
        %broadcast_in_dim3A_570 = vector.shape_cast %select_n3A_569 : vector<16xi32> to vector<16x1xi32>
        %gather3A_571 = vector.shape_cast %broadcast_in_dim3A_570 : vector<16x1xi32> to vector<16xi32>
        %gather3A_572 = tpu.dynamic_gather %convert_element_type3A_464[%gather3A_571] in [0] : vector<16xf32>, vector<16xi32> -> vector<16xf32>
        %sub3A_573 = arith.constant 1.000000e+00 : f32
        %sub3A_574 = vector.broadcast %sub3A_573 : f32 to vector<16xf32>
        %sub3A_575 = arith.subf %sub3A_574, %gather3A_572 : vector<16xf32>
        %mul3A_576 = arith.constant 16 : i32
        %mul3A_577 = arith.muli %scan3A_453, %mul3A_576 : i32
        %add3A_578 = arith.constant 1 : i32
        %add3A_579 = arith.addi %mul3A_577, %add3A_578 : i32
        %get3A_580 = arith.constant 1 : i32
        %get3A_581 = arith.index_cast %get3A_580 : i32 to index
        %get3A_582 = arith.index_cast %add3A_579 : i32 to index
        %get3A_583 = arith.constant 0 : index
        %get3A_584 = tpu.vector_load %arg7[%get3A_581, %get3A_582, %get3A_583] {strides = array<i32>} : memref<2x224x128xf32, #tpu.memory_space<vmem>>, vector<1x1x16xf32>,
        %get3A_585 = vector.shape_cast %get3A_584 : vector<1x1x16xf32> to vector<16xf32>
        %get3A_586 = arith.constant 1 : i32
        %get3A_587 = arith.index_cast %get3A_586 : i32 to index
        %get3A_588 = arith.index_cast %add3A_579 : i32 to index
        %get3A_589 = arith.constant 64 : index
        %get3A_590 = tpu.vector_load %arg7[%get3A_587, %get3A_588, %get3A_589] {strides = array<i32>} : memref<2x224x128xf32, #tpu.memory_space<vmem>>, vector<1x1x16xf32>,
        %get3A_591 = vector.shape_cast %get3A_590 : vector<1x1x16xf32> to vector<16xf32>
        %mul3A_592 = arith.mulf %get3A_585, %sub3A_575 : vector<16xf32>
        %mul3A_593 = arith.mulf %get3A_591, %gather3A_572 : vector<16xf32>
        %add3A_594 = arith.addf %mul3A_592, %mul3A_593 : vector<16xf32>
        %swap3A_595 = arith.index_cast %add3A_579 : i32 to index
        %swap3A_596 = arith.constant 0 : index
        %swap3A_597 = tpu.vector_load %arg8[%swap3A_595, %swap3A_596] {strides = array<i32>} : memref<208x64xf32, #tpu.memory_space<vmem>>, vector<1x16xf32>,
        %swap3A_598 = vector.shape_cast %swap3A_597 : vector<1x16xf32> to vector<16xf32>
        %swap3A_599 = vector.shape_cast %add3A_594 : vector<16xf32> to vector<1x16xf32>
        tpu.vector_store %arg8[%swap3A_595, %swap3A_596], %swap3A_599 {strides = array<i32>} : memref<208x64xf32, #tpu.memory_space<vmem>>, vector<1x16xf32>,
        %get3A_600 = arith.constant 1 : i32
        %get3A_601 = arith.index_cast %get3A_600 : i32 to index
        %get3A_602 = arith.index_cast %add3A_579 : i32 to index
        %get3A_603 = arith.constant 16 : index
        %get3A_604 = tpu.vector_load %arg7[%get3A_601, %get3A_602, %get3A_603] {strides = array<i32>} : memref<2x224x128xf32, #tpu.memory_space<vmem>>, vector<1x1x16xf32>,
        %get3A_605 = vector.shape_cast %get3A_604 : vector<1x1x16xf32> to vector<16xf32>
        %get3A_606 = arith.constant 1 : i32
        %get3A_607 = arith.index_cast %get3A_606 : i32 to index
        %get3A_608 = arith.index_cast %add3A_579 : i32 to index
        %get3A_609 = arith.constant 80 : index
        %get3A_610 = tpu.vector_load %arg7[%get3A_607, %get3A_608, %get3A_609] {strides = array<i32>} : memref<2x224x128xf32, #tpu.memory_space<vmem>>, vector<1x1x16xf32>,
        %get3A_611 = vector.shape_cast %get3A_610 : vector<1x1x16xf32> to vector<16xf32>
        %mul3A_612 = arith.mulf %get3A_605, %sub3A_575 : vector<16xf32>
        %mul3A_613 = arith.mulf %get3A_611, %gather3A_572 : vector<16xf32>
        %add3A_614 = arith.addf %mul3A_612, %mul3A_613 : vector<16xf32>
        %swap3A_615 = arith.index_cast %add3A_579 : i32 to index
        %swap3A_616 = arith.constant 16 : index
        %swap3A_617 = tpu.vector_load %arg8[%swap3A_615, %swap3A_616] {strides = array<i32>} : memref<208x64xf32, #tpu.memory_space<vmem>>, vector<1x16xf32>,
        %swap3A_618 = vector.shape_cast %swap3A_617 : vector<1x16xf32> to vector<16xf32>
        %swap3A_619 = vector.shape_cast %add3A_614 : vector<16xf32> to vector<1x16xf32>
        tpu.vector_store %arg8[%swap3A_615, %swap3A_616], %swap3A_619 {strides = array<i32>} : memref<208x64xf32, #tpu.memory_space<vmem>>, vector<1x16xf32>,
        %get3A_620 = arith.constant 1 : i32
        %get3A_621 = arith.index_cast %get3A_620 : i32 to index
        %get3A_622 = arith.index_cast %add3A_579 : i32 to index
        %get3A_623 = arith.constant 32 : index
        %get3A_624 = tpu.vector_load %arg7[%get3A_621, %get3A_622, %get3A_623] {strides = array<i32>} : memref<2x224x128xf32, #tpu.memory_space<vmem>>, vector<1x1x16xf32>,
        %get3A_625 = vector.shape_cast %get3A_624 : vector<1x1x16xf32> to vector<16xf32>
        %get3A_626 = arith.constant 1 : i32
        %get3A_627 = arith.index_cast %get3A_626 : i32 to index
        %get3A_628 = arith.index_cast %add3A_579 : i32 to index
        %get3A_629 = arith.constant 96 : index
        %get3A_630 = tpu.vector_load %arg7[%get3A_627, %get3A_628, %get3A_629] {strides = array<i32>} : memref<2x224x128xf32, #tpu.memory_space<vmem>>, vector<1x1x16xf32>,
        %get3A_631 = vector.shape_cast %get3A_630 : vector<1x1x16xf32> to vector<16xf32>
        %mul3A_632 = arith.mulf %get3A_625, %sub3A_575 : vector<16xf32>
        %mul3A_633 = arith.mulf %get3A_631, %gather3A_572 : vector<16xf32>
        %add3A_634 = arith.addf %mul3A_632, %mul3A_633 : vector<16xf32>
        %swap3A_635 = arith.index_cast %add3A_579 : i32 to index
        %swap3A_636 = arith.constant 32 : index
        %swap3A_637 = tpu.vector_load %arg8[%swap3A_635, %swap3A_636] {strides = array<i32>} : memref<208x64xf32, #tpu.memory_space<vmem>>, vector<1x16xf32>,
        %swap3A_638 = vector.shape_cast %swap3A_637 : vector<1x16xf32> to vector<16xf32>
        %swap3A_639 = vector.shape_cast %add3A_634 : vector<16xf32> to vector<1x16xf32>
        tpu.vector_store %arg8[%swap3A_635, %swap3A_636], %swap3A_639 {strides = array<i32>} : memref<208x64xf32, #tpu.memory_space<vmem>>, vector<1x16xf32>,
        %get3A_640 = arith.constant 1 : i32
        %get3A_641 = arith.index_cast %get3A_640 : i32 to index
        %get3A_642 = arith.index_cast %add3A_579 : i32 to index
        %get3A_643 = arith.constant 48 : index
        %get3A_644 = tpu.vector_load %arg7[%get3A_641, %get3A_642, %get3A_643] {strides = array<i32>} : memref<2x224x128xf32, #tpu.memory_space<vmem>>, vector<1x1x16xf32>,
        %get3A_645 = vector.shape_cast %get3A_644 : vector<1x1x16xf32> to vector<16xf32>
        %get3A_646 = arith.constant 1 : i32
        %get3A_647 = arith.index_cast %get3A_646 : i32 to index
        %get3A_648 = arith.index_cast %add3A_579 : i32 to index
        %get3A_649 = arith.constant 112 : index
        %get3A_650 = tpu.vector_load %arg7[%get3A_647, %get3A_648, %get3A_649] {strides = array<i32>} : memref<2x224x128xf32, #tpu.memory_space<vmem>>, vector<1x1x16xf32>,
        %get3A_651 = vector.shape_cast %get3A_650 : vector<1x1x16xf32> to vector<16xf32>
        %mul3A_652 = arith.mulf %get3A_645, %sub3A_575 : vector<16xf32>
        %mul3A_653 = arith.mulf %get3A_651, %gather3A_572 : vector<16xf32>
        %add3A_654 = arith.addf %mul3A_652, %mul3A_653 : vector<16xf32>
        %swap3A_655 = arith.index_cast %add3A_579 : i32 to index
        %swap3A_656 = arith.constant 48 : index
        %swap3A_657 = tpu.vector_load %arg8[%swap3A_655, %swap3A_656] {strides = array<i32>} : memref<208x64xf32, #tpu.memory_space<vmem>>, vector<1x16xf32>,
        %swap3A_658 = vector.shape_cast %swap3A_657 : vector<1x16xf32> to vector<16xf32>
        %swap3A_659 = vector.shape_cast %add3A_654 : vector<16xf32> to vector<1x16xf32>
        tpu.vector_store %arg8[%swap3A_655, %swap3A_656], %swap3A_659 {strides = array<i32>} : memref<208x64xf32, #tpu.memory_space<vmem>>, vector<1x16xf32>,
        %broadcast_in_dim3A_660 = arith.constant 2 : i32
        %broadcast_in_dim3A_661 = vector.broadcast %broadcast_in_dim3A_660 : i32 to vector<16xi32>
        %lt3A_662 = arith.constant 0 : i32
        %lt3A_663 = vector.broadcast %lt3A_662 : i32 to vector<16xi32>
        %lt3A_664 = arith.cmpi slt, %broadcast_in_dim3A_661, %lt3A_663 : vector<16xi32>
        %add3A_665 = arith.constant 16 : i32
        %add3A_666 = vector.broadcast %add3A_665 : i32 to vector<16xi32>
        %add3A_667 = arith.addi %broadcast_in_dim3A_661, %add3A_666 : vector<16xi32>
        %select_n3A_668 = arith.select %lt3A_664, %add3A_667, %broadcast_in_dim3A_661 : vector<16xi1>, vector<16xi32>
        %broadcast_in_dim3A_669 = vector.shape_cast %select_n3A_668 : vector<16xi32> to vector<16x1xi32>
        %gather3A_670 = vector.shape_cast %broadcast_in_dim3A_669 : vector<16x1xi32> to vector<16xi32>
        %gather3A_671 = tpu.dynamic_gather %convert_element_type3A_464[%gather3A_670] in [0] : vector<16xf32>, vector<16xi32> -> vector<16xf32>
        %sub3A_672 = arith.constant 1.000000e+00 : f32
        %sub3A_673 = vector.broadcast %sub3A_672 : f32 to vector<16xf32>
        %sub3A_674 = arith.subf %sub3A_673, %gather3A_671 : vector<16xf32>
        %mul3A_675 = arith.constant 16 : i32
        %mul3A_676 = arith.muli %scan3A_453, %mul3A_675 : i32
        %add3A_677 = arith.constant 2 : i32
        %add3A_678 = arith.addi %mul3A_676, %add3A_677 : i32
        %get3A_679 = arith.constant 1 : i32
        %get3A_680 = arith.index_cast %get3A_679 : i32 to index
        %get3A_681 = arith.index_cast %add3A_678 : i32 to index
        %get3A_682 = arith.constant 0 : index
        %get3A_683 = tpu.vector_load %arg7[%get3A_680, %get3A_681, %get3A_682] {strides = array<i32>} : memref<2x224x128xf32, #tpu.memory_space<vmem>>, vector<1x1x16xf32>,
        %get3A_684 = vector.shape_cast %get3A_683 : vector<1x1x16xf32> to vector<16xf32>
        %get3A_685 = arith.constant 1 : i32
        %get3A_686 = arith.index_cast %get3A_685 : i32 to index
        %get3A_687 = arith.index_cast %add3A_678 : i32 to index
        %get3A_688 = arith.constant 64 : index
        %get3A_689 = tpu.vector_load %arg7[%get3A_686, %get3A_687, %get3A_688] {strides = array<i32>} : memref<2x224x128xf32, #tpu.memory_space<vmem>>, vector<1x1x16xf32>,
        %get3A_690 = vector.shape_cast %get3A_689 : vector<1x1x16xf32> to vector<16xf32>
        %mul3A_691 = arith.mulf %get3A_684, %sub3A_674 : vector<16xf32>
        %mul3A_692 = arith.mulf %get3A_690, %gather3A_671 : vector<16xf32>
        %add3A_693 = arith.addf %mul3A_691, %mul3A_692 : vector<16xf32>
        %swap3A_694 = arith.index_cast %add3A_678 : i32 to index
        %swap3A_695 = arith.constant 0 : index
        %swap3A_696 = tpu.vector_load %arg8[%swap3A_694, %swap3A_695] {strides = array<i32>} : memref<208x64xf32, #tpu.memory_space<vmem>>, vector<1x16xf32>,
        %swap3A_697 = vector.shape_cast %swap3A_696 : vector<1x16xf32> to vector<16xf32>
        %swap3A_698 = vector.shape_cast %add3A_693 : vector<16xf32> to vector<1x16xf32>
        tpu.vector_store %arg8[%swap3A_694, %swap3A_695], %swap3A_698 {strides = array<i32>} : memref<208x64xf32, #tpu.memory_space<vmem>>, vector<1x16xf32>,
        %get3A_699 = arith.constant 1 : i32
        %get3A_700 = arith.index_cast %get3A_699 : i32 to index
        %get3A_701 = arith.index_cast %add3A_678 : i32 to index
        %get3A_702 = arith.constant 16 : index
        %get3A_703 = tpu.vector_load %arg7[%get3A_700, %get3A_701, %get3A_702] {strides = array<i32>} : memref<2x224x128xf32, #tpu.memory_space<vmem>>, vector<1x1x16xf32>,
        %get3A_704 = vector.shape_cast %get3A_703 : vector<1x1x16xf32> to vector<16xf32>
        %get3A_705 = arith.constant 1 : i32
        %get3A_706 = arith.index_cast %get3A_705 : i32 to index
        %get3A_707 = arith.index_cast %add3A_678 : i32 to index
        %get3A_708 = arith.constant 80 : index
        %get3A_709 = tpu.vector_load %arg7[%get3A_706, %get3A_707, %get3A_708] {strides = array<i32>} : memref<2x224x128xf32, #tpu.memory_space<vmem>>, vector<1x1x16xf32>,
        %get3A_710 = vector.shape_cast %get3A_709 : vector<1x1x16xf32> to vector<16xf32>
        %mul3A_711 = arith.mulf %get3A_704, %sub3A_674 : vector<16xf32>
        %mul3A_712 = arith.mulf %get3A_710, %gather3A_671 : vector<16xf32>
        %add3A_713 = arith.addf %mul3A_711, %mul3A_712 : vector<16xf32>
        %swap3A_714 = arith.index_cast %add3A_678 : i32 to index
        %swap3A_715 = arith.constant 16 : index
        %swap3A_716 = tpu.vector_load %arg8[%swap3A_714, %swap3A_715] {strides = array<i32>} : memref<208x64xf32, #tpu.memory_space<vmem>>, vector<1x16xf32>,
        %swap3A_717 = vector.shape_cast %swap3A_716 : vector<1x16xf32> to vector<16xf32>
        %swap3A_718 = vector.shape_cast %add3A_713 : vector<16xf32> to vector<1x16xf32>
        tpu.vector_store %arg8[%swap3A_714, %swap3A_715], %swap3A_718 {strides = array<i32>} : memref<208x64xf32, #tpu.memory_space<vmem>>, vector<1x16xf32>,
        %get3A_719 = arith.constant 1 : i32
        %get3A_720 = arith.index_cast %get3A_719 : i32 to index
        %get3A_721 = arith.index_cast %add3A_678 : i32 to index
        %get3A_722 = arith.constant 32 : index
        %get3A_723 = tpu.vector_load %arg7[%get3A_720, %get3A_721, %get3A_722] {strides = array<i32>} : memref<2x224x128xf32, #tpu.memory_space<vmem>>, vector<1x1x16xf32>,
        %get3A_724 = vector.shape_cast %get3A_723 : vector<1x1x16xf32> to vector<16xf32>
        %get3A_725 = arith.constant 1 : i32
        %get3A_726 = arith.index_cast %get3A_725 : i32 to index
        %get3A_727 = arith.index_cast %add3A_678 : i32 to index
        %get3A_728 = arith.constant 96 : index
        %get3A_729 = tpu.vector_load %arg7[%get3A_726, %get3A_727, %get3A_728] {strides = array<i32>} : memref<2x224x128xf32, #tpu.memory_space<vmem>>, vector<1x1x16xf32>,
        %get3A_730 = vector.shape_cast %get3A_729 : vector<1x1x16xf32> to vector<16xf32>
        %mul3A_731 = arith.mulf %get3A_724, %sub3A_674 : vector<16xf32>
        %mul3A_732 = arith.mulf %get3A_730, %gather3A_671 : vector<16xf32>
        %add3A_733 = arith.addf %mul3A_731, %mul3A_732 : vector<16xf32>
        %swap3A_734 = arith.index_cast %add3A_678 : i32 to index
        %swap3A_735 = arith.constant 32 : index
        %swap3A_736 = tpu.vector_load %arg8[%swap3A_734, %swap3A_735] {strides = array<i32>} : memref<208x64xf32, #tpu.memory_space<vmem>>, vector<1x16xf32>,
        %swap3A_737 = vector.shape_cast %swap3A_736 : vector<1x16xf32> to vector<16xf32>
        %swap3A_738 = vector.shape_cast %add3A_733 : vector<16xf32> to vector<1x16xf32>
        tpu.vector_store %arg8[%swap3A_734, %swap3A_735], %swap3A_738 {strides = array<i32>} : memref<208x64xf32, #tpu.memory_space<vmem>>, vector<1x16xf32>,
        %get3A_739 = arith.constant 1 : i32
        %get3A_740 = arith.index_cast %get3A_739 : i32 to index
        %get3A_741 = arith.index_cast %add3A_678 : i32 to index
        %get3A_742 = arith.constant 48 : index
        %get3A_743 = tpu.vector_load %arg7[%get3A_740, %get3A_741, %get3A_742] {strides = array<i32>} : memref<2x224x128xf32, #tpu.memory_space<vmem>>, vector<1x1x16xf32>,
        %get3A_744 = vector.shape_cast %get3A_743 : vector<1x1x16xf32> to vector<16xf32>
        %get3A_745 = arith.constant 1 : i32
        %get3A_746 = arith.index_cast %get3A_745 : i32 to index
        %get3A_747 = arith.index_cast %add3A_678 : i32 to index
        %get3A_748 = arith.constant 112 : index
        %get3A_749 = tpu.vector_load %arg7[%get3A_746, %get3A_747, %get3A_748] {strides = array<i32>} : memref<2x224x128xf32, #tpu.memory_space<vmem>>, vector<1x1x16xf32>,
        %get3A_750 = vector.shape_cast %get3A_749 : vector<1x1x16xf32> to vector<16xf32>
        %mul3A_751 = arith.mulf %get3A_744, %sub3A_674 : vector<16xf32>
        %mul3A_752 = arith.mulf %get3A_750, %gather3A_671 : vector<16xf32>
        %add3A_753 = arith.addf %mul3A_751, %mul3A_752 : vector<16xf32>
        %swap3A_754 = arith.index_cast %add3A_678 : i32 to index
        %swap3A_755 = arith.constant 48 : index
        %swap3A_756 = tpu.vector_load %arg8[%swap3A_754, %swap3A_755] {strides = array<i32>} : memref<208x64xf32, #tpu.memory_space<vmem>>, vector<1x16xf32>,
        %swap3A_757 = vector.shape_cast %swap3A_756 : vector<1x16xf32> to vector<16xf32>
        %swap3A_758 = vector.shape_cast %add3A_753 : vector<16xf32> to vector<1x16xf32>
        tpu.vector_store %arg8[%swap3A_754, %swap3A_755], %swap3A_758 {strides = array<i32>} : memref<208x64xf32, #tpu.memory_space<vmem>>, vector<1x16xf32>,
        %broadcast_in_dim3A_759 = arith.constant 3 : i32
        %broadcast_in_dim3A_760 = vector.broadcast %broadcast_in_dim3A_759 : i32 to vector<16xi32>
        %lt3A_761 = arith.constant 0 : i32
        %lt3A_762 = vector.broadcast %lt3A_761 : i32 to vector<16xi32>
        %lt3A_763 = arith.cmpi slt, %broadcast_in_dim3A_760, %lt3A_762 : vector<16xi32>
        %add3A_764 = arith.constant 16 : i32
        %add3A_765 = vector.broadcast %add3A_764 : i32 to vector<16xi32>
        %add3A_766 = arith.addi %broadcast_in_dim3A_760, %add3A_765 : vector<16xi32>
        %select_n3A_767 = arith.select %lt3A_763, %add3A_766, %broadcast_in_dim3A_760 : vector<16xi1>, vector<16xi32>
        %broadcast_in_dim3A_768 = vector.shape_cast %select_n3A_767 : vector<16xi32> to vector<16x1xi32>
        %gather3A_769 = vector.shape_cast %broadcast_in_dim3A_768 : vector<16x1xi32> to vector<16xi32>
        %gather3A_770 = tpu.dynamic_gather %convert_element_type3A_464[%gather3A_769] in [0] : vector<16xf32>, vector<16xi32> -> vector<16xf32>
        %sub3A_771 = arith.constant 1.000000e+00 : f32
        %sub3A_772 = vector.broadcast %sub3A_771 : f32 to vector<16xf32>
        %sub3A_773 = arith.subf %sub3A_772, %gather3A_770 : vector<16xf32>
        %mul3A_774 = arith.constant 16 : i32
        %mul3A_775 = arith.muli %scan3A_453, %mul3A_774 : i32
        %add3A_776 = arith.constant 3 : i32
        %add3A_777 = arith.addi %mul3A_775, %add3A_776 : i32
        %get3A_778 = arith.constant 1 : i32
        %get3A_779 = arith.index_cast %get3A_778 : i32 to index
        %get3A_780 = arith.index_cast %add3A_777 : i32 to index
        %get3A_781 = arith.constant 0 : index
        %get3A_782 = tpu.vector_load %arg7[%get3A_779, %get3A_780, %get3A_781] {strides = array<i32>} : memref<2x224x128xf32, #tpu.memory_space<vmem>>, vector<1x1x16xf32>,
        %get3A_783 = vector.shape_cast %get3A_782 : vector<1x1x16xf32> to vector<16xf32>
        %get3A_784 = arith.constant 1 : i32
        %get3A_785 = arith.index_cast %get3A_784 : i32 to index
        %get3A_786 = arith.index_cast %add3A_777 : i32 to index
        %get3A_787 = arith.constant 64 : index
        %get3A_788 = tpu.vector_load %arg7[%get3A_785, %get3A_786, %get3A_787] {strides = array<i32>} : memref<2x224x128xf32, #tpu.memory_space<vmem>>, vector<1x1x16xf32>,
        %get3A_789 = vector.shape_cast %get3A_788 : vector<1x1x16xf32> to vector<16xf32>
        %mul3A_790 = arith.mulf %get3A_783, %sub3A_773 : vector<16xf32>
        %mul3A_791 = arith.mulf %get3A_789, %gather3A_770 : vector<16xf32>
        %add3A_792 = arith.addf %mul3A_790, %mul3A_791 : vector<16xf32>
        %swap3A_793 = arith.index_cast %add3A_777 : i32 to index
        %swap3A_794 = arith.constant 0 : index
        %swap3A_795 = tpu.vector_load %arg8[%swap3A_793, %swap3A_794] {strides = array<i32>} : memref<208x64xf32, #tpu.memory_space<vmem>>, vector<1x16xf32>,
        %swap3A_796 = vector.shape_cast %swap3A_795 : vector<1x16xf32> to vector<16xf32>
        %swap3A_797 = vector.shape_cast %add3A_792 : vector<16xf32> to vector<1x16xf32>
        tpu.vector_store %arg8[%swap3A_793, %swap3A_794], %swap3A_797 {strides = array<i32>} : memref<208x64xf32, #tpu.memory_space<vmem>>, vector<1x16xf32>,
        %get3A_798 = arith.constant 1 : i32
        %get3A_799 = arith.index_cast %get3A_798 : i32 to index
        %get3A_800 = arith.index_cast %add3A_777 : i32 to index
        %get3A_801 = arith.constant 16 : index
        %get3A_802 = tpu.vector_load %arg7[%get3A_799, %get3A_800, %get3A_801] {strides = array<i32>} : memref<2x224x128xf32, #tpu.memory_space<vmem>>, vector<1x1x16xf32>,
        %get3A_803 = vector.shape_cast %get3A_802 : vector<1x1x16xf32> to vector<16xf32>
        %get3A_804 = arith.constant 1 : i32
        %get3A_805 = arith.index_cast %get3A_804 : i32 to index
        %get3A_806 = arith.index_cast %add3A_777 : i32 to index
        %get3A_807 = arith.constant 80 : index
        %get3A_808 = tpu.vector_load %arg7[%get3A_805, %get3A_806, %get3A_807] {strides = array<i32>} : memref<2x224x128xf32, #tpu.memory_space<vmem>>, vector<1x1x16xf32>,
        %get3A_809 = vector.shape_cast %get3A_808 : vector<1x1x16xf32> to vector<16xf32>
        %mul3A_810 = arith.mulf %get3A_803, %sub3A_773 : vector<16xf32>
        %mul3A_811 = arith.mulf %get3A_809, %gather3A_770 : vector<16xf32>
        %add3A_812 = arith.addf %mul3A_810, %mul3A_811 : vector<16xf32>
        %swap3A_813 = arith.index_cast %add3A_777 : i32 to index
        %swap3A_814 = arith.constant 16 : index
        %swap3A_815 = tpu.vector_load %arg8[%swap3A_813, %swap3A_814] {strides = array<i32>} : memref<208x64xf32, #tpu.memory_space<vmem>>, vector<1x16xf32>,
        %swap3A_816 = vector.shape_cast %swap3A_815 : vector<1x16xf32> to vector<16xf32>
        %swap3A_817 = vector.shape_cast %add3A_812 : vector<16xf32> to vector<1x16xf32>
        tpu.vector_store %arg8[%swap3A_813, %swap3A_814], %swap3A_817 {strides = array<i32>} : memref<208x64xf32, #tpu.memory_space<vmem>>, vector<1x16xf32>,
        %get3A_818 = arith.constant 1 : i32
        %get3A_819 = arith.index_cast %get3A_818 : i32 to index
        %get3A_820 = arith.index_cast %add3A_777 : i32 to index
        %get3A_821 = arith.constant 32 : index
        %get3A_822 = tpu.vector_load %arg7[%get3A_819, %get3A_820, %get3A_821] {strides = array<i32>} : memref<2x224x128xf32, #tpu.memory_space<vmem>>, vector<1x1x16xf32>,
        %get3A_823 = vector.shape_cast %get3A_822 : vector<1x1x16xf32> to vector<16xf32>
        %get3A_824 = arith.constant 1 : i32
        %get3A_825 = arith.index_cast %get3A_824 : i32 to index
        %get3A_826 = arith.index_cast %add3A_777 : i32 to index
        %get3A_827 = arith.constant 96 : index
        %get3A_828 = tpu.vector_load %arg7[%get3A_825, %get3A_826, %get3A_827] {strides = array<i32>} : memref<2x224x128xf32, #tpu.memory_space<vmem>>, vector<1x1x16xf32>,
        %get3A_829 = vector.shape_cast %get3A_828 : vector<1x1x16xf32> to vector<16xf32>
        %mul3A_830 = arith.mulf %get3A_823, %sub3A_773 : vector<16xf32>
        %mul3A_831 = arith.mulf %get3A_829, %gather3A_770 : vector<16xf32>
        %add3A_832 = arith.addf %mul3A_830, %mul3A_831 : vector<16xf32>
        %swap3A_833 = arith.index_cast %add3A_777 : i32 to index
        %swap3A_834 = arith.constant 32 : index
        %swap3A_835 = tpu.vector_load %arg8[%swap3A_833, %swap3A_834] {strides = array<i32>} : memref<208x64xf32, #tpu.memory_space<vmem>>, vector<1x16xf32>,
        %swap3A_836 = vector.shape_cast %swap3A_835 : vector<1x16xf32> to vector<16xf32>
        %swap3A_837 = vector.shape_cast %add3A_832 : vector<16xf32> to vector<1x16xf32>
        tpu.vector_store %arg8[%swap3A_833, %swap3A_834], %swap3A_837 {strides = array<i32>} : memref<208x64xf32, #tpu.memory_space<vmem>>, vector<1x16xf32>,
        %get3A_838 = arith.constant 1 : i32
        %get3A_839 = arith.index_cast %get3A_838 : i32 to index
        %get3A_840 = arith.index_cast %add3A_777 : i32 to index
        %get3A_841 = arith.constant 48 : index
        %get3A_842 = tpu.vector_load %arg7[%get3A_839, %get3A_840, %get3A_841] {strides = array<i32>} : memref<2x224x128xf32, #tpu.memory_space<vmem>>, vector<1x1x16xf32>,
        %get3A_843 = vector.shape_cast %get3A_842 : vector<1x1x16xf32> to vector<16xf32>
        %get3A_844 = arith.constant 1 : i32
        %get3A_845 = arith.index_cast %get3A_844 : i32 to index
        %get3A_846 = arith.index_cast %add3A_777 : i32 to index
        %get3A_847 = arith.constant 112 : index
        %get3A_848 = tpu.vector_load %arg7[%get3A_845, %get3A_846, %get3A_847] {strides = array<i32>} : memref<2x224x128xf32, #tpu.memory_space<vmem>>, vector<1x1x16xf32>,
        %get3A_849 = vector.shape_cast %get3A_848 : vector<1x1x16xf32> to vector<16xf32>
        %mul3A_850 = arith.mulf %get3A_843, %sub3A_773 : vector<16xf32>
        %mul3A_851 = arith.mulf %get3A_849, %gather3A_770 : vector<16xf32>
        %add3A_852 = arith.addf %mul3A_850, %mul3A_851 : vector<16xf32>
        %swap3A_853 = arith.index_cast %add3A_777 : i32 to index
        %swap3A_854 = arith.constant 48 : index
        %swap3A_855 = tpu.vector_load %arg8[%swap3A_853, %swap3A_854] {strides = array<i32>} : memref<208x64xf32, #tpu.memory_space<vmem>>, vector<1x16xf32>,
        %swap3A_856 = vector.shape_cast %swap3A_855 : vector<1x16xf32> to vector<16xf32>
        %swap3A_857 = vector.shape_cast %add3A_852 : vector<16xf32> to vector<1x16xf32>
        tpu.vector_store %arg8[%swap3A_853, %swap3A_854], %swap3A_857 {strides = array<i32>} : memref<208x64xf32, #tpu.memory_space<vmem>>, vector<1x16xf32>,
        %broadcast_in_dim3A_858 = arith.constant 4 : i32
        %broadcast_in_dim3A_859 = vector.broadcast %broadcast_in_dim3A_858 : i32 to vector<16xi32>
        %lt3A_860 = arith.constant 0 : i32
        %lt3A_861 = vector.broadcast %lt3A_860 : i32 to vector<16xi32>
        %lt3A_862 = arith.cmpi slt, %broadcast_in_dim3A_859, %lt3A_861 : vector<16xi32>
        %add3A_863 = arith.constant 16 : i32
        %add3A_864 = vector.broadcast %add3A_863 : i32 to vector<16xi32>
        %add3A_865 = arith.addi %broadcast_in_dim3A_859, %add3A_864 : vector<16xi32>
        %select_n3A_866 = arith.select %lt3A_862, %add3A_865, %broadcast_in_dim3A_859 : vector<16xi1>, vector<16xi32>
        %broadcast_in_dim3A_867 = vector.shape_cast %select_n3A_866 : vector<16xi32> to vector<16x1xi32>
        %gather3A_868 = vector.shape_cast %broadcast_in_dim3A_867 : vector<16x1xi32> to vector<16xi32>
        %gather3A_869 = tpu.dynamic_gather %convert_element_type3A_464[%gather3A_868] in [0] : vector<16xf32>, vector<16xi32> -> vector<16xf32>
        %sub3A_870 = arith.constant 1.000000e+00 : f32
        %sub3A_871 = vector.broadcast %sub3A_870 : f32 to vector<16xf32>
        %sub3A_872 = arith.subf %sub3A_871, %gather3A_869 : vector<16xf32>
        %mul3A_873 = arith.constant 16 : i32
        %mul3A_874 = arith.muli %scan3A_453, %mul3A_873 : i32
        %add3A_875 = arith.constant 4 : i32
        %add3A_876 = arith.addi %mul3A_874, %add3A_875 : i32
        %get3A_877 = arith.constant 1 : i32
        %get3A_878 = arith.index_cast %get3A_877 : i32 to index
        %get3A_879 = arith.index_cast %add3A_876 : i32 to index
        %get3A_880 = arith.constant 0 : index
        %get3A_881 = tpu.vector_load %arg7[%get3A_878, %get3A_879, %get3A_880] {strides = array<i32>} : memref<2x224x128xf32, #tpu.memory_space<vmem>>, vector<1x1x16xf32>,
        %get3A_882 = vector.shape_cast %get3A_881 : vector<1x1x16xf32> to vector<16xf32>
        %get3A_883 = arith.constant 1 : i32
        %get3A_884 = arith.index_cast %get3A_883 : i32 to index
        %get3A_885 = arith.index_cast %add3A_876 : i32 to index
        %get3A_886 = arith.constant 64 : index
        %get3A_887 = tpu.vector_load %arg7[%get3A_884, %get3A_885, %get3A_886] {strides = array<i32>} : memref<2x224x128xf32, #tpu.memory_space<vmem>>, vector<1x1x16xf32>,
        %get3A_888 = vector.shape_cast %get3A_887 : vector<1x1x16xf32> to vector<16xf32>
        %mul3A_889 = arith.mulf %get3A_882, %sub3A_872 : vector<16xf32>
        %mul3A_890 = arith.mulf %get3A_888, %gather3A_869 : vector<16xf32>
        %add3A_891 = arith.addf %mul3A_889, %mul3A_890 : vector<16xf32>
        %swap3A_892 = arith.index_cast %add3A_876 : i32 to index
        %swap3A_893 = arith.constant 0 : index
        %swap3A_894 = tpu.vector_load %arg8[%swap3A_892, %swap3A_893] {strides = array<i32>} : memref<208x64xf32, #tpu.memory_space<vmem>>, vector<1x16xf32>,
        %swap3A_895 = vector.shape_cast %swap3A_894 : vector<1x16xf32> to vector<16xf32>
        %swap3A_896 = vector.shape_cast %add3A_891 : vector<16xf32> to vector<1x16xf32>
        tpu.vector_store %arg8[%swap3A_892, %swap3A_893], %swap3A_896 {strides = array<i32>} : memref<208x64xf32, #tpu.memory_space<vmem>>, vector<1x16xf32>,
        %get3A_897 = arith.constant 1 : i32
        %get3A_898 = arith.index_cast %get3A_897 : i32 to index
        %get3A_899 = arith.index_cast %add3A_876 : i32 to index
        %get3A_900 = arith.constant 16 : index
        %get3A_901 = tpu.vector_load %arg7[%get3A_898, %get3A_899, %get3A_900] {strides = array<i32>} : memref<2x224x128xf32, #tpu.memory_space<vmem>>, vector<1x1x16xf32>,
        %get3A_902 = vector.shape_cast %get3A_901 : vector<1x1x16xf32> to vector<16xf32>
        %get3A_903 = arith.constant 1 : i32
        %get3A_904 = arith.index_cast %get3A_903 : i32 to index
        %get3A_905 = arith.index_cast %add3A_876 : i32 to index
        %get3A_906 = arith.constant 80 : index
        %get3A_907 = tpu.vector_load %arg7[%get3A_904, %get3A_905, %get3A_906] {strides = array<i32>} : memref<2x224x128xf32, #tpu.memory_space<vmem>>, vector<1x1x16xf32>,
        %get3A_908 = vector.shape_cast %get3A_907 : vector<1x1x16xf32> to vector<16xf32>
        %mul3A_909 = arith.mulf %get3A_902, %sub3A_872 : vector<16xf32>
        %mul3A_910 = arith.mulf %get3A_908, %gather3A_869 : vector<16xf32>
        %add3A_911 = arith.addf %mul3A_909, %mul3A_910 : vector<16xf32>
        %swap3A_912 = arith.index_cast %add3A_876 : i32 to index
        %swap3A_913 = arith.constant 16 : index
        %swap3A_914 = tpu.vector_load %arg8[%swap3A_912, %swap3A_913] {strides = array<i32>} : memref<208x64xf32, #tpu.memory_space<vmem>>, vector<1x16xf32>,
        %swap3A_915 = vector.shape_cast %swap3A_914 : vector<1x16xf32> to vector<16xf32>
        %swap3A_916 = vector.shape_cast %add3A_911 : vector<16xf32> to vector<1x16xf32>
        tpu.vector_store %arg8[%swap3A_912, %swap3A_913], %swap3A_916 {strides = array<i32>} : memref<208x64xf32, #tpu.memory_space<vmem>>, vector<1x16xf32>,
        %get3A_917 = arith.constant 1 : i32
        %get3A_918 = arith.index_cast %get3A_917 : i32 to index
        %get3A_919 = arith.index_cast %add3A_876 : i32 to index
        %get3A_920 = arith.constant 32 : index
        %get3A_921 = tpu.vector_load %arg7[%get3A_918, %get3A_919, %get3A_920] {strides = array<i32>} : memref<2x224x128xf32, #tpu.memory_space<vmem>>, vector<1x1x16xf32>,
        %get3A_922 = vector.shape_cast %get3A_921 : vector<1x1x16xf32> to vector<16xf32>
        %get3A_923 = arith.constant 1 : i32
        %get3A_924 = arith.index_cast %get3A_923 : i32 to index
        %get3A_925 = arith.index_cast %add3A_876 : i32 to index
        %get3A_926 = arith.constant 96 : index
        %get3A_927 = tpu.vector_load %arg7[%get3A_924, %get3A_925, %get3A_926] {strides = array<i32>} : memref<2x224x128xf32, #tpu.memory_space<vmem>>, vector<1x1x16xf32>,
        %get3A_928 = vector.shape_cast %get3A_927 : vector<1x1x16xf32> to vector<16xf32>
        %mul3A_929 = arith.mulf %get3A_922, %sub3A_872 : vector<16xf32>
        %mul3A_930 = arith.mulf %get3A_928, %gather3A_869 : vector<16xf32>
        %add3A_931 = arith.addf %mul3A_929, %mul3A_930 : vector<16xf32>
        %swap3A_932 = arith.index_cast %add3A_876 : i32 to index
        %swap3A_933 = arith.constant 32 : index
        %swap3A_934 = tpu.vector_load %arg8[%swap3A_932, %swap3A_933] {strides = array<i32>} : memref<208x64xf32, #tpu.memory_space<vmem>>, vector<1x16xf32>,
        %swap3A_935 = vector.shape_cast %swap3A_934 : vector<1x16xf32> to vector<16xf32>
        %swap3A_936 = vector.shape_cast %add3A_931 : vector<16xf32> to vector<1x16xf32>
        tpu.vector_store %arg8[%swap3A_932, %swap3A_933], %swap3A_936 {strides = array<i32>} : memref<208x64xf32, #tpu.memory_space<vmem>>, vector<1x16xf32>,
        %get3A_937 = arith.constant 1 : i32
        %get3A_938 = arith.index_cast %get3A_937 : i32 to index
        %get3A_939 = arith.index_cast %add3A_876 : i32 to index
        %get3A_940 = arith.constant 48 : index
        %get3A_941 = tpu.vector_load %arg7[%get3A_938, %get3A_939, %get3A_940] {strides = array<i32>} : memref<2x224x128xf32, #tpu.memory_space<vmem>>, vector<1x1x16xf32>,
        %get3A_942 = vector.shape_cast %get3A_941 : vector<1x1x16xf32> to vector<16xf32>
        %get3A_943 = arith.constant 1 : i32
        %get3A_944 = arith.index_cast %get3A_943 : i32 to index
        %get3A_945 = arith.index_cast %add3A_876 : i32 to index
        %get3A_946 = arith.constant 112 : index
        %get3A_947 = tpu.vector_load %arg7[%get3A_944, %get3A_945, %get3A_946] {strides = array<i32>} : memref<2x224x128xf32, #tpu.memory_space<vmem>>, vector<1x1x16xf32>,
        %get3A_948 = vector.shape_cast %get3A_947 : vector<1x1x16xf32> to vector<16xf32>
        %mul3A_949 = arith.mulf %get3A_942, %sub3A_872 : vector<16xf32>
        %mul3A_950 = arith.mulf %get3A_948, %gather3A_869 : vector<16xf32>
        %add3A_951 = arith.addf %mul3A_949, %mul3A_950 : vector<16xf32>
        %swap3A_952 = arith.index_cast %add3A_876 : i32 to index
        %swap3A_953 = arith.constant 48 : index
        %swap3A_954 = tpu.vector_load %arg8[%swap3A_952, %swap3A_953] {strides = array<i32>} : memref<208x64xf32, #tpu.memory_space<vmem>>, vector<1x16xf32>,
        %swap3A_955 = vector.shape_cast %swap3A_954 : vector<1x16xf32> to vector<16xf32>
        %swap3A_956 = vector.shape_cast %add3A_951 : vector<16xf32> to vector<1x16xf32>
        tpu.vector_store %arg8[%swap3A_952, %swap3A_953], %swap3A_956 {strides = array<i32>} : memref<208x64xf32, #tpu.memory_space<vmem>>, vector<1x16xf32>,
        %broadcast_in_dim3A_957 = arith.constant 5 : i32
        %broadcast_in_dim3A_958 = vector.broadcast %broadcast_in_dim3A_957 : i32 to vector<16xi32>
        %lt3A_959 = arith.constant 0 : i32
        %lt3A_960 = vector.broadcast %lt3A_959 : i32 to vector<16xi32>
        %lt3A_961 = arith.cmpi slt, %broadcast_in_dim3A_958, %lt3A_960 : vector<16xi32>
        %add3A_962 = arith.constant 16 : i32
        %add3A_963 = vector.broadcast %add3A_962 : i32 to vector<16xi32>
        %add3A_964 = arith.addi %broadcast_in_dim3A_958, %add3A_963 : vector<16xi32>
        %select_n3A_965 = arith.select %lt3A_961, %add3A_964, %broadcast_in_dim3A_958 : vector<16xi1>, vector<16xi32>
        %broadcast_in_dim3A_966 = vector.shape_cast %select_n3A_965 : vector<16xi32> to vector<16x1xi32>
        %gather3A_967 = vector.shape_cast %broadcast_in_dim3A_966 : vector<16x1xi32> to vector<16xi32>
        %gather3A_968 = tpu.dynamic_gather %convert_element_type3A_464[%gather3A_967] in [0] : vector<16xf32>, vector<16xi32> -> vector<16xf32>
        %sub3A_969 = arith.constant 1.000000e+00 : f32
        %sub3A_970 = vector.broadcast %sub3A_969 : f32 to vector<16xf32>
        %sub3A_971 = arith.subf %sub3A_970, %gather3A_968 : vector<16xf32>
        %mul3A_972 = arith.constant 16 : i32
        %mul3A_973 = arith.muli %scan3A_453, %mul3A_972 : i32
        %add3A_974 = arith.constant 5 : i32
        %add3A_975 = arith.addi %mul3A_973, %add3A_974 : i32
        %get3A_976 = arith.constant 1 : i32
        %get3A_977 = arith.index_cast %get3A_976 : i32 to index
        %get3A_978 = arith.index_cast %add3A_975 : i32 to index
        %get3A_979 = arith.constant 0 : index
        %get3A_980 = tpu.vector_load %arg7[%get3A_977, %get3A_978, %get3A_979] {strides = array<i32>} : memref<2x224x128xf32, #tpu.memory_space<vmem>>, vector<1x1x16xf32>,
        %get3A_981 = vector.shape_cast %get3A_980 : vector<1x1x16xf32> to vector<16xf32>
        %get3A_982 = arith.constant 1 : i32
        %get3A_983 = arith.index_cast %get3A_982 : i32 to index
        %get3A_984 = arith.index_cast %add3A_975 : i32 to index
        %get3A_985 = arith.constant 64 : index
        %get3A_986 = tpu.vector_load %arg7[%get3A_983, %get3A_984, %get3A_985] {strides = array<i32>} : memref<2x224x128xf32, #tpu.memory_space<vmem>>, vector<1x1x16xf32>,
        %get3A_987 = vector.shape_cast %get3A_986 : vector<1x1x16xf32> to vector<16xf32>
        %mul3A_988 = arith.mulf %get3A_981, %sub3A_971 : vector<16xf32>
        %mul3A_989 = arith.mulf %get3A_987, %gather3A_968 : vector<16xf32>
        %add3A_990 = arith.addf %mul3A_988, %mul3A_989 : vector<16xf32>
        %swap3A_991 = arith.index_cast %add3A_975 : i32 to index
        %swap3A_992 = arith.constant 0 : index
        %swap3A_993 = tpu.vector_load %arg8[%swap3A_991, %swap3A_992] {strides = array<i32>} : memref<208x64xf32, #tpu.memory_space<vmem>>, vector<1x16xf32>,
        %swap3A_994 = vector.shape_cast %swap3A_993 : vector<1x16xf32> to vector<16xf32>
        %swap3A_995 = vector.shape_cast %add3A_990 : vector<16xf32> to vector<1x16xf32>
        tpu.vector_store %arg8[%swap3A_991, %swap3A_992], %swap3A_995 {strides = array<i32>} : memref<208x64xf32, #tpu.memory_space<vmem>>, vector<1x16xf32>,
        %get3A_996 = arith.constant 1 : i32
        %get3A_997 = arith.index_cast %get3A_996 : i32 to index
        %get3A_998 = arith.index_cast %add3A_975 : i32 to index
        %get3A_999 = arith.constant 16 : index
        %get3A_1000 = tpu.vector_load %arg7[%get3A_997, %get3A_998, %get3A_999] {strides = array<i32>} : memref<2x224x128xf32, #tpu.memory_space<vmem>>, vector<1x1x16xf32>,
        %get3A_1001 = vector.shape_cast %get3A_1000 : vector<1x1x16xf32> to vector<16xf32>
        %get3A_1002 = arith.constant 1 : i32
        %get3A_1003 = arith.index_cast %get3A_1002 : i32 to index
        %get3A_1004 = arith.index_cast %add3A_975 : i32 to index
        %get3A_1005 = arith.constant 80 : index
        %get3A_1006 = tpu.vector_load %arg7[%get3A_1003, %get3A_1004, %get3A_1005] {strides = array<i32>} : memref<2x224x128xf32, #tpu.memory_space<vmem>>, vector<1x1x16xf32>,
        %get3A_1007 = vector.shape_cast %get3A_1006 : vector<1x1x16xf32> to vector<16xf32>
        %mul3A_1008 = arith.mulf %get3A_1001, %sub3A_971 : vector<16xf32>
        %mul3A_1009 = arith.mulf %get3A_1007, %gather3A_968 : vector<16xf32>
        %add3A_1010 = arith.addf %mul3A_1008, %mul3A_1009 : vector<16xf32>
        %swap3A_1011 = arith.index_cast %add3A_975 : i32 to index
        %swap3A_1012 = arith.constant 16 : index
        %swap3A_1013 = tpu.vector_load %arg8[%swap3A_1011, %swap3A_1012] {strides = array<i32>} : memref<208x64xf32, #tpu.memory_space<vmem>>, vector<1x16xf32>,
        %swap3A_1014 = vector.shape_cast %swap3A_1013 : vector<1x16xf32> to vector<16xf32>
        %swap3A_1015 = vector.shape_cast %add3A_1010 : vector<16xf32> to vector<1x16xf32>
        tpu.vector_store %arg8[%swap3A_1011, %swap3A_1012], %swap3A_1015 {strides = array<i32>} : memref<208x64xf32, #tpu.memory_space<vmem>>, vector<1x16xf32>,
        %get3A_1016 = arith.constant 1 : i32
        %get3A_1017 = arith.index_cast %get3A_1016 : i32 to index
        %get3A_1018 = arith.index_cast %add3A_975 : i32 to index
        %get3A_1019 = arith.constant 32 : index
        %get3A_1020 = tpu.vector_load %arg7[%get3A_1017, %get3A_1018, %get3A_1019] {strides = array<i32>} : memref<2x224x128xf32, #tpu.memory_space<vmem>>, vector<1x1x16xf32>,
        %get3A_1021 = vector.shape_cast %get3A_1020 : vector<1x1x16xf32> to vector<16xf32>
        %get3A_1022 = arith.constant 1 : i32
        %get3A_1023 = arith.index_cast %get3A_1022 : i32 to index
        %get3A_1024 = arith.index_cast %add3A_975 : i32 to index
        %get3A_1025 = arith.constant 96 : index
        %get3A_1026 = tpu.vector_load %arg7[%get3A_1023, %get3A_1024, %get3A_1025] {strides = array<i32>} : memref<2x224x128xf32, #tpu.memory_space<vmem>>, vector<1x1x16xf32>,
        %get3A_1027 = vector.shape_cast %get3A_1026 : vector<1x1x16xf32> to vector<16xf32>
        %mul3A_1028 = arith.mulf %get3A_1021, %sub3A_971 : vector<16xf32>
        %mul3A_1029 = arith.mulf %get3A_1027, %gather3A_968 : vector<16xf32>
        %add3A_1030 = arith.addf %mul3A_1028, %mul3A_1029 : vector<16xf32>
        %swap3A_1031 = arith.index_cast %add3A_975 : i32 to index
        %swap3A_1032 = arith.constant 32 : index
        %swap3A_1033 = tpu.vector_load %arg8[%swap3A_1031, %swap3A_1032] {strides = array<i32>} : memref<208x64xf32, #tpu.memory_space<vmem>>, vector<1x16xf32>,
        %swap3A_1034 = vector.shape_cast %swap3A_1033 : vector<1x16xf32> to vector<16xf32>
        %swap3A_1035 = vector.shape_cast %add3A_1030 : vector<16xf32> to vector<1x16xf32>
        tpu.vector_store %arg8[%swap3A_1031, %swap3A_1032], %swap3A_1035 {strides = array<i32>} : memref<208x64xf32, #tpu.memory_space<vmem>>, vector<1x16xf32>,
        %get3A_1036 = arith.constant 1 : i32
        %get3A_1037 = arith.index_cast %get3A_1036 : i32 to index
        %get3A_1038 = arith.index_cast %add3A_975 : i32 to index
        %get3A_1039 = arith.constant 48 : index
        %get3A_1040 = tpu.vector_load %arg7[%get3A_1037, %get3A_1038, %get3A_1039] {strides = array<i32>} : memref<2x224x128xf32, #tpu.memory_space<vmem>>, vector<1x1x16xf32>,
        %get3A_1041 = vector.shape_cast %get3A_1040 : vector<1x1x16xf32> to vector<16xf32>
        %get3A_1042 = arith.constant 1 : i32
        %get3A_1043 = arith.index_cast %get3A_1042 : i32 to index
        %get3A_1044 = arith.index_cast %add3A_975 : i32 to index
        %get3A_1045 = arith.constant 112 : index
        %get3A_1046 = tpu.vector_load %arg7[%get3A_1043, %get3A_1044, %get3A_1045] {strides = array<i32>} : memref<2x224x128xf32, #tpu.memory_space<vmem>>, vector<1x1x16xf32>,
        %get3A_1047 = vector.shape_cast %get3A_1046 : vector<1x1x16xf32> to vector<16xf32>
        %mul3A_1048 = arith.mulf %get3A_1041, %sub3A_971 : vector<16xf32>
        %mul3A_1049 = arith.mulf %get3A_1047, %gather3A_968 : vector<16xf32>
        %add3A_1050 = arith.addf %mul3A_1048, %mul3A_1049 : vector<16xf32>
        %swap3A_1051 = arith.index_cast %add3A_975 : i32 to index
        %swap3A_1052 = arith.constant 48 : index
        %swap3A_1053 = tpu.vector_load %arg8[%swap3A_1051, %swap3A_1052] {strides = array<i32>} : memref<208x64xf32, #tpu.memory_space<vmem>>, vector<1x16xf32>,
        %swap3A_1054 = vector.shape_cast %swap3A_1053 : vector<1x16xf32> to vector<16xf32>
        %swap3A_1055 = vector.shape_cast %add3A_1050 : vector<16xf32> to vector<1x16xf32>
        tpu.vector_store %arg8[%swap3A_1051, %swap3A_1052], %swap3A_1055 {strides = array<i32>} : memref<208x64xf32, #tpu.memory_space<vmem>>, vector<1x16xf32>,
        %broadcast_in_dim3A_1056 = arith.constant 6 : i32
        %broadcast_in_dim3A_1057 = vector.broadcast %broadcast_in_dim3A_1056 : i32 to vector<16xi32>
        %lt3A_1058 = arith.constant 0 : i32
        %lt3A_1059 = vector.broadcast %lt3A_1058 : i32 to vector<16xi32>
        %lt3A_1060 = arith.cmpi slt, %broadcast_in_dim3A_1057, %lt3A_1059 : vector<16xi32>
        %add3A_1061 = arith.constant 16 : i32
        %add3A_1062 = vector.broadcast %add3A_1061 : i32 to vector<16xi32>
        %add3A_1063 = arith.addi %broadcast_in_dim3A_1057, %add3A_1062 : vector<16xi32>
        %select_n3A_1064 = arith.select %lt3A_1060, %add3A_1063, %broadcast_in_dim3A_1057 : vector<16xi1>, vector<16xi32>
        %broadcast_in_dim3A_1065 = vector.shape_cast %select_n3A_1064 : vector<16xi32> to vector<16x1xi32>
        %gather3A_1066 = vector.shape_cast %broadcast_in_dim3A_1065 : vector<16x1xi32> to vector<16xi32>
        %gather3A_1067 = tpu.dynamic_gather %convert_element_type3A_464[%gather3A_1066] in [0] : vector<16xf32>, vector<16xi32> -> vector<16xf32>
        %sub3A_1068 = arith.constant 1.000000e+00 : f32
        %sub3A_1069 = vector.broadcast %sub3A_1068 : f32 to vector<16xf32>
        %sub3A_1070 = arith.subf %sub3A_1069, %gather3A_1067 : vector<16xf32>
        %mul3A_1071 = arith.constant 16 : i32
        %mul3A_1072 = arith.muli %scan3A_453, %mul3A_1071 : i32
        %add3A_1073 = arith.constant 6 : i32
        %add3A_1074 = arith.addi %mul3A_1072, %add3A_1073 : i32
        %get3A_1075 = arith.constant 1 : i32
        %get3A_1076 = arith.index_cast %get3A_1075 : i32 to index
        %get3A_1077 = arith.index_cast %add3A_1074 : i32 to index
        %get3A_1078 = arith.constant 0 : index
        %get3A_1079 = tpu.vector_load %arg7[%get3A_1076, %get3A_1077, %get3A_1078] {strides = array<i32>} : memref<2x224x128xf32, #tpu.memory_space<vmem>>, vector<1x1x16xf32>,
        %get3A_1080 = vector.shape_cast %get3A_1079 : vector<1x1x16xf32> to vector<16xf32>
        %get3A_1081 = arith.constant 1 : i32
        %get3A_1082 = arith.index_cast %get3A_1081 : i32 to index
        %get3A_1083 = arith.index_cast %add3A_1074 : i32 to index
        %get3A_1084 = arith.constant 64 : index
        %get3A_1085 = tpu.vector_load %arg7[%get3A_1082, %get3A_1083, %get3A_1084] {strides = array<i32>} : memref<2x224x128xf32, #tpu.memory_space<vmem>>, vector<1x1x16xf32>,
        %get3A_1086 = vector.shape_cast %get3A_1085 : vector<1x1x16xf32> to vector<16xf32>
        %mul3A_1087 = arith.mulf %get3A_1080, %sub3A_1070 : vector<16xf32>
        %mul3A_1088 = arith.mulf %get3A_1086, %gather3A_1067 : vector<16xf32>
        %add3A_1089 = arith.addf %mul3A_1087, %mul3A_1088 : vector<16xf32>
        %swap3A_1090 = arith.index_cast %add3A_1074 : i32 to index
        %swap3A_1091 = arith.constant 0 : index
        %swap3A_1092 = tpu.vector_load %arg8[%swap3A_1090, %swap3A_1091] {strides = array<i32>} : memref<208x64xf32, #tpu.memory_space<vmem>>, vector<1x16xf32>,
        %swap3A_1093 = vector.shape_cast %swap3A_1092 : vector<1x16xf32> to vector<16xf32>
        %swap3A_1094 = vector.shape_cast %add3A_1089 : vector<16xf32> to vector<1x16xf32>
        tpu.vector_store %arg8[%swap3A_1090, %swap3A_1091], %swap3A_1094 {strides = array<i32>} : memref<208x64xf32, #tpu.memory_space<vmem>>, vector<1x16xf32>,
        %get3A_1095 = arith.constant 1 : i32
        %get3A_1096 = arith.index_cast %get3A_1095 : i32 to index
        %get3A_1097 = arith.index_cast %add3A_1074 : i32 to index
        %get3A_1098 = arith.constant 16 : index
        %get3A_1099 = tpu.vector_load %arg7[%get3A_1096, %get3A_1097, %get3A_1098] {strides = array<i32>} : memref<2x224x128xf32, #tpu.memory_space<vmem>>, vector<1x1x16xf32>,
        %get3A_1100 = vector.shape_cast %get3A_1099 : vector<1x1x16xf32> to vector<16xf32>
        %get3A_1101 = arith.constant 1 : i32
        %get3A_1102 = arith.index_cast %get3A_1101 : i32 to index
        %get3A_1103 = arith.index_cast %add3A_1074 : i32 to index
        %get3A_1104 = arith.constant 80 : index
        %get3A_1105 = tpu.vector_load %arg7[%get3A_1102, %get3A_1103, %get3A_1104] {strides = array<i32>} : memref<2x224x128xf32, #tpu.memory_space<vmem>>, vector<1x1x16xf32>,
        %get3A_1106 = vector.shape_cast %get3A_1105 : vector<1x1x16xf32> to vector<16xf32>
        %mul3A_1107 = arith.mulf %get3A_1100, %sub3A_1070 : vector<16xf32>
        %mul3A_1108 = arith.mulf %get3A_1106, %gather3A_1067 : vector<16xf32>
        %add3A_1109 = arith.addf %mul3A_1107, %mul3A_1108 : vector<16xf32>
        %swap3A_1110 = arith.index_cast %add3A_1074 : i32 to index
        %swap3A_1111 = arith.constant 16 : index
        %swap3A_1112 = tpu.vector_load %arg8[%swap3A_1110, %swap3A_1111] {strides = array<i32>} : memref<208x64xf32, #tpu.memory_space<vmem>>, vector<1x16xf32>,
        %swap3A_1113 = vector.shape_cast %swap3A_1112 : vector<1x16xf32> to vector<16xf32>
        %swap3A_1114 = vector.shape_cast %add3A_1109 : vector<16xf32> to vector<1x16xf32>
        tpu.vector_store %arg8[%swap3A_1110, %swap3A_1111], %swap3A_1114 {strides = array<i32>} : memref<208x64xf32, #tpu.memory_space<vmem>>, vector<1x16xf32>,
        %get3A_1115 = arith.constant 1 : i32
        %get3A_1116 = arith.index_cast %get3A_1115 : i32 to index
        %get3A_1117 = arith.index_cast %add3A_1074 : i32 to index
        %get3A_1118 = arith.constant 32 : index
        %get3A_1119 = tpu.vector_load %arg7[%get3A_1116, %get3A_1117, %get3A_1118] {strides = array<i32>} : memref<2x224x128xf32, #tpu.memory_space<vmem>>, vector<1x1x16xf32>,
        %get3A_1120 = vector.shape_cast %get3A_1119 : vector<1x1x16xf32> to vector<16xf32>
        %get3A_1121 = arith.constant 1 : i32
        %get3A_1122 = arith.index_cast %get3A_1121 : i32 to index
        %get3A_1123 = arith.index_cast %add3A_1074 : i32 to index
        %get3A_1124 = arith.constant 96 : index
        %get3A_1125 = tpu.vector_load %arg7[%get3A_1122, %get3A_1123, %get3A_1124] {strides = array<i32>} : memref<2x224x128xf32, #tpu.memory_space<vmem>>, vector<1x1x16xf32>,
        %get3A_1126 = vector.shape_cast %get3A_1125 : vector<1x1x16xf32> to vector<16xf32>
        %mul3A_1127 = arith.mulf %get3A_1120, %sub3A_1070 : vector<16xf32>
        %mul3A_1128 = arith.mulf %get3A_1126, %gather3A_1067 : vector<16xf32>
        %add3A_1129 = arith.addf %mul3A_1127, %mul3A_1128 : vector<16xf32>
        %swap3A_1130 = arith.index_cast %add3A_1074 : i32 to index
        %swap3A_1131 = arith.constant 32 : index
        %swap3A_1132 = tpu.vector_load %arg8[%swap3A_1130, %swap3A_1131] {strides = array<i32>} : memref<208x64xf32, #tpu.memory_space<vmem>>, vector<1x16xf32>,
        %swap3A_1133 = vector.shape_cast %swap3A_1132 : vector<1x16xf32> to vector<16xf32>
        %swap3A_1134 = vector.shape_cast %add3A_1129 : vector<16xf32> to vector<1x16xf32>
        tpu.vector_store %arg8[%swap3A_1130, %swap3A_1131], %swap3A_1134 {strides = array<i32>} : memref<208x64xf32, #tpu.memory_space<vmem>>, vector<1x16xf32>,
        %get3A_1135 = arith.constant 1 : i32
        %get3A_1136 = arith.index_cast %get3A_1135 : i32 to index
        %get3A_1137 = arith.index_cast %add3A_1074 : i32 to index
        %get3A_1138 = arith.constant 48 : index
        %get3A_1139 = tpu.vector_load %arg7[%get3A_1136, %get3A_1137, %get3A_1138] {strides = array<i32>} : memref<2x224x128xf32, #tpu.memory_space<vmem>>, vector<1x1x16xf32>,
        %get3A_1140 = vector.shape_cast %get3A_1139 : vector<1x1x16xf32> to vector<16xf32>
        %get3A_1141 = arith.constant 1 : i32
        %get3A_1142 = arith.index_cast %get3A_1141 : i32 to index
        %get3A_1143 = arith.index_cast %add3A_1074 : i32 to index
        %get3A_1144 = arith.constant 112 : index
        %get3A_1145 = tpu.vector_load %arg7[%get3A_1142, %get3A_1143, %get3A_1144] {strides = array<i32>} : memref<2x224x128xf32, #tpu.memory_space<vmem>>, vector<1x1x16xf32>,
        %get3A_1146 = vector.shape_cast %get3A_1145 : vector<1x1x16xf32> to vector<16xf32>
        %mul3A_1147 = arith.mulf %get3A_1140, %sub3A_1070 : vector<16xf32>
        %mul3A_1148 = arith.mulf %get3A_1146, %gather3A_1067 : vector<16xf32>
        %add3A_1149 = arith.addf %mul3A_1147, %mul3A_1148 : vector<16xf32>
        %swap3A_1150 = arith.index_cast %add3A_1074 : i32 to index
        %swap3A_1151 = arith.constant 48 : index
        %swap3A_1152 = tpu.vector_load %arg8[%swap3A_1150, %swap3A_1151] {strides = array<i32>} : memref<208x64xf32, #tpu.memory_space<vmem>>, vector<1x16xf32>,
        %swap3A_1153 = vector.shape_cast %swap3A_1152 : vector<1x16xf32> to vector<16xf32>
        %swap3A_1154 = vector.shape_cast %add3A_1149 : vector<16xf32> to vector<1x16xf32>
        tpu.vector_store %arg8[%swap3A_1150, %swap3A_1151], %swap3A_1154 {strides = array<i32>} : memref<208x64xf32, #tpu.memory_space<vmem>>, vector<1x16xf32>,
        %broadcast_in_dim3A_1155 = arith.constant 7 : i32
        %broadcast_in_dim3A_1156 = vector.broadcast %broadcast_in_dim3A_1155 : i32 to vector<16xi32>
        %lt3A_1157 = arith.constant 0 : i32
        %lt3A_1158 = vector.broadcast %lt3A_1157 : i32 to vector<16xi32>
        %lt3A_1159 = arith.cmpi slt, %broadcast_in_dim3A_1156, %lt3A_1158 : vector<16xi32>
        %add3A_1160 = arith.constant 16 : i32
        %add3A_1161 = vector.broadcast %add3A_1160 : i32 to vector<16xi32>
        %add3A_1162 = arith.addi %broadcast_in_dim3A_1156, %add3A_1161 : vector<16xi32>
        %select_n3A_1163 = arith.select %lt3A_1159, %add3A_1162, %broadcast_in_dim3A_1156 : vector<16xi1>, vector<16xi32>
        %broadcast_in_dim3A_1164 = vector.shape_cast %select_n3A_1163 : vector<16xi32> to vector<16x1xi32>
        %gather3A_1165 = vector.shape_cast %broadcast_in_dim3A_1164 : vector<16x1xi32> to vector<16xi32>
        %gather3A_1166 = tpu.dynamic_gather %convert_element_type3A_464[%gather3A_1165] in [0] : vector<16xf32>, vector<16xi32> -> vector<16xf32>
        %sub3A_1167 = arith.constant 1.000000e+00 : f32
        %sub3A_1168 = vector.broadcast %sub3A_1167 : f32 to vector<16xf32>
        %sub3A_1169 = arith.subf %sub3A_1168, %gather3A_1166 : vector<16xf32>
        %mul3A_1170 = arith.constant 16 : i32
        %mul3A_1171 = arith.muli %scan3A_453, %mul3A_1170 : i32
        %add3A_1172 = arith.constant 7 : i32
        %add3A_1173 = arith.addi %mul3A_1171, %add3A_1172 : i32
        %get3A_1174 = arith.constant 1 : i32
        %get3A_1175 = arith.index_cast %get3A_1174 : i32 to index
        %get3A_1176 = arith.index_cast %add3A_1173 : i32 to index
        %get3A_1177 = arith.constant 0 : index
        %get3A_1178 = tpu.vector_load %arg7[%get3A_1175, %get3A_1176, %get3A_1177] {strides = array<i32>} : memref<2x224x128xf32, #tpu.memory_space<vmem>>, vector<1x1x16xf32>,
        %get3A_1179 = vector.shape_cast %get3A_1178 : vector<1x1x16xf32> to vector<16xf32>
        %get3A_1180 = arith.constant 1 : i32
        %get3A_1181 = arith.index_cast %get3A_1180 : i32 to index
        %get3A_1182 = arith.index_cast %add3A_1173 : i32 to index
        %get3A_1183 = arith.constant 64 : index
        %get3A_1184 = tpu.vector_load %arg7[%get3A_1181, %get3A_1182, %get3A_1183] {strides = array<i32>} : memref<2x224x128xf32, #tpu.memory_space<vmem>>, vector<1x1x16xf32>,
        %get3A_1185 = vector.shape_cast %get3A_1184 : vector<1x1x16xf32> to vector<16xf32>
        %mul3A_1186 = arith.mulf %get3A_1179, %sub3A_1169 : vector<16xf32>
        %mul3A_1187 = arith.mulf %get3A_1185, %gather3A_1166 : vector<16xf32>
        %add3A_1188 = arith.addf %mul3A_1186, %mul3A_1187 : vector<16xf32>
        %swap3A_1189 = arith.index_cast %add3A_1173 : i32 to index
        %swap3A_1190 = arith.constant 0 : index
        %swap3A_1191 = tpu.vector_load %arg8[%swap3A_1189, %swap3A_1190] {strides = array<i32>} : memref<208x64xf32, #tpu.memory_space<vmem>>, vector<1x16xf32>,
        %swap3A_1192 = vector.shape_cast %swap3A_1191 : vector<1x16xf32> to vector<16xf32>
        %swap3A_1193 = vector.shape_cast %add3A_1188 : vector<16xf32> to vector<1x16xf32>
        tpu.vector_store %arg8[%swap3A_1189, %swap3A_1190], %swap3A_1193 {strides = array<i32>} : memref<208x64xf32, #tpu.memory_space<vmem>>, vector<1x16xf32>,
        %get3A_1194 = arith.constant 1 : i32
        %get3A_1195 = arith.index_cast %get3A_1194 : i32 to index
        %get3A_1196 = arith.index_cast %add3A_1173 : i32 to index
        %get3A_1197 = arith.constant 16 : index
        %get3A_1198 = tpu.vector_load %arg7[%get3A_1195, %get3A_1196, %get3A_1197] {strides = array<i32>} : memref<2x224x128xf32, #tpu.memory_space<vmem>>, vector<1x1x16xf32>,
        %get3A_1199 = vector.shape_cast %get3A_1198 : vector<1x1x16xf32> to vector<16xf32>
        %get3A_1200 = arith.constant 1 : i32
        %get3A_1201 = arith.index_cast %get3A_1200 : i32 to index
        %get3A_1202 = arith.index_cast %add3A_1173 : i32 to index
        %get3A_1203 = arith.constant 80 : index
        %get3A_1204 = tpu.vector_load %arg7[%get3A_1201, %get3A_1202, %get3A_1203] {strides = array<i32>} : memref<2x224x128xf32, #tpu.memory_space<vmem>>, vector<1x1x16xf32>,
        %get3A_1205 = vector.shape_cast %get3A_1204 : vector<1x1x16xf32> to vector<16xf32>
        %mul3A_1206 = arith.mulf %get3A_1199, %sub3A_1169 : vector<16xf32>
        %mul3A_1207 = arith.mulf %get3A_1205, %gather3A_1166 : vector<16xf32>
        %add3A_1208 = arith.addf %mul3A_1206, %mul3A_1207 : vector<16xf32>
        %swap3A_1209 = arith.index_cast %add3A_1173 : i32 to index
        %swap3A_1210 = arith.constant 16 : index
        %swap3A_1211 = tpu.vector_load %arg8[%swap3A_1209, %swap3A_1210] {strides = array<i32>} : memref<208x64xf32, #tpu.memory_space<vmem>>, vector<1x16xf32>,
        %swap3A_1212 = vector.shape_cast %swap3A_1211 : vector<1x16xf32> to vector<16xf32>
        %swap3A_1213 = vector.shape_cast %add3A_1208 : vector<16xf32> to vector<1x16xf32>
        tpu.vector_store %arg8[%swap3A_1209, %swap3A_1210], %swap3A_1213 {strides = array<i32>} : memref<208x64xf32, #tpu.memory_space<vmem>>, vector<1x16xf32>,
        %get3A_1214 = arith.constant 1 : i32
        %get3A_1215 = arith.index_cast %get3A_1214 : i32 to index
        %get3A_1216 = arith.index_cast %add3A_1173 : i32 to index
        %get3A_1217 = arith.constant 32 : index
        %get3A_1218 = tpu.vector_load %arg7[%get3A_1215, %get3A_1216, %get3A_1217] {strides = array<i32>} : memref<2x224x128xf32, #tpu.memory_space<vmem>>, vector<1x1x16xf32>,
        %get3A_1219 = vector.shape_cast %get3A_1218 : vector<1x1x16xf32> to vector<16xf32>
        %get3A_1220 = arith.constant 1 : i32
        %get3A_1221 = arith.index_cast %get3A_1220 : i32 to index
        %get3A_1222 = arith.index_cast %add3A_1173 : i32 to index
        %get3A_1223 = arith.constant 96 : index
        %get3A_1224 = tpu.vector_load %arg7[%get3A_1221, %get3A_1222, %get3A_1223] {strides = array<i32>} : memref<2x224x128xf32, #tpu.memory_space<vmem>>, vector<1x1x16xf32>,
        %get3A_1225 = vector.shape_cast %get3A_1224 : vector<1x1x16xf32> to vector<16xf32>
        %mul3A_1226 = arith.mulf %get3A_1219, %sub3A_1169 : vector<16xf32>
        %mul3A_1227 = arith.mulf %get3A_1225, %gather3A_1166 : vector<16xf32>
        %add3A_1228 = arith.addf %mul3A_1226, %mul3A_1227 : vector<16xf32>
        %swap3A_1229 = arith.index_cast %add3A_1173 : i32 to index
        %swap3A_1230 = arith.constant 32 : index
        %swap3A_1231 = tpu.vector_load %arg8[%swap3A_1229, %swap3A_1230] {strides = array<i32>} : memref<208x64xf32, #tpu.memory_space<vmem>>, vector<1x16xf32>,
        %swap3A_1232 = vector.shape_cast %swap3A_1231 : vector<1x16xf32> to vector<16xf32>
        %swap3A_1233 = vector.shape_cast %add3A_1228 : vector<16xf32> to vector<1x16xf32>
        tpu.vector_store %arg8[%swap3A_1229, %swap3A_1230], %swap3A_1233 {strides = array<i32>} : memref<208x64xf32, #tpu.memory_space<vmem>>, vector<1x16xf32>,
        %get3A_1234 = arith.constant 1 : i32
        %get3A_1235 = arith.index_cast %get3A_1234 : i32 to index
        %get3A_1236 = arith.index_cast %add3A_1173 : i32 to index
        %get3A_1237 = arith.constant 48 : index
        %get3A_1238 = tpu.vector_load %arg7[%get3A_1235, %get3A_1236, %get3A_1237] {strides = array<i32>} : memref<2x224x128xf32, #tpu.memory_space<vmem>>, vector<1x1x16xf32>,
        %get3A_1239 = vector.shape_cast %get3A_1238 : vector<1x1x16xf32> to vector<16xf32>
        %get3A_1240 = arith.constant 1 : i32
        %get3A_1241 = arith.index_cast %get3A_1240 : i32 to index
        %get3A_1242 = arith.index_cast %add3A_1173 : i32 to index
        %get3A_1243 = arith.constant 112 : index
        %get3A_1244 = tpu.vector_load %arg7[%get3A_1241, %get3A_1242, %get3A_1243] {strides = array<i32>} : memref<2x224x128xf32, #tpu.memory_space<vmem>>, vector<1x1x16xf32>,
        %get3A_1245 = vector.shape_cast %get3A_1244 : vector<1x1x16xf32> to vector<16xf32>
        %mul3A_1246 = arith.mulf %get3A_1239, %sub3A_1169 : vector<16xf32>
        %mul3A_1247 = arith.mulf %get3A_1245, %gather3A_1166 : vector<16xf32>
        %add3A_1248 = arith.addf %mul3A_1246, %mul3A_1247 : vector<16xf32>
        %swap3A_1249 = arith.index_cast %add3A_1173 : i32 to index
        %swap3A_1250 = arith.constant 48 : index
        %swap3A_1251 = tpu.vector_load %arg8[%swap3A_1249, %swap3A_1250] {strides = array<i32>} : memref<208x64xf32, #tpu.memory_space<vmem>>, vector<1x16xf32>,
        %swap3A_1252 = vector.shape_cast %swap3A_1251 : vector<1x16xf32> to vector<16xf32>
        %swap3A_1253 = vector.shape_cast %add3A_1248 : vector<16xf32> to vector<1x16xf32>
        tpu.vector_store %arg8[%swap3A_1249, %swap3A_1250], %swap3A_1253 {strides = array<i32>} : memref<208x64xf32, #tpu.memory_space<vmem>>, vector<1x16xf32>,
        %broadcast_in_dim3A_1254 = arith.constant 8 : i32
        %broadcast_in_dim3A_1255 = vector.broadcast %broadcast_in_dim3A_1254 : i32 to vector<16xi32>
        %lt3A_1256 = arith.constant 0 : i32
        %lt3A_1257 = vector.broadcast %lt3A_1256 : i32 to vector<16xi32>
        %lt3A_1258 = arith.cmpi slt, %broadcast_in_dim3A_1255, %lt3A_1257 : vector<16xi32>
        %add3A_1259 = arith.constant 16 : i32
        %add3A_1260 = vector.broadcast %add3A_1259 : i32 to vector<16xi32>
        %add3A_1261 = arith.addi %broadcast_in_dim3A_1255, %add3A_1260 : vector<16xi32>
        %select_n3A_1262 = arith.select %lt3A_1258, %add3A_1261, %broadcast_in_dim3A_1255 : vector<16xi1>, vector<16xi32>
        %broadcast_in_dim3A_1263 = vector.shape_cast %select_n3A_1262 : vector<16xi32> to vector<16x1xi32>
        %gather3A_1264 = vector.shape_cast %broadcast_in_dim3A_1263 : vector<16x1xi32> to vector<16xi32>
        %gather3A_1265 = tpu.dynamic_gather %convert_element_type3A_464[%gather3A_1264] in [0] : vector<16xf32>, vector<16xi32> -> vector<16xf32>
        %sub3A_1266 = arith.constant 1.000000e+00 : f32
        %sub3A_1267 = vector.broadcast %sub3A_1266 : f32 to vector<16xf32>
        %sub3A_1268 = arith.subf %sub3A_1267, %gather3A_1265 : vector<16xf32>
        %mul3A_1269 = arith.constant 16 : i32
        %mul3A_1270 = arith.muli %scan3A_453, %mul3A_1269 : i32
        %add3A_1271 = arith.constant 8 : i32
        %add3A_1272 = arith.addi %mul3A_1270, %add3A_1271 : i32
        %get3A_1273 = arith.constant 1 : i32
        %get3A_1274 = arith.index_cast %get3A_1273 : i32 to index
        %get3A_1275 = arith.index_cast %add3A_1272 : i32 to index
        %get3A_1276 = arith.constant 0 : index
        %get3A_1277 = tpu.vector_load %arg7[%get3A_1274, %get3A_1275, %get3A_1276] {strides = array<i32>} : memref<2x224x128xf32, #tpu.memory_space<vmem>>, vector<1x1x16xf32>,
        %get3A_1278 = vector.shape_cast %get3A_1277 : vector<1x1x16xf32> to vector<16xf32>
        %get3A_1279 = arith.constant 1 : i32
        %get3A_1280 = arith.index_cast %get3A_1279 : i32 to index
        %get3A_1281 = arith.index_cast %add3A_1272 : i32 to index
        %get3A_1282 = arith.constant 64 : index
        %get3A_1283 = tpu.vector_load %arg7[%get3A_1280, %get3A_1281, %get3A_1282] {strides = array<i32>} : memref<2x224x128xf32, #tpu.memory_space<vmem>>, vector<1x1x16xf32>,
        %get3A_1284 = vector.shape_cast %get3A_1283 : vector<1x1x16xf32> to vector<16xf32>
        %mul3A_1285 = arith.mulf %get3A_1278, %sub3A_1268 : vector<16xf32>
        %mul3A_1286 = arith.mulf %get3A_1284, %gather3A_1265 : vector<16xf32>
        %add3A_1287 = arith.addf %mul3A_1285, %mul3A_1286 : vector<16xf32>
        %swap3A_1288 = arith.index_cast %add3A_1272 : i32 to index
        %swap3A_1289 = arith.constant 0 : index
        %swap3A_1290 = tpu.vector_load %arg8[%swap3A_1288, %swap3A_1289] {strides = array<i32>} : memref<208x64xf32, #tpu.memory_space<vmem>>, vector<1x16xf32>,
        %swap3A_1291 = vector.shape_cast %swap3A_1290 : vector<1x16xf32> to vector<16xf32>
        %swap3A_1292 = vector.shape_cast %add3A_1287 : vector<16xf32> to vector<1x16xf32>
        tpu.vector_store %arg8[%swap3A_1288, %swap3A_1289], %swap3A_1292 {strides = array<i32>} : memref<208x64xf32, #tpu.memory_space<vmem>>, vector<1x16xf32>,
        %get3A_1293 = arith.constant 1 : i32
        %get3A_1294 = arith.index_cast %get3A_1293 : i32 to index
        %get3A_1295 = arith.index_cast %add3A_1272 : i32 to index
        %get3A_1296 = arith.constant 16 : index
        %get3A_1297 = tpu.vector_load %arg7[%get3A_1294, %get3A_1295, %get3A_1296] {strides = array<i32>} : memref<2x224x128xf32, #tpu.memory_space<vmem>>, vector<1x1x16xf32>,
        %get3A_1298 = vector.shape_cast %get3A_1297 : vector<1x1x16xf32> to vector<16xf32>
        %get3A_1299 = arith.constant 1 : i32
        %get3A_1300 = arith.index_cast %get3A_1299 : i32 to index
        %get3A_1301 = arith.index_cast %add3A_1272 : i32 to index
        %get3A_1302 = arith.constant 80 : index
        %get3A_1303 = tpu.vector_load %arg7[%get3A_1300, %get3A_1301, %get3A_1302] {strides = array<i32>} : memref<2x224x128xf32, #tpu.memory_space<vmem>>, vector<1x1x16xf32>,
        %get3A_1304 = vector.shape_cast %get3A_1303 : vector<1x1x16xf32> to vector<16xf32>
        %mul3A_1305 = arith.mulf %get3A_1298, %sub3A_1268 : vector<16xf32>
        %mul3A_1306 = arith.mulf %get3A_1304, %gather3A_1265 : vector<16xf32>
        %add3A_1307 = arith.addf %mul3A_1305, %mul3A_1306 : vector<16xf32>
        %swap3A_1308 = arith.index_cast %add3A_1272 : i32 to index
        %swap3A_1309 = arith.constant 16 : index
        %swap3A_1310 = tpu.vector_load %arg8[%swap3A_1308, %swap3A_1309] {strides = array<i32>} : memref<208x64xf32, #tpu.memory_space<vmem>>, vector<1x16xf32>,
        %swap3A_1311 = vector.shape_cast %swap3A_1310 : vector<1x16xf32> to vector<16xf32>
        %swap3A_1312 = vector.shape_cast %add3A_1307 : vector<16xf32> to vector<1x16xf32>
        tpu.vector_store %arg8[%swap3A_1308, %swap3A_1309], %swap3A_1312 {strides = array<i32>} : memref<208x64xf32, #tpu.memory_space<vmem>>, vector<1x16xf32>,
        %get3A_1313 = arith.constant 1 : i32
        %get3A_1314 = arith.index_cast %get3A_1313 : i32 to index
        %get3A_1315 = arith.index_cast %add3A_1272 : i32 to index
        %get3A_1316 = arith.constant 32 : index
        %get3A_1317 = tpu.vector_load %arg7[%get3A_1314, %get3A_1315, %get3A_1316] {strides = array<i32>} : memref<2x224x128xf32, #tpu.memory_space<vmem>>, vector<1x1x16xf32>,
        %get3A_1318 = vector.shape_cast %get3A_1317 : vector<1x1x16xf32> to vector<16xf32>
        %get3A_1319 = arith.constant 1 : i32
        %get3A_1320 = arith.index_cast %get3A_1319 : i32 to index
        %get3A_1321 = arith.index_cast %add3A_1272 : i32 to index
        %get3A_1322 = arith.constant 96 : index
        %get3A_1323 = tpu.vector_load %arg7[%get3A_1320, %get3A_1321, %get3A_1322] {strides = array<i32>} : memref<2x224x128xf32, #tpu.memory_space<vmem>>, vector<1x1x16xf32>,
        %get3A_1324 = vector.shape_cast %get3A_1323 : vector<1x1x16xf32> to vector<16xf32>
        %mul3A_1325 = arith.mulf %get3A_1318, %sub3A_1268 : vector<16xf32>
        %mul3A_1326 = arith.mulf %get3A_1324, %gather3A_1265 : vector<16xf32>
        %add3A_1327 = arith.addf %mul3A_1325, %mul3A_1326 : vector<16xf32>
        %swap3A_1328 = arith.index_cast %add3A_1272 : i32 to index
        %swap3A_1329 = arith.constant 32 : index
        %swap3A_1330 = tpu.vector_load %arg8[%swap3A_1328, %swap3A_1329] {strides = array<i32>} : memref<208x64xf32, #tpu.memory_space<vmem>>, vector<1x16xf32>,
        %swap3A_1331 = vector.shape_cast %swap3A_1330 : vector<1x16xf32> to vector<16xf32>
        %swap3A_1332 = vector.shape_cast %add3A_1327 : vector<16xf32> to vector<1x16xf32>
        tpu.vector_store %arg8[%swap3A_1328, %swap3A_1329], %swap3A_1332 {strides = array<i32>} : memref<208x64xf32, #tpu.memory_space<vmem>>, vector<1x16xf32>,
        %get3A_1333 = arith.constant 1 : i32
        %get3A_1334 = arith.index_cast %get3A_1333 : i32 to index
        %get3A_1335 = arith.index_cast %add3A_1272 : i32 to index
        %get3A_1336 = arith.constant 48 : index
        %get3A_1337 = tpu.vector_load %arg7[%get3A_1334, %get3A_1335, %get3A_1336] {strides = array<i32>} : memref<2x224x128xf32, #tpu.memory_space<vmem>>, vector<1x1x16xf32>,
        %get3A_1338 = vector.shape_cast %get3A_1337 : vector<1x1x16xf32> to vector<16xf32>
        %get3A_1339 = arith.constant 1 : i32
        %get3A_1340 = arith.index_cast %get3A_1339 : i32 to index
        %get3A_1341 = arith.index_cast %add3A_1272 : i32 to index
        %get3A_1342 = arith.constant 112 : index
        %get3A_1343 = tpu.vector_load %arg7[%get3A_1340, %get3A_1341, %get3A_1342] {strides = array<i32>} : memref<2x224x128xf32, #tpu.memory_space<vmem>>, vector<1x1x16xf32>,
        %get3A_1344 = vector.shape_cast %get3A_1343 : vector<1x1x16xf32> to vector<16xf32>
        %mul3A_1345 = arith.mulf %get3A_1338, %sub3A_1268 : vector<16xf32>
        %mul3A_1346 = arith.mulf %get3A_1344, %gather3A_1265 : vector<16xf32>
        %add3A_1347 = arith.addf %mul3A_1345, %mul3A_1346 : vector<16xf32>
        %swap3A_1348 = arith.index_cast %add3A_1272 : i32 to index
        %swap3A_1349 = arith.constant 48 : index
        %swap3A_1350 = tpu.vector_load %arg8[%swap3A_1348, %swap3A_1349] {strides = array<i32>} : memref<208x64xf32, #tpu.memory_space<vmem>>, vector<1x16xf32>,
        %swap3A_1351 = vector.shape_cast %swap3A_1350 : vector<1x16xf32> to vector<16xf32>
        %swap3A_1352 = vector.shape_cast %add3A_1347 : vector<16xf32> to vector<1x16xf32>
        tpu.vector_store %arg8[%swap3A_1348, %swap3A_1349], %swap3A_1352 {strides = array<i32>} : memref<208x64xf32, #tpu.memory_space<vmem>>, vector<1x16xf32>,
        %broadcast_in_dim3A_1353 = arith.constant 9 : i32
        %broadcast_in_dim3A_1354 = vector.broadcast %broadcast_in_dim3A_1353 : i32 to vector<16xi32>
        %lt3A_1355 = arith.constant 0 : i32
        %lt3A_1356 = vector.broadcast %lt3A_1355 : i32 to vector<16xi32>
        %lt3A_1357 = arith.cmpi slt, %broadcast_in_dim3A_1354, %lt3A_1356 : vector<16xi32>
        %add3A_1358 = arith.constant 16 : i32
        %add3A_1359 = vector.broadcast %add3A_1358 : i32 to vector<16xi32>
        %add3A_1360 = arith.addi %broadcast_in_dim3A_1354, %add3A_1359 : vector<16xi32>
        %select_n3A_1361 = arith.select %lt3A_1357, %add3A_1360, %broadcast_in_dim3A_1354 : vector<16xi1>, vector<16xi32>
        %broadcast_in_dim3A_1362 = vector.shape_cast %select_n3A_1361 : vector<16xi32> to vector<16x1xi32>
        %gather3A_1363 = vector.shape_cast %broadcast_in_dim3A_1362 : vector<16x1xi32> to vector<16xi32>
        %gather3A_1364 = tpu.dynamic_gather %convert_element_type3A_464[%gather3A_1363] in [0] : vector<16xf32>, vector<16xi32> -> vector<16xf32>
        %sub3A_1365 = arith.constant 1.000000e+00 : f32
        %sub3A_1366 = vector.broadcast %sub3A_1365 : f32 to vector<16xf32>
        %sub3A_1367 = arith.subf %sub3A_1366, %gather3A_1364 : vector<16xf32>
        %mul3A_1368 = arith.constant 16 : i32
        %mul3A_1369 = arith.muli %scan3A_453, %mul3A_1368 : i32
        %add3A_1370 = arith.constant 9 : i32
        %add3A_1371 = arith.addi %mul3A_1369, %add3A_1370 : i32
        %get3A_1372 = arith.constant 1 : i32
        %get3A_1373 = arith.index_cast %get3A_1372 : i32 to index
        %get3A_1374 = arith.index_cast %add3A_1371 : i32 to index
        %get3A_1375 = arith.constant 0 : index
        %get3A_1376 = tpu.vector_load %arg7[%get3A_1373, %get3A_1374, %get3A_1375] {strides = array<i32>} : memref<2x224x128xf32, #tpu.memory_space<vmem>>, vector<1x1x16xf32>,
        %get3A_1377 = vector.shape_cast %get3A_1376 : vector<1x1x16xf32> to vector<16xf32>
        %get3A_1378 = arith.constant 1 : i32
        %get3A_1379 = arith.index_cast %get3A_1378 : i32 to index
        %get3A_1380 = arith.index_cast %add3A_1371 : i32 to index
        %get3A_1381 = arith.constant 64 : index
        %get3A_1382 = tpu.vector_load %arg7[%get3A_1379, %get3A_1380, %get3A_1381] {strides = array<i32>} : memref<2x224x128xf32, #tpu.memory_space<vmem>>, vector<1x1x16xf32>,
        %get3A_1383 = vector.shape_cast %get3A_1382 : vector<1x1x16xf32> to vector<16xf32>
        %mul3A_1384 = arith.mulf %get3A_1377, %sub3A_1367 : vector<16xf32>
        %mul3A_1385 = arith.mulf %get3A_1383, %gather3A_1364 : vector<16xf32>
        %add3A_1386 = arith.addf %mul3A_1384, %mul3A_1385 : vector<16xf32>
        %swap3A_1387 = arith.index_cast %add3A_1371 : i32 to index
        %swap3A_1388 = arith.constant 0 : index
        %swap3A_1389 = tpu.vector_load %arg8[%swap3A_1387, %swap3A_1388] {strides = array<i32>} : memref<208x64xf32, #tpu.memory_space<vmem>>, vector<1x16xf32>,
        %swap3A_1390 = vector.shape_cast %swap3A_1389 : vector<1x16xf32> to vector<16xf32>
        %swap3A_1391 = vector.shape_cast %add3A_1386 : vector<16xf32> to vector<1x16xf32>
        tpu.vector_store %arg8[%swap3A_1387, %swap3A_1388], %swap3A_1391 {strides = array<i32>} : memref<208x64xf32, #tpu.memory_space<vmem>>, vector<1x16xf32>,
        %get3A_1392 = arith.constant 1 : i32
        %get3A_1393 = arith.index_cast %get3A_1392 : i32 to index
        %get3A_1394 = arith.index_cast %add3A_1371 : i32 to index
        %get3A_1395 = arith.constant 16 : index
        %get3A_1396 = tpu.vector_load %arg7[%get3A_1393, %get3A_1394, %get3A_1395] {strides = array<i32>} : memref<2x224x128xf32, #tpu.memory_space<vmem>>, vector<1x1x16xf32>,
        %get3A_1397 = vector.shape_cast %get3A_1396 : vector<1x1x16xf32> to vector<16xf32>
        %get3A_1398 = arith.constant 1 : i32
        %get3A_1399 = arith.index_cast %get3A_1398 : i32 to index
        %get3A_1400 = arith.index_cast %add3A_1371 : i32 to index
        %get3A_1401 = arith.constant 80 : index
        %get3A_1402 = tpu.vector_load %arg7[%get3A_1399, %get3A_1400, %get3A_1401] {strides = array<i32>} : memref<2x224x128xf32, #tpu.memory_space<vmem>>, vector<1x1x16xf32>,
        %get3A_1403 = vector.shape_cast %get3A_1402 : vector<1x1x16xf32> to vector<16xf32>
        %mul3A_1404 = arith.mulf %get3A_1397, %sub3A_1367 : vector<16xf32>
        %mul3A_1405 = arith.mulf %get3A_1403, %gather3A_1364 : vector<16xf32>
        %add3A_1406 = arith.addf %mul3A_1404, %mul3A_1405 : vector<16xf32>
        %swap3A_1407 = arith.index_cast %add3A_1371 : i32 to index
        %swap3A_1408 = arith.constant 16 : index
        %swap3A_1409 = tpu.vector_load %arg8[%swap3A_1407, %swap3A_1408] {strides = array<i32>} : memref<208x64xf32, #tpu.memory_space<vmem>>, vector<1x16xf32>,
        %swap3A_1410 = vector.shape_cast %swap3A_1409 : vector<1x16xf32> to vector<16xf32>
        %swap3A_1411 = vector.shape_cast %add3A_1406 : vector<16xf32> to vector<1x16xf32>
        tpu.vector_store %arg8[%swap3A_1407, %swap3A_1408], %swap3A_1411 {strides = array<i32>} : memref<208x64xf32, #tpu.memory_space<vmem>>, vector<1x16xf32>,
        %get3A_1412 = arith.constant 1 : i32
        %get3A_1413 = arith.index_cast %get3A_1412 : i32 to index
        %get3A_1414 = arith.index_cast %add3A_1371 : i32 to index
        %get3A_1415 = arith.constant 32 : index
        %get3A_1416 = tpu.vector_load %arg7[%get3A_1413, %get3A_1414, %get3A_1415] {strides = array<i32>} : memref<2x224x128xf32, #tpu.memory_space<vmem>>, vector<1x1x16xf32>,
        %get3A_1417 = vector.shape_cast %get3A_1416 : vector<1x1x16xf32> to vector<16xf32>
        %get3A_1418 = arith.constant 1 : i32
        %get3A_1419 = arith.index_cast %get3A_1418 : i32 to index
        %get3A_1420 = arith.index_cast %add3A_1371 : i32 to index
        %get3A_1421 = arith.constant 96 : index
        %get3A_1422 = tpu.vector_load %arg7[%get3A_1419, %get3A_1420, %get3A_1421] {strides = array<i32>} : memref<2x224x128xf32, #tpu.memory_space<vmem>>, vector<1x1x16xf32>,
        %get3A_1423 = vector.shape_cast %get3A_1422 : vector<1x1x16xf32> to vector<16xf32>
        %mul3A_1424 = arith.mulf %get3A_1417, %sub3A_1367 : vector<16xf32>
        %mul3A_1425 = arith.mulf %get3A_1423, %gather3A_1364 : vector<16xf32>
        %add3A_1426 = arith.addf %mul3A_1424, %mul3A_1425 : vector<16xf32>
        %swap3A_1427 = arith.index_cast %add3A_1371 : i32 to index
        %swap3A_1428 = arith.constant 32 : index
        %swap3A_1429 = tpu.vector_load %arg8[%swap3A_1427, %swap3A_1428] {strides = array<i32>} : memref<208x64xf32, #tpu.memory_space<vmem>>, vector<1x16xf32>,
        %swap3A_1430 = vector.shape_cast %swap3A_1429 : vector<1x16xf32> to vector<16xf32>
        %swap3A_1431 = vector.shape_cast %add3A_1426 : vector<16xf32> to vector<1x16xf32>
        tpu.vector_store %arg8[%swap3A_1427, %swap3A_1428], %swap3A_1431 {strides = array<i32>} : memref<208x64xf32, #tpu.memory_space<vmem>>, vector<1x16xf32>,
        %get3A_1432 = arith.constant 1 : i32
        %get3A_1433 = arith.index_cast %get3A_1432 : i32 to index
        %get3A_1434 = arith.index_cast %add3A_1371 : i32 to index
        %get3A_1435 = arith.constant 48 : index
        %get3A_1436 = tpu.vector_load %arg7[%get3A_1433, %get3A_1434, %get3A_1435] {strides = array<i32>} : memref<2x224x128xf32, #tpu.memory_space<vmem>>, vector<1x1x16xf32>,
        %get3A_1437 = vector.shape_cast %get3A_1436 : vector<1x1x16xf32> to vector<16xf32>
        %get3A_1438 = arith.constant 1 : i32
        %get3A_1439 = arith.index_cast %get3A_1438 : i32 to index
        %get3A_1440 = arith.index_cast %add3A_1371 : i32 to index
        %get3A_1441 = arith.constant 112 : index
        %get3A_1442 = tpu.vector_load %arg7[%get3A_1439, %get3A_1440, %get3A_1441] {strides = array<i32>} : memref<2x224x128xf32, #tpu.memory_space<vmem>>, vector<1x1x16xf32>,
        %get3A_1443 = vector.shape_cast %get3A_1442 : vector<1x1x16xf32> to vector<16xf32>
        %mul3A_1444 = arith.mulf %get3A_1437, %sub3A_1367 : vector<16xf32>
        %mul3A_1445 = arith.mulf %get3A_1443, %gather3A_1364 : vector<16xf32>
        %add3A_1446 = arith.addf %mul3A_1444, %mul3A_1445 : vector<16xf32>
        %swap3A_1447 = arith.index_cast %add3A_1371 : i32 to index
        %swap3A_1448 = arith.constant 48 : index
        %swap3A_1449 = tpu.vector_load %arg8[%swap3A_1447, %swap3A_1448] {strides = array<i32>} : memref<208x64xf32, #tpu.memory_space<vmem>>, vector<1x16xf32>,
        %swap3A_1450 = vector.shape_cast %swap3A_1449 : vector<1x16xf32> to vector<16xf32>
        %swap3A_1451 = vector.shape_cast %add3A_1446 : vector<16xf32> to vector<1x16xf32>
        tpu.vector_store %arg8[%swap3A_1447, %swap3A_1448], %swap3A_1451 {strides = array<i32>} : memref<208x64xf32, #tpu.memory_space<vmem>>, vector<1x16xf32>,
        %broadcast_in_dim3A_1452 = arith.constant 10 : i32
        %broadcast_in_dim3A_1453 = vector.broadcast %broadcast_in_dim3A_1452 : i32 to vector<16xi32>
        %lt3A_1454 = arith.constant 0 : i32
        %lt3A_1455 = vector.broadcast %lt3A_1454 : i32 to vector<16xi32>
        %lt3A_1456 = arith.cmpi slt, %broadcast_in_dim3A_1453, %lt3A_1455 : vector<16xi32>
        %add3A_1457 = arith.constant 16 : i32
        %add3A_1458 = vector.broadcast %add3A_1457 : i32 to vector<16xi32>
        %add3A_1459 = arith.addi %broadcast_in_dim3A_1453, %add3A_1458 : vector<16xi32>
        %select_n3A_1460 = arith.select %lt3A_1456, %add3A_1459, %broadcast_in_dim3A_1453 : vector<16xi1>, vector<16xi32>
        %broadcast_in_dim3A_1461 = vector.shape_cast %select_n3A_1460 : vector<16xi32> to vector<16x1xi32>
        %gather3A_1462 = vector.shape_cast %broadcast_in_dim3A_1461 : vector<16x1xi32> to vector<16xi32>
        %gather3A_1463 = tpu.dynamic_gather %convert_element_type3A_464[%gather3A_1462] in [0] : vector<16xf32>, vector<16xi32> -> vector<16xf32>
        %sub3A_1464 = arith.constant 1.000000e+00 : f32
        %sub3A_1465 = vector.broadcast %sub3A_1464 : f32 to vector<16xf32>
        %sub3A_1466 = arith.subf %sub3A_1465, %gather3A_1463 : vector<16xf32>
        %mul3A_1467 = arith.constant 16 : i32
        %mul3A_1468 = arith.muli %scan3A_453, %mul3A_1467 : i32
        %add3A_1469 = arith.constant 10 : i32
        %add3A_1470 = arith.addi %mul3A_1468, %add3A_1469 : i32
        %get3A_1471 = arith.constant 1 : i32
        %get3A_1472 = arith.index_cast %get3A_1471 : i32 to index
        %get3A_1473 = arith.index_cast %add3A_1470 : i32 to index
        %get3A_1474 = arith.constant 0 : index
        %get3A_1475 = tpu.vector_load %arg7[%get3A_1472, %get3A_1473, %get3A_1474] {strides = array<i32>} : memref<2x224x128xf32, #tpu.memory_space<vmem>>, vector<1x1x16xf32>,
        %get3A_1476 = vector.shape_cast %get3A_1475 : vector<1x1x16xf32> to vector<16xf32>
        %get3A_1477 = arith.constant 1 : i32
        %get3A_1478 = arith.index_cast %get3A_1477 : i32 to index
        %get3A_1479 = arith.index_cast %add3A_1470 : i32 to index
        %get3A_1480 = arith.constant 64 : index
        %get3A_1481 = tpu.vector_load %arg7[%get3A_1478, %get3A_1479, %get3A_1480] {strides = array<i32>} : memref<2x224x128xf32, #tpu.memory_space<vmem>>, vector<1x1x16xf32>,
        %get3A_1482 = vector.shape_cast %get3A_1481 : vector<1x1x16xf32> to vector<16xf32>
        %mul3A_1483 = arith.mulf %get3A_1476, %sub3A_1466 : vector<16xf32>
        %mul3A_1484 = arith.mulf %get3A_1482, %gather3A_1463 : vector<16xf32>
        %add3A_1485 = arith.addf %mul3A_1483, %mul3A_1484 : vector<16xf32>
        %swap3A_1486 = arith.index_cast %add3A_1470 : i32 to index
        %swap3A_1487 = arith.constant 0 : index
        %swap3A_1488 = tpu.vector_load %arg8[%swap3A_1486, %swap3A_1487] {strides = array<i32>} : memref<208x64xf32, #tpu.memory_space<vmem>>, vector<1x16xf32>,
        %swap3A_1489 = vector.shape_cast %swap3A_1488 : vector<1x16xf32> to vector<16xf32>
        %swap3A_1490 = vector.shape_cast %add3A_1485 : vector<16xf32> to vector<1x16xf32>
        tpu.vector_store %arg8[%swap3A_1486, %swap3A_1487], %swap3A_1490 {strides = array<i32>} : memref<208x64xf32, #tpu.memory_space<vmem>>, vector<1x16xf32>,
        %get3A_1491 = arith.constant 1 : i32
        %get3A_1492 = arith.index_cast %get3A_1491 : i32 to index
        %get3A_1493 = arith.index_cast %add3A_1470 : i32 to index
        %get3A_1494 = arith.constant 16 : index
        %get3A_1495 = tpu.vector_load %arg7[%get3A_1492, %get3A_1493, %get3A_1494] {strides = array<i32>} : memref<2x224x128xf32, #tpu.memory_space<vmem>>, vector<1x1x16xf32>,
        %get3A_1496 = vector.shape_cast %get3A_1495 : vector<1x1x16xf32> to vector<16xf32>
        %get3A_1497 = arith.constant 1 : i32
        %get3A_1498 = arith.index_cast %get3A_1497 : i32 to index
        %get3A_1499 = arith.index_cast %add3A_1470 : i32 to index
        %get3A_1500 = arith.constant 80 : index
        %get3A_1501 = tpu.vector_load %arg7[%get3A_1498, %get3A_1499, %get3A_1500] {strides = array<i32>} : memref<2x224x128xf32, #tpu.memory_space<vmem>>, vector<1x1x16xf32>,
        %get3A_1502 = vector.shape_cast %get3A_1501 : vector<1x1x16xf32> to vector<16xf32>
        %mul3A_1503 = arith.mulf %get3A_1496, %sub3A_1466 : vector<16xf32>
        %mul3A_1504 = arith.mulf %get3A_1502, %gather3A_1463 : vector<16xf32>
        %add3A_1505 = arith.addf %mul3A_1503, %mul3A_1504 : vector<16xf32>
        %swap3A_1506 = arith.index_cast %add3A_1470 : i32 to index
        %swap3A_1507 = arith.constant 16 : index
        %swap3A_1508 = tpu.vector_load %arg8[%swap3A_1506, %swap3A_1507] {strides = array<i32>} : memref<208x64xf32, #tpu.memory_space<vmem>>, vector<1x16xf32>,
        %swap3A_1509 = vector.shape_cast %swap3A_1508 : vector<1x16xf32> to vector<16xf32>
        %swap3A_1510 = vector.shape_cast %add3A_1505 : vector<16xf32> to vector<1x16xf32>
        tpu.vector_store %arg8[%swap3A_1506, %swap3A_1507], %swap3A_1510 {strides = array<i32>} : memref<208x64xf32, #tpu.memory_space<vmem>>, vector<1x16xf32>,
        %get3A_1511 = arith.constant 1 : i32
        %get3A_1512 = arith.index_cast %get3A_1511 : i32 to index
        %get3A_1513 = arith.index_cast %add3A_1470 : i32 to index
        %get3A_1514 = arith.constant 32 : index
        %get3A_1515 = tpu.vector_load %arg7[%get3A_1512, %get3A_1513, %get3A_1514] {strides = array<i32>} : memref<2x224x128xf32, #tpu.memory_space<vmem>>, vector<1x1x16xf32>,
        %get3A_1516 = vector.shape_cast %get3A_1515 : vector<1x1x16xf32> to vector<16xf32>
        %get3A_1517 = arith.constant 1 : i32
        %get3A_1518 = arith.index_cast %get3A_1517 : i32 to index
        %get3A_1519 = arith.index_cast %add3A_1470 : i32 to index
        %get3A_1520 = arith.constant 96 : index
        %get3A_1521 = tpu.vector_load %arg7[%get3A_1518, %get3A_1519, %get3A_1520] {strides = array<i32>} : memref<2x224x128xf32, #tpu.memory_space<vmem>>, vector<1x1x16xf32>,
        %get3A_1522 = vector.shape_cast %get3A_1521 : vector<1x1x16xf32> to vector<16xf32>
        %mul3A_1523 = arith.mulf %get3A_1516, %sub3A_1466 : vector<16xf32>
        %mul3A_1524 = arith.mulf %get3A_1522, %gather3A_1463 : vector<16xf32>
        %add3A_1525 = arith.addf %mul3A_1523, %mul3A_1524 : vector<16xf32>
        %swap3A_1526 = arith.index_cast %add3A_1470 : i32 to index
        %swap3A_1527 = arith.constant 32 : index
        %swap3A_1528 = tpu.vector_load %arg8[%swap3A_1526, %swap3A_1527] {strides = array<i32>} : memref<208x64xf32, #tpu.memory_space<vmem>>, vector<1x16xf32>,
        %swap3A_1529 = vector.shape_cast %swap3A_1528 : vector<1x16xf32> to vector<16xf32>
        %swap3A_1530 = vector.shape_cast %add3A_1525 : vector<16xf32> to vector<1x16xf32>
        tpu.vector_store %arg8[%swap3A_1526, %swap3A_1527], %swap3A_1530 {strides = array<i32>} : memref<208x64xf32, #tpu.memory_space<vmem>>, vector<1x16xf32>,
        %get3A_1531 = arith.constant 1 : i32
        %get3A_1532 = arith.index_cast %get3A_1531 : i32 to index
        %get3A_1533 = arith.index_cast %add3A_1470 : i32 to index
        %get3A_1534 = arith.constant 48 : index
        %get3A_1535 = tpu.vector_load %arg7[%get3A_1532, %get3A_1533, %get3A_1534] {strides = array<i32>} : memref<2x224x128xf32, #tpu.memory_space<vmem>>, vector<1x1x16xf32>,
        %get3A_1536 = vector.shape_cast %get3A_1535 : vector<1x1x16xf32> to vector<16xf32>
        %get3A_1537 = arith.constant 1 : i32
        %get3A_1538 = arith.index_cast %get3A_1537 : i32 to index
        %get3A_1539 = arith.index_cast %add3A_1470 : i32 to index
        %get3A_1540 = arith.constant 112 : index
        %get3A_1541 = tpu.vector_load %arg7[%get3A_1538, %get3A_1539, %get3A_1540] {strides = array<i32>} : memref<2x224x128xf32, #tpu.memory_space<vmem>>, vector<1x1x16xf32>,
        %get3A_1542 = vector.shape_cast %get3A_1541 : vector<1x1x16xf32> to vector<16xf32>
        %mul3A_1543 = arith.mulf %get3A_1536, %sub3A_1466 : vector<16xf32>
        %mul3A_1544 = arith.mulf %get3A_1542, %gather3A_1463 : vector<16xf32>
        %add3A_1545 = arith.addf %mul3A_1543, %mul3A_1544 : vector<16xf32>
        %swap3A_1546 = arith.index_cast %add3A_1470 : i32 to index
        %swap3A_1547 = arith.constant 48 : index
        %swap3A_1548 = tpu.vector_load %arg8[%swap3A_1546, %swap3A_1547] {strides = array<i32>} : memref<208x64xf32, #tpu.memory_space<vmem>>, vector<1x16xf32>,
        %swap3A_1549 = vector.shape_cast %swap3A_1548 : vector<1x16xf32> to vector<16xf32>
        %swap3A_1550 = vector.shape_cast %add3A_1545 : vector<16xf32> to vector<1x16xf32>
        tpu.vector_store %arg8[%swap3A_1546, %swap3A_1547], %swap3A_1550 {strides = array<i32>} : memref<208x64xf32, #tpu.memory_space<vmem>>, vector<1x16xf32>,
        %broadcast_in_dim3A_1551 = arith.constant 11 : i32
        %broadcast_in_dim3A_1552 = vector.broadcast %broadcast_in_dim3A_1551 : i32 to vector<16xi32>
        %lt3A_1553 = arith.constant 0 : i32
        %lt3A_1554 = vector.broadcast %lt3A_1553 : i32 to vector<16xi32>
        %lt3A_1555 = arith.cmpi slt, %broadcast_in_dim3A_1552, %lt3A_1554 : vector<16xi32>
        %add3A_1556 = arith.constant 16 : i32
        %add3A_1557 = vector.broadcast %add3A_1556 : i32 to vector<16xi32>
        %add3A_1558 = arith.addi %broadcast_in_dim3A_1552, %add3A_1557 : vector<16xi32>
        %select_n3A_1559 = arith.select %lt3A_1555, %add3A_1558, %broadcast_in_dim3A_1552 : vector<16xi1>, vector<16xi32>
        %broadcast_in_dim3A_1560 = vector.shape_cast %select_n3A_1559 : vector<16xi32> to vector<16x1xi32>
        %gather3A_1561 = vector.shape_cast %broadcast_in_dim3A_1560 : vector<16x1xi32> to vector<16xi32>
        %gather3A_1562 = tpu.dynamic_gather %convert_element_type3A_464[%gather3A_1561] in [0] : vector<16xf32>, vector<16xi32> -> vector<16xf32>
        %sub3A_1563 = arith.constant 1.000000e+00 : f32
        %sub3A_1564 = vector.broadcast %sub3A_1563 : f32 to vector<16xf32>
        %sub3A_1565 = arith.subf %sub3A_1564, %gather3A_1562 : vector<16xf32>
        %mul3A_1566 = arith.constant 16 : i32
        %mul3A_1567 = arith.muli %scan3A_453, %mul3A_1566 : i32
        %add3A_1568 = arith.constant 11 : i32
        %add3A_1569 = arith.addi %mul3A_1567, %add3A_1568 : i32
        %get3A_1570 = arith.constant 1 : i32
        %get3A_1571 = arith.index_cast %get3A_1570 : i32 to index
        %get3A_1572 = arith.index_cast %add3A_1569 : i32 to index
        %get3A_1573 = arith.constant 0 : index
        %get3A_1574 = tpu.vector_load %arg7[%get3A_1571, %get3A_1572, %get3A_1573] {strides = array<i32>} : memref<2x224x128xf32, #tpu.memory_space<vmem>>, vector<1x1x16xf32>,
        %get3A_1575 = vector.shape_cast %get3A_1574 : vector<1x1x16xf32> to vector<16xf32>
        %get3A_1576 = arith.constant 1 : i32
        %get3A_1577 = arith.index_cast %get3A_1576 : i32 to index
        %get3A_1578 = arith.index_cast %add3A_1569 : i32 to index
        %get3A_1579 = arith.constant 64 : index
        %get3A_1580 = tpu.vector_load %arg7[%get3A_1577, %get3A_1578, %get3A_1579] {strides = array<i32>} : memref<2x224x128xf32, #tpu.memory_space<vmem>>, vector<1x1x16xf32>,
        %get3A_1581 = vector.shape_cast %get3A_1580 : vector<1x1x16xf32> to vector<16xf32>
        %mul3A_1582 = arith.mulf %get3A_1575, %sub3A_1565 : vector<16xf32>
        %mul3A_1583 = arith.mulf %get3A_1581, %gather3A_1562 : vector<16xf32>
        %add3A_1584 = arith.addf %mul3A_1582, %mul3A_1583 : vector<16xf32>
        %swap3A_1585 = arith.index_cast %add3A_1569 : i32 to index
        %swap3A_1586 = arith.constant 0 : index
        %swap3A_1587 = tpu.vector_load %arg8[%swap3A_1585, %swap3A_1586] {strides = array<i32>} : memref<208x64xf32, #tpu.memory_space<vmem>>, vector<1x16xf32>,
        %swap3A_1588 = vector.shape_cast %swap3A_1587 : vector<1x16xf32> to vector<16xf32>
        %swap3A_1589 = vector.shape_cast %add3A_1584 : vector<16xf32> to vector<1x16xf32>
        tpu.vector_store %arg8[%swap3A_1585, %swap3A_1586], %swap3A_1589 {strides = array<i32>} : memref<208x64xf32, #tpu.memory_space<vmem>>, vector<1x16xf32>,
        %get3A_1590 = arith.constant 1 : i32
        %get3A_1591 = arith.index_cast %get3A_1590 : i32 to index
        %get3A_1592 = arith.index_cast %add3A_1569 : i32 to index
        %get3A_1593 = arith.constant 16 : index
        %get3A_1594 = tpu.vector_load %arg7[%get3A_1591, %get3A_1592, %get3A_1593] {strides = array<i32>} : memref<2x224x128xf32, #tpu.memory_space<vmem>>, vector<1x1x16xf32>,
        %get3A_1595 = vector.shape_cast %get3A_1594 : vector<1x1x16xf32> to vector<16xf32>
        %get3A_1596 = arith.constant 1 : i32
        %get3A_1597 = arith.index_cast %get3A_1596 : i32 to index
        %get3A_1598 = arith.index_cast %add3A_1569 : i32 to index
        %get3A_1599 = arith.constant 80 : index
        %get3A_1600 = tpu.vector_load %arg7[%get3A_1597, %get3A_1598, %get3A_1599] {strides = array<i32>} : memref<2x224x128xf32, #tpu.memory_space<vmem>>, vector<1x1x16xf32>,
        %get3A_1601 = vector.shape_cast %get3A_1600 : vector<1x1x16xf32> to vector<16xf32>
        %mul3A_1602 = arith.mulf %get3A_1595, %sub3A_1565 : vector<16xf32>
        %mul3A_1603 = arith.mulf %get3A_1601, %gather3A_1562 : vector<16xf32>
        %add3A_1604 = arith.addf %mul3A_1602, %mul3A_1603 : vector<16xf32>
        %swap3A_1605 = arith.index_cast %add3A_1569 : i32 to index
        %swap3A_1606 = arith.constant 16 : index
        %swap3A_1607 = tpu.vector_load %arg8[%swap3A_1605, %swap3A_1606] {strides = array<i32>} : memref<208x64xf32, #tpu.memory_space<vmem>>, vector<1x16xf32>,
        %swap3A_1608 = vector.shape_cast %swap3A_1607 : vector<1x16xf32> to vector<16xf32>
        %swap3A_1609 = vector.shape_cast %add3A_1604 : vector<16xf32> to vector<1x16xf32>
        tpu.vector_store %arg8[%swap3A_1605, %swap3A_1606], %swap3A_1609 {strides = array<i32>} : memref<208x64xf32, #tpu.memory_space<vmem>>, vector<1x16xf32>,
        %get3A_1610 = arith.constant 1 : i32
        %get3A_1611 = arith.index_cast %get3A_1610 : i32 to index
        %get3A_1612 = arith.index_cast %add3A_1569 : i32 to index
        %get3A_1613 = arith.constant 32 : index
        %get3A_1614 = tpu.vector_load %arg7[%get3A_1611, %get3A_1612, %get3A_1613] {strides = array<i32>} : memref<2x224x128xf32, #tpu.memory_space<vmem>>, vector<1x1x16xf32>,
        %get3A_1615 = vector.shape_cast %get3A_1614 : vector<1x1x16xf32> to vector<16xf32>
        %get3A_1616 = arith.constant 1 : i32
        %get3A_1617 = arith.index_cast %get3A_1616 : i32 to index
        %get3A_1618 = arith.index_cast %add3A_1569 : i32 to index
        %get3A_1619 = arith.constant 96 : index
        %get3A_1620 = tpu.vector_load %arg7[%get3A_1617, %get3A_1618, %get3A_1619] {strides = array<i32>} : memref<2x224x128xf32, #tpu.memory_space<vmem>>, vector<1x1x16xf32>,
        %get3A_1621 = vector.shape_cast %get3A_1620 : vector<1x1x16xf32> to vector<16xf32>
        %mul3A_1622 = arith.mulf %get3A_1615, %sub3A_1565 : vector<16xf32>
        %mul3A_1623 = arith.mulf %get3A_1621, %gather3A_1562 : vector<16xf32>
        %add3A_1624 = arith.addf %mul3A_1622, %mul3A_1623 : vector<16xf32>
        %swap3A_1625 = arith.index_cast %add3A_1569 : i32 to index
        %swap3A_1626 = arith.constant 32 : index
        %swap3A_1627 = tpu.vector_load %arg8[%swap3A_1625, %swap3A_1626] {strides = array<i32>} : memref<208x64xf32, #tpu.memory_space<vmem>>, vector<1x16xf32>,
        %swap3A_1628 = vector.shape_cast %swap3A_1627 : vector<1x16xf32> to vector<16xf32>
        %swap3A_1629 = vector.shape_cast %add3A_1624 : vector<16xf32> to vector<1x16xf32>
        tpu.vector_store %arg8[%swap3A_1625, %swap3A_1626], %swap3A_1629 {strides = array<i32>} : memref<208x64xf32, #tpu.memory_space<vmem>>, vector<1x16xf32>,
        %get3A_1630 = arith.constant 1 : i32
        %get3A_1631 = arith.index_cast %get3A_1630 : i32 to index
        %get3A_1632 = arith.index_cast %add3A_1569 : i32 to index
        %get3A_1633 = arith.constant 48 : index
        %get3A_1634 = tpu.vector_load %arg7[%get3A_1631, %get3A_1632, %get3A_1633] {strides = array<i32>} : memref<2x224x128xf32, #tpu.memory_space<vmem>>, vector<1x1x16xf32>,
        %get3A_1635 = vector.shape_cast %get3A_1634 : vector<1x1x16xf32> to vector<16xf32>
        %get3A_1636 = arith.constant 1 : i32
        %get3A_1637 = arith.index_cast %get3A_1636 : i32 to index
        %get3A_1638 = arith.index_cast %add3A_1569 : i32 to index
        %get3A_1639 = arith.constant 112 : index
        %get3A_1640 = tpu.vector_load %arg7[%get3A_1637, %get3A_1638, %get3A_1639] {strides = array<i32>} : memref<2x224x128xf32, #tpu.memory_space<vmem>>, vector<1x1x16xf32>,
        %get3A_1641 = vector.shape_cast %get3A_1640 : vector<1x1x16xf32> to vector<16xf32>
        %mul3A_1642 = arith.mulf %get3A_1635, %sub3A_1565 : vector<16xf32>
        %mul3A_1643 = arith.mulf %get3A_1641, %gather3A_1562 : vector<16xf32>
        %add3A_1644 = arith.addf %mul3A_1642, %mul3A_1643 : vector<16xf32>
        %swap3A_1645 = arith.index_cast %add3A_1569 : i32 to index
        %swap3A_1646 = arith.constant 48 : index
        %swap3A_1647 = tpu.vector_load %arg8[%swap3A_1645, %swap3A_1646] {strides = array<i32>} : memref<208x64xf32, #tpu.memory_space<vmem>>, vector<1x16xf32>,
        %swap3A_1648 = vector.shape_cast %swap3A_1647 : vector<1x16xf32> to vector<16xf32>
        %swap3A_1649 = vector.shape_cast %add3A_1644 : vector<16xf32> to vector<1x16xf32>
        tpu.vector_store %arg8[%swap3A_1645, %swap3A_1646], %swap3A_1649 {strides = array<i32>} : memref<208x64xf32, #tpu.memory_space<vmem>>, vector<1x16xf32>,
        %broadcast_in_dim3A_1650 = arith.constant 12 : i32
        %broadcast_in_dim3A_1651 = vector.broadcast %broadcast_in_dim3A_1650 : i32 to vector<16xi32>
        %lt3A_1652 = arith.constant 0 : i32
        %lt3A_1653 = vector.broadcast %lt3A_1652 : i32 to vector<16xi32>
        %lt3A_1654 = arith.cmpi slt, %broadcast_in_dim3A_1651, %lt3A_1653 : vector<16xi32>
        %add3A_1655 = arith.constant 16 : i32
        %add3A_1656 = vector.broadcast %add3A_1655 : i32 to vector<16xi32>
        %add3A_1657 = arith.addi %broadcast_in_dim3A_1651, %add3A_1656 : vector<16xi32>
        %select_n3A_1658 = arith.select %lt3A_1654, %add3A_1657, %broadcast_in_dim3A_1651 : vector<16xi1>, vector<16xi32>
        %broadcast_in_dim3A_1659 = vector.shape_cast %select_n3A_1658 : vector<16xi32> to vector<16x1xi32>
        %gather3A_1660 = vector.shape_cast %broadcast_in_dim3A_1659 : vector<16x1xi32> to vector<16xi32>
        %gather3A_1661 = tpu.dynamic_gather %convert_element_type3A_464[%gather3A_1660] in [0] : vector<16xf32>, vector<16xi32> -> vector<16xf32>
        %sub3A_1662 = arith.constant 1.000000e+00 : f32
        %sub3A_1663 = vector.broadcast %sub3A_1662 : f32 to vector<16xf32>
        %sub3A_1664 = arith.subf %sub3A_1663, %gather3A_1661 : vector<16xf32>
        %mul3A_1665 = arith.constant 16 : i32
        %mul3A_1666 = arith.muli %scan3A_453, %mul3A_1665 : i32
        %add3A_1667 = arith.constant 12 : i32
        %add3A_1668 = arith.addi %mul3A_1666, %add3A_1667 : i32
        %get3A_1669 = arith.constant 1 : i32
        %get3A_1670 = arith.index_cast %get3A_1669 : i32 to index
        %get3A_1671 = arith.index_cast %add3A_1668 : i32 to index
        %get3A_1672 = arith.constant 0 : index
        %get3A_1673 = tpu.vector_load %arg7[%get3A_1670, %get3A_1671, %get3A_1672] {strides = array<i32>} : memref<2x224x128xf32, #tpu.memory_space<vmem>>, vector<1x1x16xf32>,
        %get3A_1674 = vector.shape_cast %get3A_1673 : vector<1x1x16xf32> to vector<16xf32>
        %get3A_1675 = arith.constant 1 : i32
        %get3A_1676 = arith.index_cast %get3A_1675 : i32 to index
        %get3A_1677 = arith.index_cast %add3A_1668 : i32 to index
        %get3A_1678 = arith.constant 64 : index
        %get3A_1679 = tpu.vector_load %arg7[%get3A_1676, %get3A_1677, %get3A_1678] {strides = array<i32>} : memref<2x224x128xf32, #tpu.memory_space<vmem>>, vector<1x1x16xf32>,
        %get3A_1680 = vector.shape_cast %get3A_1679 : vector<1x1x16xf32> to vector<16xf32>
        %mul3A_1681 = arith.mulf %get3A_1674, %sub3A_1664 : vector<16xf32>
        %mul3A_1682 = arith.mulf %get3A_1680, %gather3A_1661 : vector<16xf32>
        %add3A_1683 = arith.addf %mul3A_1681, %mul3A_1682 : vector<16xf32>
        %swap3A_1684 = arith.index_cast %add3A_1668 : i32 to index
        %swap3A_1685 = arith.constant 0 : index
        %swap3A_1686 = tpu.vector_load %arg8[%swap3A_1684, %swap3A_1685] {strides = array<i32>} : memref<208x64xf32, #tpu.memory_space<vmem>>, vector<1x16xf32>,
        %swap3A_1687 = vector.shape_cast %swap3A_1686 : vector<1x16xf32> to vector<16xf32>
        %swap3A_1688 = vector.shape_cast %add3A_1683 : vector<16xf32> to vector<1x16xf32>
        tpu.vector_store %arg8[%swap3A_1684, %swap3A_1685], %swap3A_1688 {strides = array<i32>} : memref<208x64xf32, #tpu.memory_space<vmem>>, vector<1x16xf32>,
        %get3A_1689 = arith.constant 1 : i32
        %get3A_1690 = arith.index_cast %get3A_1689 : i32 to index
        %get3A_1691 = arith.index_cast %add3A_1668 : i32 to index
        %get3A_1692 = arith.constant 16 : index
        %get3A_1693 = tpu.vector_load %arg7[%get3A_1690, %get3A_1691, %get3A_1692] {strides = array<i32>} : memref<2x224x128xf32, #tpu.memory_space<vmem>>, vector<1x1x16xf32>,
        %get3A_1694 = vector.shape_cast %get3A_1693 : vector<1x1x16xf32> to vector<16xf32>
        %get3A_1695 = arith.constant 1 : i32
        %get3A_1696 = arith.index_cast %get3A_1695 : i32 to index
        %get3A_1697 = arith.index_cast %add3A_1668 : i32 to index
        %get3A_1698 = arith.constant 80 : index
        %get3A_1699 = tpu.vector_load %arg7[%get3A_1696, %get3A_1697, %get3A_1698] {strides = array<i32>} : memref<2x224x128xf32, #tpu.memory_space<vmem>>, vector<1x1x16xf32>,
        %get3A_1700 = vector.shape_cast %get3A_1699 : vector<1x1x16xf32> to vector<16xf32>
        %mul3A_1701 = arith.mulf %get3A_1694, %sub3A_1664 : vector<16xf32>
        %mul3A_1702 = arith.mulf %get3A_1700, %gather3A_1661 : vector<16xf32>
        %add3A_1703 = arith.addf %mul3A_1701, %mul3A_1702 : vector<16xf32>
        %swap3A_1704 = arith.index_cast %add3A_1668 : i32 to index
        %swap3A_1705 = arith.constant 16 : index
        %swap3A_1706 = tpu.vector_load %arg8[%swap3A_1704, %swap3A_1705] {strides = array<i32>} : memref<208x64xf32, #tpu.memory_space<vmem>>, vector<1x16xf32>,
        %swap3A_1707 = vector.shape_cast %swap3A_1706 : vector<1x16xf32> to vector<16xf32>
        %swap3A_1708 = vector.shape_cast %add3A_1703 : vector<16xf32> to vector<1x16xf32>
        tpu.vector_store %arg8[%swap3A_1704, %swap3A_1705], %swap3A_1708 {strides = array<i32>} : memref<208x64xf32, #tpu.memory_space<vmem>>, vector<1x16xf32>,
        %get3A_1709 = arith.constant 1 : i32
        %get3A_1710 = arith.index_cast %get3A_1709 : i32 to index
        %get3A_1711 = arith.index_cast %add3A_1668 : i32 to index
        %get3A_1712 = arith.constant 32 : index
        %get3A_1713 = tpu.vector_load %arg7[%get3A_1710, %get3A_1711, %get3A_1712] {strides = array<i32>} : memref<2x224x128xf32, #tpu.memory_space<vmem>>, vector<1x1x16xf32>,
        %get3A_1714 = vector.shape_cast %get3A_1713 : vector<1x1x16xf32> to vector<16xf32>
        %get3A_1715 = arith.constant 1 : i32
        %get3A_1716 = arith.index_cast %get3A_1715 : i32 to index
        %get3A_1717 = arith.index_cast %add3A_1668 : i32 to index
        %get3A_1718 = arith.constant 96 : index
        %get3A_1719 = tpu.vector_load %arg7[%get3A_1716, %get3A_1717, %get3A_1718] {strides = array<i32>} : memref<2x224x128xf32, #tpu.memory_space<vmem>>, vector<1x1x16xf32>,
        %get3A_1720 = vector.shape_cast %get3A_1719 : vector<1x1x16xf32> to vector<16xf32>
        %mul3A_1721 = arith.mulf %get3A_1714, %sub3A_1664 : vector<16xf32>
        %mul3A_1722 = arith.mulf %get3A_1720, %gather3A_1661 : vector<16xf32>
        %add3A_1723 = arith.addf %mul3A_1721, %mul3A_1722 : vector<16xf32>
        %swap3A_1724 = arith.index_cast %add3A_1668 : i32 to index
        %swap3A_1725 = arith.constant 32 : index
        %swap3A_1726 = tpu.vector_load %arg8[%swap3A_1724, %swap3A_1725] {strides = array<i32>} : memref<208x64xf32, #tpu.memory_space<vmem>>, vector<1x16xf32>,
        %swap3A_1727 = vector.shape_cast %swap3A_1726 : vector<1x16xf32> to vector<16xf32>
        %swap3A_1728 = vector.shape_cast %add3A_1723 : vector<16xf32> to vector<1x16xf32>
        tpu.vector_store %arg8[%swap3A_1724, %swap3A_1725], %swap3A_1728 {strides = array<i32>} : memref<208x64xf32, #tpu.memory_space<vmem>>, vector<1x16xf32>,
        %get3A_1729 = arith.constant 1 : i32
        %get3A_1730 = arith.index_cast %get3A_1729 : i32 to index
        %get3A_1731 = arith.index_cast %add3A_1668 : i32 to index
        %get3A_1732 = arith.constant 48 : index
        %get3A_1733 = tpu.vector_load %arg7[%get3A_1730, %get3A_1731, %get3A_1732] {strides = array<i32>} : memref<2x224x128xf32, #tpu.memory_space<vmem>>, vector<1x1x16xf32>,
        %get3A_1734 = vector.shape_cast %get3A_1733 : vector<1x1x16xf32> to vector<16xf32>
        %get3A_1735 = arith.constant 1 : i32
        %get3A_1736 = arith.index_cast %get3A_1735 : i32 to index
        %get3A_1737 = arith.index_cast %add3A_1668 : i32 to index
        %get3A_1738 = arith.constant 112 : index
        %get3A_1739 = tpu.vector_load %arg7[%get3A_1736, %get3A_1737, %get3A_1738] {strides = array<i32>} : memref<2x224x128xf32, #tpu.memory_space<vmem>>, vector<1x1x16xf32>,
        %get3A_1740 = vector.shape_cast %get3A_1739 : vector<1x1x16xf32> to vector<16xf32>
        %mul3A_1741 = arith.mulf %get3A_1734, %sub3A_1664 : vector<16xf32>
        %mul3A_1742 = arith.mulf %get3A_1740, %gather3A_1661 : vector<16xf32>
        %add3A_1743 = arith.addf %mul3A_1741, %mul3A_1742 : vector<16xf32>
        %swap3A_1744 = arith.index_cast %add3A_1668 : i32 to index
        %swap3A_1745 = arith.constant 48 : index
        %swap3A_1746 = tpu.vector_load %arg8[%swap3A_1744, %swap3A_1745] {strides = array<i32>} : memref<208x64xf32, #tpu.memory_space<vmem>>, vector<1x16xf32>,
        %swap3A_1747 = vector.shape_cast %swap3A_1746 : vector<1x16xf32> to vector<16xf32>
        %swap3A_1748 = vector.shape_cast %add3A_1743 : vector<16xf32> to vector<1x16xf32>
        tpu.vector_store %arg8[%swap3A_1744, %swap3A_1745], %swap3A_1748 {strides = array<i32>} : memref<208x64xf32, #tpu.memory_space<vmem>>, vector<1x16xf32>,
        %broadcast_in_dim3A_1749 = arith.constant 13 : i32
        %broadcast_in_dim3A_1750 = vector.broadcast %broadcast_in_dim3A_1749 : i32 to vector<16xi32>
        %lt3A_1751 = arith.constant 0 : i32
        %lt3A_1752 = vector.broadcast %lt3A_1751 : i32 to vector<16xi32>
        %lt3A_1753 = arith.cmpi slt, %broadcast_in_dim3A_1750, %lt3A_1752 : vector<16xi32>
        %add3A_1754 = arith.constant 16 : i32
        %add3A_1755 = vector.broadcast %add3A_1754 : i32 to vector<16xi32>
        %add3A_1756 = arith.addi %broadcast_in_dim3A_1750, %add3A_1755 : vector<16xi32>
        %select_n3A_1757 = arith.select %lt3A_1753, %add3A_1756, %broadcast_in_dim3A_1750 : vector<16xi1>, vector<16xi32>
        %broadcast_in_dim3A_1758 = vector.shape_cast %select_n3A_1757 : vector<16xi32> to vector<16x1xi32>
        %gather3A_1759 = vector.shape_cast %broadcast_in_dim3A_1758 : vector<16x1xi32> to vector<16xi32>
        %gather3A_1760 = tpu.dynamic_gather %convert_element_type3A_464[%gather3A_1759] in [0] : vector<16xf32>, vector<16xi32> -> vector<16xf32>
        %sub3A_1761 = arith.constant 1.000000e+00 : f32
        %sub3A_1762 = vector.broadcast %sub3A_1761 : f32 to vector<16xf32>
        %sub3A_1763 = arith.subf %sub3A_1762, %gather3A_1760 : vector<16xf32>
        %mul3A_1764 = arith.constant 16 : i32
        %mul3A_1765 = arith.muli %scan3A_453, %mul3A_1764 : i32
        %add3A_1766 = arith.constant 13 : i32
        %add3A_1767 = arith.addi %mul3A_1765, %add3A_1766 : i32
        %get3A_1768 = arith.constant 1 : i32
        %get3A_1769 = arith.index_cast %get3A_1768 : i32 to index
        %get3A_1770 = arith.index_cast %add3A_1767 : i32 to index
        %get3A_1771 = arith.constant 0 : index
        %get3A_1772 = tpu.vector_load %arg7[%get3A_1769, %get3A_1770, %get3A_1771] {strides = array<i32>} : memref<2x224x128xf32, #tpu.memory_space<vmem>>, vector<1x1x16xf32>,
        %get3A_1773 = vector.shape_cast %get3A_1772 : vector<1x1x16xf32> to vector<16xf32>
        %get3A_1774 = arith.constant 1 : i32
        %get3A_1775 = arith.index_cast %get3A_1774 : i32 to index
        %get3A_1776 = arith.index_cast %add3A_1767 : i32 to index
        %get3A_1777 = arith.constant 64 : index
        %get3A_1778 = tpu.vector_load %arg7[%get3A_1775, %get3A_1776, %get3A_1777] {strides = array<i32>} : memref<2x224x128xf32, #tpu.memory_space<vmem>>, vector<1x1x16xf32>,
        %get3A_1779 = vector.shape_cast %get3A_1778 : vector<1x1x16xf32> to vector<16xf32>
        %mul3A_1780 = arith.mulf %get3A_1773, %sub3A_1763 : vector<16xf32>
        %mul3A_1781 = arith.mulf %get3A_1779, %gather3A_1760 : vector<16xf32>
        %add3A_1782 = arith.addf %mul3A_1780, %mul3A_1781 : vector<16xf32>
        %swap3A_1783 = arith.index_cast %add3A_1767 : i32 to index
        %swap3A_1784 = arith.constant 0 : index
        %swap3A_1785 = tpu.vector_load %arg8[%swap3A_1783, %swap3A_1784] {strides = array<i32>} : memref<208x64xf32, #tpu.memory_space<vmem>>, vector<1x16xf32>,
        %swap3A_1786 = vector.shape_cast %swap3A_1785 : vector<1x16xf32> to vector<16xf32>
        %swap3A_1787 = vector.shape_cast %add3A_1782 : vector<16xf32> to vector<1x16xf32>
        tpu.vector_store %arg8[%swap3A_1783, %swap3A_1784], %swap3A_1787 {strides = array<i32>} : memref<208x64xf32, #tpu.memory_space<vmem>>, vector<1x16xf32>,
        %get3A_1788 = arith.constant 1 : i32
        %get3A_1789 = arith.index_cast %get3A_1788 : i32 to index
        %get3A_1790 = arith.index_cast %add3A_1767 : i32 to index
        %get3A_1791 = arith.constant 16 : index
        %get3A_1792 = tpu.vector_load %arg7[%get3A_1789, %get3A_1790, %get3A_1791] {strides = array<i32>} : memref<2x224x128xf32, #tpu.memory_space<vmem>>, vector<1x1x16xf32>,
        %get3A_1793 = vector.shape_cast %get3A_1792 : vector<1x1x16xf32> to vector<16xf32>
        %get3A_1794 = arith.constant 1 : i32
        %get3A_1795 = arith.index_cast %get3A_1794 : i32 to index
        %get3A_1796 = arith.index_cast %add3A_1767 : i32 to index
        %get3A_1797 = arith.constant 80 : index
        %get3A_1798 = tpu.vector_load %arg7[%get3A_1795, %get3A_1796, %get3A_1797] {strides = array<i32>} : memref<2x224x128xf32, #tpu.memory_space<vmem>>, vector<1x1x16xf32>,
        %get3A_1799 = vector.shape_cast %get3A_1798 : vector<1x1x16xf32> to vector<16xf32>
        %mul3A_1800 = arith.mulf %get3A_1793, %sub3A_1763 : vector<16xf32>
        %mul3A_1801 = arith.mulf %get3A_1799, %gather3A_1760 : vector<16xf32>
        %add3A_1802 = arith.addf %mul3A_1800, %mul3A_1801 : vector<16xf32>
        %swap3A_1803 = arith.index_cast %add3A_1767 : i32 to index
        %swap3A_1804 = arith.constant 16 : index
        %swap3A_1805 = tpu.vector_load %arg8[%swap3A_1803, %swap3A_1804] {strides = array<i32>} : memref<208x64xf32, #tpu.memory_space<vmem>>, vector<1x16xf32>,
        %swap3A_1806 = vector.shape_cast %swap3A_1805 : vector<1x16xf32> to vector<16xf32>
        %swap3A_1807 = vector.shape_cast %add3A_1802 : vector<16xf32> to vector<1x16xf32>
        tpu.vector_store %arg8[%swap3A_1803, %swap3A_1804], %swap3A_1807 {strides = array<i32>} : memref<208x64xf32, #tpu.memory_space<vmem>>, vector<1x16xf32>,
        %get3A_1808 = arith.constant 1 : i32
        %get3A_1809 = arith.index_cast %get3A_1808 : i32 to index
        %get3A_1810 = arith.index_cast %add3A_1767 : i32 to index
        %get3A_1811 = arith.constant 32 : index
        %get3A_1812 = tpu.vector_load %arg7[%get3A_1809, %get3A_1810, %get3A_1811] {strides = array<i32>} : memref<2x224x128xf32, #tpu.memory_space<vmem>>, vector<1x1x16xf32>,
        %get3A_1813 = vector.shape_cast %get3A_1812 : vector<1x1x16xf32> to vector<16xf32>
        %get3A_1814 = arith.constant 1 : i32
        %get3A_1815 = arith.index_cast %get3A_1814 : i32 to index
        %get3A_1816 = arith.index_cast %add3A_1767 : i32 to index
        %get3A_1817 = arith.constant 96 : index
        %get3A_1818 = tpu.vector_load %arg7[%get3A_1815, %get3A_1816, %get3A_1817] {strides = array<i32>} : memref<2x224x128xf32, #tpu.memory_space<vmem>>, vector<1x1x16xf32>,
        %get3A_1819 = vector.shape_cast %get3A_1818 : vector<1x1x16xf32> to vector<16xf32>
        %mul3A_1820 = arith.mulf %get3A_1813, %sub3A_1763 : vector<16xf32>
        %mul3A_1821 = arith.mulf %get3A_1819, %gather3A_1760 : vector<16xf32>
        %add3A_1822 = arith.addf %mul3A_1820, %mul3A_1821 : vector<16xf32>
        %swap3A_1823 = arith.index_cast %add3A_1767 : i32 to index
        %swap3A_1824 = arith.constant 32 : index
        %swap3A_1825 = tpu.vector_load %arg8[%swap3A_1823, %swap3A_1824] {strides = array<i32>} : memref<208x64xf32, #tpu.memory_space<vmem>>, vector<1x16xf32>,
        %swap3A_1826 = vector.shape_cast %swap3A_1825 : vector<1x16xf32> to vector<16xf32>
        %swap3A_1827 = vector.shape_cast %add3A_1822 : vector<16xf32> to vector<1x16xf32>
        tpu.vector_store %arg8[%swap3A_1823, %swap3A_1824], %swap3A_1827 {strides = array<i32>} : memref<208x64xf32, #tpu.memory_space<vmem>>, vector<1x16xf32>,
        %get3A_1828 = arith.constant 1 : i32
        %get3A_1829 = arith.index_cast %get3A_1828 : i32 to index
        %get3A_1830 = arith.index_cast %add3A_1767 : i32 to index
        %get3A_1831 = arith.constant 48 : index
        %get3A_1832 = tpu.vector_load %arg7[%get3A_1829, %get3A_1830, %get3A_1831] {strides = array<i32>} : memref<2x224x128xf32, #tpu.memory_space<vmem>>, vector<1x1x16xf32>,
        %get3A_1833 = vector.shape_cast %get3A_1832 : vector<1x1x16xf32> to vector<16xf32>
        %get3A_1834 = arith.constant 1 : i32
        %get3A_1835 = arith.index_cast %get3A_1834 : i32 to index
        %get3A_1836 = arith.index_cast %add3A_1767 : i32 to index
        %get3A_1837 = arith.constant 112 : index
        %get3A_1838 = tpu.vector_load %arg7[%get3A_1835, %get3A_1836, %get3A_1837] {strides = array<i32>} : memref<2x224x128xf32, #tpu.memory_space<vmem>>, vector<1x1x16xf32>,
        %get3A_1839 = vector.shape_cast %get3A_1838 : vector<1x1x16xf32> to vector<16xf32>
        %mul3A_1840 = arith.mulf %get3A_1833, %sub3A_1763 : vector<16xf32>
        %mul3A_1841 = arith.mulf %get3A_1839, %gather3A_1760 : vector<16xf32>
        %add3A_1842 = arith.addf %mul3A_1840, %mul3A_1841 : vector<16xf32>
        %swap3A_1843 = arith.index_cast %add3A_1767 : i32 to index
        %swap3A_1844 = arith.constant 48 : index
        %swap3A_1845 = tpu.vector_load %arg8[%swap3A_1843, %swap3A_1844] {strides = array<i32>} : memref<208x64xf32, #tpu.memory_space<vmem>>, vector<1x16xf32>,
        %swap3A_1846 = vector.shape_cast %swap3A_1845 : vector<1x16xf32> to vector<16xf32>
        %swap3A_1847 = vector.shape_cast %add3A_1842 : vector<16xf32> to vector<1x16xf32>
        tpu.vector_store %arg8[%swap3A_1843, %swap3A_1844], %swap3A_1847 {strides = array<i32>} : memref<208x64xf32, #tpu.memory_space<vmem>>, vector<1x16xf32>,
        %broadcast_in_dim3A_1848 = arith.constant 14 : i32
        %broadcast_in_dim3A_1849 = vector.broadcast %broadcast_in_dim3A_1848 : i32 to vector<16xi32>
        %lt3A_1850 = arith.constant 0 : i32
        %lt3A_1851 = vector.broadcast %lt3A_1850 : i32 to vector<16xi32>
        %lt3A_1852 = arith.cmpi slt, %broadcast_in_dim3A_1849, %lt3A_1851 : vector<16xi32>
        %add3A_1853 = arith.constant 16 : i32
        %add3A_1854 = vector.broadcast %add3A_1853 : i32 to vector<16xi32>
        %add3A_1855 = arith.addi %broadcast_in_dim3A_1849, %add3A_1854 : vector<16xi32>
        %select_n3A_1856 = arith.select %lt3A_1852, %add3A_1855, %broadcast_in_dim3A_1849 : vector<16xi1>, vector<16xi32>
        %broadcast_in_dim3A_1857 = vector.shape_cast %select_n3A_1856 : vector<16xi32> to vector<16x1xi32>
        %gather3A_1858 = vector.shape_cast %broadcast_in_dim3A_1857 : vector<16x1xi32> to vector<16xi32>
        %gather3A_1859 = tpu.dynamic_gather %convert_element_type3A_464[%gather3A_1858] in [0] : vector<16xf32>, vector<16xi32> -> vector<16xf32>
        %sub3A_1860 = arith.constant 1.000000e+00 : f32
        %sub3A_1861 = vector.broadcast %sub3A_1860 : f32 to vector<16xf32>
        %sub3A_1862 = arith.subf %sub3A_1861, %gather3A_1859 : vector<16xf32>
        %mul3A_1863 = arith.constant 16 : i32
        %mul3A_1864 = arith.muli %scan3A_453, %mul3A_1863 : i32
        %add3A_1865 = arith.constant 14 : i32
        %add3A_1866 = arith.addi %mul3A_1864, %add3A_1865 : i32
        %get3A_1867 = arith.constant 1 : i32
        %get3A_1868 = arith.index_cast %get3A_1867 : i32 to index
        %get3A_1869 = arith.index_cast %add3A_1866 : i32 to index
        %get3A_1870 = arith.constant 0 : index
        %get3A_1871 = tpu.vector_load %arg7[%get3A_1868, %get3A_1869, %get3A_1870] {strides = array<i32>} : memref<2x224x128xf32, #tpu.memory_space<vmem>>, vector<1x1x16xf32>,
        %get3A_1872 = vector.shape_cast %get3A_1871 : vector<1x1x16xf32> to vector<16xf32>
        %get3A_1873 = arith.constant 1 : i32
        %get3A_1874 = arith.index_cast %get3A_1873 : i32 to index
        %get3A_1875 = arith.index_cast %add3A_1866 : i32 to index
        %get3A_1876 = arith.constant 64 : index
        %get3A_1877 = tpu.vector_load %arg7[%get3A_1874, %get3A_1875, %get3A_1876] {strides = array<i32>} : memref<2x224x128xf32, #tpu.memory_space<vmem>>, vector<1x1x16xf32>,
        %get3A_1878 = vector.shape_cast %get3A_1877 : vector<1x1x16xf32> to vector<16xf32>
        %mul3A_1879 = arith.mulf %get3A_1872, %sub3A_1862 : vector<16xf32>
        %mul3A_1880 = arith.mulf %get3A_1878, %gather3A_1859 : vector<16xf32>
        %add3A_1881 = arith.addf %mul3A_1879, %mul3A_1880 : vector<16xf32>
        %swap3A_1882 = arith.index_cast %add3A_1866 : i32 to index
        %swap3A_1883 = arith.constant 0 : index
        %swap3A_1884 = tpu.vector_load %arg8[%swap3A_1882, %swap3A_1883] {strides = array<i32>} : memref<208x64xf32, #tpu.memory_space<vmem>>, vector<1x16xf32>,
        %swap3A_1885 = vector.shape_cast %swap3A_1884 : vector<1x16xf32> to vector<16xf32>
        %swap3A_1886 = vector.shape_cast %add3A_1881 : vector<16xf32> to vector<1x16xf32>
        tpu.vector_store %arg8[%swap3A_1882, %swap3A_1883], %swap3A_1886 {strides = array<i32>} : memref<208x64xf32, #tpu.memory_space<vmem>>, vector<1x16xf32>,
        %get3A_1887 = arith.constant 1 : i32
        %get3A_1888 = arith.index_cast %get3A_1887 : i32 to index
        %get3A_1889 = arith.index_cast %add3A_1866 : i32 to index
        %get3A_1890 = arith.constant 16 : index
        %get3A_1891 = tpu.vector_load %arg7[%get3A_1888, %get3A_1889, %get3A_1890] {strides = array<i32>} : memref<2x224x128xf32, #tpu.memory_space<vmem>>, vector<1x1x16xf32>,
        %get3A_1892 = vector.shape_cast %get3A_1891 : vector<1x1x16xf32> to vector<16xf32>
        %get3A_1893 = arith.constant 1 : i32
        %get3A_1894 = arith.index_cast %get3A_1893 : i32 to index
        %get3A_1895 = arith.index_cast %add3A_1866 : i32 to index
        %get3A_1896 = arith.constant 80 : index
        %get3A_1897 = tpu.vector_load %arg7[%get3A_1894, %get3A_1895, %get3A_1896] {strides = array<i32>} : memref<2x224x128xf32, #tpu.memory_space<vmem>>, vector<1x1x16xf32>,
        %get3A_1898 = vector.shape_cast %get3A_1897 : vector<1x1x16xf32> to vector<16xf32>
        %mul3A_1899 = arith.mulf %get3A_1892, %sub3A_1862 : vector<16xf32>
        %mul3A_1900 = arith.mulf %get3A_1898, %gather3A_1859 : vector<16xf32>
        %add3A_1901 = arith.addf %mul3A_1899, %mul3A_1900 : vector<16xf32>
        %swap3A_1902 = arith.index_cast %add3A_1866 : i32 to index
        %swap3A_1903 = arith.constant 16 : index
        %swap3A_1904 = tpu.vector_load %arg8[%swap3A_1902, %swap3A_1903] {strides = array<i32>} : memref<208x64xf32, #tpu.memory_space<vmem>>, vector<1x16xf32>,
        %swap3A_1905 = vector.shape_cast %swap3A_1904 : vector<1x16xf32> to vector<16xf32>
        %swap3A_1906 = vector.shape_cast %add3A_1901 : vector<16xf32> to vector<1x16xf32>
        tpu.vector_store %arg8[%swap3A_1902, %swap3A_1903], %swap3A_1906 {strides = array<i32>} : memref<208x64xf32, #tpu.memory_space<vmem>>, vector<1x16xf32>,
        %get3A_1907 = arith.constant 1 : i32
        %get3A_1908 = arith.index_cast %get3A_1907 : i32 to index
        %get3A_1909 = arith.index_cast %add3A_1866 : i32 to index
        %get3A_1910 = arith.constant 32 : index
        %get3A_1911 = tpu.vector_load %arg7[%get3A_1908, %get3A_1909, %get3A_1910] {strides = array<i32>} : memref<2x224x128xf32, #tpu.memory_space<vmem>>, vector<1x1x16xf32>,
        %get3A_1912 = vector.shape_cast %get3A_1911 : vector<1x1x16xf32> to vector<16xf32>
        %get3A_1913 = arith.constant 1 : i32
        %get3A_1914 = arith.index_cast %get3A_1913 : i32 to index
        %get3A_1915 = arith.index_cast %add3A_1866 : i32 to index
        %get3A_1916 = arith.constant 96 : index
        %get3A_1917 = tpu.vector_load %arg7[%get3A_1914, %get3A_1915, %get3A_1916] {strides = array<i32>} : memref<2x224x128xf32, #tpu.memory_space<vmem>>, vector<1x1x16xf32>,
        %get3A_1918 = vector.shape_cast %get3A_1917 : vector<1x1x16xf32> to vector<16xf32>
        %mul3A_1919 = arith.mulf %get3A_1912, %sub3A_1862 : vector<16xf32>
        %mul3A_1920 = arith.mulf %get3A_1918, %gather3A_1859 : vector<16xf32>
        %add3A_1921 = arith.addf %mul3A_1919, %mul3A_1920 : vector<16xf32>
        %swap3A_1922 = arith.index_cast %add3A_1866 : i32 to index
        %swap3A_1923 = arith.constant 32 : index
        %swap3A_1924 = tpu.vector_load %arg8[%swap3A_1922, %swap3A_1923] {strides = array<i32>} : memref<208x64xf32, #tpu.memory_space<vmem>>, vector<1x16xf32>,
        %swap3A_1925 = vector.shape_cast %swap3A_1924 : vector<1x16xf32> to vector<16xf32>
        %swap3A_1926 = vector.shape_cast %add3A_1921 : vector<16xf32> to vector<1x16xf32>
        tpu.vector_store %arg8[%swap3A_1922, %swap3A_1923], %swap3A_1926 {strides = array<i32>} : memref<208x64xf32, #tpu.memory_space<vmem>>, vector<1x16xf32>,
        %get3A_1927 = arith.constant 1 : i32
        %get3A_1928 = arith.index_cast %get3A_1927 : i32 to index
        %get3A_1929 = arith.index_cast %add3A_1866 : i32 to index
        %get3A_1930 = arith.constant 48 : index
        %get3A_1931 = tpu.vector_load %arg7[%get3A_1928, %get3A_1929, %get3A_1930] {strides = array<i32>} : memref<2x224x128xf32, #tpu.memory_space<vmem>>, vector<1x1x16xf32>,
        %get3A_1932 = vector.shape_cast %get3A_1931 : vector<1x1x16xf32> to vector<16xf32>
        %get3A_1933 = arith.constant 1 : i32
        %get3A_1934 = arith.index_cast %get3A_1933 : i32 to index
        %get3A_1935 = arith.index_cast %add3A_1866 : i32 to index
        %get3A_1936 = arith.constant 112 : index
        %get3A_1937 = tpu.vector_load %arg7[%get3A_1934, %get3A_1935, %get3A_1936] {strides = array<i32>} : memref<2x224x128xf32, #tpu.memory_space<vmem>>, vector<1x1x16xf32>,
        %get3A_1938 = vector.shape_cast %get3A_1937 : vector<1x1x16xf32> to vector<16xf32>
        %mul3A_1939 = arith.mulf %get3A_1932, %sub3A_1862 : vector<16xf32>
        %mul3A_1940 = arith.mulf %get3A_1938, %gather3A_1859 : vector<16xf32>
        %add3A_1941 = arith.addf %mul3A_1939, %mul3A_1940 : vector<16xf32>
        %swap3A_1942 = arith.index_cast %add3A_1866 : i32 to index
        %swap3A_1943 = arith.constant 48 : index
        %swap3A_1944 = tpu.vector_load %arg8[%swap3A_1942, %swap3A_1943] {strides = array<i32>} : memref<208x64xf32, #tpu.memory_space<vmem>>, vector<1x16xf32>,
        %swap3A_1945 = vector.shape_cast %swap3A_1944 : vector<1x16xf32> to vector<16xf32>
        %swap3A_1946 = vector.shape_cast %add3A_1941 : vector<16xf32> to vector<1x16xf32>
        tpu.vector_store %arg8[%swap3A_1942, %swap3A_1943], %swap3A_1946 {strides = array<i32>} : memref<208x64xf32, #tpu.memory_space<vmem>>, vector<1x16xf32>,
        %broadcast_in_dim3A_1947 = arith.constant 15 : i32
        %broadcast_in_dim3A_1948 = vector.broadcast %broadcast_in_dim3A_1947 : i32 to vector<16xi32>
        %lt3A_1949 = arith.constant 0 : i32
        %lt3A_1950 = vector.broadcast %lt3A_1949 : i32 to vector<16xi32>
        %lt3A_1951 = arith.cmpi slt, %broadcast_in_dim3A_1948, %lt3A_1950 : vector<16xi32>
        %add3A_1952 = arith.constant 16 : i32
        %add3A_1953 = vector.broadcast %add3A_1952 : i32 to vector<16xi32>
        %add3A_1954 = arith.addi %broadcast_in_dim3A_1948, %add3A_1953 : vector<16xi32>
        %select_n3A_1955 = arith.select %lt3A_1951, %add3A_1954, %broadcast_in_dim3A_1948 : vector<16xi1>, vector<16xi32>
        %broadcast_in_dim3A_1956 = vector.shape_cast %select_n3A_1955 : vector<16xi32> to vector<16x1xi32>
        %gather3A_1957 = vector.shape_cast %broadcast_in_dim3A_1956 : vector<16x1xi32> to vector<16xi32>
        %gather3A_1958 = tpu.dynamic_gather %convert_element_type3A_464[%gather3A_1957] in [0] : vector<16xf32>, vector<16xi32> -> vector<16xf32>
        %sub3A_1959 = arith.constant 1.000000e+00 : f32
        %sub3A_1960 = vector.broadcast %sub3A_1959 : f32 to vector<16xf32>
        %sub3A_1961 = arith.subf %sub3A_1960, %gather3A_1958 : vector<16xf32>
        %mul3A_1962 = arith.constant 16 : i32
        %mul3A_1963 = arith.muli %scan3A_453, %mul3A_1962 : i32
        %add3A_1964 = arith.constant 15 : i32
        %add3A_1965 = arith.addi %mul3A_1963, %add3A_1964 : i32
        %get3A_1966 = arith.constant 1 : i32
        %get3A_1967 = arith.index_cast %get3A_1966 : i32 to index
        %get3A_1968 = arith.index_cast %add3A_1965 : i32 to index
        %get3A_1969 = arith.constant 0 : index
        %get3A_1970 = tpu.vector_load %arg7[%get3A_1967, %get3A_1968, %get3A_1969] {strides = array<i32>} : memref<2x224x128xf32, #tpu.memory_space<vmem>>, vector<1x1x16xf32>,
        %get3A_1971 = vector.shape_cast %get3A_1970 : vector<1x1x16xf32> to vector<16xf32>
        %get3A_1972 = arith.constant 1 : i32
        %get3A_1973 = arith.index_cast %get3A_1972 : i32 to index
        %get3A_1974 = arith.index_cast %add3A_1965 : i32 to index
        %get3A_1975 = arith.constant 64 : index
        %get3A_1976 = tpu.vector_load %arg7[%get3A_1973, %get3A_1974, %get3A_1975] {strides = array<i32>} : memref<2x224x128xf32, #tpu.memory_space<vmem>>, vector<1x1x16xf32>,
        %get3A_1977 = vector.shape_cast %get3A_1976 : vector<1x1x16xf32> to vector<16xf32>
        %mul3A_1978 = arith.mulf %get3A_1971, %sub3A_1961 : vector<16xf32>
        %mul3A_1979 = arith.mulf %get3A_1977, %gather3A_1958 : vector<16xf32>
        %add3A_1980 = arith.addf %mul3A_1978, %mul3A_1979 : vector<16xf32>
        %swap3A_1981 = arith.index_cast %add3A_1965 : i32 to index
        %swap3A_1982 = arith.constant 0 : index
        %swap3A_1983 = tpu.vector_load %arg8[%swap3A_1981, %swap3A_1982] {strides = array<i32>} : memref<208x64xf32, #tpu.memory_space<vmem>>, vector<1x16xf32>,
        %swap3A_1984 = vector.shape_cast %swap3A_1983 : vector<1x16xf32> to vector<16xf32>
        %swap3A_1985 = vector.shape_cast %add3A_1980 : vector<16xf32> to vector<1x16xf32>
        tpu.vector_store %arg8[%swap3A_1981, %swap3A_1982], %swap3A_1985 {strides = array<i32>} : memref<208x64xf32, #tpu.memory_space<vmem>>, vector<1x16xf32>,
        %get3A_1986 = arith.constant 1 : i32
        %get3A_1987 = arith.index_cast %get3A_1986 : i32 to index
        %get3A_1988 = arith.index_cast %add3A_1965 : i32 to index
        %get3A_1989 = arith.constant 16 : index
        %get3A_1990 = tpu.vector_load %arg7[%get3A_1987, %get3A_1988, %get3A_1989] {strides = array<i32>} : memref<2x224x128xf32, #tpu.memory_space<vmem>>, vector<1x1x16xf32>,
        %get3A_1991 = vector.shape_cast %get3A_1990 : vector<1x1x16xf32> to vector<16xf32>
        %get3A_1992 = arith.constant 1 : i32
        %get3A_1993 = arith.index_cast %get3A_1992 : i32 to index
        %get3A_1994 = arith.index_cast %add3A_1965 : i32 to index
        %get3A_1995 = arith.constant 80 : index
        %get3A_1996 = tpu.vector_load %arg7[%get3A_1993, %get3A_1994, %get3A_1995] {strides = array<i32>} : memref<2x224x128xf32, #tpu.memory_space<vmem>>, vector<1x1x16xf32>,
        %get3A_1997 = vector.shape_cast %get3A_1996 : vector<1x1x16xf32> to vector<16xf32>
        %mul3A_1998 = arith.mulf %get3A_1991, %sub3A_1961 : vector<16xf32>
        %mul3A_1999 = arith.mulf %get3A_1997, %gather3A_1958 : vector<16xf32>
        %add3A_2000 = arith.addf %mul3A_1998, %mul3A_1999 : vector<16xf32>
        %swap3A_2001 = arith.index_cast %add3A_1965 : i32 to index
        %swap3A_2002 = arith.constant 16 : index
        %swap3A_2003 = tpu.vector_load %arg8[%swap3A_2001, %swap3A_2002] {strides = array<i32>} : memref<208x64xf32, #tpu.memory_space<vmem>>, vector<1x16xf32>,
        %swap3A_2004 = vector.shape_cast %swap3A_2003 : vector<1x16xf32> to vector<16xf32>
        %swap3A_2005 = vector.shape_cast %add3A_2000 : vector<16xf32> to vector<1x16xf32>
        tpu.vector_store %arg8[%swap3A_2001, %swap3A_2002], %swap3A_2005 {strides = array<i32>} : memref<208x64xf32, #tpu.memory_space<vmem>>, vector<1x16xf32>,
        %get3A_2006 = arith.constant 1 : i32
        %get3A_2007 = arith.index_cast %get3A_2006 : i32 to index
        %get3A_2008 = arith.index_cast %add3A_1965 : i32 to index
        %get3A_2009 = arith.constant 32 : index
        %get3A_2010 = tpu.vector_load %arg7[%get3A_2007, %get3A_2008, %get3A_2009] {strides = array<i32>} : memref<2x224x128xf32, #tpu.memory_space<vmem>>, vector<1x1x16xf32>,
        %get3A_2011 = vector.shape_cast %get3A_2010 : vector<1x1x16xf32> to vector<16xf32>
        %get3A_2012 = arith.constant 1 : i32
        %get3A_2013 = arith.index_cast %get3A_2012 : i32 to index
        %get3A_2014 = arith.index_cast %add3A_1965 : i32 to index
        %get3A_2015 = arith.constant 96 : index
        %get3A_2016 = tpu.vector_load %arg7[%get3A_2013, %get3A_2014, %get3A_2015] {strides = array<i32>} : memref<2x224x128xf32, #tpu.memory_space<vmem>>, vector<1x1x16xf32>,
        %get3A_2017 = vector.shape_cast %get3A_2016 : vector<1x1x16xf32> to vector<16xf32>
        %mul3A_2018 = arith.mulf %get3A_2011, %sub3A_1961 : vector<16xf32>
        %mul3A_2019 = arith.mulf %get3A_2017, %gather3A_1958 : vector<16xf32>
        %add3A_2020 = arith.addf %mul3A_2018, %mul3A_2019 : vector<16xf32>
        %swap3A_2021 = arith.index_cast %add3A_1965 : i32 to index
        %swap3A_2022 = arith.constant 32 : index
        %swap3A_2023 = tpu.vector_load %arg8[%swap3A_2021, %swap3A_2022] {strides = array<i32>} : memref<208x64xf32, #tpu.memory_space<vmem>>, vector<1x16xf32>,
        %swap3A_2024 = vector.shape_cast %swap3A_2023 : vector<1x16xf32> to vector<16xf32>
        %swap3A_2025 = vector.shape_cast %add3A_2020 : vector<16xf32> to vector<1x16xf32>
        tpu.vector_store %arg8[%swap3A_2021, %swap3A_2022], %swap3A_2025 {strides = array<i32>} : memref<208x64xf32, #tpu.memory_space<vmem>>, vector<1x16xf32>,
        %get3A_2026 = arith.constant 1 : i32
        %get3A_2027 = arith.index_cast %get3A_2026 : i32 to index
        %get3A_2028 = arith.index_cast %add3A_1965 : i32 to index
        %get3A_2029 = arith.constant 48 : index
        %get3A_2030 = tpu.vector_load %arg7[%get3A_2027, %get3A_2028, %get3A_2029] {strides = array<i32>} : memref<2x224x128xf32, #tpu.memory_space<vmem>>, vector<1x1x16xf32>,
        %get3A_2031 = vector.shape_cast %get3A_2030 : vector<1x1x16xf32> to vector<16xf32>
        %get3A_2032 = arith.constant 1 : i32
        %get3A_2033 = arith.index_cast %get3A_2032 : i32 to index
        %get3A_2034 = arith.index_cast %add3A_1965 : i32 to index
        %get3A_2035 = arith.constant 112 : index
        %get3A_2036 = tpu.vector_load %arg7[%get3A_2033, %get3A_2034, %get3A_2035] {strides = array<i32>} : memref<2x224x128xf32, #tpu.memory_space<vmem>>, vector<1x1x16xf32>,
        %get3A_2037 = vector.shape_cast %get3A_2036 : vector<1x1x16xf32> to vector<16xf32>
        %mul3A_2038 = arith.mulf %get3A_2031, %sub3A_1961 : vector<16xf32>
        %mul3A_2039 = arith.mulf %get3A_2037, %gather3A_1958 : vector<16xf32>
        %add3A_2040 = arith.addf %mul3A_2038, %mul3A_2039 : vector<16xf32>
        %swap3A_2041 = arith.index_cast %add3A_1965 : i32 to index
        %swap3A_2042 = arith.constant 48 : index
        %swap3A_2043 = tpu.vector_load %arg8[%swap3A_2041, %swap3A_2042] {strides = array<i32>} : memref<208x64xf32, #tpu.memory_space<vmem>>, vector<1x16xf32>,
        %swap3A_2044 = vector.shape_cast %swap3A_2043 : vector<1x16xf32> to vector<16xf32>
        %swap3A_2045 = vector.shape_cast %add3A_2040 : vector<16xf32> to vector<1x16xf32>
        tpu.vector_store %arg8[%swap3A_2041, %swap3A_2042], %swap3A_2045 {strides = array<i32>} : memref<208x64xf32, #tpu.memory_space<vmem>>, vector<1x16xf32>,
      }
      %scan3A_437 = arith.constant 13 : i32
      %add3A_438 = arith.addi %mul3A_4, %add3A_371 : i32
      %dma_start3A_439 = arith.constant 0 : i32
      %dma_start3A_440 = arith.constant 0 : i32
      %dma_start3A_441 = tpu.memref_slice %arg8[%dma_start3A_439, %dma_start3A_440] : memref<208x64xf32, #tpu.memory_space<vmem>> -> memref<200x64xf32, #tpu.memory_space<vmem>>
      %dma_start3A_442 = arith.constant 0 : i32
      %dma_start3A_443 = arith.constant 0 : i32
      %dma_start3A_444 = tpu.memref_slice %arg4[%add3A_438, %dma_start3A_442, %dma_start3A_443] : memref<4096x200x64xf32, #tpu.memory_space<hbm>> -> memref<1x200x64xf32, #tpu.memory_space<hbm>>
      %dma_start3A_445 = tpu.memref_squeeze %dma_start3A_444 : memref<1x200x64xf32, #tpu.memory_space<hbm>> -> memref<200x64xf32, #tpu.memory_space<hbm>>
      %dma_start3A_446 = arith.constant 0 : i32
      %dma_start3A_447 = arith.constant 0 : i32
      %dma_start3A_448 = tpu.memref_slice %arg4[%add3A_438, %dma_start3A_446, %dma_start3A_447] : memref<4096x200x64xf32, #tpu.memory_space<hbm>> -> memref<1x200x64xf32, #tpu.memory_space<hbm>>
      %dma_start3A_449 = tpu.memref_squeeze %dma_start3A_448 : memref<1x200x64xf32, #tpu.memory_space<hbm>> -> memref<200x64xf32, #tpu.memory_space<hbm>>
      %dma_start3A_450 = arith.constant 0 : i32
      %dma_start3A_451 = arith.constant 0 : i32
      %dma_start3A_452 = tpu.memref_slice %arg8[%dma_start3A_450, %dma_start3A_451] : memref<208x64xf32, #tpu.memory_space<vmem>> -> memref<200x64xf32, #tpu.memory_space<vmem>>
      tpu.enqueue_dma source(%dma_start3A_452 : memref<200x64xf32, #tpu.memory_space<vmem>>) target(%dma_start3A_449 : memref<200x64xf32, #tpu.memory_space<hbm>>) target_semaphore(%arg11 : memref<!tpu.dma_semaphore, #tpu.memory_space<semaphore_mem>>)
    }
    %scan3A_269 = arith.constant 64 : i32
    %add3A_270 = arith.constant 127 : i32
    %add3A_271 = arith.addi %mul3A_4, %add3A_270 : i32
    %dma_wait3A_272 = arith.constant 0 : i32
    %dma_wait3A_273 = arith.constant 0 : i32
    %dma_wait3A_274 = tpu.memref_slice %arg8[%dma_wait3A_272, %dma_wait3A_273] : memref<208x64xf32, #tpu.memory_space<vmem>> -> memref<200x64xf32, #tpu.memory_space<vmem>>
    %dma_wait3A_275 = arith.constant 0 : i32
    %dma_wait3A_276 = arith.constant 0 : i32
    %dma_wait3A_277 = tpu.memref_slice %arg4[%add3A_271, %dma_wait3A_275, %dma_wait3A_276] : memref<4096x200x64xf32, #tpu.memory_space<hbm>> -> memref<1x200x64xf32, #tpu.memory_space<hbm>>
    %dma_wait3A_278 = tpu.memref_squeeze %dma_wait3A_277 : memref<1x200x64xf32, #tpu.memory_space<hbm>> -> memref<200x64xf32, #tpu.memory_space<hbm>>
    %dma_wait3A_279 = arith.constant 0 : i32
    %dma_wait3A_280 = arith.constant 0 : i32
    %dma_wait3A_281 = tpu.memref_slice %arg4[%add3A_271, %dma_wait3A_279, %dma_wait3A_280] : memref<4096x200x64xf32, #tpu.memory_space<hbm>> -> memref<1x200x64xf32, #tpu.memory_space<hbm>>
    %dma_wait3A_282 = tpu.memref_squeeze %dma_wait3A_281 : memref<1x200x64xf32, #tpu.memory_space<hbm>> -> memref<200x64xf32, #tpu.memory_space<hbm>>
    %dma_wait3A_283 = arith.constant 0 : i32
    %dma_wait3A_284 = arith.constant 0 : i32
    %dma_wait3A_285 = tpu.memref_slice %arg8[%dma_wait3A_283, %dma_wait3A_284] : memref<208x64xf32, #tpu.memory_space<vmem>> -> memref<200x64xf32, #tpu.memory_space<vmem>>
    tpu.wait_dma2 semaphore(%arg11 : memref<!tpu.dma_semaphore, #tpu.memory_space<semaphore_mem>>) src(%dma_wait3A_285 : memref<200x64xf32, #tpu.memory_space<vmem>>) dst(%dma_wait3A_282 : memref<200x64xf32, #tpu.memory_space<hbm>>)
    return
  }
}

</mosaic_0001>

<sc_bundles>
// kernel: kernel.3.cloned.1.call-start
scs
__scs_entry_jumppad:
0x0: {  	(pc) =	sbr.rel $0x88, $3  }
0x1: {  	(tag) =	ssettag $0x0;
	lr =	simm.s32 $0x1  }
0x2: {  	[smem:$0x3F9F] =	sst lr;
	_ =	strace $0xD0000000  }
0x3: {  	_ = 	snop  }
0x4: {  	_ = 	snop  }
0x5: {  	_ = 	snop  }
0x6: {  	_ = 	snop  }
0x7: {  	_ = 	snop  }
__scs_overlays_trampoline_lowered:
0x8: {  	[smem:$0x3FAE] =	sst s0  }
0x9: {  	[smem:$0x3FAF] =	sst s1  }
0xa: {  	[smem:$0x3FB0] =	sst s2  }
0xb: {  	[smem:$0x3FB1] =	sst s3  }
0xc: {  	[smem:$0x3FB2] =	sst s4  }
0xd: {  	[smem:$0x3FB3] =	sst s5  }
0xe: {  	[smem:$0x3FB4] =	sst s6  }
0xf: {  	[smem:$0x3FB5] =	sst s7  }
0x10: {  	[smem:$0x3FB6] =	sst s8  }
0x11: {  	[smem:$0x3FB7] =	sst s9;
	s0 =	simm.s32 @!p0 $0x0  }
0x12: {  	s1 =	sld [smem:$0x3F9D];
	s0 =	simm.s32 @p0 $0x1  }
0x13: {  	[smem:$0x3FB8] =	sst s0;
	s0 =	simm.s32 @!p1 $0x0  }
0x14: {  	s2 =	sld [smem:$0x3F9C];
	s0 =	simm.s32 @p1 $0x1  }
0x15: {  	[smem:$0x3FB9] =	sst s0;
	s0 =	simm.s32 @!p2 $0x0  }
0x16: {  	s3 =	sld [smem:$0x3FDB];
	s0 =	simm.s32 @p2 $0x1  }
0x17: {  	s4 =	simm.s32 $0x1BF5;
	[smem:$0x3FBB] =	sst s0  }
0x18: {  	s0 =	sld [smem:$0x3F9E];
	_ =	swait.ge [sflag:s4], $0x0  }
0x19: {  	s7 =	sld [smem:$0x3F9F]  }
0x1a: {  	s8 =	sadd.s32 $0xFFFFE003, lr  }
0x1b: {  	s9 =	sadd.s32 $0xFFFFFEF7, lr;
	s5 =	simm.s32 $0xFFFFFFFF;
	p2 =	slt.u32 s8, $0xFFFFF086  }
0x1c: {  	p1 =	slt.u32 s9, $0xF7A;
	s5 =	simm.s32 @!p2 $0x0  }
0x1d: {  	s5 =	simm.s32 @p1 $0x1;
	p0 =	seq.s32 s7, s2  }
0x1e: {  	s7 =	smul.u32 @!p0 $0xF7A, s2;
	p2 =	seq.s32 @!p0 s5, $0x0  }
0x1f: {  	s9 =	smul.u32 $0xF7A, s1;
	s8 =	simm.s32 @!p0 $0x1BF5;
	p2 =	por !p2, p0  }
0x20: {  	[sflag:s8] =	ssyncset.s32 @!p0 $0xFFFFF086;
	s6 =	sadd.s32 @!p0 s3, s7;
	s7 =	simm.s32 @!p0 $0x108  }
0x21: {  	s3 =	sadd.s32 s3, s9;
	s6 =	sadd.s32 @!p0 $0x88, s6;
	s7 =	simm.s32 @p2 $0x1082  }
0x22: {  	[simem:s7], [sflag:s8] =	dma.local @!p0 [hbm:s6], $0xF7A  }
0x23: {  	s9 =	sor.u32 $0xD0000000, s2;
	s6 =	simm.s32 $0x108;
	_ =	swait.ge @!p0 [sflag:s8], $0x0  }
0x24: {  	s3 =	sadd.s32 $0x88, s3;
	s6 =	simm.s32 @!p1 $0x1082;
	[sflag:s4] =	ssyncset.s32 $0xFFFFF086  }
0x25: {  	[simem:s6], [sflag:s4] =	dma.local [hbm:s3], $0xF7A  }
0x26: {  	[smem:$0x3F9F] =	sst s1;
	(tag) =	ssettag s2;
	_ =	strace s9  }
0x27: {  	s1 =	sld [smem:$0x3FAF]  }
0x28: {  	s2 =	sld [smem:$0x3FB0]  }
0x29: {  	s4 =	sld [smem:$0x3FB2]  }
0x2a: {  	p0 =	seq.s32 s5, $0x0;
	s5 =	sld [smem:$0x3FB3]  }
0x2b: {  	s6 =	sld [smem:$0x3FB4]  }
0x2c: {  	s7 =	sld [smem:$0x3FB5]  }
0x2d: {  	s3 =	simm.s32 $0x108;
	s8 =	sld [smem:$0x3FB6]  }
0x2e: {  	s3 =	simm.s32 @!p0 $0x1082;
	s9 =	sld [smem:$0x3FB7]  }
0x2f: {  	lr =	sadd.s32 s0, s3;
	s0 =	sld [smem:$0x3FAE]  }
0x30: {  	s3 =	sld [smem:$0x3FB1]  }
0x31: {  	[smem:$0x3FBA] =	sst s10  }
0x32: {  	s10 =	sld [smem:$0x3FB8];
	_ =	sdelay $0x3  }
0x33: {  	p0 =	seq.s32 s10, $0x1;
	s10 =	sld [smem:$0x3FBA];
	_ =	sdelay $0x3  }
0x34: {  	[smem:$0x3FBA] =	sst s10  }
0x35: {  	s10 =	sld [smem:$0x3FB9];
	_ =	sdelay $0x3  }
0x36: {  	p1 =	seq.s32 s10, $0x1;
	s10 =	sld [smem:$0x3FBA];
	_ =	sdelay $0x3  }
0x37: {  	[smem:$0x3FBA] =	sst s10  }
0x38: {  	s10 =	sld [smem:$0x3FBB]  }
0x39: {  	_ = 	snop;
	(pc) =	sbr.ind lr, $3  }
0x3a: {  	_ = 	snop  }
0x3b: {  	_ = 	snop  }
0x3c: {  	p2 =	seq.s32 s10, $0x1;
	s10 =	sld [smem:$0x3FBA]  }
0x3d: {  	_ =	shalt  }
0x3e: {  	_ =	shalt  }
0x3f: {  	_ =	shalt  }
0x40: {  	_ =	shalt  }
0x41: {  	_ =	shalt  }
0x42: {  	_ =	shalt  }
0x43: {  	_ =	shalt  }
0x44: {  	_ =	shalt  }
0x45: {  	_ =	shalt  }
0x46: {  	_ =	shalt  }
0x47: {  	_ =	shalt  }
0x48: {  	_ =	shalt  }
0x49: {  	_ =	shalt  }
0x4a: {  	_ =	shalt  }
0x4b: {  	_ =	shalt  }
0x4c: {  	_ =	shalt  }
0x4d: {  	_ =	shalt  }
0x4e: {  	_ =	shalt  }
0x4f: {  	_ =	shalt  }
0x50: {  	_ =	shalt  }
0x51: {  	_ =	shalt  }
0x52: {  	_ =	shalt  }
0x53: {  	_ =	shalt  }
0x54: {  	_ =	shalt  }
0x55: {  	_ =	shalt  }
0x56: {  	_ =	shalt  }
0x57: {  	_ =	shalt  }
0x58: {  	_ =	shalt  }
0x59: {  	_ =	shalt  }
0x5a: {  	_ =	shalt  }
0x5b: {  	_ =	shalt  }
0x5c: {  	_ =	shalt  }
0x5d: {  	_ =	shalt  }
0x5e: {  	_ =	shalt  }
0x5f: {  	_ =	shalt  }
0x60: {  	_ =	shalt  }
0x61: {  	_ =	shalt  }
0x62: {  	_ =	shalt  }
0x63: {  	_ =	shalt  }
0x64: {  	_ =	shalt  }
0x65: {  	_ =	shalt  }
0x66: {  	_ =	shalt  }
0x67: {  	_ =	shalt  }
0x68: {  	_ =	shalt  }
0x69: {  	_ =	shalt  }
0x6a: {  	_ =	shalt  }
0x6b: {  	_ =	shalt  }
0x6c: {  	_ =	shalt  }
0x6d: {  	_ =	shalt  }
0x6e: {  	_ =	shalt  }
0x6f: {  	_ =	shalt  }
0x70: {  	_ =	shalt  }
0x71: {  	_ =	shalt  }
0x72: {  	_ =	shalt  }
0x73: {  	_ =	shalt  }
0x74: {  	_ =	shalt  }
0x75: {  	_ =	shalt  }
0x76: {  	_ =	shalt  }
0x77: {  	_ =	shalt  }
0x78: {  	_ =	shalt  }
0x79: {  	_ =	shalt  }
0x7a: {  	_ =	shalt  }
0x7b: {  	_ =	shalt  }
0x7c: {  	_ =	shalt  }
0x7d: {  	_ =	shalt  }
0x7e: {  	_ =	shalt  }
0x7f: {  	_ =	shalt  }
0x80: {  	_ =	shalt  }
0x81: {  	_ =	shalt  }
0x82: {  	_ =	shalt  }
0x83: {  	_ =	shalt  }
0x84: {  	_ =	shalt  }
0x85: {  	_ =	shalt  }
0x86: {  	_ =	shalt  }
0x87: {  	_ =	shalt  }
.Lfunc_end0:
.L_simem_size_0:
called_computation_lowered:
.L_overlay_start_0:
0x88: {  	s2 =	sld [smem:$0x3FD9]  }
0x89: {  	s3 =	sld [smem:$0x3FFE];
	_ =	sdelay $0x1  }
0x8a: {  	s1 =	srdreg.scid  }
0x8b: {  	s0 =	sand.u32 $0x1, s1  }
0x8c: {  	s17 =	sshll.u32 s0, $0xA;
	s2 =	sadd.s32 s3, s2  }
0x8d: {  	s2 =	sadd.s32 s2, s17  }
0x8e: {  	[smem:$0x3FC6] =	sst s2  }
0x8f: {  	_ = 	snop  }
0x90: {  	s2 =	sld [smem:$0x3FD0];
	(tm) =	ssettm $0x1  }
0x91: {  	s18 =	sld [smem:$0x3FFB];
	_ =	sdelay $0x3  }
0x92: {  	_ =	strace s18  }
0x93: {  	s3 =	sld [smem:$0x3FFC];
	_ =	sdelay $0x3  }
0x94: {  	_ =	strace s3  }
0x95: {  	s3 =	sld [smem:$0x3FFD];
	_ =	sdelay $0x3  }
0x96: {  	_ =	strace s3  }
0x97: {  	_ =	strace $0x8FFFFFFF  }
0x98: {  	s19 =	sld [smem:$0x3FDB];
	_ =	sdelay $0x1  }
0x99: {  	s4 =	simm.s32 $_scs_section_size  }
0x9a: {  	s5 =	simm.s32 $_size__tile_overlayer_lowered;
	s6 =	simm.s32 $_tile_overlayer_lowered  }
0x9b: {  	s22 =	simm.s32 $0x1BFF;
	s21 =	sshll.u32 s6, $0x1;
	s3 =	sadd.s32 s4, s19  }
0x9c: {  	s7 =	simm.s32 $0x0;
	s20 =	sshll.u32 s5, $0x1;
	s5 =	sadd.s32 s21, s3  }
0x9d: {  	[timem:s7], [sflag:s22] =	dma.local [hbm:s5], s20  }
0x9e: {  	_ =	swait.ge [sflag:s22], s20  }
0x9f: {  	s4 =	ssub.s32 $0x0, s20;
	[sflag:s22] =	ssyncset.done $0x0  }
0xa0: {  	[sflag:s22] =	ssyncadd.s32 s4;
	_ =	sdelay $0x1  }
0xa1: {  	s23 =	simm.s32 $0x1B8B  }
0xa2: {  	_ =	swait.ge [sflag:s23], $0x1  }
0xa3: {  	[sflag:s23] =	ssyncset.done $0x0  }
0xa4: {  	s25 =	simm.s32 $0x1B8E;
	s24 =	sld [smem:$0x3FFE];
	[sflag:s23] =	ssyncadd.s32 $0xFFFFFFFF  }
0xa5: {  	s26 =	simm.s32 $execute0_lowered;
	[smem:$0x3FD2] =	sst s25  }
0xa6: {  	s5 =	sshll.u32 s26, $0x1;
	_ =	strace $0x80000046;
	[dreg:$0x1] =	wrdreg $0xFFFFFFFF  }
0xa7: {  	s28 =	simm.s32 $_size_execute0_lowered;
	s3 =	sadd.s32 s3, s5;
	[dreg:$0x0] =	wrdreg $0x0  }
0xa8: {  	s5 =	sshll.u32 s28, $0x1;
	[dreg:$0x2] =	wrdreg s3  }
0xa9: {  	[dreg:$0x3] =	wrdreg s5  }
0xaa: {  	[dreg:$0x4] =	wrdreg $0xC0  }
0xab: {  	_ =	task [dreg:s7], $0x5FFFF  }
0xac: {  	[dreg:$0x1] =	wrdreg $0xFFFFFFFF  }
0xad: {  	[dreg:$0x0] =	wrdreg $0x60  }
0xae: {  	[dreg:$0x2] =	wrdreg s2  }
0xaf: {  	[dreg:$0x3] =	wrdreg s24  }
0xb0: {  	[dreg:$0x4] =	wrdreg $0x9  }
0xb1: {  	_ =	task.clear_ibuf [dreg:s7], $0x5FFFF;
	_ =	strace $0x90000046  }
0xb2: {  	s29 =	simm.s32 $0x9;
	_ =	strace $0x80000048  }
0xb3: {  	_ =	swait.ge [sflag:s29], $0x1  }
0xb4: {  	[sflag:s29] =	ssyncadd.s32 $0xFFFFFFFF  }
0xb5: {  	_ =	strace $0x90000048  }
0xb6: {  	_ =	sfence  }
0xb7: {  	s30 =	sld [smem:$0x0];
	_ =	sdelay $0x2  }
0xb8: {  	s31 =	sshll.u32 s1, $0xD;
	s1 =	sshrl.u32 s1, $0x2  }
0xb9: {  	s3 =	sand.u32 $0x4000, s31;
	s1 =	sadd.s32 s1, s30  }
0xba: {  	s0 =	sor.u32 s3, s0;
	s1 =	sshll.u32 s1, $0x11  }
0xbb: {  	s0 =	sor.u32 s1, s0  }
0xbc: {  	s0 =	sadd.s32 $0x8F2B, s0  }
0xbd: {  	[sflag:s0] =	ssyncadd.remote.s32 $0x1  }
0xbe: {  	_ =	sfence.sel $0xFFFF  }
0xbf: {  	[dreg:$0x0] =	wrdreg $0xFFFFFFFF;
	(pc) =	sbr.abs _section_cstart, $3  }
0xc0: {  	[dreg:$0x1] =	wrdreg $0xFFFFFFFF  }
0xc1: {  	_ =	task.clear_ibuf [dreg:s7], $0x2FFFF;
	_ =	strace $0x9FFFFFFF  }
0xc2: {  	(tm) =	ssettm $0x7FFFFFFF  }
0xc3: {  	_ =	shalt  }
tec
execute0_lowered:
.L_overlay_start_1:
0x0: {  	(tag) =	ssettag $0x1  }
0x1: {  	s0 =	rddreg [dreg:$0x0]  }
0x2: {  	s4 =	rddreg [dreg:$0x1]  }
0x3: {  	s2 =	simm.s32 $0x0;
	s3 =	srdreg.scid;
	s1 =	stileid.u32  }
0x4: {  	s9 =	simm.s32 $0x80;
	s10 =	simm.s32 $0x6480;
	s11 =	simm.s32 $0x6680  }
0x5: {  	s12 =	simm.s32 $0x60;
	s13 =	simm.s32 $0x6500;
	s14 =	simm.s32 $0xA680  }
0x6: {  	s15 =	simm.s32 $0x6580;
	s16 =	simm.s32 $0xD680;
	s17 =	simm.s32 $0x6600  }
0x7: {  	s18 =	simm.s32 $0x11680;
	s19 =	simm.s32 $0x2;
	s20 =	simm.s32 $0x14680  }
0x8: {  	s21 =	simm.s32 $0x3;
	s22 =	simm.s32 $0x4;
	s23 =	simm.s32 $0x0  }
0x9: {  	[smem:$0x7FF] =	sst s2;
	s3 =	sand.u32 $0x1, s3;
	s5 =	sshll.u32 s1, $0x1  }
0xa: {  	_ =	strace $0x80000047;
	s6 =	ssub.s32 $0x2, s3;
	s5 =	sor.u32 s3, s5  }
0xb: {  	s3 =	sadd.s32 $0xF42A00, s4;
	s7 =	sshrl.u32 s6, $0x1;
	s8 =	smul.u32 $0xC80, s5  }
0xc: {  	s4 =	sadd.s32 $0x600, s4;
	s5 =	sshll.u32 s5, $0x7;
	s7 =	ssub.s32 s6, s7  }
0xd: {  	v0 =	vimm.s32 $0x0;
	s6 =	sadd.s32 s0, s8;
	s7 =	smax.u32 s7, $0x1;
	s8 =	simm.s32 $0x1  }
.LBB2_1:
0xe: {  	[tilespmem:$0x6400] =	vst v0  }
0xf: {  	[tilespmem:$0x6410] =	vst v0  }
0x10: {  	[tilespmem:s2], [sflag:$0x1] =	stream.linear.gather [hbm4b:s6+s2], $0x6400, $0x38;
	[tilespmem:$0x1AE80] =	vst v63  }
0x11: {  	_ =	swait.ge [sflag:s8], $0x6400  }
0x12: {  	[sflag:s8] =	ssyncset.done $0x0  }
0x13: {  	[sflag:s8] =	ssyncadd.s32 $0xFFFF9C00  }
0x14: {  	v42 =	vld [tilespmem:$0x0]  }
0x15: {  	v1 =	vld [tilespmem:$0x10]  }
0x16: {  	v2 =	vld [tilespmem:$0x20]  }
0x17: {  	v3 =	vld [tilespmem:$0x30]  }
0x18: {  	v4 =	vld [tilespmem:$0x40]  }
0x19: {  	v5 =	vld [tilespmem:$0x50];
	v0 =	vshrl.u32 v42, $0x1  }
0x1a: {  	v44 =	vld [tilespmem:$0x60];
	v43 =	vshrl.u32 v1, $0x1;
	[tilespmem:$0x6480] =	vst v0  }
0x1b: {  	v46 =	vld [tilespmem:$0x70];
	v45 =	vshrl.u32 v2, $0x1;
	[tilespmem:$0x6490] =	vst v43  }
0x1c: {  	v48 =	vld [tilespmem:$0x80];
	v47 =	vshrl.u32 v3, $0x1;
	[tilespmem:$0x64A0] =	vst v45  }
0x1d: {  	v50 =	vld [tilespmem:$0x90];
	v49 =	vshrl.u32 v4, $0x1;
	[tilespmem:$0x64B0] =	vst v47  }
0x1e: {  	v52 =	vld [tilespmem:$0xA0];
	v51 =	vshrl.u32 v5, $0x1;
	[tilespmem:$0x64C0] =	vst v49  }
0x1f: {  	v54 =	vld [tilespmem:$0xB0];
	v53 =	vshrl.u32 v44, $0x1;
	[tilespmem:$0x64D0] =	vst v51  }
0x20: {  	v56 =	vld [tilespmem:$0xC0];
	v55 =	vshrl.u32 v46, $0x1;
	[tilespmem:$0x64E0] =	vst v53  }
0x21: {  	v58 =	vld [tilespmem:$0xD0];
	v57 =	vshrl.u32 v48, $0x1;
	[tilespmem:$0x64F0] =	vst v55  }
0x22: {  	v59 =	vshrl.u32 v50, $0x1;
	[tilespmem:$0x6500] =	vst v57  }
0x23: {  	v60 =	vshrl.u32 v52, $0x1;
	[tilespmem:$0x6510] =	vst v59  }
0x24: {  	v61 =	vshrl.u32 v54, $0x1;
	[tilespmem:$0x6520] =	vst v60  }
0x25: {  	v62 =	vshrl.u32 v56, $0x1;
	[tilespmem:$0x6530] =	vst v61  }
0x26: {  	v63 =	vshrl.u32 v58, $0x1;
	[tilespmem:$0x6540] =	vst v62  }
0x27: {  	[tilespmem:$0x6550] =	vst v63  }
0x28: {  	[tilespmem:s11], [sflag:$0x2] =	stream.indirect.gather [hbm4b:s3+s9], $0x80, s10, s9, $0xb8;
	[tilespmem:$0x1AE80] =	vst v63  }
0x29: {  	s24 =	simm.s32 $0xC8;
	s0 =	simm.s32 $0x0;
	s26 =	simm.s32 $0x0  }
0x2a: {  	[tilespmem:s14], [sflag:$0x2] =	stream.indirect.gather [hbm4b:s3+s12], $0x80, s13, s12, $0xb8;
	[tilespmem:$0x1AE80] =	vst v63  }
.LBB2_2:
0x2b: {  	s28 =	sshllo.u32 s26, $0x1  }
0x2c: {  	s25 =	smul.u32 $0xC8, s28;
	_ =	sdelay $0x1  }
0x2d: {  	v0 =	vld [tilespmem:s25+$0x0];
	_ =	sdelay $0x4  }
0x2e: {  	v0 =	vshrl.u32 v0, $0x1  }
0x2f: {  	[tilespmem:$0x6580] =	vst v0  }
0x30: {  	v0 =	vld [tilespmem:s25+$0x10];
	_ =	sdelay $0x4  }
0x31: {  	v0 =	vshrl.u32 v0, $0x1  }
0x32: {  	[tilespmem:$0x6590] =	vst v0  }
0x33: {  	v0 =	vld [tilespmem:s25+$0x20];
	_ =	sdelay $0x4  }
0x34: {  	v0 =	vshrl.u32 v0, $0x1  }
0x35: {  	[tilespmem:$0x65A0] =	vst v0  }
0x36: {  	v0 =	vld [tilespmem:s25+$0x30];
	_ =	sdelay $0x4  }
0x37: {  	v0 =	vshrl.u32 v0, $0x1  }
0x38: {  	[tilespmem:$0x65B0] =	vst v0  }
0x39: {  	v0 =	vld [tilespmem:s25+$0x40];
	_ =	sdelay $0x4  }
0x3a: {  	v0 =	vshrl.u32 v0, $0x1  }
0x3b: {  	[tilespmem:$0x65C0] =	vst v0  }
0x3c: {  	v0 =	vld [tilespmem:s25+$0x50];
	_ =	sdelay $0x4  }
0x3d: {  	v0 =	vshrl.u32 v0, $0x1  }
0x3e: {  	[tilespmem:$0x65D0] =	vst v0  }
0x3f: {  	v0 =	vld [tilespmem:s25+$0x60];
	_ =	sdelay $0x4  }
0x40: {  	v0 =	vshrl.u32 v0, $0x1  }
0x41: {  	[tilespmem:$0x65E0] =	vst v0  }
0x42: {  	v0 =	vld [tilespmem:s25+$0x70];
	_ =	sdelay $0x4  }
0x43: {  	v0 =	vshrl.u32 v0, $0x1  }
0x44: {  	s29 =	sand.u32 $0x7FF8, s25;
	[tilespmem:$0x65F0] =	vst v0  }
0x45: {  	v0 =	vld [tilespmem:s29+$0x80];
	_ =	sdelay $0x4  }
0x46: {  	v0 =	vshrl.u32 v0, $0x1  }
0x47: {  	[tilespmem:$0x6600] =	vst v0  }
0x48: {  	v0 =	vld [tilespmem:s25+$0x90];
	_ =	sdelay $0x4  }
0x49: {  	v0 =	vshrl.u32 v0, $0x1  }
0x4a: {  	[tilespmem:$0x6610] =	vst v0  }
0x4b: {  	v0 =	vld [tilespmem:s25+$0xA0];
	_ =	sdelay $0x4  }
0x4c: {  	v0 =	vshrl.u32 v0, $0x1  }
0x4d: {  	[tilespmem:$0x6620] =	vst v0  }
0x4e: {  	v0 =	vld [tilespmem:s25+$0xB0];
	_ =	sdelay $0x4  }
0x4f: {  	v0 =	vshrl.u32 v0, $0x1  }
0x50: {  	[tilespmem:$0x6630] =	vst v0  }
0x51: {  	v0 =	vld [tilespmem:s25+$0xC0];
	_ =	sdelay $0x4  }
0x52: {  	v0 =	vshrl.u32 v0, $0x1  }
0x53: {  	[tilespmem:$0x6640] =	vst v0  }
0x54: {  	v0 =	vld [tilespmem:s25+$0xD0];
	_ =	sdelay $0x4  }
0x55: {  	v0 =	vshrl.u32 v0, $0x1  }
0x56: {  	[tilespmem:$0x6650] =	vst v0  }
0x57: {  	[tilespmem:s16], [sflag:$0x3] =	stream.indirect.gather [hbm4b:s3+s9], $0x80, s15, s9, $0xb8;
	[tilespmem:$0x1AE80] =	vst v63  }
0x58: {  	_ = 	snop  }
0x59: {  	[tilespmem:s18], [sflag:$0x3] =	stream.indirect.gather [hbm4b:s3+s12], $0x80, s17, s12, $0xb8;
	[tilespmem:$0x1AE80] =	vst v63  }
0x5a: {  	_ =	swait.ge [sflag:s19], $0x4000  }
0x5b: {  	[sflag:s19] =	ssyncset.done $0x0  }
0x5c: {  	[sflag:s19] =	ssyncadd.s32 $0xFFFFC000  }
0x5d: {  	_ =	swait.ge [sflag:s19], $0x3000  }
0x5e: {  	p0 =	seq.s32 s26, $0x0;
	[sflag:s19] =	ssyncset.done $0x0  }
0x5f: {  	s25 =	simm.s32 @!p0 $0x4;
	[sflag:s19] =	ssyncadd.s32 $0xFFFFD000  }
0x60: {  	_ =	swait.ge @!p0 [sflag:s25], $0x6400  }
0x61: {  	[sflag:s25] =	ssyncset.done @!p0 $0x0  }
0x62: {  	s29 =	simm.s32 $0x0;
	[sflag:s25] =	ssyncadd.s32 @!p0 $0xFFFF9C00  }
0x63: {  	v51 =	vld [tilespmem:s29+$0x6680]  }
0x64: {  	v57 =	vld [tilespmem:s29+$0x66C0]  }
0x65: {  	v54 =	vld [tilespmem:s29+$0x6690]  }
0x66: {  	v63 =	vld [tilespmem:s29+$0x66D0]  }
0x67: {  	v58 =	vld [tilespmem:s29+$0x66A0]  }
0x68: {  	v1 =	vld [tilespmem:s29+$0x66E0]  }
0x69: {  	v60 =	vld [tilespmem:s29+$0x66B0]  }
0x6a: {  	v2 =	vld [tilespmem:s29+$0x66F0]  }
0x6b: {  	v61 =	vld [tilespmem:s29+$0x6700]  }
0x6c: {  	v0 =	vld [tilespmem:s29+$0x6740]  }
0x6d: {  	v62 =	vld [tilespmem:s29+$0x6710]  }
0x6e: {  	v59 =	vld [tilespmem:s29+$0x6750]  }
0x6f: {  	v55 =	vld [tilespmem:s29+$0x6720]  }
0x70: {  	v56 =	vld [tilespmem:s29+$0x6760]  }
0x71: {  	v52 =	vld [tilespmem:s29+$0x6730]  }
0x72: {  	v53 =	vld [tilespmem:s29+$0x6770]  }
0x73: {  	v49 =	vld [tilespmem:s29+$0x6780]  }
0x74: {  	v50 =	vld [tilespmem:s29+$0x67C0]  }
0x75: {  	v47 =	vld [tilespmem:s29+$0x6790]  }
0x76: {  	v48 =	vld [tilespmem:s29+$0x67D0]  }
0x77: {  	v45 =	vld [tilespmem:s29+$0x67A0]  }
0x78: {  	v46 =	vld [tilespmem:s29+$0x67E0]  }
0x79: {  	v43 =	vld [tilespmem:s29+$0x67B0]  }
0x7a: {  	v44 =	vld [tilespmem:s29+$0x67F0]  }
0x7b: {  	v41 =	vld [tilespmem:s29+$0x6800]  }
0x7c: {  	v42 =	vld [tilespmem:s29+$0x6840]  }
0x7d: {  	v39 =	vld [tilespmem:s29+$0x6810]  }
0x7e: {  	v40 =	vld [tilespmem:s29+$0x6850]  }
0x7f: {  	v37 =	vld [tilespmem:s29+$0x6820]  }
0x80: {  	v38 =	vld [tilespmem:s29+$0x6860]  }
0x81: {  	v35 =	vld [tilespmem:s29+$0x6830]  }
0x82: {  	v36 =	vld [tilespmem:s29+$0x6870]  }
0x83: {  	v29 =	vld [tilespmem:s29+$0x6880]  }
0x84: {  	v33 =	vld [tilespmem:s29+$0x68C0]  }
0x85: {  	v30 =	vld [tilespmem:s29+$0x6890]  }
0x86: {  	v34 =	vld [tilespmem:s29+$0x68D0]  }
0x87: {  	v27 =	vld [tilespmem:s29+$0x68A0]  }
0x88: {  	v31 =	vld [tilespmem:s29+$0x68E0]  }
0x89: {  	v28 =	vld [tilespmem:s29+$0x68B0]  }
0x8a: {  	v32 =	vld [tilespmem:s29+$0x68F0]  }
0x8b: {  	v26 =	vld [tilespmem:s29+$0x6900]  }
0x8c: {  	v25 =	vld [tilespmem:s29+$0x6940]  }
0x8d: {  	v23 =	vld [tilespmem:s29+$0x6910]  }
0x8e: {  	v24 =	vld [tilespmem:s29+$0x6950]  }
0x8f: {  	v20 =	vld [tilespmem:s29+$0x6920]  }
0x90: {  	v21 =	vld [tilespmem:s29+$0x6960]  }
0x91: {  	v18 =	vld [tilespmem:s29+$0x6930]  }
0x92: {  	v19 =	vld [tilespmem:s29+$0x6970]  }
0x93: {  	v11 =	vld [tilespmem:s29+$0x6980]  }
0x94: {  	v17 =	vld [tilespmem:s29+$0x69C0]  }
0x95: {  	s30 =	sshll.u32 s26, $0x1;
	s31 =	simm.s32 $0x2000;
	s25 =	smov.u32 s0;
	v6 =	vld [tilespmem:s0+$0x0]  }
.LBB2_3:
0x96: {  	v3 =	vld [tilespmem:s29+$0x6990];
	_ =	sdelay $0x4  }
0x97: {  	[tilespmem:$0x1FF90] =	vst v3;
	v3 =	vld [tilespmem:s29+$0x69D0];
	_ =	sdelay $0x4  }
0x98: {  	[tilespmem:$0x1FFA0] =	vst v3;
	v3 =	vld [tilespmem:s29+$0x69A0];
	_ =	sdelay $0x1  }
0x99: {  	v4 =	vld [tilespmem:s29+$0x69B0];
	_ =	sdelay $0x2  }
0x9a: {  	[tilespmem:$0x1FFB0] =	vst v3;
	v3 =	vld [tilespmem:s29+$0x69E0];
	_ =	sdelay $0x1  }
0x9b: {  	[tilespmem:$0x1FFD0] =	vst v4;
	v4 =	vld [tilespmem:s29+$0x6A00];
	_ =	sdelay $0x2  }
0x9c: {  	[tilespmem:$0x1FFC0] =	vst v3;
	v3 =	vand.u32 $0x1, v6  }
0x9d: {  	v22 =	vcvt.s32.f32 v3  }
0x9e: {  	[tilespmem:$0x1FFE0] =	vst v4;
	v4 =	vimm.s32 $0x0  }
0x9f: {  	v12 =	vperm.xlane v22, v4;
	v4 =	vimm.s32 $0x1  }
0xa0: {  	v13 =	vperm.xlane v22, v4;
	v4 =	vimm.s32 $0x2  }
0xa1: {  	v14 =	vperm.xlane v22, v4;
	v4 =	vimm.s32 $0x3  }
0xa2: {  	v16 =	vsub.f32 $1.000000000e+00, v12;
	v15 =	vperm.xlane v22, v4;
	v4 =	vld [tilespmem:s29+$0x6A10]  }
0xa3: {  	v1 =	vmul.f32 v1, v12;
	v5 =	vmul.f32 v2, v12  }
0xa4: {  	v0 =	vmul.f32 v0, v13;
	v51 =	vmul.f32 v16, v51  }
0xa5: {  	v9 =	vmul.f32 v54, v16;
	v58 =	vmul.f32 v58, v16  }
0xa6: {  	v7 =	vsub.f32 $1.000000000e+00, v13;
	v16 =	vmul.f32 v60, v16;
	v50 =	vmul.f32 v50, v14  }
0xa7: {  	v8 =	vsub.f32 $1.000000000e+00, v14;
	v46 =	vmul.f32 v46, v14;
	[tilespmem:$0x1FFF0] =	vst v4;
	v4 =	vmul.f32 v63, v12  }
0xa8: {  	v6 =	vld [tilespmem:s29+$0x6A40];
	v10 =	vsub.f32 $1.000000000e+00, v15;
	v60 =	vmul.f32 v7, v61;
	v61 =	vmul.f32 v62, v7  }
0xa9: {  	v3 =	vld [tilespmem:s29+$0x69F0];
	v5 =	vadd.f32 v5, v16;
	v16 =	vmul.f32 v59, v13;
	v9 =	vadd.f32 v4, v9  }
0xaa: {  	v2 =	vld [tilespmem:s29+$0x6A20];
	v58 =	vadd.f32 v1, v58;
	v59 =	vmul.f32 v56, v13;
	v13 =	vmul.f32 v53, v13  }
0xab: {  	v54 =	vld [tilespmem:s29+$0x6A30];
	v0 =	vadd.f32 v0, v60;
	v12 =	vmul.f32 v57, v12;
	[tilespmem:s29+$0x14690] =	vst v9;
	v9 =	vmul.f32 v55, v7  }
0xac: {  	v1 =	vld [tilespmem:s29+$0x6A90];
	v60 =	vmul.f32 v48, v14;
	v16 =	vadd.f32 v16, v61;
	[tilespmem:s29+$0x146B0] =	vst v5;
	v7 =	vmul.f32 v52, v7  }
0xad: {  	v63 =	vld [tilespmem:s29+$0x6A50];
	[tilespmem:s29+$0x14700] =	vst v0;
	v51 =	vadd.f32 v12, v51;
	v5 =	vadd.f32 v59, v9;
	v9 =	vmul.f32 v8, v49  }
0xae: {  	v48 =	vimm.s32 $0x5;
	v57 =	vld [tilespmem:s29+$0x6A60];
	[tilespmem:s29+$0x14710] =	vst v16;
	v0 =	vadd.f32 v13, v7;
	v7 =	vmul.f32 v47, v8  }
0xaf: {  	v61 =	vmul.f32 v10, v41;
	v41 =	vld [tilespmem:s29+$0x6B00];
	v16 =	vmul.f32 v45, v8;
	[tilespmem:s29+$0x14680] =	vst v51;
	v9 =	vadd.f32 v50, v9  }
0xb0: {  	v12 =	vld [tilespmem:s29+$0x6A70];
	[tilespmem:s29+$0x14720] =	vst v5;
	v5 =	vadd.f32 v60, v7;
	v7 =	vmul.f32 v43, v8;
	v8 =	vmul.f32 v44, v14  }
0xb1: {  	v62 =	vmul.f32 v42, v15;
	v4 =	vld [tilespmem:s29+$0x6A80];
	v13 =	vperm.xlane v22, v48;
	[tilespmem:s29+$0x14730] =	vst v0;
	v0 =	vadd.f32 v46, v16  }
0xb2: {  	v45 =	vld [tilespmem:s29+$0x6AB0];
	[tilespmem:s29+$0x14780] =	vst v9;
	v7 =	vadd.f32 v8, v7;
	v8 =	vmul.f32 v39, v10;
	v9 =	vmul.f32 v40, v15  }
0xb3: {  	v51 =	vld [tilespmem:s29+$0x6AC0];
	v44 =	vmul.f32 v37, v10;
	v16 =	vsub.f32 $1.000000000e+00, v13;
	[tilespmem:s29+$0x14790] =	vst v5  }
0xb4: {  	v52 =	vld [tilespmem:s29+$0x6AD0];
	v46 =	vmul.f32 v38, v15;
	v5 =	vadd.f32 v62, v61;
	[tilespmem:s29+$0x147A0] =	vst v0;
	v0 =	vadd.f32 v9, v8  }
0xb5: {  	[tilespmem:s29+$0x146A0] =	vst v58;
	v49 =	vld [tilespmem:s29+$0x6AA0];
	v8 =	vmul.f32 v35, v10;
	v9 =	vmul.f32 v36, v15;
	v10 =	vimm.s32 $0x4  }
0xb6: {  	v47 =	vld [tilespmem:s29+$0x6AE0];
	[tilespmem:s29+$0x147B0] =	vst v7;
	v10 =	vperm.xlane v22, v10  }
0xb7: {  	v48 =	vld [tilespmem:s29+$0x6C90];
	v58 =	vmul.f32 v20, v16;
	v7 =	vadd.f32 v46, v44;
	[tilespmem:s29+$0x14800] =	vst v5;
	v5 =	vadd.f32 v9, v8  }
0xb8: {  	v43 =	vld [tilespmem:s29+$0x6AF0];
	[tilespmem:s29+$0x14810] =	vst v0;
	v0 =	vsub.f32 $1.000000000e+00, v10;
	v50 =	vmul.f32 v33, v10;
	v15 =	vmul.f32 v34, v10  }
0xb9: {  	v37 =	vld [tilespmem:s29+$0x6B10];
	[tilespmem:s29+$0x14820] =	vst v7;
	v7 =	vmul.f32 v31, v10;
	v10 =	vmul.f32 v32, v10  }
0xba: {  	v38 =	vld [tilespmem:s29+$0x6B60];
	[tilespmem:s29+$0x14830] =	vst v5;
	v5 =	vmul.f32 v0, v29;
	v30 =	vmul.f32 v30, v0  }
0xbb: {  	v60 =	vld [tilespmem:$0x1FFA0];
	v8 =	vimm.s32 $0x6;
	v55 =	vmul.f32 v27, v0;
	v0 =	vmul.f32 v28, v0  }
0xbc: {  	v39 =	vld [tilespmem:s29+$0x6B40];
	v8 =	vperm.xlane v22, v8;
	v5 =	vadd.f32 v50, v5;
	v56 =	vadd.f32 v15, v30  }
0xbd: {  	v20 =	vld [tilespmem:s29+$0x6BE0];
	v15 =	vmul.f32 v16, v26;
	v0 =	vadd.f32 v10, v0;
	v10 =	vmul.f32 v25, v13  }
0xbe: {  	v24 =	vmul.f32 v24, v13;
	v61 =	vld [tilespmem:$0x1FFC0];
	v53 =	vsub.f32 $1.000000000e+00, v8;
	[tilespmem:s29+$0x14880] =	vst v5;
	v5 =	vmul.f32 v23, v16  }
0xbf: {  	v62 =	vld [tilespmem:s29+$0x6C50];
	v10 =	vadd.f32 v10, v15  }
0xc0: {  	v35 =	vld [tilespmem:s29+$0x6B50];
	v59 =	vmul.f32 v17, v8;
	v11 =	vmul.f32 v53, v11;
	v5 =	vadd.f32 v24, v5  }
0xc1: {  	[tilespmem:s29+$0x14900] =	vst v10;
	v10 =	vld [tilespmem:$0x1FF90]  }
0xc2: {  	v7 =	vadd.f32 v7, v55;
	[tilespmem:s29+$0x14910] =	vst v5;
	v5 =	vadd.f32 v59, v11;
	v11 =	vld [tilespmem:$0x1FFB0]  }
0xc3: {  	v36 =	vld [tilespmem:s29+$0x6B20];
	v15 =	vmul.f32 v21, v13  }
0xc4: {  	v46 =	vld [tilespmem:s29+$0x6C70];
	[tilespmem:s29+$0x148A0] =	vst v7;
	v7 =	vmul.f32 v18, v16;
	v13 =	vmul.f32 v19, v13  }
0xc5: {  	v33 =	vld [tilespmem:s29+$0x6B30];
	[tilespmem:s29+$0x148B0] =	vst v0;
	v0 =	vadd.f32 v15, v58  }
0xc6: {  	v31 =	vld [tilespmem:s29+$0x6B70];
	v7 =	vadd.f32 v13, v7;
	v13 =	vmul.f32 v60, v8;
	v10 =	vmul.f32 v10, v53  }
0xc7: {  	v29 =	vld [tilespmem:s29+$0x6B80];
	v14 =	vmul.f32 v61, v8;
	v11 =	vmul.f32 v11, v53  }
0xc8: {  	[tilespmem:s29+$0x14920] =	vst v0;
	v0 =	vadd.f32 v13, v10;
	v10 =	vld [tilespmem:$0x1FFD0]  }
0xc9: {  	v9 =	vimm.s32 $0x7;
	[tilespmem:s29+$0x14930] =	vst v7;
	v7 =	vadd.f32 v14, v11;
	v11 =	vld [tilespmem:$0x1FFE0]  }
0xca: {  	v9 =	vperm.xlane v22, v9;
	[tilespmem:s29+$0x14980] =	vst v5;
	v5 =	vld [tilespmem:$0x1FFF0]  }
0xcb: {  	v27 =	vld [tilespmem:s29+$0x6BC0]  }
0xcc: {  	v28 =	vsub.f32 $1.000000000e+00, v9;
	v17 =	vld [tilespmem:s29+$0x6C40]  }
0xcd: {  	v3 =	vmul.f32 v3, v8;
	v26 =	vld [tilespmem:s29+$0x6B90];
	v10 =	vmul.f32 v10, v53  }
0xce: {  	v6 =	vmul.f32 v6, v9;
	v25 =	vld [tilespmem:s29+$0x6BD0];
	v11 =	vmul.f32 v28, v11  }
0xcf: {  	v2 =	vmul.f32 v2, v28;
	v50 =	vld [tilespmem:s29+$0x6CD0];
	v5 =	vmul.f32 v5, v28;
	[tilespmem:s29+$0x14990] =	vst v0;
	v3 =	vadd.f32 v3, v10  }
0xd0: {  	v55 =	vld [tilespmem:s29+$0x6CF0];
	[tilespmem:s29+$0x149A0] =	vst v7;
	v7 =	vmul.f32 v54, v28;
	v10 =	vmul.f32 v63, v9;
	v0 =	vadd.f32 v6, v11  }
0xd1: {  	v23 =	vld [tilespmem:s29+$0x6BA0];
	v6 =	vmul.f32 v57, v9;
	v9 =	vmul.f32 v12, v9;
	[tilespmem:s29+$0x149B0] =	vst v3;
	v3 =	vimm.s32 $0x8  }
0xd2: {  	v18 =	vld [tilespmem:s29+$0x6BB0];
	v5 =	vadd.f32 v10, v5;
	v3 =	vperm.xlane v22, v3  }
0xd3: {  	v16 =	vld [tilespmem:s29+$0x6C00];
	v2 =	vadd.f32 v6, v2;
	v6 =	vimm.s32 $0x9;
	[tilespmem:s29+$0x14A00] =	vst v0;
	v0 =	vadd.f32 v9, v7  }
0xd4: {  	v19 =	vld [tilespmem:s29+$0x6C80];
	v7 =	vimm.s32 $0xA;
	v9 =	vimm.s32 $0xB;
	v6 =	vperm.xlane v22, v6  }
0xd5: {  	[tilespmem:s29+$0x14890] =	vst v56;
	v56 =	vld [tilespmem:s29+$0x6D00];
	v57 =	vimm.s32 $0xF;
	v7 =	vperm.xlane v22, v7;
	v9 =	vperm.xlane v22, v9  }
0xd6: {  	v15 =	vld [tilespmem:s29+$0x6BF0];
	[tilespmem:s29+$0x14A10] =	vst v5;
	v5 =	vsub.f32 $1.000000000e+00, v3;
	v21 =	vmul.f32 v51, v3;
	v24 =	vmul.f32 v52, v3  }
0xd7: {  	v8 =	vld [tilespmem:s29+$0x6C10];
	[tilespmem:s29+$0x14A20] =	vst v2;
	v2 =	vmul.f32 v47, v3;
	v3 =	vmul.f32 v43, v3;
	v30 =	vsub.f32 $1.000000000e+00, v6  }
0xd8: {  	v54 =	vld [tilespmem:s29+$0x6CB0];
	[tilespmem:s29+$0x14A30] =	vst v0;
	v0 =	vmul.f32 v5, v4;
	v1 =	vmul.f32 v1, v5;
	v4 =	vsub.f32 $1.000000000e+00, v7  }
0xd9: {  	v53 =	vld [tilespmem:s29+$0x6CA0];
	v51 =	vmul.f32 v49, v5;
	v5 =	vmul.f32 v45, v5;
	v52 =	vsub.f32 $1.000000000e+00, v9  }
0xda: {  	v63 =	vld [tilespmem:s29+$0x6C20];
	v12 =	vperm.xlane v22, v57;
	v0 =	vadd.f32 v21, v0;
	v1 =	vadd.f32 v24, v1  }
0xdb: {  	v28 =	vld [tilespmem:s29+$0x6CC0];
	v21 =	vmul.f32 v30, v41;
	v3 =	vadd.f32 v3, v5;
	v5 =	vmul.f32 v39, v6  }
0xdc: {  	v11 =	vld [tilespmem:s29+$0x6C60];
	v35 =	vmul.f32 v35, v6;
	v2 =	vadd.f32 v2, v51;
	[tilespmem:s29+$0x14A80] =	vst v0;
	v0 =	vmul.f32 v37, v30  }
0xdd: {  	v10 =	vld [tilespmem:s29+$0x6C30];
	[tilespmem:s29+$0x14A90] =	vst v1;
	v1 =	vadd.f32 v5, v21;
	v5 =	vmul.f32 v36, v30;
	v21 =	vmul.f32 v38, v6  }
0xde: {  	v24 =	vld [tilespmem:s29+$0x6CE0];
	[tilespmem:s29+$0x14AA0] =	vst v2;
	v2 =	vmul.f32 v33, v30;
	v6 =	vmul.f32 v31, v6;
	v0 =	vadd.f32 v35, v0  }
0xdf: {  	v30 =	vld [tilespmem:s29+$0x6D40];
	[tilespmem:s29+$0x14AB0] =	vst v3;
	v3 =	vadd.f32 v21, v5;
	v5 =	vmul.f32 v4, v29;
	v21 =	vmul.f32 v27, v7  }
0xe0: {  	v27 =	vld [tilespmem:s29+$0x6D10];
	[tilespmem:s29+$0x14B00] =	vst v1;
	v1 =	vadd.f32 v6, v2;
	v2 =	vmul.f32 v26, v4;
	v6 =	vmul.f32 v25, v7  }
0xe1: {  	v20 =	vmul.f32 v20, v7;
	v25 =	vld [tilespmem:s29+$0x6D50];
	[tilespmem:s29+$0x14B10] =	vst v0;
	v0 =	vadd.f32 v21, v5;
	v5 =	vmul.f32 v23, v4  }
0xe2: {  	v21 =	vld [tilespmem:s29+$0x6D20];
	[tilespmem:s29+$0x14B20] =	vst v3;
	v2 =	vadd.f32 v6, v2;
	v3 =	vmul.f32 v18, v4;
	v4 =	vmul.f32 v15, v7  }
0xe3: {  	v6 =	vld [tilespmem:s29+$0x6D60];
	[tilespmem:s29+$0x14B30] =	vst v1;
	v7 =	vmul.f32 v17, v9;
	v1 =	vadd.f32 v20, v5;
	v5 =	vmul.f32 v52, v16  }
0xe4: {  	v15 =	vld [tilespmem:s29+$0x6D30];
	[tilespmem:s29+$0x14B80] =	vst v0;
	v0 =	vadd.f32 v4, v3;
	v3 =	vmul.f32 v8, v52;
	v4 =	vmul.f32 v62, v9  }
0xe5: {  	v18 =	vld [tilespmem:s29+$0x6DE0];
	[tilespmem:s29+$0x14B90] =	vst v2;
	v2 =	vadd.f32 v7, v5;
	v5 =	vmul.f32 v63, v52;
	v7 =	vmul.f32 v11, v9  }
0xe6: {  	v8 =	vld [tilespmem:s29+$0x6D70];
	[tilespmem:s29+$0x14BA0] =	vst v1;
	v1 =	vadd.f32 v4, v3;
	v3 =	vmul.f32 v10, v52;
	v4 =	vmul.f32 v46, v9  }
0xe7: {  	v16 =	vld [tilespmem:s29+$0x6DA0];
	[tilespmem:s29+$0x14BB0] =	vst v0;
	v0 =	vadd.f32 v7, v5;
	v5 =	vimm.s32 $0xC;
	v7 =	vimm.s32 $0xD  }
0xe8: {  	v11 =	vld [tilespmem:s29+$0x6D80];
	[tilespmem:s29+$0x14C00] =	vst v2;
	v2 =	vadd.f32 v4, v3;
	v3 =	vimm.s32 $0xE;
	v5 =	vperm.xlane v22, v5  }
0xe9: {  	v9 =	vld [tilespmem:s29+$0x6DC0];
	v7 =	vperm.xlane v22, v7;
	v3 =	vperm.xlane v22, v3  }
0xea: {  	v10 =	vld [tilespmem:s29+$0x6D90];
	[tilespmem:s29+$0x14C10] =	vst v1;
	v1 =	vsub.f32 $1.000000000e+00, v5;
	v58 =	vmul.f32 v28, v5;
	v59 =	vmul.f32 v50, v5  }
0xeb: {  	v63 =	vld [tilespmem:s29+$0x6E50];
	[tilespmem:s29+$0x14C20] =	vst v0;
	v0 =	vmul.f32 v24, v5;
	v5 =	vmul.f32 v55, v5  }
0xec: {  	v4 =	vld [tilespmem:s29+$0x6DD0];
	[tilespmem:s29+$0x14C30] =	vst v2;
	v25 =	vmul.f32 v25, v7;
	v2 =	vmul.f32 v1, v19  }
0xed: {  	v22 =	vld [tilespmem:s29+$0x6DB0];
	v17 =	vsub.f32 $1.000000000e+00, v7;
	v6 =	vmul.f32 v6, v7;
	v19 =	vmul.f32 v48, v1  }
0xee: {  	v24 =	vld [tilespmem:s29+$0x6DF0];
	v23 =	vmul.f32 v53, v1;
	v1 =	vmul.f32 v54, v1;
	v2 =	vadd.f32 v58, v2  }
0xef: {  	v61 =	vmul.f32 v17, v56;
	v62 =	vmul.f32 v21, v17;
	v60 =	vadd.f32 v59, v19;
	v19 =	vld [tilespmem:s29+$0x6E00]  }
0xf0: {  	v0 =	vadd.f32 v0, v23;
	v1 =	vadd.f32 v5, v1;
	v5 =	vmul.f32 v30, v7;
	v23 =	vld [tilespmem:s29+$0x6E40];
	[tilespmem:s29+$0x14C80] =	vst v2  }
0xf1: {  	v20 =	vsub.f32 $1.000000000e+00, v3;
	v7 =	vmul.f32 v8, v7;
	v8 =	vld [tilespmem:s29+$0x6E20];
	v2 =	vmul.f32 v27, v17;
	[tilespmem:s29+$0x14C90] =	vst v60  }
0xf2: {  	v27 =	vld [tilespmem:s29+$0x6E10];
	v5 =	vadd.f32 v5, v61;
	[tilespmem:s29+$0x14CB0] =	vst v1;
	v1 =	vadd.f32 v6, v62  }
0xf3: {  	[tilespmem:s29+$0x14CA0] =	vst v0;
	v6 =	vmul.f32 v20, v11;
	v11 =	vld [tilespmem:s29+$0x6E60];
	v0 =	vadd.f32 v25, v2;
	v2 =	vmul.f32 v15, v17  }
0xf4: {  	v9 =	vmul.f32 v9, v3;
	[tilespmem:s29+$0x14D00] =	vst v5;
	v5 =	vmul.f32 v10, v20;
	v10 =	vld [tilespmem:s29+$0x6E70]  }
0xf5: {  	s1 =	sshra.s32 s31, $0x2;
	v26 =	vsub.f32 $1.000000000e+00, v12;
	v4 =	vmul.f32 v4, v3;
	v2 =	vadd.f32 v7, v2;
	v7 =	vld [tilespmem:s29+$0x6E30];
	[tilespmem:s29+$0x14D10] =	vst v0  }
0xf6: {  	v0 =	vadd.f32 v9, v6;
	v6 =	vmul.f32 v16, v20;
	v9 =	vmul.f32 v18, v3;
	v51 =	vld [tilespmem:s1+$0x6680];
	[tilespmem:s29+$0x14D20] =	vst v1  }
0xf7: {  	v3 =	vmul.f32 v24, v3;
	v1 =	vadd.f32 v4, v5;
	v4 =	vmul.f32 v22, v20;
	v57 =	vld [tilespmem:s1+$0x66C0];
	[tilespmem:s29+$0x14D30] =	vst v2  }
0xf8: {  	v5 =	vmul.f32 v26, v19;
	v2 =	vadd.f32 v9, v6;
	v6 =	vmul.f32 v23, v12;
	v54 =	vld [tilespmem:s1+$0x6690];
	[tilespmem:s29+$0x14D80] =	vst v0  }
0xf9: {  	v0 =	vadd.f32 v3, v4;
	v3 =	vmul.f32 v27, v26;
	v4 =	vmul.f32 v63, v12;
	v63 =	vld [tilespmem:s1+$0x66D0];
	[tilespmem:s29+$0x14D90] =	vst v1  }
0xfa: {  	v5 =	vadd.f32 v6, v5;
	v6 =	vmul.f32 v8, v26;
	v8 =	vmul.f32 v11, v12;
	v58 =	vld [tilespmem:s1+$0x66A0];
	[tilespmem:s29+$0x14DA0] =	vst v2  }
0xfb: {  	v3 =	vadd.f32 v4, v3;
	v2 =	vmul.f32 v7, v26;
	v4 =	vmul.f32 v10, v12;
	v1 =	vld [tilespmem:s1+$0x66E0];
	[tilespmem:s29+$0x14DB0] =	vst v0  }
0xfc: {  	v0 =	vadd.f32 v8, v6;
	v60 =	vld [tilespmem:s1+$0x66B0];
	[tilespmem:s29+$0x14E00] =	vst v5  }
0xfd: {  	v4 =	vadd.f32 v4, v2;
	v2 =	vld [tilespmem:s1+$0x66F0];
	[tilespmem:s29+$0x14E10] =	vst v3  }
0xfe: {  	v61 =	vld [tilespmem:s1+$0x6700];
	[tilespmem:s29+$0x14E20] =	vst v0  }
0xff: {  	v0 =	vld [tilespmem:s1+$0x6740];
	[tilespmem:s29+$0x14E30] =	vst v4;
	s29 =	smov.u32 s1  }
0x100: {  	v62 =	vld [tilespmem:s29+$0x6710]  }
0x101: {  	v59 =	vld [tilespmem:s29+$0x6750]  }
0x102: {  	v55 =	vld [tilespmem:s29+$0x6720]  }
0x103: {  	v56 =	vld [tilespmem:s29+$0x6760]  }
0x104: {  	v52 =	vld [tilespmem:s29+$0x6730]  }
0x105: {  	v53 =	vld [tilespmem:s29+$0x6770]  }
0x106: {  	v49 =	vld [tilespmem:s29+$0x6780]  }
0x107: {  	v50 =	vld [tilespmem:s29+$0x67C0]  }
0x108: {  	v47 =	vld [tilespmem:s29+$0x6790]  }
0x109: {  	v48 =	vld [tilespmem:s29+$0x67D0]  }
0x10a: {  	v45 =	vld [tilespmem:s29+$0x67A0]  }
0x10b: {  	v46 =	vld [tilespmem:s29+$0x67E0]  }
0x10c: {  	v43 =	vld [tilespmem:s29+$0x67B0]  }
0x10d: {  	v44 =	vld [tilespmem:s29+$0x67F0]  }
0x10e: {  	v41 =	vld [tilespmem:s29+$0x6800]  }
0x10f: {  	v42 =	vld [tilespmem:s29+$0x6840]  }
0x110: {  	v39 =	vld [tilespmem:s29+$0x6810]  }
0x111: {  	v40 =	vld [tilespmem:s29+$0x6850]  }
0x112: {  	v37 =	vld [tilespmem:s29+$0x6820]  }
0x113: {  	v38 =	vld [tilespmem:s29+$0x6860]  }
0x114: {  	v35 =	vld [tilespmem:s29+$0x6830]  }
0x115: {  	v36 =	vld [tilespmem:s29+$0x6870]  }
0x116: {  	v29 =	vld [tilespmem:s29+$0x6880]  }
0x117: {  	v33 =	vld [tilespmem:s29+$0x68C0]  }
0x118: {  	v30 =	vld [tilespmem:s29+$0x6890]  }
0x119: {  	v34 =	vld [tilespmem:s29+$0x68D0]  }
0x11a: {  	v27 =	vld [tilespmem:s29+$0x68A0]  }
0x11b: {  	v31 =	vld [tilespmem:s29+$0x68E0]  }
0x11c: {  	v28 =	vld [tilespmem:s29+$0x68B0]  }
0x11d: {  	v32 =	vld [tilespmem:s29+$0x68F0]  }
0x11e: {  	v26 =	vld [tilespmem:s29+$0x6900]  }
0x11f: {  	v25 =	vld [tilespmem:s29+$0x6940]  }
0x120: {  	v23 =	vld [tilespmem:s29+$0x6910]  }
0x121: {  	v24 =	vld [tilespmem:s29+$0x6950]  }
0x122: {  	v20 =	vld [tilespmem:s29+$0x6920]  }
0x123: {  	p0 =	sne.s32 s31, $0x18000;
	v21 =	vld [tilespmem:s29+$0x6960]  }
.Ltmp0:
0x124: {  	v18 =	vld [tilespmem:s29+$0x6930];
	(pc) =	sbr.rel @p0 .LBB2_3-.Ltmp0, $4  }
0x125: {  	v19 =	vld [tilespmem:s29+$0x6970]  }
0x126: {  	v11 =	vld [tilespmem:s29+$0x6980]  }
0x127: {  	s25 =	sadd.s32 $0x10, s25;
	v17 =	vld [tilespmem:s29+$0x69C0]  }
0x128: {  	s31 =	sadd.s32 $0x2000, s31;
	v6 =	vld [tilespmem:s25+$0x0]  }
0x129: {  	_ =	sdelay $0x3  }
0x12a: {  	v6 =	vand.u32 $0x1, v6  }
0x12b: {  	v22 =	vcvt.s32.f32 v6  }
0x12c: {  	v8 =	vimm.s32 $0x0;
	v15 =	vld [tilespmem:s29+$0x6A20]  }
0x12d: {  	v13 =	vperm.xlane v22, v8;
	_ =	sdelay $0x1  }
0x12e: {  	v14 =	vsub.f32 $1.000000000e+00, v13;
	_ =	sdelay $0x1  }
0x12f: {  	[tilespmem:$0x1FF70] =	vst v15;
	v16 =	vmul.f32 v57, v13;
	v15 =	vmul.f32 v14, v51  }
0x130: {  	v57 =	vld [tilespmem:s29+$0x6A30]  }
0x131: {  	v15 =	vadd.f32 v16, v15  }
0x132: {  	v54 =	vmul.f32 v54, v14;
	v16 =	vmul.f32 v63, v13  }
0x133: {  	[tilespmem:s29+$0x14680] =	vst v15;
	v15 =	vmul.f32 v58, v14;
	v58 =	vimm.s32 $0x1  }
0x134: {  	v16 =	vadd.f32 v16, v54;
	v58 =	vperm.xlane v22, v58  }
0x135: {  	[tilespmem:$0x1FF80] =	vst v57  }
0x136: {  	v57 =	vmul.f32 v1, v13;
	[tilespmem:s29+$0x14690] =	vst v16;
	v16 =	vsub.f32 $1.000000000e+00, v58  }
0x137: {  	v13 =	vmul.f32 v2, v13;
	v14 =	vmul.f32 v60, v14  }
0x138: {  	v15 =	vadd.f32 v57, v15;
	v0 =	vmul.f32 v0, v58;
	v60 =	vmul.f32 v16, v61  }
0x139: {  	v13 =	vadd.f32 v13, v14  }
0x13a: {  	v59 =	vmul.f32 v59, v58;
	[tilespmem:s29+$0x146A0] =	vst v15;
	v14 =	vadd.f32 v0, v60;
	v0 =	vimm.s32 $0x2  }
0x13b: {  	[tilespmem:s29+$0x146B0] =	vst v13;
	v15 =	vmul.f32 v62, v16;
	v13 =	vperm.xlane v22, v0  }
0x13c: {  	v53 =	vmul.f32 v53, v58;
	v61 =	vmul.f32 v55, v16  }
0x13d: {  	v16 =	vmul.f32 v52, v16;
	v15 =	vadd.f32 v59, v15;
	v62 =	vsub.f32 $1.000000000e+00, v13;
	_ =	sdelay $0x1  }
0x13e: {  	[tilespmem:s29+$0x14710] =	vst v15;
	v15 =	vadd.f32 v53, v16;
	v50 =	vmul.f32 v50, v13;
	v16 =	vmul.f32 v62, v49;
	_ =	sdelay $0x1  }
0x13f: {  	v16 =	vadd.f32 v50, v16  }
0x140: {  	v56 =	vmul.f32 v56, v58;
	v59 =	vmul.f32 v46, v13;
	[tilespmem:s29+$0x14730] =	vst v15;
	v15 =	vimm.s32 $0x3  }
0x141: {  	v15 =	vperm.xlane v22, v15;
	[tilespmem:s29+$0x14780] =	vst v16;
	v16 =	vmul.f32 v45, v62  }
0x142: {  	[tilespmem:s29+$0x14700] =	vst v14;
	v14 =	vadd.f32 v56, v61  }
0x143: {  	v61 =	vsub.f32 $1.000000000e+00, v15;
	v16 =	vadd.f32 v59, v16;
	_ =	sdelay $0x1  }
0x144: {  	v40 =	vmul.f32 v40, v15;
	[tilespmem:s29+$0x147A0] =	vst v16;
	v16 =	vmul.f32 v39, v61  }
0x145: {  	v3 =	vld [tilespmem:s29+$0x6990]  }
0x146: {  	v12 =	vld [tilespmem:s29+$0x69D0];
	v16 =	vadd.f32 v40, v16  }
0x147: {  	v7 =	vld [tilespmem:s29+$0x69A0];
	v48 =	vmul.f32 v48, v13;
	v58 =	vmul.f32 v47, v62  }
0x148: {  	v4 =	vld [tilespmem:s29+$0x69E0];
	v60 =	vmul.f32 v43, v62;
	v42 =	vmul.f32 v42, v15;
	[tilespmem:s29+$0x14810] =	vst v16;
	v16 =	vimm.s32 $0x4  }
0x149: {  	v8 =	vld [tilespmem:s29+$0x6A10];
	[tilespmem:s29+$0x14720] =	vst v14;
	v14 =	vadd.f32 v48, v58;
	v62 =	vmul.f32 v61, v41;
	v16 =	vperm.xlane v22, v16  }
0x14a: {  	v5 =	vld [tilespmem:s29+$0x69B0];
	v38 =	vmul.f32 v38, v15;
	v15 =	vmul.f32 v36, v15  }
0x14b: {  	v9 =	vld [tilespmem:s29+$0x6A00];
	[tilespmem:s29+$0x14790] =	vst v14;
	v46 =	vmul.f32 v35, v61;
	v14 =	vadd.f32 v42, v62;
	v48 =	vsub.f32 $1.000000000e+00, v16  }
0x14c: {  	v10 =	vld [tilespmem:s29+$0x6A40];
	v13 =	vmul.f32 v44, v13  }
0x14d: {  	v6 =	vld [tilespmem:s29+$0x69F0];
	[tilespmem:s29+$0x14800] =	vst v14;
	v14 =	vadd.f32 v15, v46;
	v53 =	vmul.f32 v33, v16;
	v15 =	vmul.f32 v48, v29  }
0x14e: {  	v51 =	vld [tilespmem:s29+$0x6A60];
	[tilespmem:$0x1FF60] =	vst v8;
	v13 =	vadd.f32 v13, v60;
	v42 =	vmul.f32 v37, v61  }
0x14f: {  	v8 =	vld [tilespmem:s29+$0x6A50];
	[tilespmem:s29+$0x14830] =	vst v14;
	v14 =	vadd.f32 v53, v15;
	v15 =	vimm.s32 $0x5  }
0x150: {  	v63 =	vld [tilespmem:s29+$0x6A70];
	[tilespmem:s29+$0x147B0] =	vst v13;
	v13 =	vadd.f32 v38, v42;
	v58 =	vmul.f32 v34, v16;
	v15 =	vperm.xlane v22, v15  }
0x151: {  	v1 =	vld [tilespmem:s29+$0x6A80];
	v61 =	vmul.f32 v31, v16;
	v59 =	vmul.f32 v30, v48  }
0x152: {  	v2 =	vld [tilespmem:s29+$0x6AC0];
	[tilespmem:s29+$0x14820] =	vst v13;
	v16 =	vmul.f32 v32, v16;
	v13 =	vmul.f32 v28, v48;
	v28 =	vsub.f32 $1.000000000e+00, v15  }
0x153: {  	v54 =	vld [tilespmem:s29+$0x6AD0];
	v38 =	vadd.f32 v58, v59  }
0x154: {  	v57 =	vld [tilespmem:s29+$0x6A90];
	v13 =	vadd.f32 v16, v13;
	v25 =	vmul.f32 v25, v15;
	v16 =	vmul.f32 v28, v26  }
0x155: {  	v55 =	vld [tilespmem:s29+$0x6AE0];
	[tilespmem:s29+$0x14890] =	vst v38;
	v38 =	vimm.s32 $0x6;
	v24 =	vmul.f32 v24, v15  }
0x156: {  	v52 =	vld [tilespmem:s29+$0x6AB0];
	[tilespmem:s29+$0x148B0] =	vst v13;
	v13 =	vperm.xlane v22, v38;
	v21 =	vmul.f32 v21, v15;
	v16 =	vadd.f32 v25, v16  }
0x157: {  	v0 =	vld [tilespmem:s29+$0x6AA0];
	v15 =	vmul.f32 v19, v15;
	v18 =	vmul.f32 v18, v28  }
0x158: {  	v56 =	vld [tilespmem:s29+$0x6BC0];
	[tilespmem:s29+$0x14900] =	vst v16;
	v16 =	vsub.f32 $1.000000000e+00, v13  }
0x159: {  	v44 =	vld [tilespmem:s29+$0x6B10];
	v15 =	vadd.f32 v15, v18  }
0x15a: {  	v49 =	vld [tilespmem:s29+$0x6AF0];
	v17 =	vmul.f32 v17, v13;
	v11 =	vmul.f32 v16, v11  }
0x15b: {  	v47 =	vld [tilespmem:s29+$0x6B00];
	[tilespmem:s29+$0x14930] =	vst v15;
	v15 =	vimm.s32 $0x7  }
0x15c: {  	v43 =	vld [tilespmem:s29+$0x6B40];
	v15 =	vperm.xlane v22, v15;
	v11 =	vadd.f32 v17, v11  }
0x15d: {  	v50 =	vld [tilespmem:s29+$0x6B70];
	v6 =	vmul.f32 v6, v13;
	v5 =	vmul.f32 v5, v16  }
0x15e: {  	v60 =	vld [tilespmem:s29+$0x6BD0];
	v4 =	vmul.f32 v4, v13;
	v7 =	vmul.f32 v7, v16;
	[tilespmem:s29+$0x14980] =	vst v11;
	v11 =	vsub.f32 $1.000000000e+00, v15  }
0x15f: {  	v5 =	vadd.f32 v6, v5;
	v6 =	vld [tilespmem:$0x1FF60]  }
0x160: {  	v41 =	vld [tilespmem:s29+$0x6B50];
	v4 =	vadd.f32 v4, v7;
	v7 =	vmul.f32 v11, v9;
	v9 =	vmul.f32 v10, v15  }
0x161: {  	v35 =	vld [tilespmem:s29+$0x6B30]  }
0x162: {  	v7 =	vadd.f32 v9, v7;
	v9 =	vld [tilespmem:$0x1FF70]  }
0x163: {  	v45 =	vld [tilespmem:s29+$0x6C70]  }
0x164: {  	v37 =	vld [tilespmem:s29+$0x6B60];
	v8 =	vmul.f32 v8, v15;
	v6 =	vmul.f32 v6, v11  }
0x165: {  	v62 =	vld [tilespmem:s29+$0x6BB0]  }
0x166: {  	v39 =	vld [tilespmem:s29+$0x6B20];
	v20 =	vmul.f32 v20, v28;
	v6 =	vadd.f32 v8, v6  }
0x167: {  	v42 =	vld [tilespmem:s29+$0x6C30];
	v10 =	vmul.f32 v51, v15;
	v9 =	vmul.f32 v9, v11  }
0x168: {  	v46 =	vld [tilespmem:s29+$0x6CA0];
	v19 =	vadd.f32 v21, v20;
	[tilespmem:s29+$0x14A10] =	vst v6;
	v6 =	vimm.s32 $0x8  }
0x169: {  	v8 =	vld [tilespmem:$0x1FF80];
	v6 =	vperm.xlane v22, v6;
	v9 =	vadd.f32 v10, v9  }
0x16a: {  	v40 =	vld [tilespmem:s29+$0x6C20];
	v31 =	vmul.f32 v27, v48;
	[tilespmem:s29+$0x14920] =	vst v19  }
0x16b: {  	v29 =	vld [tilespmem:s29+$0x6B80];
	v23 =	vmul.f32 v23, v28;
	v19 =	vimm.s32 $0x9;
	[tilespmem:s29+$0x14A20] =	vst v9;
	v9 =	vsub.f32 $1.000000000e+00, v6  }
0x16c: {  	v30 =	vld [tilespmem:s29+$0x6B90];
	v12 =	vmul.f32 v12, v13;
	v19 =	vperm.xlane v22, v19  }
0x16d: {  	v27 =	vld [tilespmem:s29+$0x6BA0];
	v2 =	vmul.f32 v2, v6;
	v1 =	vmul.f32 v9, v1  }
0x16e: {  	v59 =	vld [tilespmem:s29+$0x6E20];
	[tilespmem:s29+$0x14880] =	vst v14;
	v14 =	vadd.f32 v61, v31;
	v3 =	vmul.f32 v3, v16;
	v8 =	vmul.f32 v8, v11  }
0x16f: {  	v31 =	vld [tilespmem:s29+$0x6BE0];
	v11 =	vmul.f32 v63, v15;
	v15 =	vmul.f32 v54, v6;
	v1 =	vadd.f32 v2, v1  }
0x170: {  	v25 =	vld [tilespmem:s29+$0x6BF0];
	v23 =	vadd.f32 v24, v23;
	v16 =	vmul.f32 v57, v9;
	v0 =	vmul.f32 v0, v9  }
0x171: {  	v24 =	vld [tilespmem:s29+$0x6C00];
	v9 =	vmul.f32 v52, v9;
	[tilespmem:s29+$0x14A80] =	vst v1;
	v1 =	vmul.f32 v49, v6  }
0x172: {  	v20 =	vld [tilespmem:s29+$0x6C40];
	[tilespmem:s29+$0x14910] =	vst v23;
	v23 =	vmul.f32 v55, v6;
	v15 =	vadd.f32 v15, v16;
	v16 =	vsub.f32 $1.000000000e+00, v19  }
0x173: {  	v18 =	vld [tilespmem:s29+$0x6C10];
	v28 =	vmul.f32 v41, v19;
	v3 =	vadd.f32 v12, v3;
	v1 =	vadd.f32 v1, v9  }
0x174: {  	v21 =	vld [tilespmem:s29+$0x6CB0];
	v0 =	vadd.f32 v23, v0;
	v23 =	vmul.f32 v16, v47;
	v9 =	vmul.f32 v43, v19  }
0x175: {  	v37 =	vmul.f32 v37, v19;
	v17 =	vld [tilespmem:s29+$0x6C50];
	v26 =	vmul.f32 v44, v16;
	[tilespmem:s29+$0x14AB0] =	vst v1;
	v1 =	vimm.s32 $0xA  }
0x176: {  	[tilespmem:s29+$0x14990] =	vst v3;
	v3 =	vld [tilespmem:s29+$0x6C60];
	v47 =	vmul.f32 v39, v16;
	v9 =	vadd.f32 v9, v23;
	v1 =	vperm.xlane v22, v1  }
0x177: {  	[tilespmem:s29+$0x14A00] =	vst v7;
	v7 =	vld [tilespmem:s29+$0x6C80];
	v16 =	vmul.f32 v35, v16;
	v19 =	vmul.f32 v50, v19  }
0x178: {  	v54 =	vld [tilespmem:s29+$0x6DA0];
	[tilespmem:s29+$0x14B00] =	vst v9;
	v9 =	vsub.f32 $1.000000000e+00, v1  }
0x179: {  	v55 =	vld [tilespmem:s29+$0x6DE0];
	v16 =	vadd.f32 v19, v16  }
0x17a: {  	v10 =	vld [tilespmem:s29+$0x6CC0];
	v8 =	vadd.f32 v11, v8;
	v33 =	vmul.f32 v56, v1;
	v29 =	vmul.f32 v9, v29  }
0x17b: {  	v11 =	vld [tilespmem:s29+$0x6C90];
	[tilespmem:s29+$0x14B30] =	vst v16;
	v16 =	vimm.s32 $0xB  }
0x17c: {  	[tilespmem:s29+$0x14A30] =	vst v8;
	v8 =	vld [tilespmem:s29+$0x6CD0];
	v48 =	vmul.f32 v60, v1;
	v16 =	vperm.xlane v22, v16;
	v29 =	vadd.f32 v33, v29  }
0x17d: {  	v53 =	vimm.s32 $0xC;
	v2 =	vld [tilespmem:s29+$0x6CE0];
	v31 =	vmul.f32 v31, v1;
	v1 =	vmul.f32 v25, v1  }
0x17e: {  	v6 =	vld [tilespmem:s29+$0x6CF0];
	v30 =	vmul.f32 v30, v9;
	v27 =	vmul.f32 v27, v9;
	[tilespmem:s29+$0x14B80] =	vst v29;
	v29 =	vsub.f32 $1.000000000e+00, v16  }
0x17f: {  	[tilespmem:s29+$0x14A90] =	vst v15;
	v15 =	vld [tilespmem:s29+$0x6D00];
	v26 =	vadd.f32 v28, v26;
	v9 =	vmul.f32 v62, v9;
	v20 =	vmul.f32 v20, v16  }
0x180: {  	[tilespmem:s29+$0x14AA0] =	vst v0;
	v0 =	vld [tilespmem:s29+$0x6D40];
	v32 =	vadd.f32 v37, v47;
	v3 =	vmul.f32 v3, v16;
	v12 =	vmul.f32 v40, v29  }
0x181: {  	[tilespmem:s29+$0x149B0] =	vst v5;
	v49 =	vld [tilespmem:s29+$0x6D30];
	v17 =	vmul.f32 v17, v16;
	v5 =	vmul.f32 v45, v16;
	v30 =	vadd.f32 v48, v30  }
0x182: {  	[tilespmem:s29+$0x148A0] =	vst v14;
	v28 =	vld [tilespmem:s29+$0x6D50];
	v24 =	vmul.f32 v29, v24;
	v3 =	vadd.f32 v3, v12;
	v12 =	vperm.xlane v22, v53  }
0x183: {  	[tilespmem:s29+$0x149A0] =	vst v4;
	v50 =	vld [tilespmem:s29+$0x6D70];
	v51 =	vadd.f32 v31, v27;
	v1 =	vadd.f32 v1, v9;
	v52 =	vmul.f32 v18, v29  }
0x184: {  	v23 =	vld [tilespmem:s29+$0x6D10];
	v4 =	vmul.f32 v42, v29;
	v18 =	vadd.f32 v20, v24;
	[tilespmem:s29+$0x14C20] =	vst v3;
	v3 =	vsub.f32 $1.000000000e+00, v12  }
0x185: {  	[tilespmem:s29+$0x14B10] =	vst v26;
	v19 =	vld [tilespmem:s29+$0x6D60];
	v14 =	vadd.f32 v17, v52;
	v8 =	vmul.f32 v8, v12;
	v2 =	vmul.f32 v2, v12  }
0x186: {  	v26 =	vld [tilespmem:s29+$0x6D20];
	[tilespmem:s29+$0x14C00] =	vst v18;
	v18 =	vimm.s32 $0xD;
	v57 =	vmul.f32 v6, v12;
	v11 =	vmul.f32 v11, v3  }
0x187: {  	[tilespmem:s29+$0x14B20] =	vst v32;
	v25 =	vld [tilespmem:s29+$0x6D80];
	v4 =	vadd.f32 v5, v4;
	v18 =	vperm.xlane v22, v18;
	v13 =	vmul.f32 v46, v3  }
0x188: {  	v9 =	vld [tilespmem:s29+$0x6DC0];
	[tilespmem:s29+$0x14B90] =	vst v30;
	v7 =	vmul.f32 v3, v7;
	v3 =	vmul.f32 v21, v3;
	v8 =	vadd.f32 v8, v11  }
0x189: {  	[tilespmem:s29+$0x14BB0] =	vst v1;
	v1 =	vld [tilespmem:s29+$0x6D90];
	v56 =	vmul.f32 v10, v12;
	v11 =	vsub.f32 $1.000000000e+00, v18;
	v2 =	vadd.f32 v2, v13  }
0x18a: {  	[tilespmem:s29+$0x14BA0] =	vst v51;
	v16 =	vld [tilespmem:s29+$0x6DF0];
	v0 =	vmul.f32 v0, v18;
	v19 =	vmul.f32 v19, v18;
	v3 =	vadd.f32 v57, v3  }
0x18b: {  	v17 =	vld [tilespmem:s29+$0x6DD0];
	v58 =	vmul.f32 v11, v15;
	[tilespmem:s29+$0x14CA0] =	vst v2;
	v2 =	vimm.s32 $0xE;
	v60 =	vmul.f32 v23, v11  }
0x18c: {  	v20 =	vld [tilespmem:s29+$0x6E40];
	v15 =	vmul.f32 v28, v18;
	[tilespmem:s29+$0x14CB0] =	vst v3;
	v3 =	vimm.s32 $0xF;
	v2 =	vperm.xlane v22, v2  }
0x18d: {  	[tilespmem:s29+$0x14C30] =	vst v4;
	v10 =	vld [tilespmem:s29+$0x6DB0];
	v4 =	vadd.f32 v56, v7;
	v3 =	vperm.xlane v22, v3;
	v22 =	vmul.f32 v26, v11  }
0x18e: {  	[tilespmem:s29+$0x14C10] =	vst v14;
	v7 =	vld [tilespmem:s29+$0x6E00];
	v11 =	vmul.f32 v49, v11;
	v0 =	vadd.f32 v0, v58;
	v13 =	vadd.f32 v15, v60  }
0x18f: {  	[tilespmem:s29+$0x14C90] =	vst v8;
	v8 =	vld [tilespmem:s29+$0x6E50];
	v15 =	vmul.f32 v50, v18;
	v61 =	vsub.f32 $1.000000000e+00, v2;
	v9 =	vmul.f32 v9, v2  }
0x190: {  	v6 =	vld [tilespmem:s29+$0x6E10];
	[tilespmem:s29+$0x14C80] =	vst v4;
	v62 =	vmul.f32 v17, v2;
	v5 =	vmul.f32 v55, v2  }
0x191: {  	v21 =	vld [tilespmem:s29+$0x6E60];
	v19 =	vadd.f32 v19, v22;
	v2 =	vmul.f32 v16, v2;
	[tilespmem:s29+$0x14D00] =	vst v0;
	v22 =	vmul.f32 v61, v25  }
0x192: {  	v18 =	vld [tilespmem:s29+$0x6E30];
	v0 =	vsub.f32 $1.000000000e+00, v3;
	[tilespmem:s29+$0x14D10] =	vst v13;
	v11 =	vadd.f32 v15, v11;
	v1 =	vmul.f32 v1, v61  }
0x193: {  	v15 =	vld [tilespmem:s29+$0x6E70];
	v14 =	vmul.f32 v54, v61;
	[tilespmem:s29+$0x14D20] =	vst v19;
	v10 =	vmul.f32 v10, v61;
	v9 =	vadd.f32 v9, v22  }
0x194: {  	v8 =	vmul.f32 v8, v3;
	[tilespmem:s29+$0x14D30] =	vst v11;
	v7 =	vmul.f32 v0, v7;
	v1 =	vadd.f32 v62, v1  }
0x195: {  	v11 =	vmul.f32 v20, v3;
	v6 =	vmul.f32 v6, v0;
	v5 =	vadd.f32 v5, v14;
	[tilespmem:s29+$0x14D80] =	vst v9  }
0x196: {  	v4 =	vmul.f32 v59, v0;
	v2 =	vadd.f32 v2, v10;
	[tilespmem:s29+$0x14D90] =	vst v1  }
0x197: {  	v63 =	vadd.f32 v8, v6;
	v1 =	vadd.f32 v11, v7;
	v7 =	vmul.f32 v21, v3;
	[tilespmem:s29+$0x14DA0] =	vst v5  }
0x198: {  	v0 =	vmul.f32 v18, v0;
	v3 =	vmul.f32 v15, v3;
	[tilespmem:s29+$0x14DB0] =	vst v2  }
0x199: {  	s1 =	sadd.s32 s5, s30;
	[tilespmem:s29+$0x14E10] =	vst v63;
	v2 =	vadd.f32 v7, v4  }
0x19a: {  	s1 =	smul.u32 $0xC80, s1;
	[tilespmem:s29+$0x14E00] =	vst v1;
	v0 =	vadd.f32 v3, v0  }
0x19b: {  	p0 =	seq.s32 s26, $0x3F;
	[tilespmem:s29+$0x14E20] =	vst v2  }
0x19c: {  	s25 =	smul.u32 @!p0 $0x190, s26;
	s1 =	sadd.s32 s4, s1;
	[tilespmem:s29+$0x14E30] =	vst v0  }
0x19d: {  	[hbm4b:s1+s2] =	stream.linear.scatter [tilespmem:s20], [sflag:$0x4], $0x6400, $0x38;
	[tilespmem:$0x1AE80] =	vst v63  }
0x19e: {  	v0 =	vld @!p0 [tilespmem:s25+$0x190];
	_ =	sdelay $0x4  }
0x19f: {  	v0 =	vshrl.u32 @!p0 v0, $0x1  }
0x1a0: {  	[tilespmem:$0x6480] =	vst @!p0 v0  }
0x1a1: {  	v0 =	vld @!p0 [tilespmem:s25+$0x1A0];
	_ =	sdelay $0x4  }
0x1a2: {  	v0 =	vshrl.u32 @!p0 v0, $0x1  }
0x1a3: {  	[tilespmem:$0x6490] =	vst @!p0 v0  }
0x1a4: {  	v0 =	vld @!p0 [tilespmem:s25+$0x1B0];
	_ =	sdelay $0x4  }
0x1a5: {  	v0 =	vshrl.u32 @!p0 v0, $0x1  }
0x1a6: {  	[tilespmem:$0x64A0] =	vst @!p0 v0  }
0x1a7: {  	v0 =	vld @!p0 [tilespmem:s25+$0x1C0];
	_ =	sdelay $0x4  }
0x1a8: {  	v0 =	vshrl.u32 @!p0 v0, $0x1  }
0x1a9: {  	[tilespmem:$0x64B0] =	vst @!p0 v0  }
0x1aa: {  	v0 =	vld @!p0 [tilespmem:s25+$0x1D0];
	_ =	sdelay $0x4  }
0x1ab: {  	v0 =	vshrl.u32 @!p0 v0, $0x1  }
0x1ac: {  	[tilespmem:$0x64C0] =	vst @!p0 v0  }
0x1ad: {  	v0 =	vld @!p0 [tilespmem:s25+$0x1E0];
	_ =	sdelay $0x4  }
0x1ae: {  	v0 =	vshrl.u32 @!p0 v0, $0x1  }
0x1af: {  	[tilespmem:$0x64D0] =	vst @!p0 v0  }
0x1b0: {  	v0 =	vld @!p0 [tilespmem:s25+$0x1F0];
	_ =	sdelay $0x4  }
0x1b1: {  	v0 =	vshrl.u32 @!p0 v0, $0x1  }
0x1b2: {  	[tilespmem:$0x64E0] =	vst @!p0 v0  }
0x1b3: {  	v0 =	vld @!p0 [tilespmem:s25+$0x200];
	_ =	sdelay $0x4  }
0x1b4: {  	s1 =	sadd.s32 @!p0 $0x190, s25;
	v0 =	vshrl.u32 @!p0 v0, $0x1  }
0x1b5: {  	s1 =	sand.u32 @!p0 $0xFFF0, s1;
	[tilespmem:$0x64F0] =	vst @!p0 v0  }
0x1b6: {  	v0 =	vld @!p0 [tilespmem:s1+$0x80];
	_ =	sdelay $0x4  }
0x1b7: {  	v0 =	vshrl.u32 @!p0 v0, $0x1  }
0x1b8: {  	[tilespmem:$0x6500] =	vst @!p0 v0  }
0x1b9: {  	v0 =	vld @!p0 [tilespmem:s25+$0x220];
	_ =	sdelay $0x4  }
0x1ba: {  	v0 =	vshrl.u32 @!p0 v0, $0x1  }
0x1bb: {  	[tilespmem:$0x6510] =	vst @!p0 v0  }
0x1bc: {  	v0 =	vld @!p0 [tilespmem:s25+$0x230];
	_ =	sdelay $0x4  }
0x1bd: {  	v0 =	vshrl.u32 @!p0 v0, $0x1  }
0x1be: {  	[tilespmem:$0x6520] =	vst @!p0 v0  }
0x1bf: {  	v0 =	vld @!p0 [tilespmem:s25+$0x240];
	_ =	sdelay $0x4  }
0x1c0: {  	v0 =	vshrl.u32 @!p0 v0, $0x1  }
0x1c1: {  	[tilespmem:$0x6530] =	vst @!p0 v0  }
0x1c2: {  	v0 =	vld @!p0 [tilespmem:s25+$0x250];
	_ =	sdelay $0x4  }
0x1c3: {  	v0 =	vshrl.u32 @!p0 v0, $0x1  }
0x1c4: {  	[tilespmem:$0x6540] =	vst @!p0 v0  }
0x1c5: {  	v0 =	vld @!p0 [tilespmem:s25+$0x260];
	_ =	sdelay $0x4  }
0x1c6: {  	v0 =	vshrl.u32 @!p0 v0, $0x1  }
0x1c7: {  	s29 =	simm.s32 @!p0 $0x6680;
	s1 =	simm.s32 @!p0 $0x80;
	s25 =	simm.s32 @!p0 $0x6480;
	[tilespmem:$0x6550] =	vst @!p0 v0  }
0x1c8: {  	[tilespmem:s29], [sflag:$0x2] =	stream.indirect.gather @!p0 [hbm4b:s3+s1], $0x80, s25, s1, $0xb8;
	[tilespmem:$0x1AE80] =	vst v63  }
0x1c9: {  	s1 =	simm.s32 @!p0 $0x60;
	s25 =	simm.s32 @!p0 $0x6500;
	s29 =	simm.s32 @!p0 $0xA680  }
0x1ca: {  	[tilespmem:s29], [sflag:$0x2] =	stream.indirect.gather @!p0 [hbm4b:s3+s1], $0x80, s25, s1, $0xb8;
	[tilespmem:$0x1AE80] =	vst v63  }
0x1cb: {  	_ =	swait.ge [sflag:s21], $0x4000  }
0x1cc: {  	[sflag:s21] =	ssyncset.done $0x0  }
0x1cd: {  	[sflag:s21] =	ssyncadd.s32 $0xFFFFC000  }
0x1ce: {  	_ =	swait.ge [sflag:s21], $0x3000  }
0x1cf: {  	[sflag:s21] =	ssyncset.done $0x0  }
0x1d0: {  	[sflag:s21] =	ssyncadd.s32 $0xFFFFD000  }
0x1d1: {  	_ =	swait.ge [sflag:s22], $0x6400  }
0x1d2: {  	[sflag:s22] =	ssyncset.done $0x0  }
0x1d3: {  	s29 =	simm.s32 $0x0;
	[sflag:s22] =	ssyncadd.s32 $0xFFFF9C00  }
0x1d4: {  	v51 =	vld [tilespmem:s29+$0xD680]  }
0x1d5: {  	v57 =	vld [tilespmem:s29+$0xD6C0]  }
0x1d6: {  	v54 =	vld [tilespmem:s29+$0xD690]  }
0x1d7: {  	v63 =	vld [tilespmem:s29+$0xD6D0]  }
0x1d8: {  	v58 =	vld [tilespmem:s29+$0xD6A0]  }
0x1d9: {  	v1 =	vld [tilespmem:s29+$0xD6E0]  }
0x1da: {  	v60 =	vld [tilespmem:s29+$0xD6B0]  }
0x1db: {  	v2 =	vld [tilespmem:s29+$0xD6F0]  }
0x1dc: {  	v61 =	vld [tilespmem:s29+$0xD700]  }
0x1dd: {  	v0 =	vld [tilespmem:s29+$0xD740]  }
0x1de: {  	v62 =	vld [tilespmem:s29+$0xD710]  }
0x1df: {  	v59 =	vld [tilespmem:s29+$0xD750]  }
0x1e0: {  	v55 =	vld [tilespmem:s29+$0xD720]  }
0x1e1: {  	v56 =	vld [tilespmem:s29+$0xD760]  }
0x1e2: {  	v52 =	vld [tilespmem:s29+$0xD730]  }
0x1e3: {  	v53 =	vld [tilespmem:s29+$0xD770]  }
0x1e4: {  	v49 =	vld [tilespmem:s29+$0xD780]  }
0x1e5: {  	v50 =	vld [tilespmem:s29+$0xD7C0]  }
0x1e6: {  	v47 =	vld [tilespmem:s29+$0xD790]  }
0x1e7: {  	v48 =	vld [tilespmem:s29+$0xD7D0]  }
0x1e8: {  	v45 =	vld [tilespmem:s29+$0xD7A0]  }
0x1e9: {  	v46 =	vld [tilespmem:s29+$0xD7E0]  }
0x1ea: {  	v43 =	vld [tilespmem:s29+$0xD7B0]  }
0x1eb: {  	v44 =	vld [tilespmem:s29+$0xD7F0]  }
0x1ec: {  	v41 =	vld [tilespmem:s29+$0xD800]  }
0x1ed: {  	v42 =	vld [tilespmem:s29+$0xD840]  }
0x1ee: {  	v39 =	vld [tilespmem:s29+$0xD810]  }
0x1ef: {  	v40 =	vld [tilespmem:s29+$0xD850]  }
0x1f0: {  	v37 =	vld [tilespmem:s29+$0xD820]  }
0x1f1: {  	v38 =	vld [tilespmem:s29+$0xD860]  }
0x1f2: {  	v35 =	vld [tilespmem:s29+$0xD830]  }
0x1f3: {  	v36 =	vld [tilespmem:s29+$0xD870]  }
0x1f4: {  	v29 =	vld [tilespmem:s29+$0xD880]  }
0x1f5: {  	v33 =	vld [tilespmem:s29+$0xD8C0]  }
0x1f6: {  	v30 =	vld [tilespmem:s29+$0xD890]  }
0x1f7: {  	v34 =	vld [tilespmem:s29+$0xD8D0]  }
0x1f8: {  	v27 =	vld [tilespmem:s29+$0xD8A0]  }
0x1f9: {  	v31 =	vld [tilespmem:s29+$0xD8E0]  }
0x1fa: {  	v28 =	vld [tilespmem:s29+$0xD8B0]  }
0x1fb: {  	v32 =	vld [tilespmem:s29+$0xD8F0]  }
0x1fc: {  	v26 =	vld [tilespmem:s29+$0xD900]  }
0x1fd: {  	v25 =	vld [tilespmem:s29+$0xD940]  }
0x1fe: {  	v23 =	vld [tilespmem:s29+$0xD910]  }
0x1ff: {  	v24 =	vld [tilespmem:s29+$0xD950]  }
0x200: {  	v20 =	vld [tilespmem:s29+$0xD920]  }
0x201: {  	v21 =	vld [tilespmem:s29+$0xD960]  }
0x202: {  	v18 =	vld [tilespmem:s29+$0xD930]  }
0x203: {  	v19 =	vld [tilespmem:s29+$0xD970]  }
0x204: {  	v11 =	vld [tilespmem:s29+$0xD980]  }
0x205: {  	v17 =	vld [tilespmem:s29+$0xD9C0]  }
0x206: {  	s30 =	simm.s32 $0x2000;
	s25 =	smov.u32 s24;
	v8 =	vld [tilespmem:s24+$0x0]  }
.LBB2_5:
0x207: {  	v3 =	vld [tilespmem:s29+$0xD990];
	_ =	sdelay $0x4  }
0x208: {  	[tilespmem:$0x1FEF0] =	vst v3;
	v3 =	vld [tilespmem:s29+$0xD9D0];
	_ =	sdelay $0x4  }
0x209: {  	[tilespmem:$0x1FF00] =	vst v3;
	v3 =	vld [tilespmem:s29+$0xD9A0];
	_ =	sdelay $0x4  }
0x20a: {  	[tilespmem:$0x1FF10] =	vst v3;
	v3 =	vld [tilespmem:s29+$0xD9E0];
	_ =	sdelay $0x2  }
0x20b: {  	v4 =	vld [tilespmem:s29+$0xD9B0];
	_ =	sdelay $0x1  }
0x20c: {  	[tilespmem:$0x1FF20] =	vst v3;
	v3 =	vand.u32 $0x1, v8  }
0x20d: {  	v22 =	vcvt.s32.f32 v3;
	v3 =	vld [tilespmem:s29+$0xDA00];
	_ =	sdelay $0x1  }
0x20e: {  	[tilespmem:$0x1FF30] =	vst v4;
	v4 =	vimm.s32 $0x3  }
0x20f: {  	v14 =	vimm.s32 $0x2;
	v15 =	vperm.xlane v22, v4;
	v4 =	vld [tilespmem:s29+$0xDA10]  }
0x210: {  	v14 =	vperm.xlane v22, v14  }
0x211: {  	[tilespmem:$0x1FF40] =	vst v3;
	v3 =	vimm.s32 $0x0  }
0x212: {  	v50 =	vmul.f32 v50, v14;
	v12 =	vperm.xlane v22, v3;
	v3 =	vimm.s32 $0x1  }
0x213: {  	v46 =	vmul.f32 v46, v14;
	v13 =	vperm.xlane v22, v3  }
0x214: {  	[tilespmem:$0x1FF50] =	vst v4;
	v16 =	vsub.f32 $1.000000000e+00, v12;
	v4 =	vmul.f32 v63, v12;
	v1 =	vmul.f32 v1, v12  }
0x215: {  	v7 =	vsub.f32 $1.000000000e+00, v14;
	v5 =	vmul.f32 v2, v12;
	v12 =	vmul.f32 v57, v12  }
0x216: {  	v6 =	vsub.f32 $1.000000000e+00, v13;
	v0 =	vmul.f32 v0, v13;
	v9 =	vmul.f32 v54, v16  }
0x217: {  	v10 =	vsub.f32 $1.000000000e+00, v15;
	v51 =	vmul.f32 v16, v51;
	v58 =	vmul.f32 v58, v16  }
0x218: {  	v16 =	vmul.f32 v60, v16;
	v60 =	vmul.f32 v6, v61;
	v9 =	vadd.f32 v4, v9  }
0x219: {  	v8 =	vld [tilespmem:s29+$0xD9F0];
	v61 =	vmul.f32 v62, v6;
	v62 =	vmul.f32 v56, v13;
	v58 =	vadd.f32 v1, v58  }
0x21a: {  	v3 =	vld [tilespmem:s29+$0xDA40];
	v5 =	vadd.f32 v5, v16;
	v16 =	vmul.f32 v59, v13;
	[tilespmem:s29+$0x14690] =	vst v9;
	v9 =	vmul.f32 v55, v6  }
0x21b: {  	v63 =	vld [tilespmem:s29+$0xDA50];
	v13 =	vmul.f32 v53, v13;
	v0 =	vadd.f32 v0, v60;
	v6 =	vmul.f32 v52, v6  }
0x21c: {  	v2 =	vld [tilespmem:s29+$0xDA20];
	[tilespmem:s29+$0x146A0] =	vst v58;
	v16 =	vadd.f32 v16, v61;
	v58 =	vadd.f32 v62, v9;
	v9 =	vmul.f32 v7, v49  }
0x21d: {  	v57 =	vld [tilespmem:s29+$0xDA60];
	v59 =	vmul.f32 v48, v14;
	[tilespmem:s29+$0x14700] =	vst v0;
	v0 =	vadd.f32 v13, v6;
	v6 =	vmul.f32 v47, v7  }
0x21e: {  	v54 =	vld [tilespmem:s29+$0xDA30];
	v51 =	vadd.f32 v12, v51;
	[tilespmem:s29+$0x14710] =	vst v16;
	v16 =	vmul.f32 v45, v7;
	v9 =	vadd.f32 v50, v9  }
0x21f: {  	v12 =	vld [tilespmem:s29+$0xDA70];
	v60 =	vadd.f32 v59, v6;
	v6 =	vmul.f32 v43, v7;
	v7 =	vmul.f32 v44, v14  }
0x220: {  	v4 =	vld [tilespmem:s29+$0xDA80];
	v61 =	vmul.f32 v10, v41;
	[tilespmem:s29+$0x14730] =	vst v0;
	v0 =	vadd.f32 v46, v16  }
0x221: {  	v1 =	vld [tilespmem:s29+$0xDA90];
	[tilespmem:s29+$0x14780] =	vst v9;
	v6 =	vadd.f32 v7, v6;
	v7 =	vmul.f32 v39, v10;
	v9 =	vmul.f32 v40, v15  }
0x222: {  	[tilespmem:s29+$0x14680] =	vst v51;
	v51 =	vld [tilespmem:s29+$0xDAC0];
	v44 =	vmul.f32 v37, v10;
	v46 =	vmul.f32 v38, v15  }
0x223: {  	v52 =	vld [tilespmem:s29+$0xDAD0];
	[tilespmem:s29+$0x147A0] =	vst v0;
	v0 =	vadd.f32 v9, v7;
	v7 =	vmul.f32 v35, v10;
	v10 =	vimm.s32 $0x4  }
0x224: {  	v48 =	vimm.s32 $0x5;
	v41 =	vld [tilespmem:s29+$0xDB00];
	v62 =	vmul.f32 v42, v15;
	v10 =	vperm.xlane v22, v10  }
0x225: {  	v49 =	vld [tilespmem:s29+$0xDAA0];
	v13 =	vperm.xlane v22, v48;
	v9 =	vmul.f32 v36, v15;
	[tilespmem:s29+$0x147B0] =	vst v6;
	v6 =	vadd.f32 v46, v44  }
0x226: {  	v47 =	vld [tilespmem:s29+$0xDAE0];
	[tilespmem:s29+$0x14810] =	vst v0;
	v0 =	vsub.f32 $1.000000000e+00, v10;
	v53 =	vmul.f32 v33, v10;
	v15 =	vmul.f32 v34, v10  }
0x227: {  	v45 =	vld [tilespmem:s29+$0xDAB0];
	v16 =	vsub.f32 $1.000000000e+00, v13;
	[tilespmem:s29+$0x14820] =	vst v6;
	v6 =	vmul.f32 v31, v10;
	v10 =	vmul.f32 v32, v10  }
0x228: {  	v43 =	vld [tilespmem:s29+$0xDAF0];
	v50 =	vadd.f32 v9, v7;
	v55 =	vmul.f32 v0, v29;
	v30 =	vmul.f32 v30, v0  }
0x229: {  	[tilespmem:s29+$0x14720] =	vst v58;
	v37 =	vld [tilespmem:s29+$0xDB10];
	v7 =	vimm.s32 $0x6;
	v58 =	vmul.f32 v27, v0;
	v0 =	vmul.f32 v28, v0  }
0x22a: {  	v38 =	vld [tilespmem:s29+$0xDB60];
	v7 =	vperm.xlane v22, v7;
	v59 =	vadd.f32 v15, v30  }
0x22b: {  	v39 =	vld [tilespmem:s29+$0xDB40];
	v15 =	vmul.f32 v16, v26;
	v0 =	vadd.f32 v10, v0;
	v10 =	vmul.f32 v25, v13  }
0x22c: {  	v42 =	vadd.f32 v62, v61;
	[tilespmem:s29+$0x14790] =	vst v60;
	v60 =	vmul.f32 v23, v16;
	v23 =	vld [tilespmem:s29+$0xDBA0]  }
0x22d: {  	v61 =	vmul.f32 v20, v16;
	v20 =	vld [tilespmem:s29+$0xDBE0];
	v56 =	vsub.f32 $1.000000000e+00, v7;
	v10 =	vadd.f32 v10, v15  }
0x22e: {  	v34 =	vld [tilespmem:$0x1FF00]  }
0x22f: {  	v62 =	vmul.f32 v17, v7;
	v11 =	vmul.f32 v56, v11;
	[tilespmem:s29+$0x14900] =	vst v10;
	v10 =	vld [tilespmem:$0x1FEF0]  }
0x230: {  	[tilespmem:s29+$0x14800] =	vst v42;
	v42 =	vld [tilespmem:$0x1FF20];
	v6 =	vadd.f32 v6, v58  }
0x231: {  	v24 =	vmul.f32 v24, v13;
	v15 =	vmul.f32 v21, v13;
	v40 =	vadd.f32 v62, v11;
	v11 =	vld [tilespmem:$0x1FF10]  }
0x232: {  	v35 =	vld [tilespmem:s29+$0xDB50];
	[tilespmem:s29+$0x148A0] =	vst v6;
	v6 =	vmul.f32 v18, v16;
	v13 =	vmul.f32 v19, v13  }
0x233: {  	v36 =	vld [tilespmem:s29+$0xDB20];
	[tilespmem:s29+$0x148B0] =	vst v0;
	v0 =	vadd.f32 v15, v61  }
0x234: {  	v46 =	vld [tilespmem:s29+$0xDC20];
	v6 =	vadd.f32 v13, v6;
	v13 =	vmul.f32 v34, v7;
	v10 =	vmul.f32 v10, v56  }
0x235: {  	v33 =	vld [tilespmem:s29+$0xDB30]  }
0x236: {  	v14 =	vmul.f32 v42, v7;
	[tilespmem:s29+$0x14920] =	vst v0;
	v11 =	vmul.f32 v11, v56;
	v0 =	vadd.f32 v13, v10;
	v10 =	vld [tilespmem:$0x1FF30]  }
0x237: {  	v31 =	vld [tilespmem:s29+$0xDB70]  }
0x238: {  	v9 =	vimm.s32 $0x7;
	[tilespmem:s29+$0x14930] =	vst v6;
	v6 =	vadd.f32 v14, v11;
	v11 =	vld [tilespmem:$0x1FF40]  }
0x239: {  	v9 =	vperm.xlane v22, v9;
	[tilespmem:s29+$0x14830] =	vst v50;
	v50 =	vld [tilespmem:s29+$0xDC70]  }
0x23a: {  	v29 =	vld [tilespmem:s29+$0xDB80]  }
0x23b: {  	v28 =	vsub.f32 $1.000000000e+00, v9;
	v27 =	vld [tilespmem:s29+$0xDBC0];
	v7 =	vmul.f32 v8, v7;
	v10 =	vmul.f32 v10, v56  }
0x23c: {  	v17 =	vld [tilespmem:s29+$0xDC40]  }
0x23d: {  	v3 =	vmul.f32 v3, v9;
	v11 =	vmul.f32 v28, v11;
	v44 =	vadd.f32 v7, v10;
	v7 =	vld [tilespmem:$0x1FF50]  }
0x23e: {  	[tilespmem:s29+$0x146B0] =	vst v5;
	v5 =	vadd.f32 v53, v55;
	v26 =	vld [tilespmem:s29+$0xDB90]  }
0x23f: {  	v25 =	vld [tilespmem:s29+$0xDBD0];
	v2 =	vmul.f32 v2, v28;
	[tilespmem:s29+$0x14990] =	vst v0;
	v0 =	vadd.f32 v3, v11;
	v3 =	vmul.f32 v57, v9  }
0x240: {  	v58 =	vld [tilespmem:s29+$0xDCB0];
	[tilespmem:s29+$0x14880] =	vst v5;
	v5 =	vadd.f32 v24, v60  }
0x241: {  	[tilespmem:s29+$0x14890] =	vst v59;
	v18 =	vld [tilespmem:s29+$0xDBB0];
	v10 =	vmul.f32 v63, v9;
	v2 =	vadd.f32 v3, v2;
	v3 =	vimm.s32 $0x8  }
0x242: {  	v48 =	vimm.s32 $0x9;
	v16 =	vld [tilespmem:s29+$0xDC00];
	[tilespmem:s29+$0x14910] =	vst v5;
	v3 =	vperm.xlane v22, v3;
	v7 =	vmul.f32 v7, v28  }
0x243: {  	v19 =	vld [tilespmem:s29+$0xDC80];
	v5 =	vperm.xlane v22, v48;
	[tilespmem:s29+$0x149A0] =	vst v6;
	v9 =	vmul.f32 v12, v9  }
0x244: {  	v59 =	vld [tilespmem:s29+$0xDCF0];
	[tilespmem:s29+$0x14A00] =	vst v0;
	v21 =	vmul.f32 v51, v3;
	v6 =	vadd.f32 v10, v7;
	v7 =	vmul.f32 v54, v28  }
0x245: {  	v60 =	vld [tilespmem:s29+$0xDD00];
	[tilespmem:s29+$0x14A20] =	vst v2;
	v24 =	vmul.f32 v52, v3;
	v2 =	vmul.f32 v47, v3  }
0x246: {  	v15 =	vld [tilespmem:s29+$0xDBF0];
	v0 =	vadd.f32 v9, v7;
	v7 =	vimm.s32 $0xA;
	[tilespmem:s29+$0x14A10] =	vst v6;
	v6 =	vsub.f32 $1.000000000e+00, v3  }
0x247: {  	v8 =	vld [tilespmem:s29+$0xDC10];
	v9 =	vimm.s32 $0xB;
	v3 =	vmul.f32 v43, v3;
	v7 =	vperm.xlane v22, v7  }
0x248: {  	v13 =	vld [tilespmem:s29+$0xDC50];
	v9 =	vperm.xlane v22, v9;
	[tilespmem:s29+$0x14A30] =	vst v0;
	v0 =	vmul.f32 v6, v4  }
0x249: {  	v30 =	vsub.f32 $1.000000000e+00, v5;
	v11 =	vld [tilespmem:s29+$0xDC60];
	v1 =	vmul.f32 v1, v6;
	v55 =	vmul.f32 v49, v6  }
0x24a: {  	v57 =	vld [tilespmem:s29+$0xDCA0];
	v6 =	vmul.f32 v45, v6;
	v53 =	vsub.f32 $1.000000000e+00, v7;
	v56 =	vsub.f32 $1.000000000e+00, v9  }
0x24b: {  	v35 =	vmul.f32 v35, v5;
	v63 =	vld [tilespmem:s29+$0xDD60];
	v0 =	vadd.f32 v21, v0;
	v1 =	vadd.f32 v24, v1  }
0x24c: {  	v52 =	vld [tilespmem:s29+$0xDC90];
	v21 =	vmul.f32 v30, v41;
	v3 =	vadd.f32 v3, v6;
	v6 =	vmul.f32 v39, v5  }
0x24d: {  	v10 =	vld [tilespmem:s29+$0xDC30];
	v61 =	vmul.f32 v25, v7;
	v2 =	vadd.f32 v2, v55;
	[tilespmem:s29+$0x14A80] =	vst v0;
	v0 =	vmul.f32 v37, v30  }
0x24e: {  	v28 =	vld [tilespmem:s29+$0xDCC0];
	[tilespmem:s29+$0x14A90] =	vst v1;
	v1 =	vadd.f32 v6, v21;
	v6 =	vmul.f32 v36, v30;
	v21 =	vmul.f32 v38, v5  }
0x24f: {  	v54 =	vld [tilespmem:s29+$0xDCD0];
	[tilespmem:s29+$0x14AA0] =	vst v2;
	v2 =	vmul.f32 v33, v30;
	v5 =	vmul.f32 v31, v5;
	v0 =	vadd.f32 v35, v0  }
0x250: {  	v45 =	vld [tilespmem:s29+$0xDE50];
	[tilespmem:s29+$0x14AB0] =	vst v3;
	v3 =	vadd.f32 v21, v6;
	v6 =	vmul.f32 v53, v29;
	v21 =	vmul.f32 v27, v7  }
0x251: {  	v25 =	vld [tilespmem:s29+$0xDD50];
	v20 =	vmul.f32 v20, v7;
	v62 =	vmul.f32 v15, v7;
	[tilespmem:s29+$0x14B00] =	vst v1;
	v1 =	vadd.f32 v5, v2  }
0x252: {  	v15 =	vld [tilespmem:s29+$0xDD30];
	v2 =	vmul.f32 v26, v53;
	[tilespmem:s29+$0x14B10] =	vst v0;
	v0 =	vadd.f32 v21, v6;
	v6 =	vmul.f32 v23, v53  }
0x253: {  	v24 =	vld [tilespmem:s29+$0xDCE0];
	v7 =	vmul.f32 v17, v9;
	[tilespmem:s29+$0x14B20] =	vst v3;
	v3 =	vmul.f32 v18, v53  }
0x254: {  	v30 =	vld [tilespmem:s29+$0xDD40];
	v2 =	vadd.f32 v61, v2;
	[tilespmem:s29+$0x14B30] =	vst v1;
	v1 =	vadd.f32 v20, v6;
	v6 =	vmul.f32 v56, v16  }
0x255: {  	v13 =	vmul.f32 v13, v9;
	v27 =	vld [tilespmem:s29+$0xDD10];
	[tilespmem:s29+$0x14B80] =	vst v0;
	v0 =	vadd.f32 v62, v3;
	v3 =	vmul.f32 v8, v56  }
0x256: {  	v35 =	vld [tilespmem:s29+$0xDDD0];
	[tilespmem:s29+$0x14B90] =	vst v2;
	v2 =	vadd.f32 v7, v6;
	v6 =	vmul.f32 v46, v56;
	v7 =	vmul.f32 v11, v9  }
0x257: {  	v33 =	vmul.f32 v50, v9;
	v38 =	vimm.s32 $0xF;
	v21 =	vld [tilespmem:s29+$0xDD20];
	[tilespmem:s29+$0x14BA0] =	vst v1;
	v1 =	vadd.f32 v13, v3  }
0x258: {  	v18 =	vld [tilespmem:s29+$0xDDE0];
	v3 =	vmul.f32 v10, v56;
	[tilespmem:s29+$0x14BB0] =	vst v0;
	v0 =	vadd.f32 v7, v6;
	v6 =	vimm.s32 $0xC  }
0x259: {  	[tilespmem:s29+$0x14980] =	vst v40;
	v12 =	vperm.xlane v22, v38;
	v8 =	vld [tilespmem:s29+$0xDD70];
	v7 =	vimm.s32 $0xD;
	v6 =	vperm.xlane v22, v6  }
0x25a: {  	v16 =	vld [tilespmem:s29+$0xDDA0];
	[tilespmem:s29+$0x14C00] =	vst v2;
	v2 =	vadd.f32 v33, v3;
	v3 =	vimm.s32 $0xE;
	v7 =	vperm.xlane v22, v7  }
0x25b: {  	v11 =	vld [tilespmem:s29+$0xDD80];
	[tilespmem:s29+$0x14C10] =	vst v1;
	v3 =	vperm.xlane v22, v3;
	v1 =	vsub.f32 $1.000000000e+00, v6;
	v40 =	vmul.f32 v28, v6  }
0x25c: {  	v9 =	vld [tilespmem:s29+$0xDDC0];
	[tilespmem:s29+$0x14C20] =	vst v0;
	v41 =	vmul.f32 v54, v6;
	v0 =	vmul.f32 v24, v6  }
0x25d: {  	v10 =	vld [tilespmem:s29+$0xDD90];
	[tilespmem:s29+$0x14C30] =	vst v2;
	v6 =	vmul.f32 v59, v6;
	v17 =	vsub.f32 $1.000000000e+00, v7;
	v2 =	vmul.f32 v1, v19  }
0x25e: {  	v22 =	vld [tilespmem:s29+$0xDDB0];
	v20 =	vsub.f32 $1.000000000e+00, v3;
	v25 =	vmul.f32 v25, v7;
	v19 =	vmul.f32 v52, v1  }
0x25f: {  	v24 =	vld [tilespmem:s29+$0xDDF0];
	v23 =	vmul.f32 v57, v1;
	v1 =	vmul.f32 v58, v1;
	v2 =	vadd.f32 v40, v2  }
0x260: {  	[tilespmem:s29+$0x149B0] =	vst v44;
	v43 =	vmul.f32 v17, v60;
	v46 =	vmul.f32 v20, v11;
	v11 =	vld [tilespmem:s29+$0xDE60];
	v42 =	vadd.f32 v41, v19  }
0x261: {  	v19 =	vld [tilespmem:s29+$0xDE00];
	v0 =	vadd.f32 v0, v23;
	v1 =	vadd.f32 v6, v1;
	v6 =	vmul.f32 v30, v7;
	[tilespmem:s29+$0x14C80] =	vst v2  }
0x262: {  	v5 =	vmul.f32 v63, v7;
	v23 =	vld [tilespmem:s29+$0xDE40];
	v2 =	vmul.f32 v27, v17;
	[tilespmem:s29+$0x14C90] =	vst v42  }
0x263: {  	v44 =	vmul.f32 v21, v17;
	v7 =	vmul.f32 v8, v7;
	v8 =	vld [tilespmem:s29+$0xDE20];
	v6 =	vadd.f32 v6, v43;
	[tilespmem:s29+$0x14CA0] =	vst v0  }
0x264: {  	v27 =	vld [tilespmem:s29+$0xDE10];
	[tilespmem:s29+$0x14CB0] =	vst v1;
	v0 =	vadd.f32 v25, v2;
	v2 =	vmul.f32 v15, v17  }
0x265: {  	v9 =	vmul.f32 v9, v3;
	v1 =	vadd.f32 v5, v44;
	[tilespmem:s29+$0x14D00] =	vst v6;
	v6 =	vmul.f32 v10, v20;
	v10 =	vld [tilespmem:s29+$0xDE70]  }
0x266: {  	s1 =	sshra.s32 s30, $0x2;
	v26 =	vsub.f32 $1.000000000e+00, v12;
	v4 =	vmul.f32 v35, v3;
	v2 =	vadd.f32 v7, v2;
	v7 =	vld [tilespmem:s29+$0xDE30];
	[tilespmem:s29+$0x14D10] =	vst v0  }
0x267: {  	v47 =	vmul.f32 v16, v20;
	v0 =	vadd.f32 v9, v46;
	v9 =	vmul.f32 v18, v3;
	v51 =	vld [tilespmem:s1+$0xD680];
	[tilespmem:s29+$0x14D20] =	vst v1  }
0x268: {  	v49 =	vmul.f32 v22, v20;
	v3 =	vmul.f32 v24, v3;
	v1 =	vadd.f32 v4, v6;
	v57 =	vld [tilespmem:s1+$0xD6C0];
	[tilespmem:s29+$0x14D30] =	vst v2  }
0x269: {  	v50 =	vmul.f32 v26, v19;
	v6 =	vmul.f32 v23, v12;
	v2 =	vadd.f32 v9, v47;
	v54 =	vld [tilespmem:s1+$0xD690];
	[tilespmem:s29+$0x14D80] =	vst v0  }
0x26a: {  	v55 =	vmul.f32 v45, v12;
	v0 =	vadd.f32 v3, v49;
	v3 =	vmul.f32 v27, v26;
	v63 =	vld [tilespmem:s1+$0xD6D0];
	[tilespmem:s29+$0x14D90] =	vst v1  }
0x26b: {  	v5 =	vadd.f32 v6, v50;
	v6 =	vmul.f32 v8, v26;
	v8 =	vmul.f32 v11, v12;
	v58 =	vld [tilespmem:s1+$0xD6A0];
	[tilespmem:s29+$0x14DA0] =	vst v2  }
0x26c: {  	v59 =	vmul.f32 v10, v12;
	v3 =	vadd.f32 v55, v3;
	v2 =	vmul.f32 v7, v26;
	v1 =	vld [tilespmem:s1+$0xD6E0];
	[tilespmem:s29+$0x14DB0] =	vst v0  }
0x26d: {  	v0 =	vadd.f32 v8, v6;
	v60 =	vld [tilespmem:s1+$0xD6B0];
	[tilespmem:s29+$0x14E00] =	vst v5  }
0x26e: {  	v4 =	vadd.f32 v59, v2;
	v2 =	vld [tilespmem:s1+$0xD6F0];
	[tilespmem:s29+$0x14E10] =	vst v3  }
0x26f: {  	v61 =	vld [tilespmem:s1+$0xD700];
	[tilespmem:s29+$0x14E20] =	vst v0  }
0x270: {  	v0 =	vld [tilespmem:s1+$0xD740];
	[tilespmem:s29+$0x14E30] =	vst v4;
	s29 =	smov.u32 s1  }
0x271: {  	v62 =	vld [tilespmem:s29+$0xD710]  }
0x272: {  	v59 =	vld [tilespmem:s29+$0xD750]  }
0x273: {  	v55 =	vld [tilespmem:s29+$0xD720]  }
0x274: {  	v56 =	vld [tilespmem:s29+$0xD760]  }
0x275: {  	v52 =	vld [tilespmem:s29+$0xD730]  }
0x276: {  	v53 =	vld [tilespmem:s29+$0xD770]  }
0x277: {  	v49 =	vld [tilespmem:s29+$0xD780]  }
0x278: {  	v50 =	vld [tilespmem:s29+$0xD7C0]  }
0x279: {  	v47 =	vld [tilespmem:s29+$0xD790]  }
0x27a: {  	v48 =	vld [tilespmem:s29+$0xD7D0]  }
0x27b: {  	v45 =	vld [tilespmem:s29+$0xD7A0]  }
0x27c: {  	v46 =	vld [tilespmem:s29+$0xD7E0]  }
0x27d: {  	v43 =	vld [tilespmem:s29+$0xD7B0]  }
0x27e: {  	v44 =	vld [tilespmem:s29+$0xD7F0]  }
0x27f: {  	v41 =	vld [tilespmem:s29+$0xD800]  }
0x280: {  	v42 =	vld [tilespmem:s29+$0xD840]  }
0x281: {  	v39 =	vld [tilespmem:s29+$0xD810]  }
0x282: {  	v40 =	vld [tilespmem:s29+$0xD850]  }
0x283: {  	v37 =	vld [tilespmem:s29+$0xD820]  }
0x284: {  	v38 =	vld [tilespmem:s29+$0xD860]  }
0x285: {  	v35 =	vld [tilespmem:s29+$0xD830]  }
0x286: {  	v36 =	vld [tilespmem:s29+$0xD870]  }
0x287: {  	v29 =	vld [tilespmem:s29+$0xD880]  }
0x288: {  	v33 =	vld [tilespmem:s29+$0xD8C0]  }
0x289: {  	v30 =	vld [tilespmem:s29+$0xD890]  }
0x28a: {  	v34 =	vld [tilespmem:s29+$0xD8D0]  }
0x28b: {  	v27 =	vld [tilespmem:s29+$0xD8A0]  }
0x28c: {  	v31 =	vld [tilespmem:s29+$0xD8E0]  }
0x28d: {  	v28 =	vld [tilespmem:s29+$0xD8B0]  }
0x28e: {  	v32 =	vld [tilespmem:s29+$0xD8F0]  }
0x28f: {  	v26 =	vld [tilespmem:s29+$0xD900]  }
0x290: {  	v25 =	vld [tilespmem:s29+$0xD940]  }
0x291: {  	v23 =	vld [tilespmem:s29+$0xD910]  }
0x292: {  	v24 =	vld [tilespmem:s29+$0xD950]  }
0x293: {  	v20 =	vld [tilespmem:s29+$0xD920]  }
0x294: {  	p0 =	sne.s32 s30, $0x18000;
	v21 =	vld [tilespmem:s29+$0xD960]  }
.Ltmp1:
0x295: {  	v18 =	vld [tilespmem:s29+$0xD930];
	(pc) =	sbr.rel @p0 .LBB2_5-.Ltmp1, $4  }
0x296: {  	v19 =	vld [tilespmem:s29+$0xD970]  }
0x297: {  	v11 =	vld [tilespmem:s29+$0xD980]  }
0x298: {  	s25 =	sadd.s32 $0x10, s25;
	v17 =	vld [tilespmem:s29+$0xD9C0]  }
0x299: {  	s30 =	sadd.s32 $0x2000, s30;
	v8 =	vld [tilespmem:s25+$0x0]  }
0x29a: {  	_ =	sdelay $0x3  }
0x29b: {  	v14 =	vld [tilespmem:s29+$0xDA10];
	v7 =	vand.u32 $0x1, v8  }
0x29c: {  	v15 =	vld [tilespmem:s29+$0xDA50];
	v22 =	vcvt.s32.f32 v7  }
0x29d: {  	v13 =	vimm.s32 $0x0;
	v16 =	vld [tilespmem:s29+$0xDA20]  }
0x29e: {  	v13 =	vperm.xlane v22, v13;
	_ =	sdelay $0x1  }
0x29f: {  	[tilespmem:$0x1FEC0] =	vst v14;
	v14 =	vsub.f32 $1.000000000e+00, v13  }
0x2a0: {  	[tilespmem:$0x1FED0] =	vst v15  }
0x2a1: {  	[tilespmem:$0x1FEE0] =	vst v16;
	v16 =	vmul.f32 v57, v13;
	v15 =	vmul.f32 v14, v51;
	_ =	sdelay $0x1  }
0x2a2: {  	v3 =	vld [tilespmem:s29+$0xD990];
	v51 =	vmul.f32 v54, v14;
	v15 =	vadd.f32 v16, v15  }
0x2a3: {  	v12 =	vld [tilespmem:s29+$0xD9D0];
	v54 =	vmul.f32 v1, v13;
	v16 =	vmul.f32 v63, v13  }
0x2a4: {  	v5 =	vld [tilespmem:s29+$0xD9A0];
	v13 =	vmul.f32 v2, v13;
	[tilespmem:s29+$0x14680] =	vst v15;
	v15 =	vmul.f32 v58, v14;
	v58 =	vimm.s32 $0x1  }
0x2a5: {  	v6 =	vld [tilespmem:s29+$0xD9E0];
	v16 =	vadd.f32 v16, v51;
	v14 =	vmul.f32 v60, v14;
	v58 =	vperm.xlane v22, v58  }
0x2a6: {  	v4 =	vld [tilespmem:s29+$0xD9B0]  }
0x2a7: {  	v9 =	vld [tilespmem:s29+$0xDA00];
	[tilespmem:s29+$0x14690] =	vst v16;
	v13 =	vadd.f32 v13, v14;
	v16 =	vsub.f32 $1.000000000e+00, v58  }
0x2a8: {  	v10 =	vld [tilespmem:s29+$0xDA40];
	v0 =	vmul.f32 v0, v58;
	v59 =	vmul.f32 v59, v58  }
0x2a9: {  	v8 =	vld [tilespmem:s29+$0xDA60];
	[tilespmem:s29+$0x146B0] =	vst v13;
	v13 =	vimm.s32 $0x2;
	v61 =	vmul.f32 v16, v61;
	v62 =	vmul.f32 v62, v16  }
0x2aa: {  	v7 =	vld [tilespmem:s29+$0xD9F0];
	v15 =	vadd.f32 v54, v15;
	v13 =	vperm.xlane v22, v13;
	v60 =	vmul.f32 v55, v16  }
0x2ab: {  	v57 =	vld [tilespmem:s29+$0xDA30];
	v16 =	vmul.f32 v52, v16;
	v14 =	vadd.f32 v0, v61;
	v61 =	vmul.f32 v56, v58  }
0x2ac: {  	v1 =	vld [tilespmem:s29+$0xDA80];
	[tilespmem:s29+$0x146A0] =	vst v15;
	v15 =	vadd.f32 v59, v62;
	v62 =	vmul.f32 v53, v58;
	v59 =	vsub.f32 $1.000000000e+00, v13  }
0x2ad: {  	v63 =	vld [tilespmem:s29+$0xDA70];
	v50 =	vmul.f32 v50, v13;
	v48 =	vmul.f32 v48, v13;
	[tilespmem:s29+$0x14700] =	vst v14;
	v14 =	vadd.f32 v61, v60  }
0x2ae: {  	v2 =	vld [tilespmem:s29+$0xDAC0];
	v60 =	vadd.f32 v62, v16;
	v62 =	vmul.f32 v47, v59;
	v47 =	vimm.s32 $0x3  }
0x2af: {  	v51 =	vld [tilespmem:s29+$0xDAD0];
	[tilespmem:s29+$0x14710] =	vst v15;
	v61 =	vmul.f32 v59, v49;
	v15 =	vperm.xlane v22, v47  }
0x2b0: {  	v54 =	vld [tilespmem:s29+$0xDA90];
	v56 =	vmul.f32 v46, v13;
	v58 =	vmul.f32 v43, v59  }
0x2b1: {  	v52 =	vld [tilespmem:s29+$0xDAE0];
	v16 =	vadd.f32 v50, v61;
	v50 =	vmul.f32 v45, v59;
	v59 =	vsub.f32 $1.000000000e+00, v15  }
0x2b2: {  	v0 =	vld [tilespmem:s29+$0xDAA0];
	v13 =	vmul.f32 v44, v13;
	[tilespmem:s29+$0x14720] =	vst v14;
	v14 =	vadd.f32 v48, v62  }
0x2b3: {  	v53 =	vld [tilespmem:s29+$0xDAB0];
	v40 =	vmul.f32 v40, v15;
	[tilespmem:s29+$0x14780] =	vst v16;
	v16 =	vadd.f32 v56, v50;
	v61 =	vmul.f32 v39, v59  }
0x2b4: {  	v44 =	vld [tilespmem:s29+$0xDB10];
	[tilespmem:s29+$0x14730] =	vst v60;
	v13 =	vadd.f32 v13, v58;
	v42 =	vmul.f32 v42, v15;
	v60 =	vmul.f32 v59, v41  }
0x2b5: {  	v49 =	vld [tilespmem:s29+$0xDAF0];
	v38 =	vmul.f32 v38, v15;
	v15 =	vmul.f32 v36, v15;
	[tilespmem:s29+$0x147A0] =	vst v16;
	v16 =	vadd.f32 v40, v61  }
0x2b6: {  	v43 =	vld [tilespmem:s29+$0xDB40];
	[tilespmem:s29+$0x14790] =	vst v14;
	v62 =	vmul.f32 v37, v59;
	v14 =	vadd.f32 v42, v60;
	v42 =	vimm.s32 $0x4  }
0x2b7: {  	v47 =	vld [tilespmem:s29+$0xDB00];
	v40 =	vmul.f32 v35, v59;
	[tilespmem:s29+$0x14810] =	vst v16;
	v16 =	vperm.xlane v22, v42  }
0x2b8: {  	v36 =	vld [tilespmem:s29+$0xDB70];
	[tilespmem:s29+$0x147B0] =	vst v13;
	v56 =	vimm.s32 $0x5;
	v13 =	vadd.f32 v38, v62  }
0x2b9: {  	v41 =	vld [tilespmem:s29+$0xDB50];
	[tilespmem:s29+$0x14800] =	vst v14;
	v14 =	vadd.f32 v15, v40;
	v15 =	vperm.xlane v22, v56;
	v46 =	vmul.f32 v33, v16  }
0x2ba: {  	v39 =	vld [tilespmem:s29+$0xDB20];
	v45 =	vsub.f32 $1.000000000e+00, v16;
	v50 =	vmul.f32 v34, v16;
	v58 =	vmul.f32 v31, v16  }
0x2bb: {  	v37 =	vld [tilespmem:s29+$0xDB60];
	v16 =	vmul.f32 v32, v16;
	v60 =	vsub.f32 $1.000000000e+00, v15;
	v25 =	vmul.f32 v25, v15  }
0x2bc: {  	v35 =	vld [tilespmem:s29+$0xDB30];
	v24 =	vmul.f32 v24, v15;
	v48 =	vmul.f32 v45, v29  }
0x2bd: {  	v62 =	vimm.s32 $0x6;
	[tilespmem:s29+$0x14820] =	vst v13;
	v33 =	vld [tilespmem:s29+$0xDBC0];
	v13 =	vmul.f32 v28, v45;
	v61 =	vmul.f32 v60, v26  }
0x2be: {  	v34 =	vld [tilespmem:s29+$0xDBD0];
	v32 =	vimm.s32 $0x7;
	v23 =	vmul.f32 v23, v60;
	v26 =	vmul.f32 v21, v15  }
0x2bf: {  	[tilespmem:s29+$0x14830] =	vst v14;
	v31 =	vld [tilespmem:s29+$0xDBE0];
	v18 =	vmul.f32 v18, v60;
	v15 =	vmul.f32 v19, v15;
	v14 =	vadd.f32 v46, v48  }
0x2c0: {  	v29 =	vld [tilespmem:s29+$0xDB80];
	v55 =	vmul.f32 v30, v45;
	v59 =	vmul.f32 v27, v45;
	v13 =	vadd.f32 v16, v13  }
0x2c1: {  	v30 =	vld [tilespmem:s29+$0xDB90];
	v23 =	vadd.f32 v24, v23;
	v24 =	vmul.f32 v20, v60;
	v15 =	vadd.f32 v15, v18;
	[tilespmem:s29+$0x14880] =	vst v14  }
0x2c2: {  	v46 =	vld [tilespmem:$0x1FED0];
	v14 =	vadd.f32 v58, v59;
	[tilespmem:s29+$0x148B0] =	vst v13;
	v13 =	vperm.xlane v22, v62;
	v59 =	vimm.s32 $0x9  }
0x2c3: {  	v27 =	vld [tilespmem:s29+$0xDBA0];
	[tilespmem:s29+$0x14930] =	vst v15;
	v15 =	vperm.xlane v22, v32;
	v19 =	vperm.xlane v22, v59  }
0x2c4: {  	v21 =	vld [tilespmem:s29+$0xDC00];
	v38 =	vadd.f32 v50, v55;
	v17 =	vmul.f32 v17, v13;
	v12 =	vmul.f32 v12, v13  }
0x2c5: {  	v45 =	vld [tilespmem:$0x1FEC0];
	v16 =	vadd.f32 v25, v61;
	v6 =	vmul.f32 v6, v13;
	v7 =	vmul.f32 v7, v13  }
0x2c6: {  	v25 =	vld [tilespmem:s29+$0xDBF0];
	v28 =	vsub.f32 $1.000000000e+00, v13;
	v42 =	vmul.f32 v10, v15;
	v8 =	vmul.f32 v8, v15  }
0x2c7: {  	v20 =	vld [tilespmem:s29+$0xDC40];
	v50 =	vmul.f32 v63, v15;
	v10 =	vmul.f32 v46, v15  }
0x2c8: {  	v48 =	vld [tilespmem:$0x1FEE0];
	[tilespmem:s29+$0x14890] =	vst v38;
	v38 =	vsub.f32 $1.000000000e+00, v15;
	v63 =	vmul.f32 v43, v19;
	v11 =	vmul.f32 v28, v11  }
0x2c9: {  	v18 =	vld [tilespmem:s29+$0xDCF0];
	v61 =	vsub.f32 $1.000000000e+00, v19;
	v3 =	vmul.f32 v3, v28;
	v5 =	vmul.f32 v5, v28  }
0x2ca: {  	v55 =	vimm.s32 $0x8;
	[tilespmem:s29+$0x14910] =	vst v23;
	v23 =	vld [tilespmem:s29+$0xDCB0];
	v40 =	vmul.f32 v38, v9;
	v9 =	vmul.f32 v45, v38  }
0x2cb: {  	[tilespmem:s29+$0x14900] =	vst v16;
	v16 =	vadd.f32 v26, v24;
	v24 =	vld [tilespmem:s29+$0xDD10];
	v4 =	vmul.f32 v4, v28;
	v62 =	vmul.f32 v61, v47  }
0x2cc: {  	v59 =	vld [tilespmem:s29+$0xDDA0];
	[tilespmem:s29+$0x148A0] =	vst v14;
	v32 =	vmul.f32 v44, v61;
	v11 =	vadd.f32 v17, v11;
	v9 =	vadd.f32 v10, v9  }
0x2cd: {  	v14 =	vld [tilespmem:s29+$0xDBB0];
	[tilespmem:s29+$0x14920] =	vst v16;
	v3 =	vadd.f32 v12, v3;
	v5 =	vadd.f32 v6, v5;
	v12 =	vmul.f32 v48, v38  }
0x2ce: {  	v16 =	vld [tilespmem:s29+$0xDC10];
	v4 =	vadd.f32 v7, v4;
	v6 =	vmul.f32 v57, v38;
	[tilespmem:s29+$0x14A10] =	vst v9;
	v9 =	vperm.xlane v22, v55  }
0x2cf: {  	v13 =	vld [tilespmem:s29+$0xDCA0];
	v7 =	vadd.f32 v42, v40;
	v38 =	vmul.f32 v41, v19;
	v42 =	vmul.f32 v37, v19  }
0x2d0: {  	v17 =	vld [tilespmem:s29+$0xDC50];
	v8 =	vadd.f32 v8, v12;
	v56 =	vsub.f32 $1.000000000e+00, v9;
	v2 =	vmul.f32 v2, v9  }
0x2d1: {  	v10 =	vld [tilespmem:s29+$0xDC90];
	[tilespmem:s29+$0x14980] =	vst v11;
	v57 =	vmul.f32 v51, v9;
	v60 =	vmul.f32 v52, v9  }
0x2d2: {  	v47 =	vimm.s32 $0xB;
	v48 =	vld [tilespmem:s29+$0xDD30];
	[tilespmem:s29+$0x14A20] =	vst v8;
	v9 =	vmul.f32 v49, v9;
	v8 =	vmul.f32 v53, v56  }
0x2d3: {  	v40 =	vimm.s32 $0xA;
	v19 =	vmul.f32 v36, v19;
	v36 =	vld [tilespmem:s29+$0xDE10];
	[tilespmem:s29+$0x14990] =	vst v3;
	v1 =	vmul.f32 v56, v1  }
0x2d4: {  	v41 =	vmul.f32 v39, v61;
	v11 =	vld [tilespmem:s29+$0xDC20];
	[tilespmem:s29+$0x149A0] =	vst v5;
	v58 =	vmul.f32 v54, v56;
	v8 =	vadd.f32 v9, v8  }
0x2d5: {  	v3 =	vld [tilespmem:s29+$0xDC60];
	[tilespmem:s29+$0x149B0] =	vst v4;
	v6 =	vadd.f32 v50, v6;
	v0 =	vmul.f32 v0, v56;
	v1 =	vadd.f32 v2, v1  }
0x2d6: {  	v5 =	vld [tilespmem:s29+$0xDC30];
	v26 =	vadd.f32 v38, v32;
	v15 =	vadd.f32 v57, v58;
	[tilespmem:s29+$0x14AB0] =	vst v8;
	v8 =	vperm.xlane v22, v40  }
0x2d7: {  	v4 =	vld [tilespmem:s29+$0xDC70];
	v0 =	vadd.f32 v60, v0;
	v9 =	vadd.f32 v63, v62;
	[tilespmem:s29+$0x14A80] =	vst v1;
	v1 =	vmul.f32 v35, v61  }
0x2d8: {  	[tilespmem:s29+$0x14A00] =	vst v7;
	v7 =	vld [tilespmem:s29+$0xDC80];
	v58 =	vimm.s32 $0xC;
	v43 =	vsub.f32 $1.000000000e+00, v8;
	v45 =	vmul.f32 v33, v8  }
0x2d9: {  	v12 =	vld [tilespmem:s29+$0xDCC0];
	v1 =	vadd.f32 v19, v1;
	v46 =	vmul.f32 v34, v8;
	v50 =	vmul.f32 v31, v8  }
0x2da: {  	v32 =	vld [tilespmem:s29+$0xDD50];
	[tilespmem:s29+$0x14B00] =	vst v9;
	v9 =	vadd.f32 v42, v41;
	v8 =	vmul.f32 v25, v8;
	v44 =	vmul.f32 v43, v29  }
0x2db: {  	v55 =	vld [tilespmem:s29+$0xDDC0];
	v40 =	vimm.s32 $0xE;
	v30 =	vmul.f32 v30, v43;
	[tilespmem:s29+$0x14B30] =	vst v1;
	v1 =	vperm.xlane v22, v47  }
0x2dc: {  	[tilespmem:s29+$0x14A30] =	vst v6;
	v6 =	vld [tilespmem:s29+$0xDCD0];
	v31 =	vimm.s32 $0xD;
	v49 =	vmul.f32 v27, v43;
	v14 =	vmul.f32 v14, v43  }
0x2dd: {  	[tilespmem:s29+$0x14B10] =	vst v26;
	v2 =	vld [tilespmem:s29+$0xDCE0];
	v52 =	vsub.f32 $1.000000000e+00, v1;
	v20 =	vmul.f32 v20, v1;
	v17 =	vmul.f32 v17, v1  }
0x2de: {  	v38 =	vld [tilespmem:s29+$0xDE50];
	[tilespmem:s29+$0x14A90] =	vst v15;
	v19 =	vadd.f32 v45, v44;
	v3 =	vmul.f32 v3, v1;
	v1 =	vmul.f32 v4, v1  }
0x2df: {  	v26 =	vld [tilespmem:s29+$0xDD20];
	[tilespmem:s29+$0x14AA0] =	vst v0;
	v30 =	vadd.f32 v46, v30;
	v4 =	vperm.xlane v22, v58;
	v54 =	vmul.f32 v52, v21  }
0x2e0: {  	v51 =	vld [tilespmem:s29+$0xDD70];
	[tilespmem:s29+$0x14B20] =	vst v9;
	v8 =	vadd.f32 v8, v14;
	v16 =	vmul.f32 v16, v52;
	v11 =	vmul.f32 v11, v52  }
0x2e1: {  	v53 =	vld [tilespmem:s29+$0xDD80];
	[tilespmem:s29+$0x14B80] =	vst v19;
	v5 =	vmul.f32 v5, v52;
	v60 =	vsub.f32 $1.000000000e+00, v4;
	v62 =	vmul.f32 v12, v4  }
0x2e2: {  	v0 =	vld [tilespmem:s29+$0xDD40];
	v19 =	vadd.f32 v50, v49;
	[tilespmem:s29+$0x14B90] =	vst v30;
	v6 =	vmul.f32 v6, v4;
	v34 =	vmul.f32 v2, v4  }
0x2e3: {  	v9 =	vld [tilespmem:s29+$0xDD60];
	[tilespmem:s29+$0x14BB0] =	vst v8;
	v4 =	vmul.f32 v18, v4;
	v1 =	vadd.f32 v1, v5;
	v7 =	vmul.f32 v60, v7  }
0x2e4: {  	v56 =	vld [tilespmem:s29+$0xDD90];
	[tilespmem:s29+$0x14BA0] =	vst v19;
	v16 =	vadd.f32 v17, v16;
	v3 =	vadd.f32 v3, v11;
	v17 =	vperm.xlane v22, v31  }
0x2e5: {  	v15 =	vld [tilespmem:s29+$0xDD00];
	v14 =	vadd.f32 v20, v54;
	v35 =	vmul.f32 v13, v60;
	[tilespmem:s29+$0x14C30] =	vst v1;
	v1 =	vadd.f32 v62, v7  }
0x2e6: {  	v57 =	vld [tilespmem:s29+$0xDDD0];
	v10 =	vmul.f32 v10, v60;
	[tilespmem:s29+$0x14C20] =	vst v3;
	v3 =	vmul.f32 v23, v60;
	v37 =	vsub.f32 $1.000000000e+00, v17  }
0x2e7: {  	v63 =	vld [tilespmem:s29+$0xDDB0];
	v0 =	vmul.f32 v0, v17;
	v43 =	vmul.f32 v32, v17;
	[tilespmem:s29+$0x14C80] =	vst v1;
	v1 =	vadd.f32 v34, v35  }
0x2e8: {  	v61 =	vld [tilespmem:s29+$0xDDE0];
	[tilespmem:s29+$0x14C00] =	vst v14;
	v6 =	vadd.f32 v6, v10;
	v9 =	vmul.f32 v9, v17;
	v42 =	vmul.f32 v24, v37  }
0x2e9: {  	v41 =	vld [tilespmem:s29+$0xDE20];
	v47 =	vmul.f32 v51, v17;
	v51 =	vimm.s32 $0xF;
	[tilespmem:s29+$0x14CA0] =	vst v1;
	v1 =	vperm.xlane v22, v40  }
0x2ea: {  	v25 =	vld [tilespmem:s29+$0xDDF0];
	[tilespmem:s29+$0x14C10] =	vst v16;
	v39 =	vmul.f32 v37, v15;
	v3 =	vadd.f32 v4, v3;
	v13 =	vadd.f32 v43, v42  }
0x2eb: {  	v33 =	vld [tilespmem:s29+$0xDE40];
	[tilespmem:s29+$0x14C90] =	vst v6;
	v45 =	vmul.f32 v26, v37;
	v2 =	vmul.f32 v48, v37;
	v44 =	vsub.f32 $1.000000000e+00, v1  }
0x2ec: {  	v30 =	vld [tilespmem:s29+$0xDE00];
	v0 =	vadd.f32 v0, v39;
	v49 =	vmul.f32 v55, v1;
	[tilespmem:s29+$0x14D10] =	vst v13;
	v13 =	vperm.xlane v22, v51  }
0x2ed: {  	v46 =	vld [tilespmem:s29+$0xDE60];
	[tilespmem:s29+$0x14CB0] =	vst v3;
	v9 =	vadd.f32 v9, v45;
	v14 =	vmul.f32 v57, v1;
	v48 =	vmul.f32 v44, v53  }
0x2ee: {  	v50 =	vld [tilespmem:s29+$0xDE30];
	v2 =	vadd.f32 v47, v2;
	[tilespmem:s29+$0x14D00] =	vst v0;
	v5 =	vmul.f32 v61, v1;
	v8 =	vmul.f32 v56, v44  }
0x2ef: {  	v52 =	vld [tilespmem:s29+$0xDE70];
	[tilespmem:s29+$0x14D20] =	vst v9;
	v53 =	vsub.f32 $1.000000000e+00, v13;
	v11 =	vmul.f32 v59, v44;
	v0 =	vadd.f32 v49, v48  }
0x2f0: {  	v1 =	vmul.f32 v25, v1;
	[tilespmem:s29+$0x14D30] =	vst v2;
	v3 =	vmul.f32 v63, v44;
	v8 =	vadd.f32 v14, v8  }
0x2f1: {  	v56 =	vmul.f32 v33, v13;
	v54 =	vadd.f32 v5, v11;
	v55 =	vmul.f32 v53, v30;
	[tilespmem:s29+$0x14D80] =	vst v0  }
0x2f2: {  	v6 =	vmul.f32 v38, v13;
	v1 =	vadd.f32 v1, v3;
	v57 =	vmul.f32 v36, v53;
	[tilespmem:s29+$0x14D90] =	vst v8  }
0x2f3: {  	s26 =	sadd.s32 $0x1, s26;
	v59 =	vmul.f32 v46, v13;
	v58 =	vmul.f32 v41, v53;
	v0 =	vadd.f32 v56, v55;
	[tilespmem:s29+$0x14DA0] =	vst v54  }
0x2f4: {  	p0 =	sne.s32 s26, $0x40;
	v61 =	vmul.f32 v52, v13;
	v60 =	vmul.f32 v50, v53;
	v3 =	vadd.f32 v6, v57;
	[tilespmem:s29+$0x14DB0] =	vst v1  }
.Ltmp2:
0x2f5: {  	s1 =	sadd.s32 s5, s28;
	v62 =	vadd.f32 v59, v58;
	[tilespmem:s29+$0x14E00] =	vst v0;
	(pc) =	sbr.rel @p0 .LBB2_2-.Ltmp2, $4  }
0x2f6: {  	s1 =	smul.u32 $0xC80, s1;
	v63 =	vadd.f32 v61, v60;
	[tilespmem:s29+$0x14E10] =	vst v3  }
0x2f7: {  	[tilespmem:s29+$0x14E20] =	vst v62  }
0x2f8: {  	s0 =	sadd.s32 $0x190, s0;
	s24 =	sadd.s32 $0x190, s24;
	s1 =	sadd.s32 s4, s1;
	[tilespmem:s29+$0x14E30] =	vst v63  }
0x2f9: {  	[hbm4b:s1+s2] =	stream.linear.scatter [tilespmem:s20], [sflag:$0x4], $0x6400, $0x38;
	[tilespmem:$0x1AE80] =	vst v63  }
0x2fa: {  	s23 =	sadd.s32 $0x1, s23  }
0x2fb: {  	p0 =	sne.s32 s23, s7  }
.Ltmp3:
0x2fc: {  	_ = 	snop;
	(pc) =	sbr.rel @p0 .LBB2_1-.Ltmp3, $4  }
0x2fd: {  	_ = 	snop  }
0x2fe: {  	_ =	swait.ge [sflag:s22], $0x6400  }
0x2ff: {  	[sflag:s22] =	ssyncset.done $0x0  }
0x300: {  	v0 =	vimm.s32 $0x0;
	[sflag:s22] =	ssyncadd.s32 $0xFFFF9C00  }
0x301: {  	_ =	sfence.sel $0x180000  }
0x302: {  	[bflag:$0x0] =	sbarrier.arrive $0xFFFF  }
0x303: {  	_ =	strace $0x90000047  }
0x304: {  	s0 =	stileid.u32;
	[bflag:$0x2] =	sbarrier.arrive $0xFFFF  }
0x305: {  	p0 =	sne.s32 s0, $0x0;
	s0 =	rddreg [dreg:$0x2]  }
0x306: {  	s0 =	sadd.s32 @!p0 $0x100000, s0  }
0x307: {  	[sflag:s0] =	ssyncadd.tile.s32 @!p0 $0x1;
	_ =	shalt  }
.Lfunc_end2:
_tile_overlayer_lowered:
.L_overlay_start_2:
0x308: {  	(tag) =	ssettag $0x2  }
0x309: {  	s0 =	rddreg [dreg:$0x0];
	s2 =	stileid.u32  }
0x30a: {  	s1 =	rddreg [dreg:$0x1];
	p0 =	sne.s32 s2, $0x0  }
0x30b: {  	s3 =	rddreg [dreg:$0x2];
	[bflag:$0x3] =	sbarrier.arrive $0xFFFF;
	s2 =	simm.s32 @!p0 $0x1C05  }
0x30c: {  	[timem:s3], [sflag:s2] =	dma.local @!p0 [hbm:s0], s1  }
0x30d: {  	s0 =	simm.s32 @!p0 $0x5  }
0x30e: {  	_ =	swait.ge @!p0 [sflag:s0], s1  }
0x30f: {  	s1 =	ssub.s32 @!p0 $0x0, s1;
	[sflag:s0] =	ssyncset.done @!p0 $0x0  }
0x310: {  	[sflag:s0] =	ssyncadd.s32 @!p0 s1  }
0x311: {  	[bflag:$0x3] =	sbarrier.arrive $0xFFFF  }
0x312: {  	_ =	shalt  }

</sc_bundles>
